<compile_context>
chip_gen: v7x
topology: tpu7x:2x2x1
jax: 0.10.2.dev20260603
libtpu: 0.0.44.dev20260713+nightly
codegen_flags: <defaults>
</compile_context>

<pallas_src>
import dataclasses

import jax
import jax.numpy as jnp
from jax import lax
from jax.experimental import pallas as pl
from jax.experimental.pallas import tpu as pltpu
from jax.experimental.pallas import tpu_sc as plsc

N_NODES = 10000
N_PAD = 10240
N_EDGES = 320000
D_IN = 128
D_OUT = 16

NUM_CORES = 2
NUM_SUBCORES = 16
NUM_TILES = NUM_CORES * NUM_SUBCORES
CHUNK = 2000
NUM_CHUNKS = 5
EDGES_PER_TILE = CHUNK * NUM_CHUNKS
ROWS_PER_TILE = N_PAD // NUM_SUBCORES
NBUF = 3


def _lane_bcast(vec, j):
    idx = jnp.full((16, 1), j, jnp.int32)
    dnums = lax.GatherDimensionNumbers(
        offset_dims=(), collapsed_slice_dims=(0,), start_index_map=(0,))
    return lax.gather(vec, idx, dnums, (1,),
                      mode=lax.GatherScatterMode.PROMISE_IN_BOUNDS)


def _matmul_body(x_ref, w_ref, o_ref):
    wp = jnp.concatenate(
        [w_ref[...], jnp.zeros((D_IN, 128 - D_OUT), jnp.float32)], axis=1)
    o_ref[...] = jnp.dot(x_ref[...], wp, preferred_element_type=jnp.float32)


def _tc_matmul(x, W):
    return pl.pallas_call(
        _matmul_body,
        out_shape=jax.ShapeDtypeStruct((N_NODES, 128), jnp.float32),
    )(x, W)


def _sc_body(xw_hbm, ei_hbm, w_hbm, out_hbm,
             src_v, dst_v, w_v, rows_v, bounce_v, agg_sh, sem_g, sem_s):
    cid = lax.axis_index("c")
    sid = lax.axis_index("s")
    wid = cid * NUM_SUBCORES + sid
    tile_base = wid * EDGES_PER_TILE

    def fetch_idx(k):
        b2 = k % 2
        base = tile_base + k * CHUNK
        pltpu.sync_copy(ei_hbm.at[0].at[pl.ds(base, CHUNK)], src_v.at[b2])
        pltpu.sync_copy(ei_hbm.at[1].at[pl.ds(base, CHUNK)],
                        dst_v.at[k % NBUF])
        pltpu.sync_copy(w_hbm.at[pl.ds(base, CHUNK)], w_v.at[b2])

    def start_gather(k):
        pltpu.async_copy(xw_hbm.at[src_v.at[k % 2]], rows_v.at[k % NBUF],
                         sem_g.at[k % NBUF])

    fetch_idx(0)
    start_gather(0)

    @pl.loop(0, ROWS_PER_TILE)
    def _(i):
        rows_v.at[2].at[i][...] = jnp.zeros((D_OUT,), jnp.float32)

    pltpu.sync_copy(rows_v.at[2].at[pl.ds(0, ROWS_PER_TILE)],
                    agg_sh.at[pl.ds(sid * ROWS_PER_TILE, ROWS_PER_TILE)])

    fetch_idx(1)
    start_gather(1)
    plsc.subcore_barrier()

    for k in range(NUM_CHUNKS):
        rb = k % NBUF
        pltpu.make_async_copy(xw_hbm.at[src_v.at[k % 2]], rows_v.at[rb],
                              sem_g.at[rb]).wait()

        @plsc.parallel_loop(0, CHUNK, step=16, unroll=2)
        def _(i0, _rb=rb, _b2=k % 2):
            wv = w_v.at[_b2].at[pl.ds(i0, 16)][...]
            for j in range(16):
                wb = _lane_bcast(wv, j)
                rows_v.at[_rb].at[i0 + j][...] = (
                    rows_v.at[_rb].at[i0 + j][...] * wb)

        pltpu.async_copy(rows_v.at[rb], agg_sh.at[dst_v.at[rb]],
                         sem_s.at[rb], add=True)

        if k + 2 < NUM_CHUNKS:
            if k - 1 >= 0:
                pb = (k - 1) % NBUF
                pltpu.make_async_copy(rows_v.at[pb],
                                      agg_sh.at[dst_v.at[pb]],
                                      sem_s.at[pb]).wait()
            fetch_idx(k + 2)
            start_gather(k + 2)

    for k in range(max(0, NUM_CHUNKS - NBUF), NUM_CHUNKS):
        pltpu.make_async_copy(rows_v.at[k % NBUF],
                              agg_sh.at[dst_v.at[k % NBUF]],
                              sem_s.at[k % NBUF]).wait()

    plsc.subcore_barrier()
    pltpu.sync_copy(agg_sh.at[pl.ds(sid * ROWS_PER_TILE, ROWS_PER_TILE)],
                    rows_v.at[0].at[pl.ds(0, ROWS_PER_TILE)])

    @pl.loop(0, ROWS_PER_TILE // 8)
    def _(r):
        for g in range(8):
            bounce_v.at[r, pl.ds(g * D_OUT, D_OUT)][...] = (
                rows_v.at[0].at[r * 8 + g][...])

    pltpu.sync_copy(bounce_v,
                    out_hbm.at[cid].at[pl.ds(sid * (ROWS_PER_TILE // 8),
                                             ROWS_PER_TILE // 8)])


def _sc_aggregate(xw, edge_index, w):
    mesh = plsc.VectorSubcoreMesh(core_axis_name="c", subcore_axis_name="s")
    cp = pltpu.CompilerParams()
    if "needs_layout_passes" in pltpu.CompilerParams.__dataclass_fields__:
        cp = dataclasses.replace(cp, needs_layout_passes=False)
    if "use_tc_tiling_on_sc" in pltpu.CompilerParams.__dataclass_fields__:
        cp = dataclasses.replace(cp, use_tc_tiling_on_sc=False)
    return pl.kernel(
        _sc_body,
        out_type=jax.ShapeDtypeStruct((NUM_CORES, N_PAD // 8, 8 * D_OUT),
                                      jnp.float32),
        mesh=mesh,
        scratch_types=[
            pltpu.VMEM((2, CHUNK), jnp.int32),
            pltpu.VMEM((NBUF, CHUNK), jnp.int32),
            pltpu.VMEM((2, CHUNK), jnp.float32),
            pltpu.VMEM((NBUF, CHUNK, D_OUT), jnp.float32),
            pltpu.VMEM((ROWS_PER_TILE // 8, 8 * D_OUT), jnp.float32),
            pltpu.VMEM_SHARED((N_PAD, D_OUT), jnp.float32),
            pltpu.SemaphoreType.DMA((NBUF,)),
            pltpu.SemaphoreType.DMA((NBUF,)),
        ],
        compiler_params=cp,
    )(xw, edge_index, w)


def _epilogue_body(p_ref, b_ref, m_ref, o_ref):
    bb = jnp.concatenate([b_ref[...]] * 8, axis=1)
    z = jnp.maximum(p_ref[0] + p_ref[1] + bb, 0.0)
    m = jnp.max(z, axis=1, keepdims=True)
    e = jnp.exp(z - m)
    s = jnp.dot(e, m_ref[...], preferred_element_type=jnp.float32)
    out = (z - m) - jnp.log(s)
    o_ref[...] = out[:N_NODES // 8]


def _tc_epilogue(p, b):
    g = jnp.arange(8 * D_OUT, dtype=jnp.int32) // D_OUT
    gmat = (g[:, None] == g[None, :]).astype(jnp.float32)
    return pl.pallas_call(
        _epilogue_body,
        out_shape=jax.ShapeDtypeStruct((N_NODES // 8, 8 * D_OUT),
                                       jnp.float32),
    )(p, b.reshape(1, D_OUT), gmat)


def kernel(x, edge_index, edge_weight, W, b):
    xw = _tc_matmul(x, W)
    xw16 = xw.reshape(8 * N_NODES, D_OUT)
    ei8 = edge_index.astype(jnp.int32) * jnp.array([[8], [1]], jnp.int32)
    partials = _sc_aggregate(xw16, ei8, edge_weight)
    out = _tc_epilogue(partials, b)
    return out.reshape(N_NODES, D_OUT)

# --- scband reference (transcript-rebuilt; emitter-appended) ---
"""Pipeline reference for scband-net-61684320305429 (READ-ONLY COPY).

The authoritative reference and input builder live on the scoring server;
editing this copy changes nothing except your own understanding.
"""

import jax, jax.numpy as jnp
import numpy as np

N_NODES = 10000
N_EDGES = 320000
D_IN = 128
D_OUT = 16

def setup_inputs(seed: int = 0) -> dict:
    key = jax.random.key(seed)
    k1, k2, k3, k4, k5 = jax.random.split(key, 5)
    x = jax.random.normal(k1, (N_NODES, D_IN), dtype=jnp.float32)
    edge_index = jax.random.randint(k2, (2, N_EDGES), 0, N_NODES, dtype=jnp.int64)
    edge_weight = jax.random.uniform(k3, (N_EDGES,), dtype=jnp.float32)
    # GCNConv learned parameters: linear weight [D_IN, D_OUT] and bias [D_OUT]
    W = jax.random.normal(k4, (D_IN, D_OUT), dtype=jnp.float32) * (1.0 / np.sqrt(D_IN))
    b = jnp.zeros((D_OUT,), dtype=jnp.float32)
    return {"x": x, "edge_index": edge_index, "edge_weight": edge_weight, "W": W, "b": b}

def reference(x, edge_index, edge_weight, W, b):
    # GCNConv(normalize=False): linear transform then weighted scatter-add aggregation
    src = edge_index[0]
    dst = edge_index[1]
    xw = x @ W                                   # [N, D_OUT]
    msgs = xw[src] * edge_weight[:, None]        # gather + weight: [E, D_OUT]
    agg = jax.ops.segment_sum(msgs, dst, num_segments=N_NODES)  # scatter-add
    out = agg + b
    out = jax.nn.relu(out)
    return jax.nn.log_softmax(out, axis=1)

if __name__ == "__main__":
    import jax
    _d = setup_inputs()
    print(jax.jit(kernel)(*tuple(_d.values())))

</pallas_src>

<mosaic_0001>
#map = affine_map<(d0, d1) -> (0, 0)>
#map1 = affine_map<(d0, d1) -> (0)>
#map2 = affine_map<(d0, d1) -> (0, 0, 0)>
module attributes {stable_mosaic.version = 14 : i64} {
  func.func @_sc_body(%arg0: i32, %arg1: i32, %arg2: memref<80000x16xf32, #tpu.memory_space<hbm>>, %arg3: memref<2x320000xi32, #tpu.memory_space<hbm>>, %arg4: memref<320000xf32, #tpu.memory_space<hbm>>, %arg5: memref<2x1280x128xf32, #tpu.memory_space<hbm>>, %arg6: memref<2x2000xi32, #tpu.memory_space<vmem>>, %arg7: memref<3x2000xi32, #tpu.memory_space<vmem>>, %arg8: memref<2x2000xf32, #tpu.memory_space<vmem>>, %arg9: memref<3x2000x16xf32, #tpu.memory_space<vmem>>, %arg10: memref<80x128xf32, #tpu.memory_space<vmem>>, %arg11: memref<10240x16xf32, #tpu.memory_space<vmem_shared>>, %arg12: memref<3x!tpu.dma_semaphore, #tpu.memory_space<semaphore_mem>>, %arg13: memref<3x!tpu.dma_semaphore, #tpu.memory_space<semaphore_mem>>) attributes {dimension_semantics = [#tpu.dimension_semantics<core_parallel>, #tpu.dimension_semantics<subcore_parallel>], iteration_bounds = array<i64: 2, 16>, scalar_prefetch = 0 : i64, scratch_operands = 8 : i64, tpu.core_type = #tpu.core_type<sc_vector_subcore>, window_params = [{transform_indices = #map}, {transform_indices = #map}, {transform_indices = #map1}, {transform_indices = #map2}]} {
    %mul3A = arith.constant 16 : i32
    %mul3A_0 = arith.muli %arg0, %mul3A : i32
    %add3A = arith.addi %mul3A_0, %arg1 : i32
    %mul3A_1 = arith.constant 10000 : i32
    %mul3A_2 = arith.muli %add3A, %mul3A_1 : i32
    %add3A_3 = arith.constant 0 : i32
    %add3A_4 = arith.addi %mul3A_2, %add3A_3 : i32
    %run_scoped3A = arith.constant 0 : i32
    %run_scoped3A_5 = arith.constant 0 : i32
    "tpu.region"() ({
      %run_scoped3A_367 = tpu.sem_alloc : memref<!tpu.dma_semaphore, #tpu.memory_space<semaphore_mem>>
      %dma_start3A_368 = arith.constant 0 : i32
      %dma_start3A_369 = tpu.memref_slice %arg6[%run_scoped3A_5, %dma_start3A_368] : memref<2x2000xi32, #tpu.memory_space<vmem>> -> memref<1x2000xi32, #tpu.memory_space<vmem>>
      %dma_start3A_370 = tpu.memref_squeeze %dma_start3A_369 : memref<1x2000xi32, #tpu.memory_space<vmem>> -> memref<2000xi32, #tpu.memory_space<vmem>>
      %dma_start3A_371 = arith.constant 0 : i32
      %dma_start3A_372 = tpu.memref_slice %arg3[%run_scoped3A, %dma_start3A_371] : memref<2x320000xi32, #tpu.memory_space<hbm>> -> memref<1x320000xi32, #tpu.memory_space<hbm>>
      %dma_start3A_373 = tpu.memref_squeeze %dma_start3A_372 : memref<1x320000xi32, #tpu.memory_space<hbm>> -> memref<320000xi32, #tpu.memory_space<hbm>>
      %dma_start3A_374 = tpu.memref_slice %dma_start3A_373[%add3A_4] : memref<320000xi32, #tpu.memory_space<hbm>> -> memref<2000xi32, #tpu.memory_space<hbm>>
      %dma_start3A_375 = arith.constant 0 : i32
      %dma_start3A_376 = tpu.memref_slice %arg6[%run_scoped3A_5, %dma_start3A_375] : memref<2x2000xi32, #tpu.memory_space<vmem>> -> memref<1x2000xi32, #tpu.memory_space<vmem>>
      %dma_start3A_377 = tpu.memref_squeeze %dma_start3A_376 : memref<1x2000xi32, #tpu.memory_space<vmem>> -> memref<2000xi32, #tpu.memory_space<vmem>>
      %dma_start3A_378 = arith.constant 0 : i32
      %dma_start3A_379 = tpu.memref_slice %arg3[%run_scoped3A, %dma_start3A_378] : memref<2x320000xi32, #tpu.memory_space<hbm>> -> memref<1x320000xi32, #tpu.memory_space<hbm>>
      %dma_start3A_380 = tpu.memref_squeeze %dma_start3A_379 : memref<1x320000xi32, #tpu.memory_space<hbm>> -> memref<320000xi32, #tpu.memory_space<hbm>>
      %dma_start3A_381 = tpu.memref_slice %dma_start3A_380[%add3A_4] : memref<320000xi32, #tpu.memory_space<hbm>> -> memref<2000xi32, #tpu.memory_space<hbm>>
      tpu.enqueue_dma source(%dma_start3A_381 : memref<2000xi32, #tpu.memory_space<hbm>>) target(%dma_start3A_377 : memref<2000xi32, #tpu.memory_space<vmem>>) target_semaphore(%run_scoped3A_367 : memref<!tpu.dma_semaphore, #tpu.memory_space<semaphore_mem>>)
      %dma_wait3A_382 = arith.constant 0 : i32
      %dma_wait3A_383 = tpu.memref_slice %arg6[%run_scoped3A_5, %dma_wait3A_382] : memref<2x2000xi32, #tpu.memory_space<vmem>> -> memref<1x2000xi32, #tpu.memory_space<vmem>>
      %dma_wait3A_384 = tpu.memref_squeeze %dma_wait3A_383 : memref<1x2000xi32, #tpu.memory_space<vmem>> -> memref<2000xi32, #tpu.memory_space<vmem>>
      %dma_wait3A_385 = arith.constant 0 : i32
      %dma_wait3A_386 = tpu.memref_slice %arg3[%run_scoped3A, %dma_wait3A_385] : memref<2x320000xi32, #tpu.memory_space<hbm>> -> memref<1x320000xi32, #tpu.memory_space<hbm>>
      %dma_wait3A_387 = tpu.memref_squeeze %dma_wait3A_386 : memref<1x320000xi32, #tpu.memory_space<hbm>> -> memref<320000xi32, #tpu.memory_space<hbm>>
      %dma_wait3A_388 = tpu.memref_slice %dma_wait3A_387[%add3A_4] : memref<320000xi32, #tpu.memory_space<hbm>> -> memref<2000xi32, #tpu.memory_space<hbm>>
      %dma_wait3A_389 = arith.constant 0 : i32
      %dma_wait3A_390 = tpu.memref_slice %arg6[%run_scoped3A_5, %dma_wait3A_389] : memref<2x2000xi32, #tpu.memory_space<vmem>> -> memref<1x2000xi32, #tpu.memory_space<vmem>>
      %dma_wait3A_391 = tpu.memref_squeeze %dma_wait3A_390 : memref<1x2000xi32, #tpu.memory_space<vmem>> -> memref<2000xi32, #tpu.memory_space<vmem>>
      %dma_wait3A_392 = arith.constant 0 : i32
      %dma_wait3A_393 = tpu.memref_slice %arg3[%run_scoped3A, %dma_wait3A_392] : memref<2x320000xi32, #tpu.memory_space<hbm>> -> memref<1x320000xi32, #tpu.memory_space<hbm>>
      %dma_wait3A_394 = tpu.memref_squeeze %dma_wait3A_393 : memref<1x320000xi32, #tpu.memory_space<hbm>> -> memref<320000xi32, #tpu.memory_space<hbm>>
      %dma_wait3A_395 = tpu.memref_slice %dma_wait3A_394[%add3A_4] : memref<320000xi32, #tpu.memory_space<hbm>> -> memref<2000xi32, #tpu.memory_space<hbm>>
      tpu.wait_dma2 semaphore(%run_scoped3A_367 : memref<!tpu.dma_semaphore, #tpu.memory_space<semaphore_mem>>) src(%dma_wait3A_395 : memref<2000xi32, #tpu.memory_space<hbm>>) dst(%dma_wait3A_391 : memref<2000xi32, #tpu.memory_space<vmem>>)
      tpu.yield
    }) : () -> ()
    %run_scoped3A_6 = arith.constant 1 : i32
    %run_scoped3A_7 = arith.constant 0 : i32
    "tpu.region"() ({
      %run_scoped3A_367 = tpu.sem_alloc : memref<!tpu.dma_semaphore, #tpu.memory_space<semaphore_mem>>
      %dma_start3A_368 = arith.constant 0 : i32
      %dma_start3A_369 = tpu.memref_slice %arg7[%run_scoped3A_7, %dma_start3A_368] : memref<3x2000xi32, #tpu.memory_space<vmem>> -> memref<1x2000xi32, #tpu.memory_space<vmem>>
      %dma_start3A_370 = tpu.memref_squeeze %dma_start3A_369 : memref<1x2000xi32, #tpu.memory_space<vmem>> -> memref<2000xi32, #tpu.memory_space<vmem>>
      %dma_start3A_371 = arith.constant 0 : i32
      %dma_start3A_372 = tpu.memref_slice %arg3[%run_scoped3A_6, %dma_start3A_371] : memref<2x320000xi32, #tpu.memory_space<hbm>> -> memref<1x320000xi32, #tpu.memory_space<hbm>>
      %dma_start3A_373 = tpu.memref_squeeze %dma_start3A_372 : memref<1x320000xi32, #tpu.memory_space<hbm>> -> memref<320000xi32, #tpu.memory_space<hbm>>
      %dma_start3A_374 = tpu.memref_slice %dma_start3A_373[%add3A_4] : memref<320000xi32, #tpu.memory_space<hbm>> -> memref<2000xi32, #tpu.memory_space<hbm>>
      %dma_start3A_375 = arith.constant 0 : i32
      %dma_start3A_376 = tpu.memref_slice %arg7[%run_scoped3A_7, %dma_start3A_375] : memref<3x2000xi32, #tpu.memory_space<vmem>> -> memref<1x2000xi32, #tpu.memory_space<vmem>>
      %dma_start3A_377 = tpu.memref_squeeze %dma_start3A_376 : memref<1x2000xi32, #tpu.memory_space<vmem>> -> memref<2000xi32, #tpu.memory_space<vmem>>
      %dma_start3A_378 = arith.constant 0 : i32
      %dma_start3A_379 = tpu.memref_slice %arg3[%run_scoped3A_6, %dma_start3A_378] : memref<2x320000xi32, #tpu.memory_space<hbm>> -> memref<1x320000xi32, #tpu.memory_space<hbm>>
      %dma_start3A_380 = tpu.memref_squeeze %dma_start3A_379 : memref<1x320000xi32, #tpu.memory_space<hbm>> -> memref<320000xi32, #tpu.memory_space<hbm>>
      %dma_start3A_381 = tpu.memref_slice %dma_start3A_380[%add3A_4] : memref<320000xi32, #tpu.memory_space<hbm>> -> memref<2000xi32, #tpu.memory_space<hbm>>
      tpu.enqueue_dma source(%dma_start3A_381 : memref<2000xi32, #tpu.memory_space<hbm>>) target(%dma_start3A_377 : memref<2000xi32, #tpu.memory_space<vmem>>) target_semaphore(%run_scoped3A_367 : memref<!tpu.dma_semaphore, #tpu.memory_space<semaphore_mem>>)
      %dma_wait3A_382 = arith.constant 0 : i32
      %dma_wait3A_383 = tpu.memref_slice %arg7[%run_scoped3A_7, %dma_wait3A_382] : memref<3x2000xi32, #tpu.memory_space<vmem>> -> memref<1x2000xi32, #tpu.memory_space<vmem>>
      %dma_wait3A_384 = tpu.memref_squeeze %dma_wait3A_383 : memref<1x2000xi32, #tpu.memory_space<vmem>> -> memref<2000xi32, #tpu.memory_space<vmem>>
      %dma_wait3A_385 = arith.constant 0 : i32
      %dma_wait3A_386 = tpu.memref_slice %arg3[%run_scoped3A_6, %dma_wait3A_385] : memref<2x320000xi32, #tpu.memory_space<hbm>> -> memref<1x320000xi32, #tpu.memory_space<hbm>>
      %dma_wait3A_387 = tpu.memref_squeeze %dma_wait3A_386 : memref<1x320000xi32, #tpu.memory_space<hbm>> -> memref<320000xi32, #tpu.memory_space<hbm>>
      %dma_wait3A_388 = tpu.memref_slice %dma_wait3A_387[%add3A_4] : memref<320000xi32, #tpu.memory_space<hbm>> -> memref<2000xi32, #tpu.memory_space<hbm>>
      %dma_wait3A_389 = arith.constant 0 : i32
      %dma_wait3A_390 = tpu.memref_slice %arg7[%run_scoped3A_7, %dma_wait3A_389] : memref<3x2000xi32, #tpu.memory_space<vmem>> -> memref<1x2000xi32, #tpu.memory_space<vmem>>
      %dma_wait3A_391 = tpu.memref_squeeze %dma_wait3A_390 : memref<1x2000xi32, #tpu.memory_space<vmem>> -> memref<2000xi32, #tpu.memory_space<vmem>>
      %dma_wait3A_392 = arith.constant 0 : i32
      %dma_wait3A_393 = tpu.memref_slice %arg3[%run_scoped3A_6, %dma_wait3A_392] : memref<2x320000xi32, #tpu.memory_space<hbm>> -> memref<1x320000xi32, #tpu.memory_space<hbm>>
      %dma_wait3A_394 = tpu.memref_squeeze %dma_wait3A_393 : memref<1x320000xi32, #tpu.memory_space<hbm>> -> memref<320000xi32, #tpu.memory_space<hbm>>
      %dma_wait3A_395 = tpu.memref_slice %dma_wait3A_394[%add3A_4] : memref<320000xi32, #tpu.memory_space<hbm>> -> memref<2000xi32, #tpu.memory_space<hbm>>
      tpu.wait_dma2 semaphore(%run_scoped3A_367 : memref<!tpu.dma_semaphore, #tpu.memory_space<semaphore_mem>>) src(%dma_wait3A_395 : memref<2000xi32, #tpu.memory_space<hbm>>) dst(%dma_wait3A_391 : memref<2000xi32, #tpu.memory_space<vmem>>)
      tpu.yield
    }) : () -> ()
    %run_scoped3A_8 = arith.constant 0 : i32
    "tpu.region"() ({
      %run_scoped3A_367 = tpu.sem_alloc : memref<!tpu.dma_semaphore, #tpu.memory_space<semaphore_mem>>
      %dma_start3A_368 = arith.constant 0 : i32
      %dma_start3A_369 = tpu.memref_slice %arg8[%run_scoped3A_8, %dma_start3A_368] : memref<2x2000xf32, #tpu.memory_space<vmem>> -> memref<1x2000xf32, #tpu.memory_space<vmem>>
      %dma_start3A_370 = tpu.memref_squeeze %dma_start3A_369 : memref<1x2000xf32, #tpu.memory_space<vmem>> -> memref<2000xf32, #tpu.memory_space<vmem>>
      %dma_start3A_371 = tpu.memref_slice %arg4[%add3A_4] : memref<320000xf32, #tpu.memory_space<hbm>> -> memref<2000xf32, #tpu.memory_space<hbm>>
      %dma_start3A_372 = arith.constant 0 : i32
      %dma_start3A_373 = tpu.memref_slice %arg8[%run_scoped3A_8, %dma_start3A_372] : memref<2x2000xf32, #tpu.memory_space<vmem>> -> memref<1x2000xf32, #tpu.memory_space<vmem>>
      %dma_start3A_374 = tpu.memref_squeeze %dma_start3A_373 : memref<1x2000xf32, #tpu.memory_space<vmem>> -> memref<2000xf32, #tpu.memory_space<vmem>>
      %dma_start3A_375 = tpu.memref_slice %arg4[%add3A_4] : memref<320000xf32, #tpu.memory_space<hbm>> -> memref<2000xf32, #tpu.memory_space<hbm>>
      tpu.enqueue_dma source(%dma_start3A_375 : memref<2000xf32, #tpu.memory_space<hbm>>) target(%dma_start3A_374 : memref<2000xf32, #tpu.memory_space<vmem>>) target_semaphore(%run_scoped3A_367 : memref<!tpu.dma_semaphore, #tpu.memory_space<semaphore_mem>>)
      %dma_wait3A_376 = arith.constant 0 : i32
      %dma_wait3A_377 = tpu.memref_slice %arg8[%run_scoped3A_8, %dma_wait3A_376] : memref<2x2000xf32, #tpu.memory_space<vmem>> -> memref<1x2000xf32, #tpu.memory_space<vmem>>
      %dma_wait3A_378 = tpu.memref_squeeze %dma_wait3A_377 : memref<1x2000xf32, #tpu.memory_space<vmem>> -> memref<2000xf32, #tpu.memory_space<vmem>>
      %dma_wait3A_379 = tpu.memref_slice %arg4[%add3A_4] : memref<320000xf32, #tpu.memory_space<hbm>> -> memref<2000xf32, #tpu.memory_space<hbm>>
      %dma_wait3A_380 = arith.constant 0 : i32
      %dma_wait3A_381 = tpu.memref_slice %arg8[%run_scoped3A_8, %dma_wait3A_380] : memref<2x2000xf32, #tpu.memory_space<vmem>> -> memref<1x2000xf32, #tpu.memory_space<vmem>>
      %dma_wait3A_382 = tpu.memref_squeeze %dma_wait3A_381 : memref<1x2000xf32, #tpu.memory_space<vmem>> -> memref<2000xf32, #tpu.memory_space<vmem>>
      %dma_wait3A_383 = tpu.memref_slice %arg4[%add3A_4] : memref<320000xf32, #tpu.memory_space<hbm>> -> memref<2000xf32, #tpu.memory_space<hbm>>
      tpu.wait_dma2 semaphore(%run_scoped3A_367 : memref<!tpu.dma_semaphore, #tpu.memory_space<semaphore_mem>>) src(%dma_wait3A_383 : memref<2000xf32, #tpu.memory_space<hbm>>) dst(%dma_wait3A_382 : memref<2000xf32, #tpu.memory_space<vmem>>)
      tpu.yield
    }) : () -> ()
    %dma_start3A = arith.constant 0 : i32
    %dma_start3A_9 = arith.constant 0 : i32
    %dma_start3A_10 = arith.constant 0 : i32
    %dma_start3A_11 = arith.constant 0 : i32
    %dma_start3A_12 = arith.constant 0 : i32
    %dma_start3A_13 = tpu.memref_slice %arg9[%dma_start3A_9, %dma_start3A_11, %dma_start3A_12] : memref<3x2000x16xf32, #tpu.memory_space<vmem>> -> memref<1x2000x16xf32, #tpu.memory_space<vmem>>
    %dma_start3A_14 = tpu.memref_squeeze %dma_start3A_13 : memref<1x2000x16xf32, #tpu.memory_space<vmem>> -> memref<2000x16xf32, #tpu.memory_space<vmem>>
    %dma_start3A_15 = arith.constant 0 : i32
    %dma_start3A_16 = tpu.memref_slice %arg6[%dma_start3A, %dma_start3A_15] : memref<2x2000xi32, #tpu.memory_space<vmem>> -> memref<1x2000xi32, #tpu.memory_space<vmem>>
    %dma_start3A_17 = tpu.memref_squeeze %dma_start3A_16 : memref<1x2000xi32, #tpu.memory_space<vmem>> -> memref<2000xi32, #tpu.memory_space<vmem>>
    %dma_start3A_18 = arith.constant 0 : i32
    %dma_start3A_19 = arith.constant 0 : i32
    %dma_start3A_20 = tpu.memref_slice %arg2[%dma_start3A_18, %dma_start3A_19] : memref<80000x16xf32, #tpu.memory_space<hbm>> -> memref<80000x16xf32, #tpu.memory_space<hbm>>
    %dma_start3A_21 = tpu.memref_slice %arg12[%dma_start3A_10] : memref<3x!tpu.dma_semaphore, #tpu.memory_space<semaphore_mem>> -> memref<1x!tpu.dma_semaphore, #tpu.memory_space<semaphore_mem>>
    %dma_start3A_22 = tpu.memref_squeeze %dma_start3A_21 : memref<1x!tpu.dma_semaphore, #tpu.memory_space<semaphore_mem>> -> memref<!tpu.dma_semaphore, #tpu.memory_space<semaphore_mem>>
    tpu.enqueue_indirect_dma source(%dma_start3A_20 : memref<80000x16xf32, #tpu.memory_space<hbm>>) target(%dma_start3A_14 : memref<2000x16xf32, #tpu.memory_space<vmem>>) offsets(%dma_start3A_17 : memref<2000xi32, #tpu.memory_space<vmem>>) semaphore(%dma_start3A_22 : memref<!tpu.dma_semaphore, #tpu.memory_space<semaphore_mem>>)
    %scan3A = arith.constant 0 : i32
    %scan3A_23 = arith.constant 640 : i32
    %scan3A_24 = arith.addi %scan3A, %scan3A_23 : i32
    %scan3A_25 = arith.constant 1 : i32
    scf.for %scan3A_367 = %scan3A to %scan3A_24 step %scan3A_25  : i32 {
      %mul3A_368 = arith.constant 1 : i32
      %mul3A_369 = arith.muli %scan3A_367, %mul3A_368 : i32
      %add3A_370 = arith.constant 0 : i32
      %add3A_371 = arith.addi %add3A_370, %mul3A_369 : i32
      %broadcast_in_dim3A = arith.constant 0.000000e+00 : f32
      %broadcast_in_dim3A_372 = vector.broadcast %broadcast_in_dim3A : f32 to vector<16xf32>
      %swap3A = arith.constant 2 : i32
      %swap3A_373 = arith.constant 0 : i32
      %swap3A_374 = arith.constant 0 : i32
      %swap3A_375 = tpu.memref_slice %arg9[%swap3A, %swap3A_373, %swap3A_374] : memref<3x2000x16xf32, #tpu.memory_space<vmem>> -> memref<1x2000x16xf32, #tpu.memory_space<vmem>>
      %swap3A_376 = tpu.memref_squeeze %swap3A_375 : memref<1x2000x16xf32, #tpu.memory_space<vmem>> -> memref<2000x16xf32, #tpu.memory_space<vmem>>
      %swap3A_377 = arith.index_cast %add3A_371 : i32 to index
      %swap3A_378 = arith.constant 0 : index
      %swap3A_379 = tpu.vector_load %swap3A_376[%swap3A_377, %swap3A_378] {strides = array<i32>} : memref<2000x16xf32, #tpu.memory_space<vmem>>, vector<16xf32>,
      tpu.vector_store %swap3A_376[%swap3A_377, %swap3A_378], %broadcast_in_dim3A_372 {strides = array<i32>} : memref<2000x16xf32, #tpu.memory_space<vmem>>, vector<16xf32>,
    }
    %scan3A_26 = arith.constant 640 : i32
    %mul3A_27 = arith.constant 640 : i32
    %mul3A_28 = arith.muli %arg1, %mul3A_27 : i32
    %run_scoped3A_29 = arith.constant 2 : i32
    "tpu.region"() ({
      %run_scoped3A_367 = tpu.sem_alloc : memref<!tpu.dma_semaphore, #tpu.memory_space<semaphore_mem>>
      %dma_start3A_368 = arith.constant 0 : i32
      %dma_start3A_369 = arith.constant 0 : i32
      %dma_start3A_370 = tpu.memref_slice %arg9[%run_scoped3A_29, %dma_start3A_368, %dma_start3A_369] : memref<3x2000x16xf32, #tpu.memory_space<vmem>> -> memref<1x2000x16xf32, #tpu.memory_space<vmem>>
      %dma_start3A_371 = tpu.memref_squeeze %dma_start3A_370 : memref<1x2000x16xf32, #tpu.memory_space<vmem>> -> memref<2000x16xf32, #tpu.memory_space<vmem>>
      %dma_start3A_372 = arith.constant 0 : i32
      %dma_start3A_373 = arith.constant 0 : i32
      %dma_start3A_374 = tpu.memref_slice %dma_start3A_371[%dma_start3A_372, %dma_start3A_373] : memref<2000x16xf32, #tpu.memory_space<vmem>> -> memref<640x16xf32, #tpu.memory_space<vmem>>
      %dma_start3A_375 = arith.constant 0 : i32
      %dma_start3A_376 = tpu.memref_slice %arg11[%mul3A_28, %dma_start3A_375] : memref<10240x16xf32, #tpu.memory_space<vmem_shared>> -> memref<640x16xf32, #tpu.memory_space<vmem_shared>>
      %dma_start3A_377 = arith.constant 0 : i32
      %dma_start3A_378 = tpu.memref_slice %arg11[%mul3A_28, %dma_start3A_377] : memref<10240x16xf32, #tpu.memory_space<vmem_shared>> -> memref<640x16xf32, #tpu.memory_space<vmem_shared>>
      %dma_start3A_379 = arith.constant 0 : i32
      %dma_start3A_380 = arith.constant 0 : i32
      %dma_start3A_381 = tpu.memref_slice %arg9[%run_scoped3A_29, %dma_start3A_379, %dma_start3A_380] : memref<3x2000x16xf32, #tpu.memory_space<vmem>> -> memref<1x2000x16xf32, #tpu.memory_space<vmem>>
      %dma_start3A_382 = tpu.memref_squeeze %dma_start3A_381 : memref<1x2000x16xf32, #tpu.memory_space<vmem>> -> memref<2000x16xf32, #tpu.memory_space<vmem>>
      %dma_start3A_383 = arith.constant 0 : i32
      %dma_start3A_384 = arith.constant 0 : i32
      %dma_start3A_385 = tpu.memref_slice %dma_start3A_382[%dma_start3A_383, %dma_start3A_384] : memref<2000x16xf32, #tpu.memory_space<vmem>> -> memref<640x16xf32, #tpu.memory_space<vmem>>
      tpu.enqueue_dma source(%dma_start3A_385 : memref<640x16xf32, #tpu.memory_space<vmem>>) target(%dma_start3A_378 : memref<640x16xf32, #tpu.memory_space<vmem_shared>>) target_semaphore(%run_scoped3A_367 : memref<!tpu.dma_semaphore, #tpu.memory_space<semaphore_mem>>)
      %dma_wait3A_386 = arith.constant 0 : i32
      %dma_wait3A_387 = arith.constant 0 : i32
      %dma_wait3A_388 = tpu.memref_slice %arg9[%run_scoped3A_29, %dma_wait3A_386, %dma_wait3A_387] : memref<3x2000x16xf32, #tpu.memory_space<vmem>> -> memref<1x2000x16xf32, #tpu.memory_space<vmem>>
      %dma_wait3A_389 = tpu.memref_squeeze %dma_wait3A_388 : memref<1x2000x16xf32, #tpu.memory_space<vmem>> -> memref<2000x16xf32, #tpu.memory_space<vmem>>
      %dma_wait3A_390 = arith.constant 0 : i32
      %dma_wait3A_391 = arith.constant 0 : i32
      %dma_wait3A_392 = tpu.memref_slice %dma_wait3A_389[%dma_wait3A_390, %dma_wait3A_391] : memref<2000x16xf32, #tpu.memory_space<vmem>> -> memref<640x16xf32, #tpu.memory_space<vmem>>
      %dma_wait3A_393 = arith.constant 0 : i32
      %dma_wait3A_394 = tpu.memref_slice %arg11[%mul3A_28, %dma_wait3A_393] : memref<10240x16xf32, #tpu.memory_space<vmem_shared>> -> memref<640x16xf32, #tpu.memory_space<vmem_shared>>
      %dma_wait3A_395 = arith.constant 0 : i32
      %dma_wait3A_396 = tpu.memref_slice %arg11[%mul3A_28, %dma_wait3A_395] : memref<10240x16xf32, #tpu.memory_space<vmem_shared>> -> memref<640x16xf32, #tpu.memory_space<vmem_shared>>
      %dma_wait3A_397 = arith.constant 0 : i32
      %dma_wait3A_398 = arith.constant 0 : i32
      %dma_wait3A_399 = tpu.memref_slice %arg9[%run_scoped3A_29, %dma_wait3A_397, %dma_wait3A_398] : memref<3x2000x16xf32, #tpu.memory_space<vmem>> -> memref<1x2000x16xf32, #tpu.memory_space<vmem>>
      %dma_wait3A_400 = tpu.memref_squeeze %dma_wait3A_399 : memref<1x2000x16xf32, #tpu.memory_space<vmem>> -> memref<2000x16xf32, #tpu.memory_space<vmem>>
      %dma_wait3A_401 = arith.constant 0 : i32
      %dma_wait3A_402 = arith.constant 0 : i32
      %dma_wait3A_403 = tpu.memref_slice %dma_wait3A_400[%dma_wait3A_401, %dma_wait3A_402] : memref<2000x16xf32, #tpu.memory_space<vmem>> -> memref<640x16xf32, #tpu.memory_space<vmem>>
      tpu.wait_dma2 semaphore(%run_scoped3A_367 : memref<!tpu.dma_semaphore, #tpu.memory_space<semaphore_mem>>) src(%dma_wait3A_403 : memref<640x16xf32, #tpu.memory_space<vmem>>) dst(%dma_wait3A_396 : memref<640x16xf32, #tpu.memory_space<vmem_shared>>)
      tpu.yield
    }) : () -> ()
    %add3A_30 = arith.constant 2000 : i32
    %add3A_31 = arith.addi %mul3A_2, %add3A_30 : i32
    %run_scoped3A_32 = arith.constant 0 : i32
    %run_scoped3A_33 = arith.constant 1 : i32
    "tpu.region"() ({
      %run_scoped3A_367 = tpu.sem_alloc : memref<!tpu.dma_semaphore, #tpu.memory_space<semaphore_mem>>
      %dma_start3A_368 = arith.constant 0 : i32
      %dma_start3A_369 = tpu.memref_slice %arg6[%run_scoped3A_33, %dma_start3A_368] : memref<2x2000xi32, #tpu.memory_space<vmem>> -> memref<1x2000xi32, #tpu.memory_space<vmem>>
      %dma_start3A_370 = tpu.memref_squeeze %dma_start3A_369 : memref<1x2000xi32, #tpu.memory_space<vmem>> -> memref<2000xi32, #tpu.memory_space<vmem>>
      %dma_start3A_371 = arith.constant 0 : i32
      %dma_start3A_372 = tpu.memref_slice %arg3[%run_scoped3A_32, %dma_start3A_371] : memref<2x320000xi32, #tpu.memory_space<hbm>> -> memref<1x320000xi32, #tpu.memory_space<hbm>>
      %dma_start3A_373 = tpu.memref_squeeze %dma_start3A_372 : memref<1x320000xi32, #tpu.memory_space<hbm>> -> memref<320000xi32, #tpu.memory_space<hbm>>
      %dma_start3A_374 = tpu.memref_slice %dma_start3A_373[%add3A_31] : memref<320000xi32, #tpu.memory_space<hbm>> -> memref<2000xi32, #tpu.memory_space<hbm>>
      %dma_start3A_375 = arith.constant 0 : i32
      %dma_start3A_376 = tpu.memref_slice %arg6[%run_scoped3A_33, %dma_start3A_375] : memref<2x2000xi32, #tpu.memory_space<vmem>> -> memref<1x2000xi32, #tpu.memory_space<vmem>>
      %dma_start3A_377 = tpu.memref_squeeze %dma_start3A_376 : memref<1x2000xi32, #tpu.memory_space<vmem>> -> memref<2000xi32, #tpu.memory_space<vmem>>
      %dma_start3A_378 = arith.constant 0 : i32
      %dma_start3A_379 = tpu.memref_slice %arg3[%run_scoped3A_32, %dma_start3A_378] : memref<2x320000xi32, #tpu.memory_space<hbm>> -> memref<1x320000xi32, #tpu.memory_space<hbm>>
      %dma_start3A_380 = tpu.memref_squeeze %dma_start3A_379 : memref<1x320000xi32, #tpu.memory_space<hbm>> -> memref<320000xi32, #tpu.memory_space<hbm>>
      %dma_start3A_381 = tpu.memref_slice %dma_start3A_380[%add3A_31] : memref<320000xi32, #tpu.memory_space<hbm>> -> memref<2000xi32, #tpu.memory_space<hbm>>
      tpu.enqueue_dma source(%dma_start3A_381 : memref<2000xi32, #tpu.memory_space<hbm>>) target(%dma_start3A_377 : memref<2000xi32, #tpu.memory_space<vmem>>) target_semaphore(%run_scoped3A_367 : memref<!tpu.dma_semaphore, #tpu.memory_space<semaphore_mem>>)
      %dma_wait3A_382 = arith.constant 0 : i32
      %dma_wait3A_383 = tpu.memref_slice %arg6[%run_scoped3A_33, %dma_wait3A_382] : memref<2x2000xi32, #tpu.memory_space<vmem>> -> memref<1x2000xi32, #tpu.memory_space<vmem>>
      %dma_wait3A_384 = tpu.memref_squeeze %dma_wait3A_383 : memref<1x2000xi32, #tpu.memory_space<vmem>> -> memref<2000xi32, #tpu.memory_space<vmem>>
      %dma_wait3A_385 = arith.constant 0 : i32
      %dma_wait3A_386 = tpu.memref_slice %arg3[%run_scoped3A_32, %dma_wait3A_385] : memref<2x320000xi32, #tpu.memory_space<hbm>> -> memref<1x320000xi32, #tpu.memory_space<hbm>>
      %dma_wait3A_387 = tpu.memref_squeeze %dma_wait3A_386 : memref<1x320000xi32, #tpu.memory_space<hbm>> -> memref<320000xi32, #tpu.memory_space<hbm>>
      %dma_wait3A_388 = tpu.memref_slice %dma_wait3A_387[%add3A_31] : memref<320000xi32, #tpu.memory_space<hbm>> -> memref<2000xi32, #tpu.memory_space<hbm>>
      %dma_wait3A_389 = arith.constant 0 : i32
      %dma_wait3A_390 = tpu.memref_slice %arg6[%run_scoped3A_33, %dma_wait3A_389] : memref<2x2000xi32, #tpu.memory_space<vmem>> -> memref<1x2000xi32, #tpu.memory_space<vmem>>
      %dma_wait3A_391 = tpu.memref_squeeze %dma_wait3A_390 : memref<1x2000xi32, #tpu.memory_space<vmem>> -> memref<2000xi32, #tpu.memory_space<vmem>>
      %dma_wait3A_392 = arith.constant 0 : i32
      %dma_wait3A_393 = tpu.memref_slice %arg3[%run_scoped3A_32, %dma_wait3A_392] : memref<2x320000xi32, #tpu.memory_space<hbm>> -> memref<1x320000xi32, #tpu.memory_space<hbm>>
      %dma_wait3A_394 = tpu.memref_squeeze %dma_wait3A_393 : memref<1x320000xi32, #tpu.memory_space<hbm>> -> memref<320000xi32, #tpu.memory_space<hbm>>
      %dma_wait3A_395 = tpu.memref_slice %dma_wait3A_394[%add3A_31] : memref<320000xi32, #tpu.memory_space<hbm>> -> memref<2000xi32, #tpu.memory_space<hbm>>
      tpu.wait_dma2 semaphore(%run_scoped3A_367 : memref<!tpu.dma_semaphore, #tpu.memory_space<semaphore_mem>>) src(%dma_wait3A_395 : memref<2000xi32, #tpu.memory_space<hbm>>) dst(%dma_wait3A_391 : memref<2000xi32, #tpu.memory_space<vmem>>)
      tpu.yield
    }) : () -> ()
    %run_scoped3A_34 = arith.constant 1 : i32
    %run_scoped3A_35 = arith.constant 1 : i32
    "tpu.region"() ({
      %run_scoped3A_367 = tpu.sem_alloc : memref<!tpu.dma_semaphore, #tpu.memory_space<semaphore_mem>>
      %dma_start3A_368 = arith.constant 0 : i32
      %dma_start3A_369 = tpu.memref_slice %arg7[%run_scoped3A_35, %dma_start3A_368] : memref<3x2000xi32, #tpu.memory_space<vmem>> -> memref<1x2000xi32, #tpu.memory_space<vmem>>
      %dma_start3A_370 = tpu.memref_squeeze %dma_start3A_369 : memref<1x2000xi32, #tpu.memory_space<vmem>> -> memref<2000xi32, #tpu.memory_space<vmem>>
      %dma_start3A_371 = arith.constant 0 : i32
      %dma_start3A_372 = tpu.memref_slice %arg3[%run_scoped3A_34, %dma_start3A_371] : memref<2x320000xi32, #tpu.memory_space<hbm>> -> memref<1x320000xi32, #tpu.memory_space<hbm>>
      %dma_start3A_373 = tpu.memref_squeeze %dma_start3A_372 : memref<1x320000xi32, #tpu.memory_space<hbm>> -> memref<320000xi32, #tpu.memory_space<hbm>>
      %dma_start3A_374 = tpu.memref_slice %dma_start3A_373[%add3A_31] : memref<320000xi32, #tpu.memory_space<hbm>> -> memref<2000xi32, #tpu.memory_space<hbm>>
      %dma_start3A_375 = arith.constant 0 : i32
      %dma_start3A_376 = tpu.memref_slice %arg7[%run_scoped3A_35, %dma_start3A_375] : memref<3x2000xi32, #tpu.memory_space<vmem>> -> memref<1x2000xi32, #tpu.memory_space<vmem>>
      %dma_start3A_377 = tpu.memref_squeeze %dma_start3A_376 : memref<1x2000xi32, #tpu.memory_space<vmem>> -> memref<2000xi32, #tpu.memory_space<vmem>>
      %dma_start3A_378 = arith.constant 0 : i32
      %dma_start3A_379 = tpu.memref_slice %arg3[%run_scoped3A_34, %dma_start3A_378] : memref<2x320000xi32, #tpu.memory_space<hbm>> -> memref<1x320000xi32, #tpu.memory_space<hbm>>
      %dma_start3A_380 = tpu.memref_squeeze %dma_start3A_379 : memref<1x320000xi32, #tpu.memory_space<hbm>> -> memref<320000xi32, #tpu.memory_space<hbm>>
      %dma_start3A_381 = tpu.memref_slice %dma_start3A_380[%add3A_31] : memref<320000xi32, #tpu.memory_space<hbm>> -> memref<2000xi32, #tpu.memory_space<hbm>>
      tpu.enqueue_dma source(%dma_start3A_381 : memref<2000xi32, #tpu.memory_space<hbm>>) target(%dma_start3A_377 : memref<2000xi32, #tpu.memory_space<vmem>>) target_semaphore(%run_scoped3A_367 : memref<!tpu.dma_semaphore, #tpu.memory_space<semaphore_mem>>)
      %dma_wait3A_382 = arith.constant 0 : i32
      %dma_wait3A_383 = tpu.memref_slice %arg7[%run_scoped3A_35, %dma_wait3A_382] : memref<3x2000xi32, #tpu.memory_space<vmem>> -> memref<1x2000xi32, #tpu.memory_space<vmem>>
      %dma_wait3A_384 = tpu.memref_squeeze %dma_wait3A_383 : memref<1x2000xi32, #tpu.memory_space<vmem>> -> memref<2000xi32, #tpu.memory_space<vmem>>
      %dma_wait3A_385 = arith.constant 0 : i32
      %dma_wait3A_386 = tpu.memref_slice %arg3[%run_scoped3A_34, %dma_wait3A_385] : memref<2x320000xi32, #tpu.memory_space<hbm>> -> memref<1x320000xi32, #tpu.memory_space<hbm>>
      %dma_wait3A_387 = tpu.memref_squeeze %dma_wait3A_386 : memref<1x320000xi32, #tpu.memory_space<hbm>> -> memref<320000xi32, #tpu.memory_space<hbm>>
      %dma_wait3A_388 = tpu.memref_slice %dma_wait3A_387[%add3A_31] : memref<320000xi32, #tpu.memory_space<hbm>> -> memref<2000xi32, #tpu.memory_space<hbm>>
      %dma_wait3A_389 = arith.constant 0 : i32
      %dma_wait3A_390 = tpu.memref_slice %arg7[%run_scoped3A_35, %dma_wait3A_389] : memref<3x2000xi32, #tpu.memory_space<vmem>> -> memref<1x2000xi32, #tpu.memory_space<vmem>>
      %dma_wait3A_391 = tpu.memref_squeeze %dma_wait3A_390 : memref<1x2000xi32, #tpu.memory_space<vmem>> -> memref<2000xi32, #tpu.memory_space<vmem>>
      %dma_wait3A_392 = arith.constant 0 : i32
      %dma_wait3A_393 = tpu.memref_slice %arg3[%run_scoped3A_34, %dma_wait3A_392] : memref<2x320000xi32, #tpu.memory_space<hbm>> -> memref<1x320000xi32, #tpu.memory_space<hbm>>
      %dma_wait3A_394 = tpu.memref_squeeze %dma_wait3A_393 : memref<1x320000xi32, #tpu.memory_space<hbm>> -> memref<320000xi32, #tpu.memory_space<hbm>>
      %dma_wait3A_395 = tpu.memref_slice %dma_wait3A_394[%add3A_31] : memref<320000xi32, #tpu.memory_space<hbm>> -> memref<2000xi32, #tpu.memory_space<hbm>>
      tpu.wait_dma2 semaphore(%run_scoped3A_367 : memref<!tpu.dma_semaphore, #tpu.memory_space<semaphore_mem>>) src(%dma_wait3A_395 : memref<2000xi32, #tpu.memory_space<hbm>>) dst(%dma_wait3A_391 : memref<2000xi32, #tpu.memory_space<vmem>>)
      tpu.yield
    }) : () -> ()
    %run_scoped3A_36 = arith.constant 1 : i32
    "tpu.region"() ({
      %run_scoped3A_367 = tpu.sem_alloc : memref<!tpu.dma_semaphore, #tpu.memory_space<semaphore_mem>>
      %dma_start3A_368 = arith.constant 0 : i32
      %dma_start3A_369 = tpu.memref_slice %arg8[%run_scoped3A_36, %dma_start3A_368] : memref<2x2000xf32, #tpu.memory_space<vmem>> -> memref<1x2000xf32, #tpu.memory_space<vmem>>
      %dma_start3A_370 = tpu.memref_squeeze %dma_start3A_369 : memref<1x2000xf32, #tpu.memory_space<vmem>> -> memref<2000xf32, #tpu.memory_space<vmem>>
      %dma_start3A_371 = tpu.memref_slice %arg4[%add3A_31] : memref<320000xf32, #tpu.memory_space<hbm>> -> memref<2000xf32, #tpu.memory_space<hbm>>
      %dma_start3A_372 = arith.constant 0 : i32
      %dma_start3A_373 = tpu.memref_slice %arg8[%run_scoped3A_36, %dma_start3A_372] : memref<2x2000xf32, #tpu.memory_space<vmem>> -> memref<1x2000xf32, #tpu.memory_space<vmem>>
      %dma_start3A_374 = tpu.memref_squeeze %dma_start3A_373 : memref<1x2000xf32, #tpu.memory_space<vmem>> -> memref<2000xf32, #tpu.memory_space<vmem>>
      %dma_start3A_375 = tpu.memref_slice %arg4[%add3A_31] : memref<320000xf32, #tpu.memory_space<hbm>> -> memref<2000xf32, #tpu.memory_space<hbm>>
      tpu.enqueue_dma source(%dma_start3A_375 : memref<2000xf32, #tpu.memory_space<hbm>>) target(%dma_start3A_374 : memref<2000xf32, #tpu.memory_space<vmem>>) target_semaphore(%run_scoped3A_367 : memref<!tpu.dma_semaphore, #tpu.memory_space<semaphore_mem>>)
      %dma_wait3A_376 = arith.constant 0 : i32
      %dma_wait3A_377 = tpu.memref_slice %arg8[%run_scoped3A_36, %dma_wait3A_376] : memref<2x2000xf32, #tpu.memory_space<vmem>> -> memref<1x2000xf32, #tpu.memory_space<vmem>>
      %dma_wait3A_378 = tpu.memref_squeeze %dma_wait3A_377 : memref<1x2000xf32, #tpu.memory_space<vmem>> -> memref<2000xf32, #tpu.memory_space<vmem>>
      %dma_wait3A_379 = tpu.memref_slice %arg4[%add3A_31] : memref<320000xf32, #tpu.memory_space<hbm>> -> memref<2000xf32, #tpu.memory_space<hbm>>
      %dma_wait3A_380 = arith.constant 0 : i32
      %dma_wait3A_381 = tpu.memref_slice %arg8[%run_scoped3A_36, %dma_wait3A_380] : memref<2x2000xf32, #tpu.memory_space<vmem>> -> memref<1x2000xf32, #tpu.memory_space<vmem>>
      %dma_wait3A_382 = tpu.memref_squeeze %dma_wait3A_381 : memref<1x2000xf32, #tpu.memory_space<vmem>> -> memref<2000xf32, #tpu.memory_space<vmem>>
      %dma_wait3A_383 = tpu.memref_slice %arg4[%add3A_31] : memref<320000xf32, #tpu.memory_space<hbm>> -> memref<2000xf32, #tpu.memory_space<hbm>>
      tpu.wait_dma2 semaphore(%run_scoped3A_367 : memref<!tpu.dma_semaphore, #tpu.memory_space<semaphore_mem>>) src(%dma_wait3A_383 : memref<2000xf32, #tpu.memory_space<hbm>>) dst(%dma_wait3A_382 : memref<2000xf32, #tpu.memory_space<vmem>>)
      tpu.yield
    }) : () -> ()
    %dma_start3A_37 = arith.constant 1 : i32
    %dma_start3A_38 = arith.constant 1 : i32
    %dma_start3A_39 = arith.constant 1 : i32
    %dma_start3A_40 = arith.constant 0 : i32
    %dma_start3A_41 = arith.constant 0 : i32
    %dma_start3A_42 = tpu.memref_slice %arg9[%dma_start3A_38, %dma_start3A_40, %dma_start3A_41] : memref<3x2000x16xf32, #tpu.memory_space<vmem>> -> memref<1x2000x16xf32, #tpu.memory_space<vmem>>
    %dma_start3A_43 = tpu.memref_squeeze %dma_start3A_42 : memref<1x2000x16xf32, #tpu.memory_space<vmem>> -> memref<2000x16xf32, #tpu.memory_space<vmem>>
    %dma_start3A_44 = arith.constant 0 : i32
    %dma_start3A_45 = tpu.memref_slice %arg6[%dma_start3A_37, %dma_start3A_44] : memref<2x2000xi32, #tpu.memory_space<vmem>> -> memref<1x2000xi32, #tpu.memory_space<vmem>>
    %dma_start3A_46 = tpu.memref_squeeze %dma_start3A_45 : memref<1x2000xi32, #tpu.memory_space<vmem>> -> memref<2000xi32, #tpu.memory_space<vmem>>
    %dma_start3A_47 = arith.constant 0 : i32
    %dma_start3A_48 = arith.constant 0 : i32
    %dma_start3A_49 = tpu.memref_slice %arg2[%dma_start3A_47, %dma_start3A_48] : memref<80000x16xf32, #tpu.memory_space<hbm>> -> memref<80000x16xf32, #tpu.memory_space<hbm>>
    %dma_start3A_50 = tpu.memref_slice %arg12[%dma_start3A_39] : memref<3x!tpu.dma_semaphore, #tpu.memory_space<semaphore_mem>> -> memref<1x!tpu.dma_semaphore, #tpu.memory_space<semaphore_mem>>
    %dma_start3A_51 = tpu.memref_squeeze %dma_start3A_50 : memref<1x!tpu.dma_semaphore, #tpu.memory_space<semaphore_mem>> -> memref<!tpu.dma_semaphore, #tpu.memory_space<semaphore_mem>>
    tpu.enqueue_indirect_dma source(%dma_start3A_49 : memref<80000x16xf32, #tpu.memory_space<hbm>>) target(%dma_start3A_43 : memref<2000x16xf32, #tpu.memory_space<vmem>>) offsets(%dma_start3A_46 : memref<2000xi32, #tpu.memory_space<vmem>>) semaphore(%dma_start3A_51 : memref<!tpu.dma_semaphore, #tpu.memory_space<semaphore_mem>>)
    %barrier3A = arith.constant 0 : index
    tpu.barrier barrier_id(%barrier3A)
    %dma_wait3A = arith.constant 0 : i32
    %dma_wait3A_52 = arith.constant 0 : i32
    %dma_wait3A_53 = arith.constant 0 : i32
    %dma_wait3A_54 = arith.constant 0 : i32
    %dma_wait3A_55 = arith.constant 0 : i32
    %dma_wait3A_56 = tpu.memref_slice %arg9[%dma_wait3A_52, %dma_wait3A_54, %dma_wait3A_55] : memref<3x2000x16xf32, #tpu.memory_space<vmem>> -> memref<1x2000x16xf32, #tpu.memory_space<vmem>>
    %dma_wait3A_57 = tpu.memref_squeeze %dma_wait3A_56 : memref<1x2000x16xf32, #tpu.memory_space<vmem>> -> memref<2000x16xf32, #tpu.memory_space<vmem>>
    %dma_wait3A_58 = arith.constant 0 : i32
    %dma_wait3A_59 = tpu.memref_slice %arg6[%dma_wait3A, %dma_wait3A_58] : memref<2x2000xi32, #tpu.memory_space<vmem>> -> memref<1x2000xi32, #tpu.memory_space<vmem>>
    %dma_wait3A_60 = tpu.memref_squeeze %dma_wait3A_59 : memref<1x2000xi32, #tpu.memory_space<vmem>> -> memref<2000xi32, #tpu.memory_space<vmem>>
    %dma_wait3A_61 = arith.constant 0 : i32
    %dma_wait3A_62 = arith.constant 0 : i32
    %dma_wait3A_63 = tpu.memref_slice %arg2[%dma_wait3A_61, %dma_wait3A_62] : memref<80000x16xf32, #tpu.memory_space<hbm>> -> memref<80000x16xf32, #tpu.memory_space<hbm>>
    %dma_wait3A_64 = tpu.memref_slice %arg12[%dma_wait3A_53] : memref<3x!tpu.dma_semaphore, #tpu.memory_space<semaphore_mem>> -> memref<1x!tpu.dma_semaphore, #tpu.memory_space<semaphore_mem>>
    %dma_wait3A_65 = tpu.memref_squeeze %dma_wait3A_64 : memref<1x!tpu.dma_semaphore, #tpu.memory_space<semaphore_mem>> -> memref<!tpu.dma_semaphore, #tpu.memory_space<semaphore_mem>>
    tpu.wait_indirect_dma semaphore(%dma_wait3A_65 : memref<!tpu.dma_semaphore, #tpu.memory_space<semaphore_mem>>) src(%dma_wait3A_63 : memref<80000x16xf32, #tpu.memory_space<hbm>>) dst(%dma_wait3A_57 : memref<2000x16xf32, #tpu.memory_space<vmem>>)
    %parallel_loop3A = arith.constant 0 : i32
    %parallel_loop3A_66 = arith.constant 2000 : i32
    %parallel_loop3A_67 = arith.constant 16 : i32
    scf.for %parallel_loop3A_367 = %parallel_loop3A to %parallel_loop3A_66 step %parallel_loop3A_67  : i32 {
      %parallel_loop3A_368 = arith.constant 0 : i32
      %parallel_loop3A_369 = arith.constant 0 : i32
      %parallel_loop3A_370 = tpu.memref_slice %arg8[%parallel_loop3A_368, %parallel_loop3A_369] : memref<2x2000xf32, #tpu.memory_space<vmem>> -> memref<1x2000xf32, #tpu.memory_space<vmem>>
      %parallel_loop3A_371 = tpu.memref_squeeze %parallel_loop3A_370 : memref<1x2000xf32, #tpu.memory_space<vmem>> -> memref<2000xf32, #tpu.memory_space<vmem>>
      %parallel_loop3A_372 = arith.index_cast %parallel_loop3A_367 : i32 to index
      %parallel_loop3A_373 = tpu.vector_load %parallel_loop3A_371[%parallel_loop3A_372] {strides = array<i32>} : memref<2000xf32, #tpu.memory_space<vmem>>, vector<16xf32>,
      %parallel_loop3A_374 = arith.constant 0 : i32
      %parallel_loop3A_375 = vector.broadcast %parallel_loop3A_374 : i32 to vector<16x1xi32>
      %parallel_loop3A_376 = vector.shape_cast %parallel_loop3A_375 : vector<16x1xi32> to vector<16xi32>
      %parallel_loop3A_377 = tpu.dynamic_gather %parallel_loop3A_373[%parallel_loop3A_376] in [0] : vector<16xf32>, vector<16xi32> -> vector<16xf32>
      %parallel_loop3A_378 = arith.constant 0 : i32
      %parallel_loop3A_379 = arith.addi %parallel_loop3A_367, %parallel_loop3A_378 : i32
      %parallel_loop3A_380 = arith.constant 0 : i32
      %parallel_loop3A_381 = arith.constant 0 : i32
      %parallel_loop3A_382 = arith.constant 0 : i32
      %parallel_loop3A_383 = tpu.memref_slice %arg9[%parallel_loop3A_380, %parallel_loop3A_381, %parallel_loop3A_382] : memref<3x2000x16xf32, #tpu.memory_space<vmem>> -> memref<1x2000x16xf32, #tpu.memory_space<vmem>>
      %parallel_loop3A_384 = tpu.memref_squeeze %parallel_loop3A_383 : memref<1x2000x16xf32, #tpu.memory_space<vmem>> -> memref<2000x16xf32, #tpu.memory_space<vmem>>
      %parallel_loop3A_385 = arith.index_cast %parallel_loop3A_379 : i32 to index
      %parallel_loop3A_386 = arith.constant 0 : index
      %parallel_loop3A_387 = tpu.vector_load %parallel_loop3A_384[%parallel_loop3A_385, %parallel_loop3A_386] {strides = array<i32>} : memref<2000x16xf32, #tpu.memory_space<vmem>>, vector<16xf32>,
      %parallel_loop3A_388 = arith.mulf %parallel_loop3A_387, %parallel_loop3A_377 : vector<16xf32>
      %parallel_loop3A_389 = arith.constant 0 : i32
      %parallel_loop3A_390 = arith.addi %parallel_loop3A_367, %parallel_loop3A_389 : i32
      %parallel_loop3A_391 = arith.constant 0 : i32
      %parallel_loop3A_392 = arith.constant 0 : i32
      %parallel_loop3A_393 = arith.constant 0 : i32
      %parallel_loop3A_394 = tpu.memref_slice %arg9[%parallel_loop3A_391, %parallel_loop3A_392, %parallel_loop3A_393] : memref<3x2000x16xf32, #tpu.memory_space<vmem>> -> memref<1x2000x16xf32, #tpu.memory_space<vmem>>
      %parallel_loop3A_395 = tpu.memref_squeeze %parallel_loop3A_394 : memref<1x2000x16xf32, #tpu.memory_space<vmem>> -> memref<2000x16xf32, #tpu.memory_space<vmem>>
      %parallel_loop3A_396 = arith.index_cast %parallel_loop3A_390 : i32 to index
      %parallel_loop3A_397 = arith.constant 0 : index
      %parallel_loop3A_398 = tpu.vector_load %parallel_loop3A_395[%parallel_loop3A_396, %parallel_loop3A_397] {strides = array<i32>} : memref<2000x16xf32, #tpu.memory_space<vmem>>, vector<16xf32>,
      tpu.vector_store %parallel_loop3A_395[%parallel_loop3A_396, %parallel_loop3A_397], %parallel_loop3A_388 {strides = array<i32>} : memref<2000x16xf32, #tpu.memory_space<vmem>>, vector<16xf32>,
      %parallel_loop3A_399 = arith.constant 1 : i32
      %parallel_loop3A_400 = vector.broadcast %parallel_loop3A_399 : i32 to vector<16x1xi32>
      %parallel_loop3A_401 = vector.shape_cast %parallel_loop3A_400 : vector<16x1xi32> to vector<16xi32>
      %parallel_loop3A_402 = tpu.dynamic_gather %parallel_loop3A_373[%parallel_loop3A_401] in [0] : vector<16xf32>, vector<16xi32> -> vector<16xf32>
      %parallel_loop3A_403 = arith.constant 1 : i32
      %parallel_loop3A_404 = arith.addi %parallel_loop3A_367, %parallel_loop3A_403 : i32
      %parallel_loop3A_405 = arith.constant 0 : i32
      %parallel_loop3A_406 = arith.constant 0 : i32
      %parallel_loop3A_407 = arith.constant 0 : i32
      %parallel_loop3A_408 = tpu.memref_slice %arg9[%parallel_loop3A_405, %parallel_loop3A_406, %parallel_loop3A_407] : memref<3x2000x16xf32, #tpu.memory_space<vmem>> -> memref<1x2000x16xf32, #tpu.memory_space<vmem>>
      %parallel_loop3A_409 = tpu.memref_squeeze %parallel_loop3A_408 : memref<1x2000x16xf32, #tpu.memory_space<vmem>> -> memref<2000x16xf32, #tpu.memory_space<vmem>>
      %parallel_loop3A_410 = arith.index_cast %parallel_loop3A_404 : i32 to index
      %parallel_loop3A_411 = arith.constant 0 : index
      %parallel_loop3A_412 = tpu.vector_load %parallel_loop3A_409[%parallel_loop3A_410, %parallel_loop3A_411] {strides = array<i32>} : memref<2000x16xf32, #tpu.memory_space<vmem>>, vector<16xf32>,
      %parallel_loop3A_413 = arith.mulf %parallel_loop3A_412, %parallel_loop3A_402 : vector<16xf32>
      %parallel_loop3A_414 = arith.constant 1 : i32
      %parallel_loop3A_415 = arith.addi %parallel_loop3A_367, %parallel_loop3A_414 : i32
      %parallel_loop3A_416 = arith.constant 0 : i32
      %parallel_loop3A_417 = arith.constant 0 : i32
      %parallel_loop3A_418 = arith.constant 0 : i32
      %parallel_loop3A_419 = tpu.memref_slice %arg9[%parallel_loop3A_416, %parallel_loop3A_417, %parallel_loop3A_418] : memref<3x2000x16xf32, #tpu.memory_space<vmem>> -> memref<1x2000x16xf32, #tpu.memory_space<vmem>>
      %parallel_loop3A_420 = tpu.memref_squeeze %parallel_loop3A_419 : memref<1x2000x16xf32, #tpu.memory_space<vmem>> -> memref<2000x16xf32, #tpu.memory_space<vmem>>
      %parallel_loop3A_421 = arith.index_cast %parallel_loop3A_415 : i32 to index
      %parallel_loop3A_422 = arith.constant 0 : index
      %parallel_loop3A_423 = tpu.vector_load %parallel_loop3A_420[%parallel_loop3A_421, %parallel_loop3A_422] {strides = array<i32>} : memref<2000x16xf32, #tpu.memory_space<vmem>>, vector<16xf32>,
      tpu.vector_store %parallel_loop3A_420[%parallel_loop3A_421, %parallel_loop3A_422], %parallel_loop3A_413 {strides = array<i32>} : memref<2000x16xf32, #tpu.memory_space<vmem>>, vector<16xf32>,
      %parallel_loop3A_424 = arith.constant 2 : i32
      %parallel_loop3A_425 = vector.broadcast %parallel_loop3A_424 : i32 to vector<16x1xi32>
      %parallel_loop3A_426 = vector.shape_cast %parallel_loop3A_425 : vector<16x1xi32> to vector<16xi32>
      %parallel_loop3A_427 = tpu.dynamic_gather %parallel_loop3A_373[%parallel_loop3A_426] in [0] : vector<16xf32>, vector<16xi32> -> vector<16xf32>
      %parallel_loop3A_428 = arith.constant 2 : i32
      %parallel_loop3A_429 = arith.addi %parallel_loop3A_367, %parallel_loop3A_428 : i32
      %parallel_loop3A_430 = arith.constant 0 : i32
      %parallel_loop3A_431 = arith.constant 0 : i32
      %parallel_loop3A_432 = arith.constant 0 : i32
      %parallel_loop3A_433 = tpu.memref_slice %arg9[%parallel_loop3A_430, %parallel_loop3A_431, %parallel_loop3A_432] : memref<3x2000x16xf32, #tpu.memory_space<vmem>> -> memref<1x2000x16xf32, #tpu.memory_space<vmem>>
      %parallel_loop3A_434 = tpu.memref_squeeze %parallel_loop3A_433 : memref<1x2000x16xf32, #tpu.memory_space<vmem>> -> memref<2000x16xf32, #tpu.memory_space<vmem>>
      %parallel_loop3A_435 = arith.index_cast %parallel_loop3A_429 : i32 to index
      %parallel_loop3A_436 = arith.constant 0 : index
      %parallel_loop3A_437 = tpu.vector_load %parallel_loop3A_434[%parallel_loop3A_435, %parallel_loop3A_436] {strides = array<i32>} : memref<2000x16xf32, #tpu.memory_space<vmem>>, vector<16xf32>,
      %parallel_loop3A_438 = arith.mulf %parallel_loop3A_437, %parallel_loop3A_427 : vector<16xf32>
      %parallel_loop3A_439 = arith.constant 2 : i32
      %parallel_loop3A_440 = arith.addi %parallel_loop3A_367, %parallel_loop3A_439 : i32
      %parallel_loop3A_441 = arith.constant 0 : i32
      %parallel_loop3A_442 = arith.constant 0 : i32
      %parallel_loop3A_443 = arith.constant 0 : i32
      %parallel_loop3A_444 = tpu.memref_slice %arg9[%parallel_loop3A_441, %parallel_loop3A_442, %parallel_loop3A_443] : memref<3x2000x16xf32, #tpu.memory_space<vmem>> -> memref<1x2000x16xf32, #tpu.memory_space<vmem>>
      %parallel_loop3A_445 = tpu.memref_squeeze %parallel_loop3A_444 : memref<1x2000x16xf32, #tpu.memory_space<vmem>> -> memref<2000x16xf32, #tpu.memory_space<vmem>>
      %parallel_loop3A_446 = arith.index_cast %parallel_loop3A_440 : i32 to index
      %parallel_loop3A_447 = arith.constant 0 : index
      %parallel_loop3A_448 = tpu.vector_load %parallel_loop3A_445[%parallel_loop3A_446, %parallel_loop3A_447] {strides = array<i32>} : memref<2000x16xf32, #tpu.memory_space<vmem>>, vector<16xf32>,
      tpu.vector_store %parallel_loop3A_445[%parallel_loop3A_446, %parallel_loop3A_447], %parallel_loop3A_438 {strides = array<i32>} : memref<2000x16xf32, #tpu.memory_space<vmem>>, vector<16xf32>,
      %parallel_loop3A_449 = arith.constant 3 : i32
      %parallel_loop3A_450 = vector.broadcast %parallel_loop3A_449 : i32 to vector<16x1xi32>
      %parallel_loop3A_451 = vector.shape_cast %parallel_loop3A_450 : vector<16x1xi32> to vector<16xi32>
      %parallel_loop3A_452 = tpu.dynamic_gather %parallel_loop3A_373[%parallel_loop3A_451] in [0] : vector<16xf32>, vector<16xi32> -> vector<16xf32>
      %parallel_loop3A_453 = arith.constant 3 : i32
      %parallel_loop3A_454 = arith.addi %parallel_loop3A_367, %parallel_loop3A_453 : i32
      %parallel_loop3A_455 = arith.constant 0 : i32
      %parallel_loop3A_456 = arith.constant 0 : i32
      %parallel_loop3A_457 = arith.constant 0 : i32
      %parallel_loop3A_458 = tpu.memref_slice %arg9[%parallel_loop3A_455, %parallel_loop3A_456, %parallel_loop3A_457] : memref<3x2000x16xf32, #tpu.memory_space<vmem>> -> memref<1x2000x16xf32, #tpu.memory_space<vmem>>
      %parallel_loop3A_459 = tpu.memref_squeeze %parallel_loop3A_458 : memref<1x2000x16xf32, #tpu.memory_space<vmem>> -> memref<2000x16xf32, #tpu.memory_space<vmem>>
      %parallel_loop3A_460 = arith.index_cast %parallel_loop3A_454 : i32 to index
      %parallel_loop3A_461 = arith.constant 0 : index
      %parallel_loop3A_462 = tpu.vector_load %parallel_loop3A_459[%parallel_loop3A_460, %parallel_loop3A_461] {strides = array<i32>} : memref<2000x16xf32, #tpu.memory_space<vmem>>, vector<16xf32>,
      %parallel_loop3A_463 = arith.mulf %parallel_loop3A_462, %parallel_loop3A_452 : vector<16xf32>
      %parallel_loop3A_464 = arith.constant 3 : i32
      %parallel_loop3A_465 = arith.addi %parallel_loop3A_367, %parallel_loop3A_464 : i32
      %parallel_loop3A_466 = arith.constant 0 : i32
      %parallel_loop3A_467 = arith.constant 0 : i32
      %parallel_loop3A_468 = arith.constant 0 : i32
      %parallel_loop3A_469 = tpu.memref_slice %arg9[%parallel_loop3A_466, %parallel_loop3A_467, %parallel_loop3A_468] : memref<3x2000x16xf32, #tpu.memory_space<vmem>> -> memref<1x2000x16xf32, #tpu.memory_space<vmem>>
      %parallel_loop3A_470 = tpu.memref_squeeze %parallel_loop3A_469 : memref<1x2000x16xf32, #tpu.memory_space<vmem>> -> memref<2000x16xf32, #tpu.memory_space<vmem>>
      %parallel_loop3A_471 = arith.index_cast %parallel_loop3A_465 : i32 to index
      %parallel_loop3A_472 = arith.constant 0 : index
      %parallel_loop3A_473 = tpu.vector_load %parallel_loop3A_470[%parallel_loop3A_471, %parallel_loop3A_472] {strides = array<i32>} : memref<2000x16xf32, #tpu.memory_space<vmem>>, vector<16xf32>,
      tpu.vector_store %parallel_loop3A_470[%parallel_loop3A_471, %parallel_loop3A_472], %parallel_loop3A_463 {strides = array<i32>} : memref<2000x16xf32, #tpu.memory_space<vmem>>, vector<16xf32>,
      %parallel_loop3A_474 = arith.constant 4 : i32
      %parallel_loop3A_475 = vector.broadcast %parallel_loop3A_474 : i32 to vector<16x1xi32>
      %parallel_loop3A_476 = vector.shape_cast %parallel_loop3A_475 : vector<16x1xi32> to vector<16xi32>
      %parallel_loop3A_477 = tpu.dynamic_gather %parallel_loop3A_373[%parallel_loop3A_476] in [0] : vector<16xf32>, vector<16xi32> -> vector<16xf32>
      %parallel_loop3A_478 = arith.constant 4 : i32
      %parallel_loop3A_479 = arith.addi %parallel_loop3A_367, %parallel_loop3A_478 : i32
      %parallel_loop3A_480 = arith.constant 0 : i32
      %parallel_loop3A_481 = arith.constant 0 : i32
      %parallel_loop3A_482 = arith.constant 0 : i32
      %parallel_loop3A_483 = tpu.memref_slice %arg9[%parallel_loop3A_480, %parallel_loop3A_481, %parallel_loop3A_482] : memref<3x2000x16xf32, #tpu.memory_space<vmem>> -> memref<1x2000x16xf32, #tpu.memory_space<vmem>>
      %parallel_loop3A_484 = tpu.memref_squeeze %parallel_loop3A_483 : memref<1x2000x16xf32, #tpu.memory_space<vmem>> -> memref<2000x16xf32, #tpu.memory_space<vmem>>
      %parallel_loop3A_485 = arith.index_cast %parallel_loop3A_479 : i32 to index
      %parallel_loop3A_486 = arith.constant 0 : index
      %parallel_loop3A_487 = tpu.vector_load %parallel_loop3A_484[%parallel_loop3A_485, %parallel_loop3A_486] {strides = array<i32>} : memref<2000x16xf32, #tpu.memory_space<vmem>>, vector<16xf32>,
      %parallel_loop3A_488 = arith.mulf %parallel_loop3A_487, %parallel_loop3A_477 : vector<16xf32>
      %parallel_loop3A_489 = arith.constant 4 : i32
      %parallel_loop3A_490 = arith.addi %parallel_loop3A_367, %parallel_loop3A_489 : i32
      %parallel_loop3A_491 = arith.constant 0 : i32
      %parallel_loop3A_492 = arith.constant 0 : i32
      %parallel_loop3A_493 = arith.constant 0 : i32
      %parallel_loop3A_494 = tpu.memref_slice %arg9[%parallel_loop3A_491, %parallel_loop3A_492, %parallel_loop3A_493] : memref<3x2000x16xf32, #tpu.memory_space<vmem>> -> memref<1x2000x16xf32, #tpu.memory_space<vmem>>
      %parallel_loop3A_495 = tpu.memref_squeeze %parallel_loop3A_494 : memref<1x2000x16xf32, #tpu.memory_space<vmem>> -> memref<2000x16xf32, #tpu.memory_space<vmem>>
      %parallel_loop3A_496 = arith.index_cast %parallel_loop3A_490 : i32 to index
      %parallel_loop3A_497 = arith.constant 0 : index
      %parallel_loop3A_498 = tpu.vector_load %parallel_loop3A_495[%parallel_loop3A_496, %parallel_loop3A_497] {strides = array<i32>} : memref<2000x16xf32, #tpu.memory_space<vmem>>, vector<16xf32>,
      tpu.vector_store %parallel_loop3A_495[%parallel_loop3A_496, %parallel_loop3A_497], %parallel_loop3A_488 {strides = array<i32>} : memref<2000x16xf32, #tpu.memory_space<vmem>>, vector<16xf32>,
      %parallel_loop3A_499 = arith.constant 5 : i32
      %parallel_loop3A_500 = vector.broadcast %parallel_loop3A_499 : i32 to vector<16x1xi32>
      %parallel_loop3A_501 = vector.shape_cast %parallel_loop3A_500 : vector<16x1xi32> to vector<16xi32>
      %parallel_loop3A_502 = tpu.dynamic_gather %parallel_loop3A_373[%parallel_loop3A_501] in [0] : vector<16xf32>, vector<16xi32> -> vector<16xf32>
      %parallel_loop3A_503 = arith.constant 5 : i32
      %parallel_loop3A_504 = arith.addi %parallel_loop3A_367, %parallel_loop3A_503 : i32
      %parallel_loop3A_505 = arith.constant 0 : i32
      %parallel_loop3A_506 = arith.constant 0 : i32
      %parallel_loop3A_507 = arith.constant 0 : i32
      %parallel_loop3A_508 = tpu.memref_slice %arg9[%parallel_loop3A_505, %parallel_loop3A_506, %parallel_loop3A_507] : memref<3x2000x16xf32, #tpu.memory_space<vmem>> -> memref<1x2000x16xf32, #tpu.memory_space<vmem>>
      %parallel_loop3A_509 = tpu.memref_squeeze %parallel_loop3A_508 : memref<1x2000x16xf32, #tpu.memory_space<vmem>> -> memref<2000x16xf32, #tpu.memory_space<vmem>>
      %parallel_loop3A_510 = arith.index_cast %parallel_loop3A_504 : i32 to index
      %parallel_loop3A_511 = arith.constant 0 : index
      %parallel_loop3A_512 = tpu.vector_load %parallel_loop3A_509[%parallel_loop3A_510, %parallel_loop3A_511] {strides = array<i32>} : memref<2000x16xf32, #tpu.memory_space<vmem>>, vector<16xf32>,
      %parallel_loop3A_513 = arith.mulf %parallel_loop3A_512, %parallel_loop3A_502 : vector<16xf32>
      %parallel_loop3A_514 = arith.constant 5 : i32
      %parallel_loop3A_515 = arith.addi %parallel_loop3A_367, %parallel_loop3A_514 : i32
      %parallel_loop3A_516 = arith.constant 0 : i32
      %parallel_loop3A_517 = arith.constant 0 : i32
      %parallel_loop3A_518 = arith.constant 0 : i32
      %parallel_loop3A_519 = tpu.memref_slice %arg9[%parallel_loop3A_516, %parallel_loop3A_517, %parallel_loop3A_518] : memref<3x2000x16xf32, #tpu.memory_space<vmem>> -> memref<1x2000x16xf32, #tpu.memory_space<vmem>>
      %parallel_loop3A_520 = tpu.memref_squeeze %parallel_loop3A_519 : memref<1x2000x16xf32, #tpu.memory_space<vmem>> -> memref<2000x16xf32, #tpu.memory_space<vmem>>
      %parallel_loop3A_521 = arith.index_cast %parallel_loop3A_515 : i32 to index
      %parallel_loop3A_522 = arith.constant 0 : index
      %parallel_loop3A_523 = tpu.vector_load %parallel_loop3A_520[%parallel_loop3A_521, %parallel_loop3A_522] {strides = array<i32>} : memref<2000x16xf32, #tpu.memory_space<vmem>>, vector<16xf32>,
      tpu.vector_store %parallel_loop3A_520[%parallel_loop3A_521, %parallel_loop3A_522], %parallel_loop3A_513 {strides = array<i32>} : memref<2000x16xf32, #tpu.memory_space<vmem>>, vector<16xf32>,
      %parallel_loop3A_524 = arith.constant 6 : i32
      %parallel_loop3A_525 = vector.broadcast %parallel_loop3A_524 : i32 to vector<16x1xi32>
      %parallel_loop3A_526 = vector.shape_cast %parallel_loop3A_525 : vector<16x1xi32> to vector<16xi32>
      %parallel_loop3A_527 = tpu.dynamic_gather %parallel_loop3A_373[%parallel_loop3A_526] in [0] : vector<16xf32>, vector<16xi32> -> vector<16xf32>
      %parallel_loop3A_528 = arith.constant 6 : i32
      %parallel_loop3A_529 = arith.addi %parallel_loop3A_367, %parallel_loop3A_528 : i32
      %parallel_loop3A_530 = arith.constant 0 : i32
      %parallel_loop3A_531 = arith.constant 0 : i32
      %parallel_loop3A_532 = arith.constant 0 : i32
      %parallel_loop3A_533 = tpu.memref_slice %arg9[%parallel_loop3A_530, %parallel_loop3A_531, %parallel_loop3A_532] : memref<3x2000x16xf32, #tpu.memory_space<vmem>> -> memref<1x2000x16xf32, #tpu.memory_space<vmem>>
      %parallel_loop3A_534 = tpu.memref_squeeze %parallel_loop3A_533 : memref<1x2000x16xf32, #tpu.memory_space<vmem>> -> memref<2000x16xf32, #tpu.memory_space<vmem>>
      %parallel_loop3A_535 = arith.index_cast %parallel_loop3A_529 : i32 to index
      %parallel_loop3A_536 = arith.constant 0 : index
      %parallel_loop3A_537 = tpu.vector_load %parallel_loop3A_534[%parallel_loop3A_535, %parallel_loop3A_536] {strides = array<i32>} : memref<2000x16xf32, #tpu.memory_space<vmem>>, vector<16xf32>,
      %parallel_loop3A_538 = arith.mulf %parallel_loop3A_537, %parallel_loop3A_527 : vector<16xf32>
      %parallel_loop3A_539 = arith.constant 6 : i32
      %parallel_loop3A_540 = arith.addi %parallel_loop3A_367, %parallel_loop3A_539 : i32
      %parallel_loop3A_541 = arith.constant 0 : i32
      %parallel_loop3A_542 = arith.constant 0 : i32
      %parallel_loop3A_543 = arith.constant 0 : i32
      %parallel_loop3A_544 = tpu.memref_slice %arg9[%parallel_loop3A_541, %parallel_loop3A_542, %parallel_loop3A_543] : memref<3x2000x16xf32, #tpu.memory_space<vmem>> -> memref<1x2000x16xf32, #tpu.memory_space<vmem>>
      %parallel_loop3A_545 = tpu.memref_squeeze %parallel_loop3A_544 : memref<1x2000x16xf32, #tpu.memory_space<vmem>> -> memref<2000x16xf32, #tpu.memory_space<vmem>>
      %parallel_loop3A_546 = arith.index_cast %parallel_loop3A_540 : i32 to index
      %parallel_loop3A_547 = arith.constant 0 : index
      %parallel_loop3A_548 = tpu.vector_load %parallel_loop3A_545[%parallel_loop3A_546, %parallel_loop3A_547] {strides = array<i32>} : memref<2000x16xf32, #tpu.memory_space<vmem>>, vector<16xf32>,
      tpu.vector_store %parallel_loop3A_545[%parallel_loop3A_546, %parallel_loop3A_547], %parallel_loop3A_538 {strides = array<i32>} : memref<2000x16xf32, #tpu.memory_space<vmem>>, vector<16xf32>,
      %parallel_loop3A_549 = arith.constant 7 : i32
      %parallel_loop3A_550 = vector.broadcast %parallel_loop3A_549 : i32 to vector<16x1xi32>
      %parallel_loop3A_551 = vector.shape_cast %parallel_loop3A_550 : vector<16x1xi32> to vector<16xi32>
      %parallel_loop3A_552 = tpu.dynamic_gather %parallel_loop3A_373[%parallel_loop3A_551] in [0] : vector<16xf32>, vector<16xi32> -> vector<16xf32>
      %parallel_loop3A_553 = arith.constant 7 : i32
      %parallel_loop3A_554 = arith.addi %parallel_loop3A_367, %parallel_loop3A_553 : i32
      %parallel_loop3A_555 = arith.constant 0 : i32
      %parallel_loop3A_556 = arith.constant 0 : i32
      %parallel_loop3A_557 = arith.constant 0 : i32
      %parallel_loop3A_558 = tpu.memref_slice %arg9[%parallel_loop3A_555, %parallel_loop3A_556, %parallel_loop3A_557] : memref<3x2000x16xf32, #tpu.memory_space<vmem>> -> memref<1x2000x16xf32, #tpu.memory_space<vmem>>
      %parallel_loop3A_559 = tpu.memref_squeeze %parallel_loop3A_558 : memref<1x2000x16xf32, #tpu.memory_space<vmem>> -> memref<2000x16xf32, #tpu.memory_space<vmem>>
      %parallel_loop3A_560 = arith.index_cast %parallel_loop3A_554 : i32 to index
      %parallel_loop3A_561 = arith.constant 0 : index
      %parallel_loop3A_562 = tpu.vector_load %parallel_loop3A_559[%parallel_loop3A_560, %parallel_loop3A_561] {strides = array<i32>} : memref<2000x16xf32, #tpu.memory_space<vmem>>, vector<16xf32>,
      %parallel_loop3A_563 = arith.mulf %parallel_loop3A_562, %parallel_loop3A_552 : vector<16xf32>
      %parallel_loop3A_564 = arith.constant 7 : i32
      %parallel_loop3A_565 = arith.addi %parallel_loop3A_367, %parallel_loop3A_564 : i32
      %parallel_loop3A_566 = arith.constant 0 : i32
      %parallel_loop3A_567 = arith.constant 0 : i32
      %parallel_loop3A_568 = arith.constant 0 : i32
      %parallel_loop3A_569 = tpu.memref_slice %arg9[%parallel_loop3A_566, %parallel_loop3A_567, %parallel_loop3A_568] : memref<3x2000x16xf32, #tpu.memory_space<vmem>> -> memref<1x2000x16xf32, #tpu.memory_space<vmem>>
      %parallel_loop3A_570 = tpu.memref_squeeze %parallel_loop3A_569 : memref<1x2000x16xf32, #tpu.memory_space<vmem>> -> memref<2000x16xf32, #tpu.memory_space<vmem>>
      %parallel_loop3A_571 = arith.index_cast %parallel_loop3A_565 : i32 to index
      %parallel_loop3A_572 = arith.constant 0 : index
      %parallel_loop3A_573 = tpu.vector_load %parallel_loop3A_570[%parallel_loop3A_571, %parallel_loop3A_572] {strides = array<i32>} : memref<2000x16xf32, #tpu.memory_space<vmem>>, vector<16xf32>,
      tpu.vector_store %parallel_loop3A_570[%parallel_loop3A_571, %parallel_loop3A_572], %parallel_loop3A_563 {strides = array<i32>} : memref<2000x16xf32, #tpu.memory_space<vmem>>, vector<16xf32>,
      %parallel_loop3A_574 = arith.constant 8 : i32
      %parallel_loop3A_575 = vector.broadcast %parallel_loop3A_574 : i32 to vector<16x1xi32>
      %parallel_loop3A_576 = vector.shape_cast %parallel_loop3A_575 : vector<16x1xi32> to vector<16xi32>
      %parallel_loop3A_577 = tpu.dynamic_gather %parallel_loop3A_373[%parallel_loop3A_576] in [0] : vector<16xf32>, vector<16xi32> -> vector<16xf32>
      %parallel_loop3A_578 = arith.constant 8 : i32
      %parallel_loop3A_579 = arith.addi %parallel_loop3A_367, %parallel_loop3A_578 : i32
      %parallel_loop3A_580 = arith.constant 0 : i32
      %parallel_loop3A_581 = arith.constant 0 : i32
      %parallel_loop3A_582 = arith.constant 0 : i32
      %parallel_loop3A_583 = tpu.memref_slice %arg9[%parallel_loop3A_580, %parallel_loop3A_581, %parallel_loop3A_582] : memref<3x2000x16xf32, #tpu.memory_space<vmem>> -> memref<1x2000x16xf32, #tpu.memory_space<vmem>>
      %parallel_loop3A_584 = tpu.memref_squeeze %parallel_loop3A_583 : memref<1x2000x16xf32, #tpu.memory_space<vmem>> -> memref<2000x16xf32, #tpu.memory_space<vmem>>
      %parallel_loop3A_585 = arith.index_cast %parallel_loop3A_579 : i32 to index
      %parallel_loop3A_586 = arith.constant 0 : index
      %parallel_loop3A_587 = tpu.vector_load %parallel_loop3A_584[%parallel_loop3A_585, %parallel_loop3A_586] {strides = array<i32>} : memref<2000x16xf32, #tpu.memory_space<vmem>>, vector<16xf32>,
      %parallel_loop3A_588 = arith.mulf %parallel_loop3A_587, %parallel_loop3A_577 : vector<16xf32>
      %parallel_loop3A_589 = arith.constant 8 : i32
      %parallel_loop3A_590 = arith.addi %parallel_loop3A_367, %parallel_loop3A_589 : i32
      %parallel_loop3A_591 = arith.constant 0 : i32
      %parallel_loop3A_592 = arith.constant 0 : i32
      %parallel_loop3A_593 = arith.constant 0 : i32
      %parallel_loop3A_594 = tpu.memref_slice %arg9[%parallel_loop3A_591, %parallel_loop3A_592, %parallel_loop3A_593] : memref<3x2000x16xf32, #tpu.memory_space<vmem>> -> memref<1x2000x16xf32, #tpu.memory_space<vmem>>
      %parallel_loop3A_595 = tpu.memref_squeeze %parallel_loop3A_594 : memref<1x2000x16xf32, #tpu.memory_space<vmem>> -> memref<2000x16xf32, #tpu.memory_space<vmem>>
      %parallel_loop3A_596 = arith.index_cast %parallel_loop3A_590 : i32 to index
      %parallel_loop3A_597 = arith.constant 0 : index
      %parallel_loop3A_598 = tpu.vector_load %parallel_loop3A_595[%parallel_loop3A_596, %parallel_loop3A_597] {strides = array<i32>} : memref<2000x16xf32, #tpu.memory_space<vmem>>, vector<16xf32>,
      tpu.vector_store %parallel_loop3A_595[%parallel_loop3A_596, %parallel_loop3A_597], %parallel_loop3A_588 {strides = array<i32>} : memref<2000x16xf32, #tpu.memory_space<vmem>>, vector<16xf32>,
      %parallel_loop3A_599 = arith.constant 9 : i32
      %parallel_loop3A_600 = vector.broadcast %parallel_loop3A_599 : i32 to vector<16x1xi32>
      %parallel_loop3A_601 = vector.shape_cast %parallel_loop3A_600 : vector<16x1xi32> to vector<16xi32>
      %parallel_loop3A_602 = tpu.dynamic_gather %parallel_loop3A_373[%parallel_loop3A_601] in [0] : vector<16xf32>, vector<16xi32> -> vector<16xf32>
      %parallel_loop3A_603 = arith.constant 9 : i32
      %parallel_loop3A_604 = arith.addi %parallel_loop3A_367, %parallel_loop3A_603 : i32
      %parallel_loop3A_605 = arith.constant 0 : i32
      %parallel_loop3A_606 = arith.constant 0 : i32
      %parallel_loop3A_607 = arith.constant 0 : i32
      %parallel_loop3A_608 = tpu.memref_slice %arg9[%parallel_loop3A_605, %parallel_loop3A_606, %parallel_loop3A_607] : memref<3x2000x16xf32, #tpu.memory_space<vmem>> -> memref<1x2000x16xf32, #tpu.memory_space<vmem>>
      %parallel_loop3A_609 = tpu.memref_squeeze %parallel_loop3A_608 : memref<1x2000x16xf32, #tpu.memory_space<vmem>> -> memref<2000x16xf32, #tpu.memory_space<vmem>>
      %parallel_loop3A_610 = arith.index_cast %parallel_loop3A_604 : i32 to index
      %parallel_loop3A_611 = arith.constant 0 : index
      %parallel_loop3A_612 = tpu.vector_load %parallel_loop3A_609[%parallel_loop3A_610, %parallel_loop3A_611] {strides = array<i32>} : memref<2000x16xf32, #tpu.memory_space<vmem>>, vector<16xf32>,
      %parallel_loop3A_613 = arith.mulf %parallel_loop3A_612, %parallel_loop3A_602 : vector<16xf32>
      %parallel_loop3A_614 = arith.constant 9 : i32
      %parallel_loop3A_615 = arith.addi %parallel_loop3A_367, %parallel_loop3A_614 : i32
      %parallel_loop3A_616 = arith.constant 0 : i32
      %parallel_loop3A_617 = arith.constant 0 : i32
      %parallel_loop3A_618 = arith.constant 0 : i32
      %parallel_loop3A_619 = tpu.memref_slice %arg9[%parallel_loop3A_616, %parallel_loop3A_617, %parallel_loop3A_618] : memref<3x2000x16xf32, #tpu.memory_space<vmem>> -> memref<1x2000x16xf32, #tpu.memory_space<vmem>>
      %parallel_loop3A_620 = tpu.memref_squeeze %parallel_loop3A_619 : memref<1x2000x16xf32, #tpu.memory_space<vmem>> -> memref<2000x16xf32, #tpu.memory_space<vmem>>
      %parallel_loop3A_621 = arith.index_cast %parallel_loop3A_615 : i32 to index
      %parallel_loop3A_622 = arith.constant 0 : index
      %parallel_loop3A_623 = tpu.vector_load %parallel_loop3A_620[%parallel_loop3A_621, %parallel_loop3A_622] {strides = array<i32>} : memref<2000x16xf32, #tpu.memory_space<vmem>>, vector<16xf32>,
      tpu.vector_store %parallel_loop3A_620[%parallel_loop3A_621, %parallel_loop3A_622], %parallel_loop3A_613 {strides = array<i32>} : memref<2000x16xf32, #tpu.memory_space<vmem>>, vector<16xf32>,
      %parallel_loop3A_624 = arith.constant 10 : i32
      %parallel_loop3A_625 = vector.broadcast %parallel_loop3A_624 : i32 to vector<16x1xi32>
      %parallel_loop3A_626 = vector.shape_cast %parallel_loop3A_625 : vector<16x1xi32> to vector<16xi32>
      %parallel_loop3A_627 = tpu.dynamic_gather %parallel_loop3A_373[%parallel_loop3A_626] in [0] : vector<16xf32>, vector<16xi32> -> vector<16xf32>
      %parallel_loop3A_628 = arith.constant 10 : i32
      %parallel_loop3A_629 = arith.addi %parallel_loop3A_367, %parallel_loop3A_628 : i32
      %parallel_loop3A_630 = arith.constant 0 : i32
      %parallel_loop3A_631 = arith.constant 0 : i32
      %parallel_loop3A_632 = arith.constant 0 : i32
      %parallel_loop3A_633 = tpu.memref_slice %arg9[%parallel_loop3A_630, %parallel_loop3A_631, %parallel_loop3A_632] : memref<3x2000x16xf32, #tpu.memory_space<vmem>> -> memref<1x2000x16xf32, #tpu.memory_space<vmem>>
      %parallel_loop3A_634 = tpu.memref_squeeze %parallel_loop3A_633 : memref<1x2000x16xf32, #tpu.memory_space<vmem>> -> memref<2000x16xf32, #tpu.memory_space<vmem>>
      %parallel_loop3A_635 = arith.index_cast %parallel_loop3A_629 : i32 to index
      %parallel_loop3A_636 = arith.constant 0 : index
      %parallel_loop3A_637 = tpu.vector_load %parallel_loop3A_634[%parallel_loop3A_635, %parallel_loop3A_636] {strides = array<i32>} : memref<2000x16xf32, #tpu.memory_space<vmem>>, vector<16xf32>,
      %parallel_loop3A_638 = arith.mulf %parallel_loop3A_637, %parallel_loop3A_627 : vector<16xf32>
      %parallel_loop3A_639 = arith.constant 10 : i32
      %parallel_loop3A_640 = arith.addi %parallel_loop3A_367, %parallel_loop3A_639 : i32
      %parallel_loop3A_641 = arith.constant 0 : i32
      %parallel_loop3A_642 = arith.constant 0 : i32
      %parallel_loop3A_643 = arith.constant 0 : i32
      %parallel_loop3A_644 = tpu.memref_slice %arg9[%parallel_loop3A_641, %parallel_loop3A_642, %parallel_loop3A_643] : memref<3x2000x16xf32, #tpu.memory_space<vmem>> -> memref<1x2000x16xf32, #tpu.memory_space<vmem>>
      %parallel_loop3A_645 = tpu.memref_squeeze %parallel_loop3A_644 : memref<1x2000x16xf32, #tpu.memory_space<vmem>> -> memref<2000x16xf32, #tpu.memory_space<vmem>>
      %parallel_loop3A_646 = arith.index_cast %parallel_loop3A_640 : i32 to index
      %parallel_loop3A_647 = arith.constant 0 : index
      %parallel_loop3A_648 = tpu.vector_load %parallel_loop3A_645[%parallel_loop3A_646, %parallel_loop3A_647] {strides = array<i32>} : memref<2000x16xf32, #tpu.memory_space<vmem>>, vector<16xf32>,
      tpu.vector_store %parallel_loop3A_645[%parallel_loop3A_646, %parallel_loop3A_647], %parallel_loop3A_638 {strides = array<i32>} : memref<2000x16xf32, #tpu.memory_space<vmem>>, vector<16xf32>,
      %parallel_loop3A_649 = arith.constant 11 : i32
      %parallel_loop3A_650 = vector.broadcast %parallel_loop3A_649 : i32 to vector<16x1xi32>
      %parallel_loop3A_651 = vector.shape_cast %parallel_loop3A_650 : vector<16x1xi32> to vector<16xi32>
      %parallel_loop3A_652 = tpu.dynamic_gather %parallel_loop3A_373[%parallel_loop3A_651] in [0] : vector<16xf32>, vector<16xi32> -> vector<16xf32>
      %parallel_loop3A_653 = arith.constant 11 : i32
      %parallel_loop3A_654 = arith.addi %parallel_loop3A_367, %parallel_loop3A_653 : i32
      %parallel_loop3A_655 = arith.constant 0 : i32
      %parallel_loop3A_656 = arith.constant 0 : i32
      %parallel_loop3A_657 = arith.constant 0 : i32
      %parallel_loop3A_658 = tpu.memref_slice %arg9[%parallel_loop3A_655, %parallel_loop3A_656, %parallel_loop3A_657] : memref<3x2000x16xf32, #tpu.memory_space<vmem>> -> memref<1x2000x16xf32, #tpu.memory_space<vmem>>
      %parallel_loop3A_659 = tpu.memref_squeeze %parallel_loop3A_658 : memref<1x2000x16xf32, #tpu.memory_space<vmem>> -> memref<2000x16xf32, #tpu.memory_space<vmem>>
      %parallel_loop3A_660 = arith.index_cast %parallel_loop3A_654 : i32 to index
      %parallel_loop3A_661 = arith.constant 0 : index
      %parallel_loop3A_662 = tpu.vector_load %parallel_loop3A_659[%parallel_loop3A_660, %parallel_loop3A_661] {strides = array<i32>} : memref<2000x16xf32, #tpu.memory_space<vmem>>, vector<16xf32>,
      %parallel_loop3A_663 = arith.mulf %parallel_loop3A_662, %parallel_loop3A_652 : vector<16xf32>
      %parallel_loop3A_664 = arith.constant 11 : i32
      %parallel_loop3A_665 = arith.addi %parallel_loop3A_367, %parallel_loop3A_664 : i32
      %parallel_loop3A_666 = arith.constant 0 : i32
      %parallel_loop3A_667 = arith.constant 0 : i32
      %parallel_loop3A_668 = arith.constant 0 : i32
      %parallel_loop3A_669 = tpu.memref_slice %arg9[%parallel_loop3A_666, %parallel_loop3A_667, %parallel_loop3A_668] : memref<3x2000x16xf32, #tpu.memory_space<vmem>> -> memref<1x2000x16xf32, #tpu.memory_space<vmem>>
      %parallel_loop3A_670 = tpu.memref_squeeze %parallel_loop3A_669 : memref<1x2000x16xf32, #tpu.memory_space<vmem>> -> memref<2000x16xf32, #tpu.memory_space<vmem>>
      %parallel_loop3A_671 = arith.index_cast %parallel_loop3A_665 : i32 to index
      %parallel_loop3A_672 = arith.constant 0 : index
      %parallel_loop3A_673 = tpu.vector_load %parallel_loop3A_670[%parallel_loop3A_671, %parallel_loop3A_672] {strides = array<i32>} : memref<2000x16xf32, #tpu.memory_space<vmem>>, vector<16xf32>,
      tpu.vector_store %parallel_loop3A_670[%parallel_loop3A_671, %parallel_loop3A_672], %parallel_loop3A_663 {strides = array<i32>} : memref<2000x16xf32, #tpu.memory_space<vmem>>, vector<16xf32>,
      %parallel_loop3A_674 = arith.constant 12 : i32
      %parallel_loop3A_675 = vector.broadcast %parallel_loop3A_674 : i32 to vector<16x1xi32>
      %parallel_loop3A_676 = vector.shape_cast %parallel_loop3A_675 : vector<16x1xi32> to vector<16xi32>
      %parallel_loop3A_677 = tpu.dynamic_gather %parallel_loop3A_373[%parallel_loop3A_676] in [0] : vector<16xf32>, vector<16xi32> -> vector<16xf32>
      %parallel_loop3A_678 = arith.constant 12 : i32
      %parallel_loop3A_679 = arith.addi %parallel_loop3A_367, %parallel_loop3A_678 : i32
      %parallel_loop3A_680 = arith.constant 0 : i32
      %parallel_loop3A_681 = arith.constant 0 : i32
      %parallel_loop3A_682 = arith.constant 0 : i32
      %parallel_loop3A_683 = tpu.memref_slice %arg9[%parallel_loop3A_680, %parallel_loop3A_681, %parallel_loop3A_682] : memref<3x2000x16xf32, #tpu.memory_space<vmem>> -> memref<1x2000x16xf32, #tpu.memory_space<vmem>>
      %parallel_loop3A_684 = tpu.memref_squeeze %parallel_loop3A_683 : memref<1x2000x16xf32, #tpu.memory_space<vmem>> -> memref<2000x16xf32, #tpu.memory_space<vmem>>
      %parallel_loop3A_685 = arith.index_cast %parallel_loop3A_679 : i32 to index
      %parallel_loop3A_686 = arith.constant 0 : index
      %parallel_loop3A_687 = tpu.vector_load %parallel_loop3A_684[%parallel_loop3A_685, %parallel_loop3A_686] {strides = array<i32>} : memref<2000x16xf32, #tpu.memory_space<vmem>>, vector<16xf32>,
      %parallel_loop3A_688 = arith.mulf %parallel_loop3A_687, %parallel_loop3A_677 : vector<16xf32>
      %parallel_loop3A_689 = arith.constant 12 : i32
      %parallel_loop3A_690 = arith.addi %parallel_loop3A_367, %parallel_loop3A_689 : i32
      %parallel_loop3A_691 = arith.constant 0 : i32
      %parallel_loop3A_692 = arith.constant 0 : i32
      %parallel_loop3A_693 = arith.constant 0 : i32
      %parallel_loop3A_694 = tpu.memref_slice %arg9[%parallel_loop3A_691, %parallel_loop3A_692, %parallel_loop3A_693] : memref<3x2000x16xf32, #tpu.memory_space<vmem>> -> memref<1x2000x16xf32, #tpu.memory_space<vmem>>
      %parallel_loop3A_695 = tpu.memref_squeeze %parallel_loop3A_694 : memref<1x2000x16xf32, #tpu.memory_space<vmem>> -> memref<2000x16xf32, #tpu.memory_space<vmem>>
      %parallel_loop3A_696 = arith.index_cast %parallel_loop3A_690 : i32 to index
      %parallel_loop3A_697 = arith.constant 0 : index
      %parallel_loop3A_698 = tpu.vector_load %parallel_loop3A_695[%parallel_loop3A_696, %parallel_loop3A_697] {strides = array<i32>} : memref<2000x16xf32, #tpu.memory_space<vmem>>, vector<16xf32>,
      tpu.vector_store %parallel_loop3A_695[%parallel_loop3A_696, %parallel_loop3A_697], %parallel_loop3A_688 {strides = array<i32>} : memref<2000x16xf32, #tpu.memory_space<vmem>>, vector<16xf32>,
      %parallel_loop3A_699 = arith.constant 13 : i32
      %parallel_loop3A_700 = vector.broadcast %parallel_loop3A_699 : i32 to vector<16x1xi32>
      %parallel_loop3A_701 = vector.shape_cast %parallel_loop3A_700 : vector<16x1xi32> to vector<16xi32>
      %parallel_loop3A_702 = tpu.dynamic_gather %parallel_loop3A_373[%parallel_loop3A_701] in [0] : vector<16xf32>, vector<16xi32> -> vector<16xf32>
      %parallel_loop3A_703 = arith.constant 13 : i32
      %parallel_loop3A_704 = arith.addi %parallel_loop3A_367, %parallel_loop3A_703 : i32
      %parallel_loop3A_705 = arith.constant 0 : i32
      %parallel_loop3A_706 = arith.constant 0 : i32
      %parallel_loop3A_707 = arith.constant 0 : i32
      %parallel_loop3A_708 = tpu.memref_slice %arg9[%parallel_loop3A_705, %parallel_loop3A_706, %parallel_loop3A_707] : memref<3x2000x16xf32, #tpu.memory_space<vmem>> -> memref<1x2000x16xf32, #tpu.memory_space<vmem>>
      %parallel_loop3A_709 = tpu.memref_squeeze %parallel_loop3A_708 : memref<1x2000x16xf32, #tpu.memory_space<vmem>> -> memref<2000x16xf32, #tpu.memory_space<vmem>>
      %parallel_loop3A_710 = arith.index_cast %parallel_loop3A_704 : i32 to index
      %parallel_loop3A_711 = arith.constant 0 : index
      %parallel_loop3A_712 = tpu.vector_load %parallel_loop3A_709[%parallel_loop3A_710, %parallel_loop3A_711] {strides = array<i32>} : memref<2000x16xf32, #tpu.memory_space<vmem>>, vector<16xf32>,
      %parallel_loop3A_713 = arith.mulf %parallel_loop3A_712, %parallel_loop3A_702 : vector<16xf32>
      %parallel_loop3A_714 = arith.constant 13 : i32
      %parallel_loop3A_715 = arith.addi %parallel_loop3A_367, %parallel_loop3A_714 : i32
      %parallel_loop3A_716 = arith.constant 0 : i32
      %parallel_loop3A_717 = arith.constant 0 : i32
      %parallel_loop3A_718 = arith.constant 0 : i32
      %parallel_loop3A_719 = tpu.memref_slice %arg9[%parallel_loop3A_716, %parallel_loop3A_717, %parallel_loop3A_718] : memref<3x2000x16xf32, #tpu.memory_space<vmem>> -> memref<1x2000x16xf32, #tpu.memory_space<vmem>>
      %parallel_loop3A_720 = tpu.memref_squeeze %parallel_loop3A_719 : memref<1x2000x16xf32, #tpu.memory_space<vmem>> -> memref<2000x16xf32, #tpu.memory_space<vmem>>
      %parallel_loop3A_721 = arith.index_cast %parallel_loop3A_715 : i32 to index
      %parallel_loop3A_722 = arith.constant 0 : index
      %parallel_loop3A_723 = tpu.vector_load %parallel_loop3A_720[%parallel_loop3A_721, %parallel_loop3A_722] {strides = array<i32>} : memref<2000x16xf32, #tpu.memory_space<vmem>>, vector<16xf32>,
      tpu.vector_store %parallel_loop3A_720[%parallel_loop3A_721, %parallel_loop3A_722], %parallel_loop3A_713 {strides = array<i32>} : memref<2000x16xf32, #tpu.memory_space<vmem>>, vector<16xf32>,
      %parallel_loop3A_724 = arith.constant 14 : i32
      %parallel_loop3A_725 = vector.broadcast %parallel_loop3A_724 : i32 to vector<16x1xi32>
      %parallel_loop3A_726 = vector.shape_cast %parallel_loop3A_725 : vector<16x1xi32> to vector<16xi32>
      %parallel_loop3A_727 = tpu.dynamic_gather %parallel_loop3A_373[%parallel_loop3A_726] in [0] : vector<16xf32>, vector<16xi32> -> vector<16xf32>
      %parallel_loop3A_728 = arith.constant 14 : i32
      %parallel_loop3A_729 = arith.addi %parallel_loop3A_367, %parallel_loop3A_728 : i32
      %parallel_loop3A_730 = arith.constant 0 : i32
      %parallel_loop3A_731 = arith.constant 0 : i32
      %parallel_loop3A_732 = arith.constant 0 : i32
      %parallel_loop3A_733 = tpu.memref_slice %arg9[%parallel_loop3A_730, %parallel_loop3A_731, %parallel_loop3A_732] : memref<3x2000x16xf32, #tpu.memory_space<vmem>> -> memref<1x2000x16xf32, #tpu.memory_space<vmem>>
      %parallel_loop3A_734 = tpu.memref_squeeze %parallel_loop3A_733 : memref<1x2000x16xf32, #tpu.memory_space<vmem>> -> memref<2000x16xf32, #tpu.memory_space<vmem>>
      %parallel_loop3A_735 = arith.index_cast %parallel_loop3A_729 : i32 to index
      %parallel_loop3A_736 = arith.constant 0 : index
      %parallel_loop3A_737 = tpu.vector_load %parallel_loop3A_734[%parallel_loop3A_735, %parallel_loop3A_736] {strides = array<i32>} : memref<2000x16xf32, #tpu.memory_space<vmem>>, vector<16xf32>,
      %parallel_loop3A_738 = arith.mulf %parallel_loop3A_737, %parallel_loop3A_727 : vector<16xf32>
      %parallel_loop3A_739 = arith.constant 14 : i32
      %parallel_loop3A_740 = arith.addi %parallel_loop3A_367, %parallel_loop3A_739 : i32
      %parallel_loop3A_741 = arith.constant 0 : i32
      %parallel_loop3A_742 = arith.constant 0 : i32
      %parallel_loop3A_743 = arith.constant 0 : i32
      %parallel_loop3A_744 = tpu.memref_slice %arg9[%parallel_loop3A_741, %parallel_loop3A_742, %parallel_loop3A_743] : memref<3x2000x16xf32, #tpu.memory_space<vmem>> -> memref<1x2000x16xf32, #tpu.memory_space<vmem>>
      %parallel_loop3A_745 = tpu.memref_squeeze %parallel_loop3A_744 : memref<1x2000x16xf32, #tpu.memory_space<vmem>> -> memref<2000x16xf32, #tpu.memory_space<vmem>>
      %parallel_loop3A_746 = arith.index_cast %parallel_loop3A_740 : i32 to index
      %parallel_loop3A_747 = arith.constant 0 : index
      %parallel_loop3A_748 = tpu.vector_load %parallel_loop3A_745[%parallel_loop3A_746, %parallel_loop3A_747] {strides = array<i32>} : memref<2000x16xf32, #tpu.memory_space<vmem>>, vector<16xf32>,
      tpu.vector_store %parallel_loop3A_745[%parallel_loop3A_746, %parallel_loop3A_747], %parallel_loop3A_738 {strides = array<i32>} : memref<2000x16xf32, #tpu.memory_space<vmem>>, vector<16xf32>,
      %parallel_loop3A_749 = arith.constant 15 : i32
      %parallel_loop3A_750 = vector.broadcast %parallel_loop3A_749 : i32 to vector<16x1xi32>
      %parallel_loop3A_751 = vector.shape_cast %parallel_loop3A_750 : vector<16x1xi32> to vector<16xi32>
      %parallel_loop3A_752 = tpu.dynamic_gather %parallel_loop3A_373[%parallel_loop3A_751] in [0] : vector<16xf32>, vector<16xi32> -> vector<16xf32>
      %parallel_loop3A_753 = arith.constant 15 : i32
      %parallel_loop3A_754 = arith.addi %parallel_loop3A_367, %parallel_loop3A_753 : i32
      %parallel_loop3A_755 = arith.constant 0 : i32
      %parallel_loop3A_756 = arith.constant 0 : i32
      %parallel_loop3A_757 = arith.constant 0 : i32
      %parallel_loop3A_758 = tpu.memref_slice %arg9[%parallel_loop3A_755, %parallel_loop3A_756, %parallel_loop3A_757] : memref<3x2000x16xf32, #tpu.memory_space<vmem>> -> memref<1x2000x16xf32, #tpu.memory_space<vmem>>
      %parallel_loop3A_759 = tpu.memref_squeeze %parallel_loop3A_758 : memref<1x2000x16xf32, #tpu.memory_space<vmem>> -> memref<2000x16xf32, #tpu.memory_space<vmem>>
      %parallel_loop3A_760 = arith.index_cast %parallel_loop3A_754 : i32 to index
      %parallel_loop3A_761 = arith.constant 0 : index
      %parallel_loop3A_762 = tpu.vector_load %parallel_loop3A_759[%parallel_loop3A_760, %parallel_loop3A_761] {strides = array<i32>} : memref<2000x16xf32, #tpu.memory_space<vmem>>, vector<16xf32>,
      %parallel_loop3A_763 = arith.mulf %parallel_loop3A_762, %parallel_loop3A_752 : vector<16xf32>
      %parallel_loop3A_764 = arith.constant 15 : i32
      %parallel_loop3A_765 = arith.addi %parallel_loop3A_367, %parallel_loop3A_764 : i32
      %parallel_loop3A_766 = arith.constant 0 : i32
      %parallel_loop3A_767 = arith.constant 0 : i32
      %parallel_loop3A_768 = arith.constant 0 : i32
      %parallel_loop3A_769 = tpu.memref_slice %arg9[%parallel_loop3A_766, %parallel_loop3A_767, %parallel_loop3A_768] : memref<3x2000x16xf32, #tpu.memory_space<vmem>> -> memref<1x2000x16xf32, #tpu.memory_space<vmem>>
      %parallel_loop3A_770 = tpu.memref_squeeze %parallel_loop3A_769 : memref<1x2000x16xf32, #tpu.memory_space<vmem>> -> memref<2000x16xf32, #tpu.memory_space<vmem>>
      %parallel_loop3A_771 = arith.index_cast %parallel_loop3A_765 : i32 to index
      %parallel_loop3A_772 = arith.constant 0 : index
      %parallel_loop3A_773 = tpu.vector_load %parallel_loop3A_770[%parallel_loop3A_771, %parallel_loop3A_772] {strides = array<i32>} : memref<2000x16xf32, #tpu.memory_space<vmem>>, vector<16xf32>,
      tpu.vector_store %parallel_loop3A_770[%parallel_loop3A_771, %parallel_loop3A_772], %parallel_loop3A_763 {strides = array<i32>} : memref<2000x16xf32, #tpu.memory_space<vmem>>, vector<16xf32>,
    } {sc.loop_unroll_factor = 2 : i64, sc.parallel_access}
    %dma_start3A_68 = arith.constant 0 : i32
    %dma_start3A_69 = arith.constant 0 : i32
    %dma_start3A_70 = arith.constant 0 : i32
    %dma_start3A_71 = arith.constant 0 : i32
    %dma_start3A_72 = arith.constant 0 : i32
    %dma_start3A_73 = tpu.memref_slice %arg9[%dma_start3A_68, %dma_start3A_71, %dma_start3A_72] : memref<3x2000x16xf32, #tpu.memory_space<vmem>> -> memref<1x2000x16xf32, #tpu.memory_space<vmem>>
    %dma_start3A_74 = tpu.memref_squeeze %dma_start3A_73 : memref<1x2000x16xf32, #tpu.memory_space<vmem>> -> memref<2000x16xf32, #tpu.memory_space<vmem>>
    %dma_start3A_75 = arith.constant 0 : i32
    %dma_start3A_76 = tpu.memref_slice %arg7[%dma_start3A_69, %dma_start3A_75] : memref<3x2000xi32, #tpu.memory_space<vmem>> -> memref<1x2000xi32, #tpu.memory_space<vmem>>
    %dma_start3A_77 = tpu.memref_squeeze %dma_start3A_76 : memref<1x2000xi32, #tpu.memory_space<vmem>> -> memref<2000xi32, #tpu.memory_space<vmem>>
    %dma_start3A_78 = arith.constant 0 : i32
    %dma_start3A_79 = arith.constant 0 : i32
    %dma_start3A_80 = tpu.memref_slice %arg11[%dma_start3A_78, %dma_start3A_79] : memref<10240x16xf32, #tpu.memory_space<vmem_shared>> -> memref<10240x16xf32, #tpu.memory_space<vmem_shared>>
    %dma_start3A_81 = tpu.memref_slice %arg13[%dma_start3A_70] : memref<3x!tpu.dma_semaphore, #tpu.memory_space<semaphore_mem>> -> memref<1x!tpu.dma_semaphore, #tpu.memory_space<semaphore_mem>>
    %dma_start3A_82 = tpu.memref_squeeze %dma_start3A_81 : memref<1x!tpu.dma_semaphore, #tpu.memory_space<semaphore_mem>> -> memref<!tpu.dma_semaphore, #tpu.memory_space<semaphore_mem>>
    tpu.enqueue_indirect_dma source(%dma_start3A_74 : memref<2000x16xf32, #tpu.memory_space<vmem>>) target(%dma_start3A_80 : memref<10240x16xf32, #tpu.memory_space<vmem_shared>>) offsets(%dma_start3A_77 : memref<2000xi32, #tpu.memory_space<vmem>>) semaphore(%dma_start3A_82 : memref<!tpu.dma_semaphore, #tpu.memory_space<semaphore_mem>>) {add = true}
    %add3A_83 = arith.constant 4000 : i32
    %add3A_84 = arith.addi %mul3A_2, %add3A_83 : i32
    %run_scoped3A_85 = arith.constant 0 : i32
    %run_scoped3A_86 = arith.constant 0 : i32
    "tpu.region"() ({
      %run_scoped3A_367 = tpu.sem_alloc : memref<!tpu.dma_semaphore, #tpu.memory_space<semaphore_mem>>
      %dma_start3A_368 = arith.constant 0 : i32
      %dma_start3A_369 = tpu.memref_slice %arg6[%run_scoped3A_86, %dma_start3A_368] : memref<2x2000xi32, #tpu.memory_space<vmem>> -> memref<1x2000xi32, #tpu.memory_space<vmem>>
      %dma_start3A_370 = tpu.memref_squeeze %dma_start3A_369 : memref<1x2000xi32, #tpu.memory_space<vmem>> -> memref<2000xi32, #tpu.memory_space<vmem>>
      %dma_start3A_371 = arith.constant 0 : i32
      %dma_start3A_372 = tpu.memref_slice %arg3[%run_scoped3A_85, %dma_start3A_371] : memref<2x320000xi32, #tpu.memory_space<hbm>> -> memref<1x320000xi32, #tpu.memory_space<hbm>>
      %dma_start3A_373 = tpu.memref_squeeze %dma_start3A_372 : memref<1x320000xi32, #tpu.memory_space<hbm>> -> memref<320000xi32, #tpu.memory_space<hbm>>
      %dma_start3A_374 = tpu.memref_slice %dma_start3A_373[%add3A_84] : memref<320000xi32, #tpu.memory_space<hbm>> -> memref<2000xi32, #tpu.memory_space<hbm>>
      %dma_start3A_375 = arith.constant 0 : i32
      %dma_start3A_376 = tpu.memref_slice %arg6[%run_scoped3A_86, %dma_start3A_375] : memref<2x2000xi32, #tpu.memory_space<vmem>> -> memref<1x2000xi32, #tpu.memory_space<vmem>>
      %dma_start3A_377 = tpu.memref_squeeze %dma_start3A_376 : memref<1x2000xi32, #tpu.memory_space<vmem>> -> memref<2000xi32, #tpu.memory_space<vmem>>
      %dma_start3A_378 = arith.constant 0 : i32
      %dma_start3A_379 = tpu.memref_slice %arg3[%run_scoped3A_85, %dma_start3A_378] : memref<2x320000xi32, #tpu.memory_space<hbm>> -> memref<1x320000xi32, #tpu.memory_space<hbm>>
      %dma_start3A_380 = tpu.memref_squeeze %dma_start3A_379 : memref<1x320000xi32, #tpu.memory_space<hbm>> -> memref<320000xi32, #tpu.memory_space<hbm>>
      %dma_start3A_381 = tpu.memref_slice %dma_start3A_380[%add3A_84] : memref<320000xi32, #tpu.memory_space<hbm>> -> memref<2000xi32, #tpu.memory_space<hbm>>
      tpu.enqueue_dma source(%dma_start3A_381 : memref<2000xi32, #tpu.memory_space<hbm>>) target(%dma_start3A_377 : memref<2000xi32, #tpu.memory_space<vmem>>) target_semaphore(%run_scoped3A_367 : memref<!tpu.dma_semaphore, #tpu.memory_space<semaphore_mem>>)
      %dma_wait3A_382 = arith.constant 0 : i32
      %dma_wait3A_383 = tpu.memref_slice %arg6[%run_scoped3A_86, %dma_wait3A_382] : memref<2x2000xi32, #tpu.memory_space<vmem>> -> memref<1x2000xi32, #tpu.memory_space<vmem>>
      %dma_wait3A_384 = tpu.memref_squeeze %dma_wait3A_383 : memref<1x2000xi32, #tpu.memory_space<vmem>> -> memref<2000xi32, #tpu.memory_space<vmem>>
      %dma_wait3A_385 = arith.constant 0 : i32
      %dma_wait3A_386 = tpu.memref_slice %arg3[%run_scoped3A_85, %dma_wait3A_385] : memref<2x320000xi32, #tpu.memory_space<hbm>> -> memref<1x320000xi32, #tpu.memory_space<hbm>>
      %dma_wait3A_387 = tpu.memref_squeeze %dma_wait3A_386 : memref<1x320000xi32, #tpu.memory_space<hbm>> -> memref<320000xi32, #tpu.memory_space<hbm>>
      %dma_wait3A_388 = tpu.memref_slice %dma_wait3A_387[%add3A_84] : memref<320000xi32, #tpu.memory_space<hbm>> -> memref<2000xi32, #tpu.memory_space<hbm>>
      %dma_wait3A_389 = arith.constant 0 : i32
      %dma_wait3A_390 = tpu.memref_slice %arg6[%run_scoped3A_86, %dma_wait3A_389] : memref<2x2000xi32, #tpu.memory_space<vmem>> -> memref<1x2000xi32, #tpu.memory_space<vmem>>
      %dma_wait3A_391 = tpu.memref_squeeze %dma_wait3A_390 : memref<1x2000xi32, #tpu.memory_space<vmem>> -> memref<2000xi32, #tpu.memory_space<vmem>>
      %dma_wait3A_392 = arith.constant 0 : i32
      %dma_wait3A_393 = tpu.memref_slice %arg3[%run_scoped3A_85, %dma_wait3A_392] : memref<2x320000xi32, #tpu.memory_space<hbm>> -> memref<1x320000xi32, #tpu.memory_space<hbm>>
      %dma_wait3A_394 = tpu.memref_squeeze %dma_wait3A_393 : memref<1x320000xi32, #tpu.memory_space<hbm>> -> memref<320000xi32, #tpu.memory_space<hbm>>
      %dma_wait3A_395 = tpu.memref_slice %dma_wait3A_394[%add3A_84] : memref<320000xi32, #tpu.memory_space<hbm>> -> memref<2000xi32, #tpu.memory_space<hbm>>
      tpu.wait_dma2 semaphore(%run_scoped3A_367 : memref<!tpu.dma_semaphore, #tpu.memory_space<semaphore_mem>>) src(%dma_wait3A_395 : memref<2000xi32, #tpu.memory_space<hbm>>) dst(%dma_wait3A_391 : memref<2000xi32, #tpu.memory_space<vmem>>)
      tpu.yield
    }) : () -> ()
    %run_scoped3A_87 = arith.constant 1 : i32
    %run_scoped3A_88 = arith.constant 2 : i32
    "tpu.region"() ({
      %run_scoped3A_367 = tpu.sem_alloc : memref<!tpu.dma_semaphore, #tpu.memory_space<semaphore_mem>>
      %dma_start3A_368 = arith.constant 0 : i32
      %dma_start3A_369 = tpu.memref_slice %arg7[%run_scoped3A_88, %dma_start3A_368] : memref<3x2000xi32, #tpu.memory_space<vmem>> -> memref<1x2000xi32, #tpu.memory_space<vmem>>
      %dma_start3A_370 = tpu.memref_squeeze %dma_start3A_369 : memref<1x2000xi32, #tpu.memory_space<vmem>> -> memref<2000xi32, #tpu.memory_space<vmem>>
      %dma_start3A_371 = arith.constant 0 : i32
      %dma_start3A_372 = tpu.memref_slice %arg3[%run_scoped3A_87, %dma_start3A_371] : memref<2x320000xi32, #tpu.memory_space<hbm>> -> memref<1x320000xi32, #tpu.memory_space<hbm>>
      %dma_start3A_373 = tpu.memref_squeeze %dma_start3A_372 : memref<1x320000xi32, #tpu.memory_space<hbm>> -> memref<320000xi32, #tpu.memory_space<hbm>>
      %dma_start3A_374 = tpu.memref_slice %dma_start3A_373[%add3A_84] : memref<320000xi32, #tpu.memory_space<hbm>> -> memref<2000xi32, #tpu.memory_space<hbm>>
      %dma_start3A_375 = arith.constant 0 : i32
      %dma_start3A_376 = tpu.memref_slice %arg7[%run_scoped3A_88, %dma_start3A_375] : memref<3x2000xi32, #tpu.memory_space<vmem>> -> memref<1x2000xi32, #tpu.memory_space<vmem>>
      %dma_start3A_377 = tpu.memref_squeeze %dma_start3A_376 : memref<1x2000xi32, #tpu.memory_space<vmem>> -> memref<2000xi32, #tpu.memory_space<vmem>>
      %dma_start3A_378 = arith.constant 0 : i32
      %dma_start3A_379 = tpu.memref_slice %arg3[%run_scoped3A_87, %dma_start3A_378] : memref<2x320000xi32, #tpu.memory_space<hbm>> -> memref<1x320000xi32, #tpu.memory_space<hbm>>
      %dma_start3A_380 = tpu.memref_squeeze %dma_start3A_379 : memref<1x320000xi32, #tpu.memory_space<hbm>> -> memref<320000xi32, #tpu.memory_space<hbm>>
      %dma_start3A_381 = tpu.memref_slice %dma_start3A_380[%add3A_84] : memref<320000xi32, #tpu.memory_space<hbm>> -> memref<2000xi32, #tpu.memory_space<hbm>>
      tpu.enqueue_dma source(%dma_start3A_381 : memref<2000xi32, #tpu.memory_space<hbm>>) target(%dma_start3A_377 : memref<2000xi32, #tpu.memory_space<vmem>>) target_semaphore(%run_scoped3A_367 : memref<!tpu.dma_semaphore, #tpu.memory_space<semaphore_mem>>)
      %dma_wait3A_382 = arith.constant 0 : i32
      %dma_wait3A_383 = tpu.memref_slice %arg7[%run_scoped3A_88, %dma_wait3A_382] : memref<3x2000xi32, #tpu.memory_space<vmem>> -> memref<1x2000xi32, #tpu.memory_space<vmem>>
      %dma_wait3A_384 = tpu.memref_squeeze %dma_wait3A_383 : memref<1x2000xi32, #tpu.memory_space<vmem>> -> memref<2000xi32, #tpu.memory_space<vmem>>
      %dma_wait3A_385 = arith.constant 0 : i32
      %dma_wait3A_386 = tpu.memref_slice %arg3[%run_scoped3A_87, %dma_wait3A_385] : memref<2x320000xi32, #tpu.memory_space<hbm>> -> memref<1x320000xi32, #tpu.memory_space<hbm>>
      %dma_wait3A_387 = tpu.memref_squeeze %dma_wait3A_386 : memref<1x320000xi32, #tpu.memory_space<hbm>> -> memref<320000xi32, #tpu.memory_space<hbm>>
      %dma_wait3A_388 = tpu.memref_slice %dma_wait3A_387[%add3A_84] : memref<320000xi32, #tpu.memory_space<hbm>> -> memref<2000xi32, #tpu.memory_space<hbm>>
      %dma_wait3A_389 = arith.constant 0 : i32
      %dma_wait3A_390 = tpu.memref_slice %arg7[%run_scoped3A_88, %dma_wait3A_389] : memref<3x2000xi32, #tpu.memory_space<vmem>> -> memref<1x2000xi32, #tpu.memory_space<vmem>>
      %dma_wait3A_391 = tpu.memref_squeeze %dma_wait3A_390 : memref<1x2000xi32, #tpu.memory_space<vmem>> -> memref<2000xi32, #tpu.memory_space<vmem>>
      %dma_wait3A_392 = arith.constant 0 : i32
      %dma_wait3A_393 = tpu.memref_slice %arg3[%run_scoped3A_87, %dma_wait3A_392] : memref<2x320000xi32, #tpu.memory_space<hbm>> -> memref<1x320000xi32, #tpu.memory_space<hbm>>
      %dma_wait3A_394 = tpu.memref_squeeze %dma_wait3A_393 : memref<1x320000xi32, #tpu.memory_space<hbm>> -> memref<320000xi32, #tpu.memory_space<hbm>>
      %dma_wait3A_395 = tpu.memref_slice %dma_wait3A_394[%add3A_84] : memref<320000xi32, #tpu.memory_space<hbm>> -> memref<2000xi32, #tpu.memory_space<hbm>>
      tpu.wait_dma2 semaphore(%run_scoped3A_367 : memref<!tpu.dma_semaphore, #tpu.memory_space<semaphore_mem>>) src(%dma_wait3A_395 : memref<2000xi32, #tpu.memory_space<hbm>>) dst(%dma_wait3A_391 : memref<2000xi32, #tpu.memory_space<vmem>>)
      tpu.yield
    }) : () -> ()
    %run_scoped3A_89 = arith.constant 0 : i32
    "tpu.region"() ({
      %run_scoped3A_367 = tpu.sem_alloc : memref<!tpu.dma_semaphore, #tpu.memory_space<semaphore_mem>>
      %dma_start3A_368 = arith.constant 0 : i32
      %dma_start3A_369 = tpu.memref_slice %arg8[%run_scoped3A_89, %dma_start3A_368] : memref<2x2000xf32, #tpu.memory_space<vmem>> -> memref<1x2000xf32, #tpu.memory_space<vmem>>
      %dma_start3A_370 = tpu.memref_squeeze %dma_start3A_369 : memref<1x2000xf32, #tpu.memory_space<vmem>> -> memref<2000xf32, #tpu.memory_space<vmem>>
      %dma_start3A_371 = tpu.memref_slice %arg4[%add3A_84] : memref<320000xf32, #tpu.memory_space<hbm>> -> memref<2000xf32, #tpu.memory_space<hbm>>
      %dma_start3A_372 = arith.constant 0 : i32
      %dma_start3A_373 = tpu.memref_slice %arg8[%run_scoped3A_89, %dma_start3A_372] : memref<2x2000xf32, #tpu.memory_space<vmem>> -> memref<1x2000xf32, #tpu.memory_space<vmem>>
      %dma_start3A_374 = tpu.memref_squeeze %dma_start3A_373 : memref<1x2000xf32, #tpu.memory_space<vmem>> -> memref<2000xf32, #tpu.memory_space<vmem>>
      %dma_start3A_375 = tpu.memref_slice %arg4[%add3A_84] : memref<320000xf32, #tpu.memory_space<hbm>> -> memref<2000xf32, #tpu.memory_space<hbm>>
      tpu.enqueue_dma source(%dma_start3A_375 : memref<2000xf32, #tpu.memory_space<hbm>>) target(%dma_start3A_374 : memref<2000xf32, #tpu.memory_space<vmem>>) target_semaphore(%run_scoped3A_367 : memref<!tpu.dma_semaphore, #tpu.memory_space<semaphore_mem>>)
      %dma_wait3A_376 = arith.constant 0 : i32
      %dma_wait3A_377 = tpu.memref_slice %arg8[%run_scoped3A_89, %dma_wait3A_376] : memref<2x2000xf32, #tpu.memory_space<vmem>> -> memref<1x2000xf32, #tpu.memory_space<vmem>>
      %dma_wait3A_378 = tpu.memref_squeeze %dma_wait3A_377 : memref<1x2000xf32, #tpu.memory_space<vmem>> -> memref<2000xf32, #tpu.memory_space<vmem>>
      %dma_wait3A_379 = tpu.memref_slice %arg4[%add3A_84] : memref<320000xf32, #tpu.memory_space<hbm>> -> memref<2000xf32, #tpu.memory_space<hbm>>
      %dma_wait3A_380 = arith.constant 0 : i32
      %dma_wait3A_381 = tpu.memref_slice %arg8[%run_scoped3A_89, %dma_wait3A_380] : memref<2x2000xf32, #tpu.memory_space<vmem>> -> memref<1x2000xf32, #tpu.memory_space<vmem>>
      %dma_wait3A_382 = tpu.memref_squeeze %dma_wait3A_381 : memref<1x2000xf32, #tpu.memory_space<vmem>> -> memref<2000xf32, #tpu.memory_space<vmem>>
      %dma_wait3A_383 = tpu.memref_slice %arg4[%add3A_84] : memref<320000xf32, #tpu.memory_space<hbm>> -> memref<2000xf32, #tpu.memory_space<hbm>>
      tpu.wait_dma2 semaphore(%run_scoped3A_367 : memref<!tpu.dma_semaphore, #tpu.memory_space<semaphore_mem>>) src(%dma_wait3A_383 : memref<2000xf32, #tpu.memory_space<hbm>>) dst(%dma_wait3A_382 : memref<2000xf32, #tpu.memory_space<vmem>>)
      tpu.yield
    }) : () -> ()
    %dma_start3A_90 = arith.constant 0 : i32
    %dma_start3A_91 = arith.constant 2 : i32
    %dma_start3A_92 = arith.constant 2 : i32
    %dma_start3A_93 = arith.constant 0 : i32
    %dma_start3A_94 = arith.constant 0 : i32
    %dma_start3A_95 = tpu.memref_slice %arg9[%dma_start3A_91, %dma_start3A_93, %dma_start3A_94] : memref<3x2000x16xf32, #tpu.memory_space<vmem>> -> memref<1x2000x16xf32, #tpu.memory_space<vmem>>
    %dma_start3A_96 = tpu.memref_squeeze %dma_start3A_95 : memref<1x2000x16xf32, #tpu.memory_space<vmem>> -> memref<2000x16xf32, #tpu.memory_space<vmem>>
    %dma_start3A_97 = arith.constant 0 : i32
    %dma_start3A_98 = tpu.memref_slice %arg6[%dma_start3A_90, %dma_start3A_97] : memref<2x2000xi32, #tpu.memory_space<vmem>> -> memref<1x2000xi32, #tpu.memory_space<vmem>>
    %dma_start3A_99 = tpu.memref_squeeze %dma_start3A_98 : memref<1x2000xi32, #tpu.memory_space<vmem>> -> memref<2000xi32, #tpu.memory_space<vmem>>
    %dma_start3A_100 = arith.constant 0 : i32
    %dma_start3A_101 = arith.constant 0 : i32
    %dma_start3A_102 = tpu.memref_slice %arg2[%dma_start3A_100, %dma_start3A_101] : memref<80000x16xf32, #tpu.memory_space<hbm>> -> memref<80000x16xf32, #tpu.memory_space<hbm>>
    %dma_start3A_103 = tpu.memref_slice %arg12[%dma_start3A_92] : memref<3x!tpu.dma_semaphore, #tpu.memory_space<semaphore_mem>> -> memref<1x!tpu.dma_semaphore, #tpu.memory_space<semaphore_mem>>
    %dma_start3A_104 = tpu.memref_squeeze %dma_start3A_103 : memref<1x!tpu.dma_semaphore, #tpu.memory_space<semaphore_mem>> -> memref<!tpu.dma_semaphore, #tpu.memory_space<semaphore_mem>>
    tpu.enqueue_indirect_dma source(%dma_start3A_102 : memref<80000x16xf32, #tpu.memory_space<hbm>>) target(%dma_start3A_96 : memref<2000x16xf32, #tpu.memory_space<vmem>>) offsets(%dma_start3A_99 : memref<2000xi32, #tpu.memory_space<vmem>>) semaphore(%dma_start3A_104 : memref<!tpu.dma_semaphore, #tpu.memory_space<semaphore_mem>>)
    %dma_wait3A_105 = arith.constant 1 : i32
    %dma_wait3A_106 = arith.constant 1 : i32
    %dma_wait3A_107 = arith.constant 1 : i32
    %dma_wait3A_108 = arith.constant 0 : i32
    %dma_wait3A_109 = arith.constant 0 : i32
    %dma_wait3A_110 = tpu.memref_slice %arg9[%dma_wait3A_106, %dma_wait3A_108, %dma_wait3A_109] : memref<3x2000x16xf32, #tpu.memory_space<vmem>> -> memref<1x2000x16xf32, #tpu.memory_space<vmem>>
    %dma_wait3A_111 = tpu.memref_squeeze %dma_wait3A_110 : memref<1x2000x16xf32, #tpu.memory_space<vmem>> -> memref<2000x16xf32, #tpu.memory_space<vmem>>
    %dma_wait3A_112 = arith.constant 0 : i32
    %dma_wait3A_113 = tpu.memref_slice %arg6[%dma_wait3A_105, %dma_wait3A_112] : memref<2x2000xi32, #tpu.memory_space<vmem>> -> memref<1x2000xi32, #tpu.memory_space<vmem>>
    %dma_wait3A_114 = tpu.memref_squeeze %dma_wait3A_113 : memref<1x2000xi32, #tpu.memory_space<vmem>> -> memref<2000xi32, #tpu.memory_space<vmem>>
    %dma_wait3A_115 = arith.constant 0 : i32
    %dma_wait3A_116 = arith.constant 0 : i32
    %dma_wait3A_117 = tpu.memref_slice %arg2[%dma_wait3A_115, %dma_wait3A_116] : memref<80000x16xf32, #tpu.memory_space<hbm>> -> memref<80000x16xf32, #tpu.memory_space<hbm>>
    %dma_wait3A_118 = tpu.memref_slice %arg12[%dma_wait3A_107] : memref<3x!tpu.dma_semaphore, #tpu.memory_space<semaphore_mem>> -> memref<1x!tpu.dma_semaphore, #tpu.memory_space<semaphore_mem>>
    %dma_wait3A_119 = tpu.memref_squeeze %dma_wait3A_118 : memref<1x!tpu.dma_semaphore, #tpu.memory_space<semaphore_mem>> -> memref<!tpu.dma_semaphore, #tpu.memory_space<semaphore_mem>>
    tpu.wait_indirect_dma semaphore(%dma_wait3A_119 : memref<!tpu.dma_semaphore, #tpu.memory_space<semaphore_mem>>) src(%dma_wait3A_117 : memref<80000x16xf32, #tpu.memory_space<hbm>>) dst(%dma_wait3A_111 : memref<2000x16xf32, #tpu.memory_space<vmem>>)
    %parallel_loop3A_120 = arith.constant 0 : i32
    %parallel_loop3A_121 = arith.constant 2000 : i32
    %parallel_loop3A_122 = arith.constant 16 : i32
    scf.for %parallel_loop3A_367 = %parallel_loop3A_120 to %parallel_loop3A_121 step %parallel_loop3A_122  : i32 {
      %parallel_loop3A_368 = arith.constant 1 : i32
      %parallel_loop3A_369 = arith.constant 0 : i32
      %parallel_loop3A_370 = tpu.memref_slice %arg8[%parallel_loop3A_368, %parallel_loop3A_369] : memref<2x2000xf32, #tpu.memory_space<vmem>> -> memref<1x2000xf32, #tpu.memory_space<vmem>>
      %parallel_loop3A_371 = tpu.memref_squeeze %parallel_loop3A_370 : memref<1x2000xf32, #tpu.memory_space<vmem>> -> memref<2000xf32, #tpu.memory_space<vmem>>
      %parallel_loop3A_372 = arith.index_cast %parallel_loop3A_367 : i32 to index
      %parallel_loop3A_373 = tpu.vector_load %parallel_loop3A_371[%parallel_loop3A_372] {strides = array<i32>} : memref<2000xf32, #tpu.memory_space<vmem>>, vector<16xf32>,
      %parallel_loop3A_374 = arith.constant 0 : i32
      %parallel_loop3A_375 = vector.broadcast %parallel_loop3A_374 : i32 to vector<16x1xi32>
      %parallel_loop3A_376 = vector.shape_cast %parallel_loop3A_375 : vector<16x1xi32> to vector<16xi32>
      %parallel_loop3A_377 = tpu.dynamic_gather %parallel_loop3A_373[%parallel_loop3A_376] in [0] : vector<16xf32>, vector<16xi32> -> vector<16xf32>
      %parallel_loop3A_378 = arith.constant 0 : i32
      %parallel_loop3A_379 = arith.addi %parallel_loop3A_367, %parallel_loop3A_378 : i32
      %parallel_loop3A_380 = arith.constant 1 : i32
      %parallel_loop3A_381 = arith.constant 0 : i32
      %parallel_loop3A_382 = arith.constant 0 : i32
      %parallel_loop3A_383 = tpu.memref_slice %arg9[%parallel_loop3A_380, %parallel_loop3A_381, %parallel_loop3A_382] : memref<3x2000x16xf32, #tpu.memory_space<vmem>> -> memref<1x2000x16xf32, #tpu.memory_space<vmem>>
      %parallel_loop3A_384 = tpu.memref_squeeze %parallel_loop3A_383 : memref<1x2000x16xf32, #tpu.memory_space<vmem>> -> memref<2000x16xf32, #tpu.memory_space<vmem>>
      %parallel_loop3A_385 = arith.index_cast %parallel_loop3A_379 : i32 to index
      %parallel_loop3A_386 = arith.constant 0 : index
      %parallel_loop3A_387 = tpu.vector_load %parallel_loop3A_384[%parallel_loop3A_385, %parallel_loop3A_386] {strides = array<i32>} : memref<2000x16xf32, #tpu.memory_space<vmem>>, vector<16xf32>,
      %parallel_loop3A_388 = arith.mulf %parallel_loop3A_387, %parallel_loop3A_377 : vector<16xf32>
      %parallel_loop3A_389 = arith.constant 0 : i32
      %parallel_loop3A_390 = arith.addi %parallel_loop3A_367, %parallel_loop3A_389 : i32
      %parallel_loop3A_391 = arith.constant 1 : i32
      %parallel_loop3A_392 = arith.constant 0 : i32
      %parallel_loop3A_393 = arith.constant 0 : i32
      %parallel_loop3A_394 = tpu.memref_slice %arg9[%parallel_loop3A_391, %parallel_loop3A_392, %parallel_loop3A_393] : memref<3x2000x16xf32, #tpu.memory_space<vmem>> -> memref<1x2000x16xf32, #tpu.memory_space<vmem>>
      %parallel_loop3A_395 = tpu.memref_squeeze %parallel_loop3A_394 : memref<1x2000x16xf32, #tpu.memory_space<vmem>> -> memref<2000x16xf32, #tpu.memory_space<vmem>>
      %parallel_loop3A_396 = arith.index_cast %parallel_loop3A_390 : i32 to index
      %parallel_loop3A_397 = arith.constant 0 : index
      %parallel_loop3A_398 = tpu.vector_load %parallel_loop3A_395[%parallel_loop3A_396, %parallel_loop3A_397] {strides = array<i32>} : memref<2000x16xf32, #tpu.memory_space<vmem>>, vector<16xf32>,
      tpu.vector_store %parallel_loop3A_395[%parallel_loop3A_396, %parallel_loop3A_397], %parallel_loop3A_388 {strides = array<i32>} : memref<2000x16xf32, #tpu.memory_space<vmem>>, vector<16xf32>,
      %parallel_loop3A_399 = arith.constant 1 : i32
      %parallel_loop3A_400 = vector.broadcast %parallel_loop3A_399 : i32 to vector<16x1xi32>
      %parallel_loop3A_401 = vector.shape_cast %parallel_loop3A_400 : vector<16x1xi32> to vector<16xi32>
      %parallel_loop3A_402 = tpu.dynamic_gather %parallel_loop3A_373[%parallel_loop3A_401] in [0] : vector<16xf32>, vector<16xi32> -> vector<16xf32>
      %parallel_loop3A_403 = arith.constant 1 : i32
      %parallel_loop3A_404 = arith.addi %parallel_loop3A_367, %parallel_loop3A_403 : i32
      %parallel_loop3A_405 = arith.constant 1 : i32
      %parallel_loop3A_406 = arith.constant 0 : i32
      %parallel_loop3A_407 = arith.constant 0 : i32
      %parallel_loop3A_408 = tpu.memref_slice %arg9[%parallel_loop3A_405, %parallel_loop3A_406, %parallel_loop3A_407] : memref<3x2000x16xf32, #tpu.memory_space<vmem>> -> memref<1x2000x16xf32, #tpu.memory_space<vmem>>
      %parallel_loop3A_409 = tpu.memref_squeeze %parallel_loop3A_408 : memref<1x2000x16xf32, #tpu.memory_space<vmem>> -> memref<2000x16xf32, #tpu.memory_space<vmem>>
      %parallel_loop3A_410 = arith.index_cast %parallel_loop3A_404 : i32 to index
      %parallel_loop3A_411 = arith.constant 0 : index
      %parallel_loop3A_412 = tpu.vector_load %parallel_loop3A_409[%parallel_loop3A_410, %parallel_loop3A_411] {strides = array<i32>} : memref<2000x16xf32, #tpu.memory_space<vmem>>, vector<16xf32>,
      %parallel_loop3A_413 = arith.mulf %parallel_loop3A_412, %parallel_loop3A_402 : vector<16xf32>
      %parallel_loop3A_414 = arith.constant 1 : i32
      %parallel_loop3A_415 = arith.addi %parallel_loop3A_367, %parallel_loop3A_414 : i32
      %parallel_loop3A_416 = arith.constant 1 : i32
      %parallel_loop3A_417 = arith.constant 0 : i32
      %parallel_loop3A_418 = arith.constant 0 : i32
      %parallel_loop3A_419 = tpu.memref_slice %arg9[%parallel_loop3A_416, %parallel_loop3A_417, %parallel_loop3A_418] : memref<3x2000x16xf32, #tpu.memory_space<vmem>> -> memref<1x2000x16xf32, #tpu.memory_space<vmem>>
      %parallel_loop3A_420 = tpu.memref_squeeze %parallel_loop3A_419 : memref<1x2000x16xf32, #tpu.memory_space<vmem>> -> memref<2000x16xf32, #tpu.memory_space<vmem>>
      %parallel_loop3A_421 = arith.index_cast %parallel_loop3A_415 : i32 to index
      %parallel_loop3A_422 = arith.constant 0 : index
      %parallel_loop3A_423 = tpu.vector_load %parallel_loop3A_420[%parallel_loop3A_421, %parallel_loop3A_422] {strides = array<i32>} : memref<2000x16xf32, #tpu.memory_space<vmem>>, vector<16xf32>,
      tpu.vector_store %parallel_loop3A_420[%parallel_loop3A_421, %parallel_loop3A_422], %parallel_loop3A_413 {strides = array<i32>} : memref<2000x16xf32, #tpu.memory_space<vmem>>, vector<16xf32>,
      %parallel_loop3A_424 = arith.constant 2 : i32
      %parallel_loop3A_425 = vector.broadcast %parallel_loop3A_424 : i32 to vector<16x1xi32>
      %parallel_loop3A_426 = vector.shape_cast %parallel_loop3A_425 : vector<16x1xi32> to vector<16xi32>
      %parallel_loop3A_427 = tpu.dynamic_gather %parallel_loop3A_373[%parallel_loop3A_426] in [0] : vector<16xf32>, vector<16xi32> -> vector<16xf32>
      %parallel_loop3A_428 = arith.constant 2 : i32
      %parallel_loop3A_429 = arith.addi %parallel_loop3A_367, %parallel_loop3A_428 : i32
      %parallel_loop3A_430 = arith.constant 1 : i32
      %parallel_loop3A_431 = arith.constant 0 : i32
      %parallel_loop3A_432 = arith.constant 0 : i32
      %parallel_loop3A_433 = tpu.memref_slice %arg9[%parallel_loop3A_430, %parallel_loop3A_431, %parallel_loop3A_432] : memref<3x2000x16xf32, #tpu.memory_space<vmem>> -> memref<1x2000x16xf32, #tpu.memory_space<vmem>>
      %parallel_loop3A_434 = tpu.memref_squeeze %parallel_loop3A_433 : memref<1x2000x16xf32, #tpu.memory_space<vmem>> -> memref<2000x16xf32, #tpu.memory_space<vmem>>
      %parallel_loop3A_435 = arith.index_cast %parallel_loop3A_429 : i32 to index
      %parallel_loop3A_436 = arith.constant 0 : index
      %parallel_loop3A_437 = tpu.vector_load %parallel_loop3A_434[%parallel_loop3A_435, %parallel_loop3A_436] {strides = array<i32>} : memref<2000x16xf32, #tpu.memory_space<vmem>>, vector<16xf32>,
      %parallel_loop3A_438 = arith.mulf %parallel_loop3A_437, %parallel_loop3A_427 : vector<16xf32>
      %parallel_loop3A_439 = arith.constant 2 : i32
      %parallel_loop3A_440 = arith.addi %parallel_loop3A_367, %parallel_loop3A_439 : i32
      %parallel_loop3A_441 = arith.constant 1 : i32
      %parallel_loop3A_442 = arith.constant 0 : i32
      %parallel_loop3A_443 = arith.constant 0 : i32
      %parallel_loop3A_444 = tpu.memref_slice %arg9[%parallel_loop3A_441, %parallel_loop3A_442, %parallel_loop3A_443] : memref<3x2000x16xf32, #tpu.memory_space<vmem>> -> memref<1x2000x16xf32, #tpu.memory_space<vmem>>
      %parallel_loop3A_445 = tpu.memref_squeeze %parallel_loop3A_444 : memref<1x2000x16xf32, #tpu.memory_space<vmem>> -> memref<2000x16xf32, #tpu.memory_space<vmem>>
      %parallel_loop3A_446 = arith.index_cast %parallel_loop3A_440 : i32 to index
      %parallel_loop3A_447 = arith.constant 0 : index
      %parallel_loop3A_448 = tpu.vector_load %parallel_loop3A_445[%parallel_loop3A_446, %parallel_loop3A_447] {strides = array<i32>} : memref<2000x16xf32, #tpu.memory_space<vmem>>, vector<16xf32>,
      tpu.vector_store %parallel_loop3A_445[%parallel_loop3A_446, %parallel_loop3A_447], %parallel_loop3A_438 {strides = array<i32>} : memref<2000x16xf32, #tpu.memory_space<vmem>>, vector<16xf32>,
      %parallel_loop3A_449 = arith.constant 3 : i32
      %parallel_loop3A_450 = vector.broadcast %parallel_loop3A_449 : i32 to vector<16x1xi32>
      %parallel_loop3A_451 = vector.shape_cast %parallel_loop3A_450 : vector<16x1xi32> to vector<16xi32>
      %parallel_loop3A_452 = tpu.dynamic_gather %parallel_loop3A_373[%parallel_loop3A_451] in [0] : vector<16xf32>, vector<16xi32> -> vector<16xf32>
      %parallel_loop3A_453 = arith.constant 3 : i32
      %parallel_loop3A_454 = arith.addi %parallel_loop3A_367, %parallel_loop3A_453 : i32
      %parallel_loop3A_455 = arith.constant 1 : i32
      %parallel_loop3A_456 = arith.constant 0 : i32
      %parallel_loop3A_457 = arith.constant 0 : i32
      %parallel_loop3A_458 = tpu.memref_slice %arg9[%parallel_loop3A_455, %parallel_loop3A_456, %parallel_loop3A_457] : memref<3x2000x16xf32, #tpu.memory_space<vmem>> -> memref<1x2000x16xf32, #tpu.memory_space<vmem>>
      %parallel_loop3A_459 = tpu.memref_squeeze %parallel_loop3A_458 : memref<1x2000x16xf32, #tpu.memory_space<vmem>> -> memref<2000x16xf32, #tpu.memory_space<vmem>>
      %parallel_loop3A_460 = arith.index_cast %parallel_loop3A_454 : i32 to index
      %parallel_loop3A_461 = arith.constant 0 : index
      %parallel_loop3A_462 = tpu.vector_load %parallel_loop3A_459[%parallel_loop3A_460, %parallel_loop3A_461] {strides = array<i32>} : memref<2000x16xf32, #tpu.memory_space<vmem>>, vector<16xf32>,
      %parallel_loop3A_463 = arith.mulf %parallel_loop3A_462, %parallel_loop3A_452 : vector<16xf32>
      %parallel_loop3A_464 = arith.constant 3 : i32
      %parallel_loop3A_465 = arith.addi %parallel_loop3A_367, %parallel_loop3A_464 : i32
      %parallel_loop3A_466 = arith.constant 1 : i32
      %parallel_loop3A_467 = arith.constant 0 : i32
      %parallel_loop3A_468 = arith.constant 0 : i32
      %parallel_loop3A_469 = tpu.memref_slice %arg9[%parallel_loop3A_466, %parallel_loop3A_467, %parallel_loop3A_468] : memref<3x2000x16xf32, #tpu.memory_space<vmem>> -> memref<1x2000x16xf32, #tpu.memory_space<vmem>>
      %parallel_loop3A_470 = tpu.memref_squeeze %parallel_loop3A_469 : memref<1x2000x16xf32, #tpu.memory_space<vmem>> -> memref<2000x16xf32, #tpu.memory_space<vmem>>
      %parallel_loop3A_471 = arith.index_cast %parallel_loop3A_465 : i32 to index
      %parallel_loop3A_472 = arith.constant 0 : index
      %parallel_loop3A_473 = tpu.vector_load %parallel_loop3A_470[%parallel_loop3A_471, %parallel_loop3A_472] {strides = array<i32>} : memref<2000x16xf32, #tpu.memory_space<vmem>>, vector<16xf32>,
      tpu.vector_store %parallel_loop3A_470[%parallel_loop3A_471, %parallel_loop3A_472], %parallel_loop3A_463 {strides = array<i32>} : memref<2000x16xf32, #tpu.memory_space<vmem>>, vector<16xf32>,
      %parallel_loop3A_474 = arith.constant 4 : i32
      %parallel_loop3A_475 = vector.broadcast %parallel_loop3A_474 : i32 to vector<16x1xi32>
      %parallel_loop3A_476 = vector.shape_cast %parallel_loop3A_475 : vector<16x1xi32> to vector<16xi32>
      %parallel_loop3A_477 = tpu.dynamic_gather %parallel_loop3A_373[%parallel_loop3A_476] in [0] : vector<16xf32>, vector<16xi32> -> vector<16xf32>
      %parallel_loop3A_478 = arith.constant 4 : i32
      %parallel_loop3A_479 = arith.addi %parallel_loop3A_367, %parallel_loop3A_478 : i32
      %parallel_loop3A_480 = arith.constant 1 : i32
      %parallel_loop3A_481 = arith.constant 0 : i32
      %parallel_loop3A_482 = arith.constant 0 : i32
      %parallel_loop3A_483 = tpu.memref_slice %arg9[%parallel_loop3A_480, %parallel_loop3A_481, %parallel_loop3A_482] : memref<3x2000x16xf32, #tpu.memory_space<vmem>> -> memref<1x2000x16xf32, #tpu.memory_space<vmem>>
      %parallel_loop3A_484 = tpu.memref_squeeze %parallel_loop3A_483 : memref<1x2000x16xf32, #tpu.memory_space<vmem>> -> memref<2000x16xf32, #tpu.memory_space<vmem>>
      %parallel_loop3A_485 = arith.index_cast %parallel_loop3A_479 : i32 to index
      %parallel_loop3A_486 = arith.constant 0 : index
      %parallel_loop3A_487 = tpu.vector_load %parallel_loop3A_484[%parallel_loop3A_485, %parallel_loop3A_486] {strides = array<i32>} : memref<2000x16xf32, #tpu.memory_space<vmem>>, vector<16xf32>,
      %parallel_loop3A_488 = arith.mulf %parallel_loop3A_487, %parallel_loop3A_477 : vector<16xf32>
      %parallel_loop3A_489 = arith.constant 4 : i32
      %parallel_loop3A_490 = arith.addi %parallel_loop3A_367, %parallel_loop3A_489 : i32
      %parallel_loop3A_491 = arith.constant 1 : i32
      %parallel_loop3A_492 = arith.constant 0 : i32
      %parallel_loop3A_493 = arith.constant 0 : i32
      %parallel_loop3A_494 = tpu.memref_slice %arg9[%parallel_loop3A_491, %parallel_loop3A_492, %parallel_loop3A_493] : memref<3x2000x16xf32, #tpu.memory_space<vmem>> -> memref<1x2000x16xf32, #tpu.memory_space<vmem>>
      %parallel_loop3A_495 = tpu.memref_squeeze %parallel_loop3A_494 : memref<1x2000x16xf32, #tpu.memory_space<vmem>> -> memref<2000x16xf32, #tpu.memory_space<vmem>>
      %parallel_loop3A_496 = arith.index_cast %parallel_loop3A_490 : i32 to index
      %parallel_loop3A_497 = arith.constant 0 : index
      %parallel_loop3A_498 = tpu.vector_load %parallel_loop3A_495[%parallel_loop3A_496, %parallel_loop3A_497] {strides = array<i32>} : memref<2000x16xf32, #tpu.memory_space<vmem>>, vector<16xf32>,
      tpu.vector_store %parallel_loop3A_495[%parallel_loop3A_496, %parallel_loop3A_497], %parallel_loop3A_488 {strides = array<i32>} : memref<2000x16xf32, #tpu.memory_space<vmem>>, vector<16xf32>,
      %parallel_loop3A_499 = arith.constant 5 : i32
      %parallel_loop3A_500 = vector.broadcast %parallel_loop3A_499 : i32 to vector<16x1xi32>
      %parallel_loop3A_501 = vector.shape_cast %parallel_loop3A_500 : vector<16x1xi32> to vector<16xi32>
      %parallel_loop3A_502 = tpu.dynamic_gather %parallel_loop3A_373[%parallel_loop3A_501] in [0] : vector<16xf32>, vector<16xi32> -> vector<16xf32>
      %parallel_loop3A_503 = arith.constant 5 : i32
      %parallel_loop3A_504 = arith.addi %parallel_loop3A_367, %parallel_loop3A_503 : i32
      %parallel_loop3A_505 = arith.constant 1 : i32
      %parallel_loop3A_506 = arith.constant 0 : i32
      %parallel_loop3A_507 = arith.constant 0 : i32
      %parallel_loop3A_508 = tpu.memref_slice %arg9[%parallel_loop3A_505, %parallel_loop3A_506, %parallel_loop3A_507] : memref<3x2000x16xf32, #tpu.memory_space<vmem>> -> memref<1x2000x16xf32, #tpu.memory_space<vmem>>
      %parallel_loop3A_509 = tpu.memref_squeeze %parallel_loop3A_508 : memref<1x2000x16xf32, #tpu.memory_space<vmem>> -> memref<2000x16xf32, #tpu.memory_space<vmem>>
      %parallel_loop3A_510 = arith.index_cast %parallel_loop3A_504 : i32 to index
      %parallel_loop3A_511 = arith.constant 0 : index
      %parallel_loop3A_512 = tpu.vector_load %parallel_loop3A_509[%parallel_loop3A_510, %parallel_loop3A_511] {strides = array<i32>} : memref<2000x16xf32, #tpu.memory_space<vmem>>, vector<16xf32>,
      %parallel_loop3A_513 = arith.mulf %parallel_loop3A_512, %parallel_loop3A_502 : vector<16xf32>
      %parallel_loop3A_514 = arith.constant 5 : i32
      %parallel_loop3A_515 = arith.addi %parallel_loop3A_367, %parallel_loop3A_514 : i32
      %parallel_loop3A_516 = arith.constant 1 : i32
      %parallel_loop3A_517 = arith.constant 0 : i32
      %parallel_loop3A_518 = arith.constant 0 : i32
      %parallel_loop3A_519 = tpu.memref_slice %arg9[%parallel_loop3A_516, %parallel_loop3A_517, %parallel_loop3A_518] : memref<3x2000x16xf32, #tpu.memory_space<vmem>> -> memref<1x2000x16xf32, #tpu.memory_space<vmem>>
      %parallel_loop3A_520 = tpu.memref_squeeze %parallel_loop3A_519 : memref<1x2000x16xf32, #tpu.memory_space<vmem>> -> memref<2000x16xf32, #tpu.memory_space<vmem>>
      %parallel_loop3A_521 = arith.index_cast %parallel_loop3A_515 : i32 to index
      %parallel_loop3A_522 = arith.constant 0 : index
      %parallel_loop3A_523 = tpu.vector_load %parallel_loop3A_520[%parallel_loop3A_521, %parallel_loop3A_522] {strides = array<i32>} : memref<2000x16xf32, #tpu.memory_space<vmem>>, vector<16xf32>,
      tpu.vector_store %parallel_loop3A_520[%parallel_loop3A_521, %parallel_loop3A_522], %parallel_loop3A_513 {strides = array<i32>} : memref<2000x16xf32, #tpu.memory_space<vmem>>, vector<16xf32>,
      %parallel_loop3A_524 = arith.constant 6 : i32
      %parallel_loop3A_525 = vector.broadcast %parallel_loop3A_524 : i32 to vector<16x1xi32>
      %parallel_loop3A_526 = vector.shape_cast %parallel_loop3A_525 : vector<16x1xi32> to vector<16xi32>
      %parallel_loop3A_527 = tpu.dynamic_gather %parallel_loop3A_373[%parallel_loop3A_526] in [0] : vector<16xf32>, vector<16xi32> -> vector<16xf32>
      %parallel_loop3A_528 = arith.constant 6 : i32
      %parallel_loop3A_529 = arith.addi %parallel_loop3A_367, %parallel_loop3A_528 : i32
      %parallel_loop3A_530 = arith.constant 1 : i32
      %parallel_loop3A_531 = arith.constant 0 : i32
      %parallel_loop3A_532 = arith.constant 0 : i32
      %parallel_loop3A_533 = tpu.memref_slice %arg9[%parallel_loop3A_530, %parallel_loop3A_531, %parallel_loop3A_532] : memref<3x2000x16xf32, #tpu.memory_space<vmem>> -> memref<1x2000x16xf32, #tpu.memory_space<vmem>>
      %parallel_loop3A_534 = tpu.memref_squeeze %parallel_loop3A_533 : memref<1x2000x16xf32, #tpu.memory_space<vmem>> -> memref<2000x16xf32, #tpu.memory_space<vmem>>
      %parallel_loop3A_535 = arith.index_cast %parallel_loop3A_529 : i32 to index
      %parallel_loop3A_536 = arith.constant 0 : index
      %parallel_loop3A_537 = tpu.vector_load %parallel_loop3A_534[%parallel_loop3A_535, %parallel_loop3A_536] {strides = array<i32>} : memref<2000x16xf32, #tpu.memory_space<vmem>>, vector<16xf32>,
      %parallel_loop3A_538 = arith.mulf %parallel_loop3A_537, %parallel_loop3A_527 : vector<16xf32>
      %parallel_loop3A_539 = arith.constant 6 : i32
      %parallel_loop3A_540 = arith.addi %parallel_loop3A_367, %parallel_loop3A_539 : i32
      %parallel_loop3A_541 = arith.constant 1 : i32
      %parallel_loop3A_542 = arith.constant 0 : i32
      %parallel_loop3A_543 = arith.constant 0 : i32
      %parallel_loop3A_544 = tpu.memref_slice %arg9[%parallel_loop3A_541, %parallel_loop3A_542, %parallel_loop3A_543] : memref<3x2000x16xf32, #tpu.memory_space<vmem>> -> memref<1x2000x16xf32, #tpu.memory_space<vmem>>
      %parallel_loop3A_545 = tpu.memref_squeeze %parallel_loop3A_544 : memref<1x2000x16xf32, #tpu.memory_space<vmem>> -> memref<2000x16xf32, #tpu.memory_space<vmem>>
      %parallel_loop3A_546 = arith.index_cast %parallel_loop3A_540 : i32 to index
      %parallel_loop3A_547 = arith.constant 0 : index
      %parallel_loop3A_548 = tpu.vector_load %parallel_loop3A_545[%parallel_loop3A_546, %parallel_loop3A_547] {strides = array<i32>} : memref<2000x16xf32, #tpu.memory_space<vmem>>, vector<16xf32>,
      tpu.vector_store %parallel_loop3A_545[%parallel_loop3A_546, %parallel_loop3A_547], %parallel_loop3A_538 {strides = array<i32>} : memref<2000x16xf32, #tpu.memory_space<vmem>>, vector<16xf32>,
      %parallel_loop3A_549 = arith.constant 7 : i32
      %parallel_loop3A_550 = vector.broadcast %parallel_loop3A_549 : i32 to vector<16x1xi32>
      %parallel_loop3A_551 = vector.shape_cast %parallel_loop3A_550 : vector<16x1xi32> to vector<16xi32>
      %parallel_loop3A_552 = tpu.dynamic_gather %parallel_loop3A_373[%parallel_loop3A_551] in [0] : vector<16xf32>, vector<16xi32> -> vector<16xf32>
      %parallel_loop3A_553 = arith.constant 7 : i32
      %parallel_loop3A_554 = arith.addi %parallel_loop3A_367, %parallel_loop3A_553 : i32
      %parallel_loop3A_555 = arith.constant 1 : i32
      %parallel_loop3A_556 = arith.constant 0 : i32
      %parallel_loop3A_557 = arith.constant 0 : i32
      %parallel_loop3A_558 = tpu.memref_slice %arg9[%parallel_loop3A_555, %parallel_loop3A_556, %parallel_loop3A_557] : memref<3x2000x16xf32, #tpu.memory_space<vmem>> -> memref<1x2000x16xf32, #tpu.memory_space<vmem>>
      %parallel_loop3A_559 = tpu.memref_squeeze %parallel_loop3A_558 : memref<1x2000x16xf32, #tpu.memory_space<vmem>> -> memref<2000x16xf32, #tpu.memory_space<vmem>>
      %parallel_loop3A_560 = arith.index_cast %parallel_loop3A_554 : i32 to index
      %parallel_loop3A_561 = arith.constant 0 : index
      %parallel_loop3A_562 = tpu.vector_load %parallel_loop3A_559[%parallel_loop3A_560, %parallel_loop3A_561] {strides = array<i32>} : memref<2000x16xf32, #tpu.memory_space<vmem>>, vector<16xf32>,
      %parallel_loop3A_563 = arith.mulf %parallel_loop3A_562, %parallel_loop3A_552 : vector<16xf32>
      %parallel_loop3A_564 = arith.constant 7 : i32
      %parallel_loop3A_565 = arith.addi %parallel_loop3A_367, %parallel_loop3A_564 : i32
      %parallel_loop3A_566 = arith.constant 1 : i32
      %parallel_loop3A_567 = arith.constant 0 : i32
      %parallel_loop3A_568 = arith.constant 0 : i32
      %parallel_loop3A_569 = tpu.memref_slice %arg9[%parallel_loop3A_566, %parallel_loop3A_567, %parallel_loop3A_568] : memref<3x2000x16xf32, #tpu.memory_space<vmem>> -> memref<1x2000x16xf32, #tpu.memory_space<vmem>>
      %parallel_loop3A_570 = tpu.memref_squeeze %parallel_loop3A_569 : memref<1x2000x16xf32, #tpu.memory_space<vmem>> -> memref<2000x16xf32, #tpu.memory_space<vmem>>
      %parallel_loop3A_571 = arith.index_cast %parallel_loop3A_565 : i32 to index
      %parallel_loop3A_572 = arith.constant 0 : index
      %parallel_loop3A_573 = tpu.vector_load %parallel_loop3A_570[%parallel_loop3A_571, %parallel_loop3A_572] {strides = array<i32>} : memref<2000x16xf32, #tpu.memory_space<vmem>>, vector<16xf32>,
      tpu.vector_store %parallel_loop3A_570[%parallel_loop3A_571, %parallel_loop3A_572], %parallel_loop3A_563 {strides = array<i32>} : memref<2000x16xf32, #tpu.memory_space<vmem>>, vector<16xf32>,
      %parallel_loop3A_574 = arith.constant 8 : i32
      %parallel_loop3A_575 = vector.broadcast %parallel_loop3A_574 : i32 to vector<16x1xi32>
      %parallel_loop3A_576 = vector.shape_cast %parallel_loop3A_575 : vector<16x1xi32> to vector<16xi32>
      %parallel_loop3A_577 = tpu.dynamic_gather %parallel_loop3A_373[%parallel_loop3A_576] in [0] : vector<16xf32>, vector<16xi32> -> vector<16xf32>
      %parallel_loop3A_578 = arith.constant 8 : i32
      %parallel_loop3A_579 = arith.addi %parallel_loop3A_367, %parallel_loop3A_578 : i32
      %parallel_loop3A_580 = arith.constant 1 : i32
      %parallel_loop3A_581 = arith.constant 0 : i32
      %parallel_loop3A_582 = arith.constant 0 : i32
      %parallel_loop3A_583 = tpu.memref_slice %arg9[%parallel_loop3A_580, %parallel_loop3A_581, %parallel_loop3A_582] : memref<3x2000x16xf32, #tpu.memory_space<vmem>> -> memref<1x2000x16xf32, #tpu.memory_space<vmem>>
      %parallel_loop3A_584 = tpu.memref_squeeze %parallel_loop3A_583 : memref<1x2000x16xf32, #tpu.memory_space<vmem>> -> memref<2000x16xf32, #tpu.memory_space<vmem>>
      %parallel_loop3A_585 = arith.index_cast %parallel_loop3A_579 : i32 to index
      %parallel_loop3A_586 = arith.constant 0 : index
      %parallel_loop3A_587 = tpu.vector_load %parallel_loop3A_584[%parallel_loop3A_585, %parallel_loop3A_586] {strides = array<i32>} : memref<2000x16xf32, #tpu.memory_space<vmem>>, vector<16xf32>,
      %parallel_loop3A_588 = arith.mulf %parallel_loop3A_587, %parallel_loop3A_577 : vector<16xf32>
      %parallel_loop3A_589 = arith.constant 8 : i32
      %parallel_loop3A_590 = arith.addi %parallel_loop3A_367, %parallel_loop3A_589 : i32
      %parallel_loop3A_591 = arith.constant 1 : i32
      %parallel_loop3A_592 = arith.constant 0 : i32
      %parallel_loop3A_593 = arith.constant 0 : i32
      %parallel_loop3A_594 = tpu.memref_slice %arg9[%parallel_loop3A_591, %parallel_loop3A_592, %parallel_loop3A_593] : memref<3x2000x16xf32, #tpu.memory_space<vmem>> -> memref<1x2000x16xf32, #tpu.memory_space<vmem>>
      %parallel_loop3A_595 = tpu.memref_squeeze %parallel_loop3A_594 : memref<1x2000x16xf32, #tpu.memory_space<vmem>> -> memref<2000x16xf32, #tpu.memory_space<vmem>>
      %parallel_loop3A_596 = arith.index_cast %parallel_loop3A_590 : i32 to index
      %parallel_loop3A_597 = arith.constant 0 : index
      %parallel_loop3A_598 = tpu.vector_load %parallel_loop3A_595[%parallel_loop3A_596, %parallel_loop3A_597] {strides = array<i32>} : memref<2000x16xf32, #tpu.memory_space<vmem>>, vector<16xf32>,
      tpu.vector_store %parallel_loop3A_595[%parallel_loop3A_596, %parallel_loop3A_597], %parallel_loop3A_588 {strides = array<i32>} : memref<2000x16xf32, #tpu.memory_space<vmem>>, vector<16xf32>,
      %parallel_loop3A_599 = arith.constant 9 : i32
      %parallel_loop3A_600 = vector.broadcast %parallel_loop3A_599 : i32 to vector<16x1xi32>
      %parallel_loop3A_601 = vector.shape_cast %parallel_loop3A_600 : vector<16x1xi32> to vector<16xi32>
      %parallel_loop3A_602 = tpu.dynamic_gather %parallel_loop3A_373[%parallel_loop3A_601] in [0] : vector<16xf32>, vector<16xi32> -> vector<16xf32>
      %parallel_loop3A_603 = arith.constant 9 : i32
      %parallel_loop3A_604 = arith.addi %parallel_loop3A_367, %parallel_loop3A_603 : i32
      %parallel_loop3A_605 = arith.constant 1 : i32
      %parallel_loop3A_606 = arith.constant 0 : i32
      %parallel_loop3A_607 = arith.constant 0 : i32
      %parallel_loop3A_608 = tpu.memref_slice %arg9[%parallel_loop3A_605, %parallel_loop3A_606, %parallel_loop3A_607] : memref<3x2000x16xf32, #tpu.memory_space<vmem>> -> memref<1x2000x16xf32, #tpu.memory_space<vmem>>
      %parallel_loop3A_609 = tpu.memref_squeeze %parallel_loop3A_608 : memref<1x2000x16xf32, #tpu.memory_space<vmem>> -> memref<2000x16xf32, #tpu.memory_space<vmem>>
      %parallel_loop3A_610 = arith.index_cast %parallel_loop3A_604 : i32 to index
      %parallel_loop3A_611 = arith.constant 0 : index
      %parallel_loop3A_612 = tpu.vector_load %parallel_loop3A_609[%parallel_loop3A_610, %parallel_loop3A_611] {strides = array<i32>} : memref<2000x16xf32, #tpu.memory_space<vmem>>, vector<16xf32>,
      %parallel_loop3A_613 = arith.mulf %parallel_loop3A_612, %parallel_loop3A_602 : vector<16xf32>
      %parallel_loop3A_614 = arith.constant 9 : i32
      %parallel_loop3A_615 = arith.addi %parallel_loop3A_367, %parallel_loop3A_614 : i32
      %parallel_loop3A_616 = arith.constant 1 : i32
      %parallel_loop3A_617 = arith.constant 0 : i32
      %parallel_loop3A_618 = arith.constant 0 : i32
      %parallel_loop3A_619 = tpu.memref_slice %arg9[%parallel_loop3A_616, %parallel_loop3A_617, %parallel_loop3A_618] : memref<3x2000x16xf32, #tpu.memory_space<vmem>> -> memref<1x2000x16xf32, #tpu.memory_space<vmem>>
      %parallel_loop3A_620 = tpu.memref_squeeze %parallel_loop3A_619 : memref<1x2000x16xf32, #tpu.memory_space<vmem>> -> memref<2000x16xf32, #tpu.memory_space<vmem>>
      %parallel_loop3A_621 = arith.index_cast %parallel_loop3A_615 : i32 to index
      %parallel_loop3A_622 = arith.constant 0 : index
      %parallel_loop3A_623 = tpu.vector_load %parallel_loop3A_620[%parallel_loop3A_621, %parallel_loop3A_622] {strides = array<i32>} : memref<2000x16xf32, #tpu.memory_space<vmem>>, vector<16xf32>,
      tpu.vector_store %parallel_loop3A_620[%parallel_loop3A_621, %parallel_loop3A_622], %parallel_loop3A_613 {strides = array<i32>} : memref<2000x16xf32, #tpu.memory_space<vmem>>, vector<16xf32>,
      %parallel_loop3A_624 = arith.constant 10 : i32
      %parallel_loop3A_625 = vector.broadcast %parallel_loop3A_624 : i32 to vector<16x1xi32>
      %parallel_loop3A_626 = vector.shape_cast %parallel_loop3A_625 : vector<16x1xi32> to vector<16xi32>
      %parallel_loop3A_627 = tpu.dynamic_gather %parallel_loop3A_373[%parallel_loop3A_626] in [0] : vector<16xf32>, vector<16xi32> -> vector<16xf32>
      %parallel_loop3A_628 = arith.constant 10 : i32
      %parallel_loop3A_629 = arith.addi %parallel_loop3A_367, %parallel_loop3A_628 : i32
      %parallel_loop3A_630 = arith.constant 1 : i32
      %parallel_loop3A_631 = arith.constant 0 : i32
      %parallel_loop3A_632 = arith.constant 0 : i32
      %parallel_loop3A_633 = tpu.memref_slice %arg9[%parallel_loop3A_630, %parallel_loop3A_631, %parallel_loop3A_632] : memref<3x2000x16xf32, #tpu.memory_space<vmem>> -> memref<1x2000x16xf32, #tpu.memory_space<vmem>>
      %parallel_loop3A_634 = tpu.memref_squeeze %parallel_loop3A_633 : memref<1x2000x16xf32, #tpu.memory_space<vmem>> -> memref<2000x16xf32, #tpu.memory_space<vmem>>
      %parallel_loop3A_635 = arith.index_cast %parallel_loop3A_629 : i32 to index
      %parallel_loop3A_636 = arith.constant 0 : index
      %parallel_loop3A_637 = tpu.vector_load %parallel_loop3A_634[%parallel_loop3A_635, %parallel_loop3A_636] {strides = array<i32>} : memref<2000x16xf32, #tpu.memory_space<vmem>>, vector<16xf32>,
      %parallel_loop3A_638 = arith.mulf %parallel_loop3A_637, %parallel_loop3A_627 : vector<16xf32>
      %parallel_loop3A_639 = arith.constant 10 : i32
      %parallel_loop3A_640 = arith.addi %parallel_loop3A_367, %parallel_loop3A_639 : i32
      %parallel_loop3A_641 = arith.constant 1 : i32
      %parallel_loop3A_642 = arith.constant 0 : i32
      %parallel_loop3A_643 = arith.constant 0 : i32
      %parallel_loop3A_644 = tpu.memref_slice %arg9[%parallel_loop3A_641, %parallel_loop3A_642, %parallel_loop3A_643] : memref<3x2000x16xf32, #tpu.memory_space<vmem>> -> memref<1x2000x16xf32, #tpu.memory_space<vmem>>
      %parallel_loop3A_645 = tpu.memref_squeeze %parallel_loop3A_644 : memref<1x2000x16xf32, #tpu.memory_space<vmem>> -> memref<2000x16xf32, #tpu.memory_space<vmem>>
      %parallel_loop3A_646 = arith.index_cast %parallel_loop3A_640 : i32 to index
      %parallel_loop3A_647 = arith.constant 0 : index
      %parallel_loop3A_648 = tpu.vector_load %parallel_loop3A_645[%parallel_loop3A_646, %parallel_loop3A_647] {strides = array<i32>} : memref<2000x16xf32, #tpu.memory_space<vmem>>, vector<16xf32>,
      tpu.vector_store %parallel_loop3A_645[%parallel_loop3A_646, %parallel_loop3A_647], %parallel_loop3A_638 {strides = array<i32>} : memref<2000x16xf32, #tpu.memory_space<vmem>>, vector<16xf32>,
      %parallel_loop3A_649 = arith.constant 11 : i32
      %parallel_loop3A_650 = vector.broadcast %parallel_loop3A_649 : i32 to vector<16x1xi32>
      %parallel_loop3A_651 = vector.shape_cast %parallel_loop3A_650 : vector<16x1xi32> to vector<16xi32>
      %parallel_loop3A_652 = tpu.dynamic_gather %parallel_loop3A_373[%parallel_loop3A_651] in [0] : vector<16xf32>, vector<16xi32> -> vector<16xf32>
      %parallel_loop3A_653 = arith.constant 11 : i32
      %parallel_loop3A_654 = arith.addi %parallel_loop3A_367, %parallel_loop3A_653 : i32
      %parallel_loop3A_655 = arith.constant 1 : i32
      %parallel_loop3A_656 = arith.constant 0 : i32
      %parallel_loop3A_657 = arith.constant 0 : i32
      %parallel_loop3A_658 = tpu.memref_slice %arg9[%parallel_loop3A_655, %parallel_loop3A_656, %parallel_loop3A_657] : memref<3x2000x16xf32, #tpu.memory_space<vmem>> -> memref<1x2000x16xf32, #tpu.memory_space<vmem>>
      %parallel_loop3A_659 = tpu.memref_squeeze %parallel_loop3A_658 : memref<1x2000x16xf32, #tpu.memory_space<vmem>> -> memref<2000x16xf32, #tpu.memory_space<vmem>>
      %parallel_loop3A_660 = arith.index_cast %parallel_loop3A_654 : i32 to index
      %parallel_loop3A_661 = arith.constant 0 : index
      %parallel_loop3A_662 = tpu.vector_load %parallel_loop3A_659[%parallel_loop3A_660, %parallel_loop3A_661] {strides = array<i32>} : memref<2000x16xf32, #tpu.memory_space<vmem>>, vector<16xf32>,
      %parallel_loop3A_663 = arith.mulf %parallel_loop3A_662, %parallel_loop3A_652 : vector<16xf32>
      %parallel_loop3A_664 = arith.constant 11 : i32
      %parallel_loop3A_665 = arith.addi %parallel_loop3A_367, %parallel_loop3A_664 : i32
      %parallel_loop3A_666 = arith.constant 1 : i32
      %parallel_loop3A_667 = arith.constant 0 : i32
      %parallel_loop3A_668 = arith.constant 0 : i32
      %parallel_loop3A_669 = tpu.memref_slice %arg9[%parallel_loop3A_666, %parallel_loop3A_667, %parallel_loop3A_668] : memref<3x2000x16xf32, #tpu.memory_space<vmem>> -> memref<1x2000x16xf32, #tpu.memory_space<vmem>>
      %parallel_loop3A_670 = tpu.memref_squeeze %parallel_loop3A_669 : memref<1x2000x16xf32, #tpu.memory_space<vmem>> -> memref<2000x16xf32, #tpu.memory_space<vmem>>
      %parallel_loop3A_671 = arith.index_cast %parallel_loop3A_665 : i32 to index
      %parallel_loop3A_672 = arith.constant 0 : index
      %parallel_loop3A_673 = tpu.vector_load %parallel_loop3A_670[%parallel_loop3A_671, %parallel_loop3A_672] {strides = array<i32>} : memref<2000x16xf32, #tpu.memory_space<vmem>>, vector<16xf32>,
      tpu.vector_store %parallel_loop3A_670[%parallel_loop3A_671, %parallel_loop3A_672], %parallel_loop3A_663 {strides = array<i32>} : memref<2000x16xf32, #tpu.memory_space<vmem>>, vector<16xf32>,
      %parallel_loop3A_674 = arith.constant 12 : i32
      %parallel_loop3A_675 = vector.broadcast %parallel_loop3A_674 : i32 to vector<16x1xi32>
      %parallel_loop3A_676 = vector.shape_cast %parallel_loop3A_675 : vector<16x1xi32> to vector<16xi32>
      %parallel_loop3A_677 = tpu.dynamic_gather %parallel_loop3A_373[%parallel_loop3A_676] in [0] : vector<16xf32>, vector<16xi32> -> vector<16xf32>
      %parallel_loop3A_678 = arith.constant 12 : i32
      %parallel_loop3A_679 = arith.addi %parallel_loop3A_367, %parallel_loop3A_678 : i32
      %parallel_loop3A_680 = arith.constant 1 : i32
      %parallel_loop3A_681 = arith.constant 0 : i32
      %parallel_loop3A_682 = arith.constant 0 : i32
      %parallel_loop3A_683 = tpu.memref_slice %arg9[%parallel_loop3A_680, %parallel_loop3A_681, %parallel_loop3A_682] : memref<3x2000x16xf32, #tpu.memory_space<vmem>> -> memref<1x2000x16xf32, #tpu.memory_space<vmem>>
      %parallel_loop3A_684 = tpu.memref_squeeze %parallel_loop3A_683 : memref<1x2000x16xf32, #tpu.memory_space<vmem>> -> memref<2000x16xf32, #tpu.memory_space<vmem>>
      %parallel_loop3A_685 = arith.index_cast %parallel_loop3A_679 : i32 to index
      %parallel_loop3A_686 = arith.constant 0 : index
      %parallel_loop3A_687 = tpu.vector_load %parallel_loop3A_684[%parallel_loop3A_685, %parallel_loop3A_686] {strides = array<i32>} : memref<2000x16xf32, #tpu.memory_space<vmem>>, vector<16xf32>,
      %parallel_loop3A_688 = arith.mulf %parallel_loop3A_687, %parallel_loop3A_677 : vector<16xf32>
      %parallel_loop3A_689 = arith.constant 12 : i32
      %parallel_loop3A_690 = arith.addi %parallel_loop3A_367, %parallel_loop3A_689 : i32
      %parallel_loop3A_691 = arith.constant 1 : i32
      %parallel_loop3A_692 = arith.constant 0 : i32
      %parallel_loop3A_693 = arith.constant 0 : i32
      %parallel_loop3A_694 = tpu.memref_slice %arg9[%parallel_loop3A_691, %parallel_loop3A_692, %parallel_loop3A_693] : memref<3x2000x16xf32, #tpu.memory_space<vmem>> -> memref<1x2000x16xf32, #tpu.memory_space<vmem>>
      %parallel_loop3A_695 = tpu.memref_squeeze %parallel_loop3A_694 : memref<1x2000x16xf32, #tpu.memory_space<vmem>> -> memref<2000x16xf32, #tpu.memory_space<vmem>>
      %parallel_loop3A_696 = arith.index_cast %parallel_loop3A_690 : i32 to index
      %parallel_loop3A_697 = arith.constant 0 : index
      %parallel_loop3A_698 = tpu.vector_load %parallel_loop3A_695[%parallel_loop3A_696, %parallel_loop3A_697] {strides = array<i32>} : memref<2000x16xf32, #tpu.memory_space<vmem>>, vector<16xf32>,
      tpu.vector_store %parallel_loop3A_695[%parallel_loop3A_696, %parallel_loop3A_697], %parallel_loop3A_688 {strides = array<i32>} : memref<2000x16xf32, #tpu.memory_space<vmem>>, vector<16xf32>,
      %parallel_loop3A_699 = arith.constant 13 : i32
      %parallel_loop3A_700 = vector.broadcast %parallel_loop3A_699 : i32 to vector<16x1xi32>
      %parallel_loop3A_701 = vector.shape_cast %parallel_loop3A_700 : vector<16x1xi32> to vector<16xi32>
      %parallel_loop3A_702 = tpu.dynamic_gather %parallel_loop3A_373[%parallel_loop3A_701] in [0] : vector<16xf32>, vector<16xi32> -> vector<16xf32>
      %parallel_loop3A_703 = arith.constant 13 : i32
      %parallel_loop3A_704 = arith.addi %parallel_loop3A_367, %parallel_loop3A_703 : i32
      %parallel_loop3A_705 = arith.constant 1 : i32
      %parallel_loop3A_706 = arith.constant 0 : i32
      %parallel_loop3A_707 = arith.constant 0 : i32
      %parallel_loop3A_708 = tpu.memref_slice %arg9[%parallel_loop3A_705, %parallel_loop3A_706, %parallel_loop3A_707] : memref<3x2000x16xf32, #tpu.memory_space<vmem>> -> memref<1x2000x16xf32, #tpu.memory_space<vmem>>
      %parallel_loop3A_709 = tpu.memref_squeeze %parallel_loop3A_708 : memref<1x2000x16xf32, #tpu.memory_space<vmem>> -> memref<2000x16xf32, #tpu.memory_space<vmem>>
      %parallel_loop3A_710 = arith.index_cast %parallel_loop3A_704 : i32 to index
      %parallel_loop3A_711 = arith.constant 0 : index
      %parallel_loop3A_712 = tpu.vector_load %parallel_loop3A_709[%parallel_loop3A_710, %parallel_loop3A_711] {strides = array<i32>} : memref<2000x16xf32, #tpu.memory_space<vmem>>, vector<16xf32>,
      %parallel_loop3A_713 = arith.mulf %parallel_loop3A_712, %parallel_loop3A_702 : vector<16xf32>
      %parallel_loop3A_714 = arith.constant 13 : i32
      %parallel_loop3A_715 = arith.addi %parallel_loop3A_367, %parallel_loop3A_714 : i32
      %parallel_loop3A_716 = arith.constant 1 : i32
      %parallel_loop3A_717 = arith.constant 0 : i32
      %parallel_loop3A_718 = arith.constant 0 : i32
      %parallel_loop3A_719 = tpu.memref_slice %arg9[%parallel_loop3A_716, %parallel_loop3A_717, %parallel_loop3A_718] : memref<3x2000x16xf32, #tpu.memory_space<vmem>> -> memref<1x2000x16xf32, #tpu.memory_space<vmem>>
      %parallel_loop3A_720 = tpu.memref_squeeze %parallel_loop3A_719 : memref<1x2000x16xf32, #tpu.memory_space<vmem>> -> memref<2000x16xf32, #tpu.memory_space<vmem>>
      %parallel_loop3A_721 = arith.index_cast %parallel_loop3A_715 : i32 to index
      %parallel_loop3A_722 = arith.constant 0 : index
      %parallel_loop3A_723 = tpu.vector_load %parallel_loop3A_720[%parallel_loop3A_721, %parallel_loop3A_722] {strides = array<i32>} : memref<2000x16xf32, #tpu.memory_space<vmem>>, vector<16xf32>,
      tpu.vector_store %parallel_loop3A_720[%parallel_loop3A_721, %parallel_loop3A_722], %parallel_loop3A_713 {strides = array<i32>} : memref<2000x16xf32, #tpu.memory_space<vmem>>, vector<16xf32>,
      %parallel_loop3A_724 = arith.constant 14 : i32
      %parallel_loop3A_725 = vector.broadcast %parallel_loop3A_724 : i32 to vector<16x1xi32>
      %parallel_loop3A_726 = vector.shape_cast %parallel_loop3A_725 : vector<16x1xi32> to vector<16xi32>
      %parallel_loop3A_727 = tpu.dynamic_gather %parallel_loop3A_373[%parallel_loop3A_726] in [0] : vector<16xf32>, vector<16xi32> -> vector<16xf32>
      %parallel_loop3A_728 = arith.constant 14 : i32
      %parallel_loop3A_729 = arith.addi %parallel_loop3A_367, %parallel_loop3A_728 : i32
      %parallel_loop3A_730 = arith.constant 1 : i32
      %parallel_loop3A_731 = arith.constant 0 : i32
      %parallel_loop3A_732 = arith.constant 0 : i32
      %parallel_loop3A_733 = tpu.memref_slice %arg9[%parallel_loop3A_730, %parallel_loop3A_731, %parallel_loop3A_732] : memref<3x2000x16xf32, #tpu.memory_space<vmem>> -> memref<1x2000x16xf32, #tpu.memory_space<vmem>>
      %parallel_loop3A_734 = tpu.memref_squeeze %parallel_loop3A_733 : memref<1x2000x16xf32, #tpu.memory_space<vmem>> -> memref<2000x16xf32, #tpu.memory_space<vmem>>
      %parallel_loop3A_735 = arith.index_cast %parallel_loop3A_729 : i32 to index
      %parallel_loop3A_736 = arith.constant 0 : index
      %parallel_loop3A_737 = tpu.vector_load %parallel_loop3A_734[%parallel_loop3A_735, %parallel_loop3A_736] {strides = array<i32>} : memref<2000x16xf32, #tpu.memory_space<vmem>>, vector<16xf32>,
      %parallel_loop3A_738 = arith.mulf %parallel_loop3A_737, %parallel_loop3A_727 : vector<16xf32>
      %parallel_loop3A_739 = arith.constant 14 : i32
      %parallel_loop3A_740 = arith.addi %parallel_loop3A_367, %parallel_loop3A_739 : i32
      %parallel_loop3A_741 = arith.constant 1 : i32
      %parallel_loop3A_742 = arith.constant 0 : i32
      %parallel_loop3A_743 = arith.constant 0 : i32
      %parallel_loop3A_744 = tpu.memref_slice %arg9[%parallel_loop3A_741, %parallel_loop3A_742, %parallel_loop3A_743] : memref<3x2000x16xf32, #tpu.memory_space<vmem>> -> memref<1x2000x16xf32, #tpu.memory_space<vmem>>
      %parallel_loop3A_745 = tpu.memref_squeeze %parallel_loop3A_744 : memref<1x2000x16xf32, #tpu.memory_space<vmem>> -> memref<2000x16xf32, #tpu.memory_space<vmem>>
      %parallel_loop3A_746 = arith.index_cast %parallel_loop3A_740 : i32 to index
      %parallel_loop3A_747 = arith.constant 0 : index
      %parallel_loop3A_748 = tpu.vector_load %parallel_loop3A_745[%parallel_loop3A_746, %parallel_loop3A_747] {strides = array<i32>} : memref<2000x16xf32, #tpu.memory_space<vmem>>, vector<16xf32>,
      tpu.vector_store %parallel_loop3A_745[%parallel_loop3A_746, %parallel_loop3A_747], %parallel_loop3A_738 {strides = array<i32>} : memref<2000x16xf32, #tpu.memory_space<vmem>>, vector<16xf32>,
      %parallel_loop3A_749 = arith.constant 15 : i32
      %parallel_loop3A_750 = vector.broadcast %parallel_loop3A_749 : i32 to vector<16x1xi32>
      %parallel_loop3A_751 = vector.shape_cast %parallel_loop3A_750 : vector<16x1xi32> to vector<16xi32>
      %parallel_loop3A_752 = tpu.dynamic_gather %parallel_loop3A_373[%parallel_loop3A_751] in [0] : vector<16xf32>, vector<16xi32> -> vector<16xf32>
      %parallel_loop3A_753 = arith.constant 15 : i32
      %parallel_loop3A_754 = arith.addi %parallel_loop3A_367, %parallel_loop3A_753 : i32
      %parallel_loop3A_755 = arith.constant 1 : i32
      %parallel_loop3A_756 = arith.constant 0 : i32
      %parallel_loop3A_757 = arith.constant 0 : i32
      %parallel_loop3A_758 = tpu.memref_slice %arg9[%parallel_loop3A_755, %parallel_loop3A_756, %parallel_loop3A_757] : memref<3x2000x16xf32, #tpu.memory_space<vmem>> -> memref<1x2000x16xf32, #tpu.memory_space<vmem>>
      %parallel_loop3A_759 = tpu.memref_squeeze %parallel_loop3A_758 : memref<1x2000x16xf32, #tpu.memory_space<vmem>> -> memref<2000x16xf32, #tpu.memory_space<vmem>>
      %parallel_loop3A_760 = arith.index_cast %parallel_loop3A_754 : i32 to index
      %parallel_loop3A_761 = arith.constant 0 : index
      %parallel_loop3A_762 = tpu.vector_load %parallel_loop3A_759[%parallel_loop3A_760, %parallel_loop3A_761] {strides = array<i32>} : memref<2000x16xf32, #tpu.memory_space<vmem>>, vector<16xf32>,
      %parallel_loop3A_763 = arith.mulf %parallel_loop3A_762, %parallel_loop3A_752 : vector<16xf32>
      %parallel_loop3A_764 = arith.constant 15 : i32
      %parallel_loop3A_765 = arith.addi %parallel_loop3A_367, %parallel_loop3A_764 : i32
      %parallel_loop3A_766 = arith.constant 1 : i32
      %parallel_loop3A_767 = arith.constant 0 : i32
      %parallel_loop3A_768 = arith.constant 0 : i32
      %parallel_loop3A_769 = tpu.memref_slice %arg9[%parallel_loop3A_766, %parallel_loop3A_767, %parallel_loop3A_768] : memref<3x2000x16xf32, #tpu.memory_space<vmem>> -> memref<1x2000x16xf32, #tpu.memory_space<vmem>>
      %parallel_loop3A_770 = tpu.memref_squeeze %parallel_loop3A_769 : memref<1x2000x16xf32, #tpu.memory_space<vmem>> -> memref<2000x16xf32, #tpu.memory_space<vmem>>
      %parallel_loop3A_771 = arith.index_cast %parallel_loop3A_765 : i32 to index
      %parallel_loop3A_772 = arith.constant 0 : index
      %parallel_loop3A_773 = tpu.vector_load %parallel_loop3A_770[%parallel_loop3A_771, %parallel_loop3A_772] {strides = array<i32>} : memref<2000x16xf32, #tpu.memory_space<vmem>>, vector<16xf32>,
      tpu.vector_store %parallel_loop3A_770[%parallel_loop3A_771, %parallel_loop3A_772], %parallel_loop3A_763 {strides = array<i32>} : memref<2000x16xf32, #tpu.memory_space<vmem>>, vector<16xf32>,
    } {sc.loop_unroll_factor = 2 : i64, sc.parallel_access}
    %dma_start3A_123 = arith.constant 1 : i32
    %dma_start3A_124 = arith.constant 1 : i32
    %dma_start3A_125 = arith.constant 1 : i32
    %dma_start3A_126 = arith.constant 0 : i32
    %dma_start3A_127 = arith.constant 0 : i32
    %dma_start3A_128 = tpu.memref_slice %arg9[%dma_start3A_123, %dma_start3A_126, %dma_start3A_127] : memref<3x2000x16xf32, #tpu.memory_space<vmem>> -> memref<1x2000x16xf32, #tpu.memory_space<vmem>>
    %dma_start3A_129 = tpu.memref_squeeze %dma_start3A_128 : memref<1x2000x16xf32, #tpu.memory_space<vmem>> -> memref<2000x16xf32, #tpu.memory_space<vmem>>
    %dma_start3A_130 = arith.constant 0 : i32
    %dma_start3A_131 = tpu.memref_slice %arg7[%dma_start3A_124, %dma_start3A_130] : memref<3x2000xi32, #tpu.memory_space<vmem>> -> memref<1x2000xi32, #tpu.memory_space<vmem>>
    %dma_start3A_132 = tpu.memref_squeeze %dma_start3A_131 : memref<1x2000xi32, #tpu.memory_space<vmem>> -> memref<2000xi32, #tpu.memory_space<vmem>>
    %dma_start3A_133 = arith.constant 0 : i32
    %dma_start3A_134 = arith.constant 0 : i32
    %dma_start3A_135 = tpu.memref_slice %arg11[%dma_start3A_133, %dma_start3A_134] : memref<10240x16xf32, #tpu.memory_space<vmem_shared>> -> memref<10240x16xf32, #tpu.memory_space<vmem_shared>>
    %dma_start3A_136 = tpu.memref_slice %arg13[%dma_start3A_125] : memref<3x!tpu.dma_semaphore, #tpu.memory_space<semaphore_mem>> -> memref<1x!tpu.dma_semaphore, #tpu.memory_space<semaphore_mem>>
    %dma_start3A_137 = tpu.memref_squeeze %dma_start3A_136 : memref<1x!tpu.dma_semaphore, #tpu.memory_space<semaphore_mem>> -> memref<!tpu.dma_semaphore, #tpu.memory_space<semaphore_mem>>
    tpu.enqueue_indirect_dma source(%dma_start3A_129 : memref<2000x16xf32, #tpu.memory_space<vmem>>) target(%dma_start3A_135 : memref<10240x16xf32, #tpu.memory_space<vmem_shared>>) offsets(%dma_start3A_132 : memref<2000xi32, #tpu.memory_space<vmem>>) semaphore(%dma_start3A_137 : memref<!tpu.dma_semaphore, #tpu.memory_space<semaphore_mem>>) {add = true}
    %dma_wait3A_138 = arith.constant 0 : i32
    %dma_wait3A_139 = arith.constant 0 : i32
    %dma_wait3A_140 = arith.constant 0 : i32
    %dma_wait3A_141 = arith.constant 0 : i32
    %dma_wait3A_142 = arith.constant 0 : i32
    %dma_wait3A_143 = tpu.memref_slice %arg9[%dma_wait3A_138, %dma_wait3A_141, %dma_wait3A_142] : memref<3x2000x16xf32, #tpu.memory_space<vmem>> -> memref<1x2000x16xf32, #tpu.memory_space<vmem>>
    %dma_wait3A_144 = tpu.memref_squeeze %dma_wait3A_143 : memref<1x2000x16xf32, #tpu.memory_space<vmem>> -> memref<2000x16xf32, #tpu.memory_space<vmem>>
    %dma_wait3A_145 = arith.constant 0 : i32
    %dma_wait3A_146 = tpu.memref_slice %arg7[%dma_wait3A_139, %dma_wait3A_145] : memref<3x2000xi32, #tpu.memory_space<vmem>> -> memref<1x2000xi32, #tpu.memory_space<vmem>>
    %dma_wait3A_147 = tpu.memref_squeeze %dma_wait3A_146 : memref<1x2000xi32, #tpu.memory_space<vmem>> -> memref<2000xi32, #tpu.memory_space<vmem>>
    %dma_wait3A_148 = arith.constant 0 : i32
    %dma_wait3A_149 = arith.constant 0 : i32
    %dma_wait3A_150 = tpu.memref_slice %arg11[%dma_wait3A_148, %dma_wait3A_149] : memref<10240x16xf32, #tpu.memory_space<vmem_shared>> -> memref<10240x16xf32, #tpu.memory_space<vmem_shared>>
    %dma_wait3A_151 = tpu.memref_slice %arg13[%dma_wait3A_140] : memref<3x!tpu.dma_semaphore, #tpu.memory_space<semaphore_mem>> -> memref<1x!tpu.dma_semaphore, #tpu.memory_space<semaphore_mem>>
    %dma_wait3A_152 = tpu.memref_squeeze %dma_wait3A_151 : memref<1x!tpu.dma_semaphore, #tpu.memory_space<semaphore_mem>> -> memref<!tpu.dma_semaphore, #tpu.memory_space<semaphore_mem>>
    tpu.wait_indirect_dma semaphore(%dma_wait3A_152 : memref<!tpu.dma_semaphore, #tpu.memory_space<semaphore_mem>>) src(%dma_wait3A_144 : memref<2000x16xf32, #tpu.memory_space<vmem>>) dst(%dma_wait3A_150 : memref<10240x16xf32, #tpu.memory_space<vmem_shared>>)
    %add3A_153 = arith.constant 6000 : i32
    %add3A_154 = arith.addi %mul3A_2, %add3A_153 : i32
    %run_scoped3A_155 = arith.constant 0 : i32
    %run_scoped3A_156 = arith.constant 1 : i32
    "tpu.region"() ({
      %run_scoped3A_367 = tpu.sem_alloc : memref<!tpu.dma_semaphore, #tpu.memory_space<semaphore_mem>>
      %dma_start3A_368 = arith.constant 0 : i32
      %dma_start3A_369 = tpu.memref_slice %arg6[%run_scoped3A_156, %dma_start3A_368] : memref<2x2000xi32, #tpu.memory_space<vmem>> -> memref<1x2000xi32, #tpu.memory_space<vmem>>
      %dma_start3A_370 = tpu.memref_squeeze %dma_start3A_369 : memref<1x2000xi32, #tpu.memory_space<vmem>> -> memref<2000xi32, #tpu.memory_space<vmem>>
      %dma_start3A_371 = arith.constant 0 : i32
      %dma_start3A_372 = tpu.memref_slice %arg3[%run_scoped3A_155, %dma_start3A_371] : memref<2x320000xi32, #tpu.memory_space<hbm>> -> memref<1x320000xi32, #tpu.memory_space<hbm>>
      %dma_start3A_373 = tpu.memref_squeeze %dma_start3A_372 : memref<1x320000xi32, #tpu.memory_space<hbm>> -> memref<320000xi32, #tpu.memory_space<hbm>>
      %dma_start3A_374 = tpu.memref_slice %dma_start3A_373[%add3A_154] : memref<320000xi32, #tpu.memory_space<hbm>> -> memref<2000xi32, #tpu.memory_space<hbm>>
      %dma_start3A_375 = arith.constant 0 : i32
      %dma_start3A_376 = tpu.memref_slice %arg6[%run_scoped3A_156, %dma_start3A_375] : memref<2x2000xi32, #tpu.memory_space<vmem>> -> memref<1x2000xi32, #tpu.memory_space<vmem>>
      %dma_start3A_377 = tpu.memref_squeeze %dma_start3A_376 : memref<1x2000xi32, #tpu.memory_space<vmem>> -> memref<2000xi32, #tpu.memory_space<vmem>>
      %dma_start3A_378 = arith.constant 0 : i32
      %dma_start3A_379 = tpu.memref_slice %arg3[%run_scoped3A_155, %dma_start3A_378] : memref<2x320000xi32, #tpu.memory_space<hbm>> -> memref<1x320000xi32, #tpu.memory_space<hbm>>
      %dma_start3A_380 = tpu.memref_squeeze %dma_start3A_379 : memref<1x320000xi32, #tpu.memory_space<hbm>> -> memref<320000xi32, #tpu.memory_space<hbm>>
      %dma_start3A_381 = tpu.memref_slice %dma_start3A_380[%add3A_154] : memref<320000xi32, #tpu.memory_space<hbm>> -> memref<2000xi32, #tpu.memory_space<hbm>>
      tpu.enqueue_dma source(%dma_start3A_381 : memref<2000xi32, #tpu.memory_space<hbm>>) target(%dma_start3A_377 : memref<2000xi32, #tpu.memory_space<vmem>>) target_semaphore(%run_scoped3A_367 : memref<!tpu.dma_semaphore, #tpu.memory_space<semaphore_mem>>)
      %dma_wait3A_382 = arith.constant 0 : i32
      %dma_wait3A_383 = tpu.memref_slice %arg6[%run_scoped3A_156, %dma_wait3A_382] : memref<2x2000xi32, #tpu.memory_space<vmem>> -> memref<1x2000xi32, #tpu.memory_space<vmem>>
      %dma_wait3A_384 = tpu.memref_squeeze %dma_wait3A_383 : memref<1x2000xi32, #tpu.memory_space<vmem>> -> memref<2000xi32, #tpu.memory_space<vmem>>
      %dma_wait3A_385 = arith.constant 0 : i32
      %dma_wait3A_386 = tpu.memref_slice %arg3[%run_scoped3A_155, %dma_wait3A_385] : memref<2x320000xi32, #tpu.memory_space<hbm>> -> memref<1x320000xi32, #tpu.memory_space<hbm>>
      %dma_wait3A_387 = tpu.memref_squeeze %dma_wait3A_386 : memref<1x320000xi32, #tpu.memory_space<hbm>> -> memref<320000xi32, #tpu.memory_space<hbm>>
      %dma_wait3A_388 = tpu.memref_slice %dma_wait3A_387[%add3A_154] : memref<320000xi32, #tpu.memory_space<hbm>> -> memref<2000xi32, #tpu.memory_space<hbm>>
      %dma_wait3A_389 = arith.constant 0 : i32
      %dma_wait3A_390 = tpu.memref_slice %arg6[%run_scoped3A_156, %dma_wait3A_389] : memref<2x2000xi32, #tpu.memory_space<vmem>> -> memref<1x2000xi32, #tpu.memory_space<vmem>>
      %dma_wait3A_391 = tpu.memref_squeeze %dma_wait3A_390 : memref<1x2000xi32, #tpu.memory_space<vmem>> -> memref<2000xi32, #tpu.memory_space<vmem>>
      %dma_wait3A_392 = arith.constant 0 : i32
      %dma_wait3A_393 = tpu.memref_slice %arg3[%run_scoped3A_155, %dma_wait3A_392] : memref<2x320000xi32, #tpu.memory_space<hbm>> -> memref<1x320000xi32, #tpu.memory_space<hbm>>
      %dma_wait3A_394 = tpu.memref_squeeze %dma_wait3A_393 : memref<1x320000xi32, #tpu.memory_space<hbm>> -> memref<320000xi32, #tpu.memory_space<hbm>>
      %dma_wait3A_395 = tpu.memref_slice %dma_wait3A_394[%add3A_154] : memref<320000xi32, #tpu.memory_space<hbm>> -> memref<2000xi32, #tpu.memory_space<hbm>>
      tpu.wait_dma2 semaphore(%run_scoped3A_367 : memref<!tpu.dma_semaphore, #tpu.memory_space<semaphore_mem>>) src(%dma_wait3A_395 : memref<2000xi32, #tpu.memory_space<hbm>>) dst(%dma_wait3A_391 : memref<2000xi32, #tpu.memory_space<vmem>>)
      tpu.yield
    }) : () -> ()
    %run_scoped3A_157 = arith.constant 1 : i32
    %run_scoped3A_158 = arith.constant 0 : i32
    "tpu.region"() ({
      %run_scoped3A_367 = tpu.sem_alloc : memref<!tpu.dma_semaphore, #tpu.memory_space<semaphore_mem>>
      %dma_start3A_368 = arith.constant 0 : i32
      %dma_start3A_369 = tpu.memref_slice %arg7[%run_scoped3A_158, %dma_start3A_368] : memref<3x2000xi32, #tpu.memory_space<vmem>> -> memref<1x2000xi32, #tpu.memory_space<vmem>>
      %dma_start3A_370 = tpu.memref_squeeze %dma_start3A_369 : memref<1x2000xi32, #tpu.memory_space<vmem>> -> memref<2000xi32, #tpu.memory_space<vmem>>
      %dma_start3A_371 = arith.constant 0 : i32
      %dma_start3A_372 = tpu.memref_slice %arg3[%run_scoped3A_157, %dma_start3A_371] : memref<2x320000xi32, #tpu.memory_space<hbm>> -> memref<1x320000xi32, #tpu.memory_space<hbm>>
      %dma_start3A_373 = tpu.memref_squeeze %dma_start3A_372 : memref<1x320000xi32, #tpu.memory_space<hbm>> -> memref<320000xi32, #tpu.memory_space<hbm>>
      %dma_start3A_374 = tpu.memref_slice %dma_start3A_373[%add3A_154] : memref<320000xi32, #tpu.memory_space<hbm>> -> memref<2000xi32, #tpu.memory_space<hbm>>
      %dma_start3A_375 = arith.constant 0 : i32
      %dma_start3A_376 = tpu.memref_slice %arg7[%run_scoped3A_158, %dma_start3A_375] : memref<3x2000xi32, #tpu.memory_space<vmem>> -> memref<1x2000xi32, #tpu.memory_space<vmem>>
      %dma_start3A_377 = tpu.memref_squeeze %dma_start3A_376 : memref<1x2000xi32, #tpu.memory_space<vmem>> -> memref<2000xi32, #tpu.memory_space<vmem>>
      %dma_start3A_378 = arith.constant 0 : i32
      %dma_start3A_379 = tpu.memref_slice %arg3[%run_scoped3A_157, %dma_start3A_378] : memref<2x320000xi32, #tpu.memory_space<hbm>> -> memref<1x320000xi32, #tpu.memory_space<hbm>>
      %dma_start3A_380 = tpu.memref_squeeze %dma_start3A_379 : memref<1x320000xi32, #tpu.memory_space<hbm>> -> memref<320000xi32, #tpu.memory_space<hbm>>
      %dma_start3A_381 = tpu.memref_slice %dma_start3A_380[%add3A_154] : memref<320000xi32, #tpu.memory_space<hbm>> -> memref<2000xi32, #tpu.memory_space<hbm>>
      tpu.enqueue_dma source(%dma_start3A_381 : memref<2000xi32, #tpu.memory_space<hbm>>) target(%dma_start3A_377 : memref<2000xi32, #tpu.memory_space<vmem>>) target_semaphore(%run_scoped3A_367 : memref<!tpu.dma_semaphore, #tpu.memory_space<semaphore_mem>>)
      %dma_wait3A_382 = arith.constant 0 : i32
      %dma_wait3A_383 = tpu.memref_slice %arg7[%run_scoped3A_158, %dma_wait3A_382] : memref<3x2000xi32, #tpu.memory_space<vmem>> -> memref<1x2000xi32, #tpu.memory_space<vmem>>
      %dma_wait3A_384 = tpu.memref_squeeze %dma_wait3A_383 : memref<1x2000xi32, #tpu.memory_space<vmem>> -> memref<2000xi32, #tpu.memory_space<vmem>>
      %dma_wait3A_385 = arith.constant 0 : i32
      %dma_wait3A_386 = tpu.memref_slice %arg3[%run_scoped3A_157, %dma_wait3A_385] : memref<2x320000xi32, #tpu.memory_space<hbm>> -> memref<1x320000xi32, #tpu.memory_space<hbm>>
      %dma_wait3A_387 = tpu.memref_squeeze %dma_wait3A_386 : memref<1x320000xi32, #tpu.memory_space<hbm>> -> memref<320000xi32, #tpu.memory_space<hbm>>
      %dma_wait3A_388 = tpu.memref_slice %dma_wait3A_387[%add3A_154] : memref<320000xi32, #tpu.memory_space<hbm>> -> memref<2000xi32, #tpu.memory_space<hbm>>
      %dma_wait3A_389 = arith.constant 0 : i32
      %dma_wait3A_390 = tpu.memref_slice %arg7[%run_scoped3A_158, %dma_wait3A_389] : memref<3x2000xi32, #tpu.memory_space<vmem>> -> memref<1x2000xi32, #tpu.memory_space<vmem>>
      %dma_wait3A_391 = tpu.memref_squeeze %dma_wait3A_390 : memref<1x2000xi32, #tpu.memory_space<vmem>> -> memref<2000xi32, #tpu.memory_space<vmem>>
      %dma_wait3A_392 = arith.constant 0 : i32
      %dma_wait3A_393 = tpu.memref_slice %arg3[%run_scoped3A_157, %dma_wait3A_392] : memref<2x320000xi32, #tpu.memory_space<hbm>> -> memref<1x320000xi32, #tpu.memory_space<hbm>>
      %dma_wait3A_394 = tpu.memref_squeeze %dma_wait3A_393 : memref<1x320000xi32, #tpu.memory_space<hbm>> -> memref<320000xi32, #tpu.memory_space<hbm>>
      %dma_wait3A_395 = tpu.memref_slice %dma_wait3A_394[%add3A_154] : memref<320000xi32, #tpu.memory_space<hbm>> -> memref<2000xi32, #tpu.memory_space<hbm>>
      tpu.wait_dma2 semaphore(%run_scoped3A_367 : memref<!tpu.dma_semaphore, #tpu.memory_space<semaphore_mem>>) src(%dma_wait3A_395 : memref<2000xi32, #tpu.memory_space<hbm>>) dst(%dma_wait3A_391 : memref<2000xi32, #tpu.memory_space<vmem>>)
      tpu.yield
    }) : () -> ()
    %run_scoped3A_159 = arith.constant 1 : i32
    "tpu.region"() ({
      %run_scoped3A_367 = tpu.sem_alloc : memref<!tpu.dma_semaphore, #tpu.memory_space<semaphore_mem>>
      %dma_start3A_368 = arith.constant 0 : i32
      %dma_start3A_369 = tpu.memref_slice %arg8[%run_scoped3A_159, %dma_start3A_368] : memref<2x2000xf32, #tpu.memory_space<vmem>> -> memref<1x2000xf32, #tpu.memory_space<vmem>>
      %dma_start3A_370 = tpu.memref_squeeze %dma_start3A_369 : memref<1x2000xf32, #tpu.memory_space<vmem>> -> memref<2000xf32, #tpu.memory_space<vmem>>
      %dma_start3A_371 = tpu.memref_slice %arg4[%add3A_154] : memref<320000xf32, #tpu.memory_space<hbm>> -> memref<2000xf32, #tpu.memory_space<hbm>>
      %dma_start3A_372 = arith.constant 0 : i32
      %dma_start3A_373 = tpu.memref_slice %arg8[%run_scoped3A_159, %dma_start3A_372] : memref<2x2000xf32, #tpu.memory_space<vmem>> -> memref<1x2000xf32, #tpu.memory_space<vmem>>
      %dma_start3A_374 = tpu.memref_squeeze %dma_start3A_373 : memref<1x2000xf32, #tpu.memory_space<vmem>> -> memref<2000xf32, #tpu.memory_space<vmem>>
      %dma_start3A_375 = tpu.memref_slice %arg4[%add3A_154] : memref<320000xf32, #tpu.memory_space<hbm>> -> memref<2000xf32, #tpu.memory_space<hbm>>
      tpu.enqueue_dma source(%dma_start3A_375 : memref<2000xf32, #tpu.memory_space<hbm>>) target(%dma_start3A_374 : memref<2000xf32, #tpu.memory_space<vmem>>) target_semaphore(%run_scoped3A_367 : memref<!tpu.dma_semaphore, #tpu.memory_space<semaphore_mem>>)
      %dma_wait3A_376 = arith.constant 0 : i32
      %dma_wait3A_377 = tpu.memref_slice %arg8[%run_scoped3A_159, %dma_wait3A_376] : memref<2x2000xf32, #tpu.memory_space<vmem>> -> memref<1x2000xf32, #tpu.memory_space<vmem>>
      %dma_wait3A_378 = tpu.memref_squeeze %dma_wait3A_377 : memref<1x2000xf32, #tpu.memory_space<vmem>> -> memref<2000xf32, #tpu.memory_space<vmem>>
      %dma_wait3A_379 = tpu.memref_slice %arg4[%add3A_154] : memref<320000xf32, #tpu.memory_space<hbm>> -> memref<2000xf32, #tpu.memory_space<hbm>>
      %dma_wait3A_380 = arith.constant 0 : i32
      %dma_wait3A_381 = tpu.memref_slice %arg8[%run_scoped3A_159, %dma_wait3A_380] : memref<2x2000xf32, #tpu.memory_space<vmem>> -> memref<1x2000xf32, #tpu.memory_space<vmem>>
      %dma_wait3A_382 = tpu.memref_squeeze %dma_wait3A_381 : memref<1x2000xf32, #tpu.memory_space<vmem>> -> memref<2000xf32, #tpu.memory_space<vmem>>
      %dma_wait3A_383 = tpu.memref_slice %arg4[%add3A_154] : memref<320000xf32, #tpu.memory_space<hbm>> -> memref<2000xf32, #tpu.memory_space<hbm>>
      tpu.wait_dma2 semaphore(%run_scoped3A_367 : memref<!tpu.dma_semaphore, #tpu.memory_space<semaphore_mem>>) src(%dma_wait3A_383 : memref<2000xf32, #tpu.memory_space<hbm>>) dst(%dma_wait3A_382 : memref<2000xf32, #tpu.memory_space<vmem>>)
      tpu.yield
    }) : () -> ()
    %dma_start3A_160 = arith.constant 1 : i32
    %dma_start3A_161 = arith.constant 0 : i32
    %dma_start3A_162 = arith.constant 0 : i32
    %dma_start3A_163 = arith.constant 0 : i32
    %dma_start3A_164 = arith.constant 0 : i32
    %dma_start3A_165 = tpu.memref_slice %arg9[%dma_start3A_161, %dma_start3A_163, %dma_start3A_164] : memref<3x2000x16xf32, #tpu.memory_space<vmem>> -> memref<1x2000x16xf32, #tpu.memory_space<vmem>>
    %dma_start3A_166 = tpu.memref_squeeze %dma_start3A_165 : memref<1x2000x16xf32, #tpu.memory_space<vmem>> -> memref<2000x16xf32, #tpu.memory_space<vmem>>
    %dma_start3A_167 = arith.constant 0 : i32
    %dma_start3A_168 = tpu.memref_slice %arg6[%dma_start3A_160, %dma_start3A_167] : memref<2x2000xi32, #tpu.memory_space<vmem>> -> memref<1x2000xi32, #tpu.memory_space<vmem>>
    %dma_start3A_169 = tpu.memref_squeeze %dma_start3A_168 : memref<1x2000xi32, #tpu.memory_space<vmem>> -> memref<2000xi32, #tpu.memory_space<vmem>>
    %dma_start3A_170 = arith.constant 0 : i32
    %dma_start3A_171 = arith.constant 0 : i32
    %dma_start3A_172 = tpu.memref_slice %arg2[%dma_start3A_170, %dma_start3A_171] : memref<80000x16xf32, #tpu.memory_space<hbm>> -> memref<80000x16xf32, #tpu.memory_space<hbm>>
    %dma_start3A_173 = tpu.memref_slice %arg12[%dma_start3A_162] : memref<3x!tpu.dma_semaphore, #tpu.memory_space<semaphore_mem>> -> memref<1x!tpu.dma_semaphore, #tpu.memory_space<semaphore_mem>>
    %dma_start3A_174 = tpu.memref_squeeze %dma_start3A_173 : memref<1x!tpu.dma_semaphore, #tpu.memory_space<semaphore_mem>> -> memref<!tpu.dma_semaphore, #tpu.memory_space<semaphore_mem>>
    tpu.enqueue_indirect_dma source(%dma_start3A_172 : memref<80000x16xf32, #tpu.memory_space<hbm>>) target(%dma_start3A_166 : memref<2000x16xf32, #tpu.memory_space<vmem>>) offsets(%dma_start3A_169 : memref<2000xi32, #tpu.memory_space<vmem>>) semaphore(%dma_start3A_174 : memref<!tpu.dma_semaphore, #tpu.memory_space<semaphore_mem>>)
    %dma_wait3A_175 = arith.constant 0 : i32
    %dma_wait3A_176 = arith.constant 2 : i32
    %dma_wait3A_177 = arith.constant 2 : i32
    %dma_wait3A_178 = arith.constant 0 : i32
    %dma_wait3A_179 = arith.constant 0 : i32
    %dma_wait3A_180 = tpu.memref_slice %arg9[%dma_wait3A_176, %dma_wait3A_178, %dma_wait3A_179] : memref<3x2000x16xf32, #tpu.memory_space<vmem>> -> memref<1x2000x16xf32, #tpu.memory_space<vmem>>
    %dma_wait3A_181 = tpu.memref_squeeze %dma_wait3A_180 : memref<1x2000x16xf32, #tpu.memory_space<vmem>> -> memref<2000x16xf32, #tpu.memory_space<vmem>>
    %dma_wait3A_182 = arith.constant 0 : i32
    %dma_wait3A_183 = tpu.memref_slice %arg6[%dma_wait3A_175, %dma_wait3A_182] : memref<2x2000xi32, #tpu.memory_space<vmem>> -> memref<1x2000xi32, #tpu.memory_space<vmem>>
    %dma_wait3A_184 = tpu.memref_squeeze %dma_wait3A_183 : memref<1x2000xi32, #tpu.memory_space<vmem>> -> memref<2000xi32, #tpu.memory_space<vmem>>
    %dma_wait3A_185 = arith.constant 0 : i32
    %dma_wait3A_186 = arith.constant 0 : i32
    %dma_wait3A_187 = tpu.memref_slice %arg2[%dma_wait3A_185, %dma_wait3A_186] : memref<80000x16xf32, #tpu.memory_space<hbm>> -> memref<80000x16xf32, #tpu.memory_space<hbm>>
    %dma_wait3A_188 = tpu.memref_slice %arg12[%dma_wait3A_177] : memref<3x!tpu.dma_semaphore, #tpu.memory_space<semaphore_mem>> -> memref<1x!tpu.dma_semaphore, #tpu.memory_space<semaphore_mem>>
    %dma_wait3A_189 = tpu.memref_squeeze %dma_wait3A_188 : memref<1x!tpu.dma_semaphore, #tpu.memory_space<semaphore_mem>> -> memref<!tpu.dma_semaphore, #tpu.memory_space<semaphore_mem>>
    tpu.wait_indirect_dma semaphore(%dma_wait3A_189 : memref<!tpu.dma_semaphore, #tpu.memory_space<semaphore_mem>>) src(%dma_wait3A_187 : memref<80000x16xf32, #tpu.memory_space<hbm>>) dst(%dma_wait3A_181 : memref<2000x16xf32, #tpu.memory_space<vmem>>)
    %parallel_loop3A_190 = arith.constant 0 : i32
    %parallel_loop3A_191 = arith.constant 2000 : i32
    %parallel_loop3A_192 = arith.constant 16 : i32
    scf.for %parallel_loop3A_367 = %parallel_loop3A_190 to %parallel_loop3A_191 step %parallel_loop3A_192  : i32 {
      %parallel_loop3A_368 = arith.constant 0 : i32
      %parallel_loop3A_369 = arith.constant 0 : i32
      %parallel_loop3A_370 = tpu.memref_slice %arg8[%parallel_loop3A_368, %parallel_loop3A_369] : memref<2x2000xf32, #tpu.memory_space<vmem>> -> memref<1x2000xf32, #tpu.memory_space<vmem>>
      %parallel_loop3A_371 = tpu.memref_squeeze %parallel_loop3A_370 : memref<1x2000xf32, #tpu.memory_space<vmem>> -> memref<2000xf32, #tpu.memory_space<vmem>>
      %parallel_loop3A_372 = arith.index_cast %parallel_loop3A_367 : i32 to index
      %parallel_loop3A_373 = tpu.vector_load %parallel_loop3A_371[%parallel_loop3A_372] {strides = array<i32>} : memref<2000xf32, #tpu.memory_space<vmem>>, vector<16xf32>,
      %parallel_loop3A_374 = arith.constant 0 : i32
      %parallel_loop3A_375 = vector.broadcast %parallel_loop3A_374 : i32 to vector<16x1xi32>
      %parallel_loop3A_376 = vector.shape_cast %parallel_loop3A_375 : vector<16x1xi32> to vector<16xi32>
      %parallel_loop3A_377 = tpu.dynamic_gather %parallel_loop3A_373[%parallel_loop3A_376] in [0] : vector<16xf32>, vector<16xi32> -> vector<16xf32>
      %parallel_loop3A_378 = arith.constant 0 : i32
      %parallel_loop3A_379 = arith.addi %parallel_loop3A_367, %parallel_loop3A_378 : i32
      %parallel_loop3A_380 = arith.constant 2 : i32
      %parallel_loop3A_381 = arith.constant 0 : i32
      %parallel_loop3A_382 = arith.constant 0 : i32
      %parallel_loop3A_383 = tpu.memref_slice %arg9[%parallel_loop3A_380, %parallel_loop3A_381, %parallel_loop3A_382] : memref<3x2000x16xf32, #tpu.memory_space<vmem>> -> memref<1x2000x16xf32, #tpu.memory_space<vmem>>
      %parallel_loop3A_384 = tpu.memref_squeeze %parallel_loop3A_383 : memref<1x2000x16xf32, #tpu.memory_space<vmem>> -> memref<2000x16xf32, #tpu.memory_space<vmem>>
      %parallel_loop3A_385 = arith.index_cast %parallel_loop3A_379 : i32 to index
      %parallel_loop3A_386 = arith.constant 0 : index
      %parallel_loop3A_387 = tpu.vector_load %parallel_loop3A_384[%parallel_loop3A_385, %parallel_loop3A_386] {strides = array<i32>} : memref<2000x16xf32, #tpu.memory_space<vmem>>, vector<16xf32>,
      %parallel_loop3A_388 = arith.mulf %parallel_loop3A_387, %parallel_loop3A_377 : vector<16xf32>
      %parallel_loop3A_389 = arith.constant 0 : i32
      %parallel_loop3A_390 = arith.addi %parallel_loop3A_367, %parallel_loop3A_389 : i32
      %parallel_loop3A_391 = arith.constant 2 : i32
      %parallel_loop3A_392 = arith.constant 0 : i32
      %parallel_loop3A_393 = arith.constant 0 : i32
      %parallel_loop3A_394 = tpu.memref_slice %arg9[%parallel_loop3A_391, %parallel_loop3A_392, %parallel_loop3A_393] : memref<3x2000x16xf32, #tpu.memory_space<vmem>> -> memref<1x2000x16xf32, #tpu.memory_space<vmem>>
      %parallel_loop3A_395 = tpu.memref_squeeze %parallel_loop3A_394 : memref<1x2000x16xf32, #tpu.memory_space<vmem>> -> memref<2000x16xf32, #tpu.memory_space<vmem>>
      %parallel_loop3A_396 = arith.index_cast %parallel_loop3A_390 : i32 to index
      %parallel_loop3A_397 = arith.constant 0 : index
      %parallel_loop3A_398 = tpu.vector_load %parallel_loop3A_395[%parallel_loop3A_396, %parallel_loop3A_397] {strides = array<i32>} : memref<2000x16xf32, #tpu.memory_space<vmem>>, vector<16xf32>,
      tpu.vector_store %parallel_loop3A_395[%parallel_loop3A_396, %parallel_loop3A_397], %parallel_loop3A_388 {strides = array<i32>} : memref<2000x16xf32, #tpu.memory_space<vmem>>, vector<16xf32>,
      %parallel_loop3A_399 = arith.constant 1 : i32
      %parallel_loop3A_400 = vector.broadcast %parallel_loop3A_399 : i32 to vector<16x1xi32>
      %parallel_loop3A_401 = vector.shape_cast %parallel_loop3A_400 : vector<16x1xi32> to vector<16xi32>
      %parallel_loop3A_402 = tpu.dynamic_gather %parallel_loop3A_373[%parallel_loop3A_401] in [0] : vector<16xf32>, vector<16xi32> -> vector<16xf32>
      %parallel_loop3A_403 = arith.constant 1 : i32
      %parallel_loop3A_404 = arith.addi %parallel_loop3A_367, %parallel_loop3A_403 : i32
      %parallel_loop3A_405 = arith.constant 2 : i32
      %parallel_loop3A_406 = arith.constant 0 : i32
      %parallel_loop3A_407 = arith.constant 0 : i32
      %parallel_loop3A_408 = tpu.memref_slice %arg9[%parallel_loop3A_405, %parallel_loop3A_406, %parallel_loop3A_407] : memref<3x2000x16xf32, #tpu.memory_space<vmem>> -> memref<1x2000x16xf32, #tpu.memory_space<vmem>>
      %parallel_loop3A_409 = tpu.memref_squeeze %parallel_loop3A_408 : memref<1x2000x16xf32, #tpu.memory_space<vmem>> -> memref<2000x16xf32, #tpu.memory_space<vmem>>
      %parallel_loop3A_410 = arith.index_cast %parallel_loop3A_404 : i32 to index
      %parallel_loop3A_411 = arith.constant 0 : index
      %parallel_loop3A_412 = tpu.vector_load %parallel_loop3A_409[%parallel_loop3A_410, %parallel_loop3A_411] {strides = array<i32>} : memref<2000x16xf32, #tpu.memory_space<vmem>>, vector<16xf32>,
      %parallel_loop3A_413 = arith.mulf %parallel_loop3A_412, %parallel_loop3A_402 : vector<16xf32>
      %parallel_loop3A_414 = arith.constant 1 : i32
      %parallel_loop3A_415 = arith.addi %parallel_loop3A_367, %parallel_loop3A_414 : i32
      %parallel_loop3A_416 = arith.constant 2 : i32
      %parallel_loop3A_417 = arith.constant 0 : i32
      %parallel_loop3A_418 = arith.constant 0 : i32
      %parallel_loop3A_419 = tpu.memref_slice %arg9[%parallel_loop3A_416, %parallel_loop3A_417, %parallel_loop3A_418] : memref<3x2000x16xf32, #tpu.memory_space<vmem>> -> memref<1x2000x16xf32, #tpu.memory_space<vmem>>
      %parallel_loop3A_420 = tpu.memref_squeeze %parallel_loop3A_419 : memref<1x2000x16xf32, #tpu.memory_space<vmem>> -> memref<2000x16xf32, #tpu.memory_space<vmem>>
      %parallel_loop3A_421 = arith.index_cast %parallel_loop3A_415 : i32 to index
      %parallel_loop3A_422 = arith.constant 0 : index
      %parallel_loop3A_423 = tpu.vector_load %parallel_loop3A_420[%parallel_loop3A_421, %parallel_loop3A_422] {strides = array<i32>} : memref<2000x16xf32, #tpu.memory_space<vmem>>, vector<16xf32>,
      tpu.vector_store %parallel_loop3A_420[%parallel_loop3A_421, %parallel_loop3A_422], %parallel_loop3A_413 {strides = array<i32>} : memref<2000x16xf32, #tpu.memory_space<vmem>>, vector<16xf32>,
      %parallel_loop3A_424 = arith.constant 2 : i32
      %parallel_loop3A_425 = vector.broadcast %parallel_loop3A_424 : i32 to vector<16x1xi32>
      %parallel_loop3A_426 = vector.shape_cast %parallel_loop3A_425 : vector<16x1xi32> to vector<16xi32>
      %parallel_loop3A_427 = tpu.dynamic_gather %parallel_loop3A_373[%parallel_loop3A_426] in [0] : vector<16xf32>, vector<16xi32> -> vector<16xf32>
      %parallel_loop3A_428 = arith.constant 2 : i32
      %parallel_loop3A_429 = arith.addi %parallel_loop3A_367, %parallel_loop3A_428 : i32
      %parallel_loop3A_430 = arith.constant 2 : i32
      %parallel_loop3A_431 = arith.constant 0 : i32
      %parallel_loop3A_432 = arith.constant 0 : i32
      %parallel_loop3A_433 = tpu.memref_slice %arg9[%parallel_loop3A_430, %parallel_loop3A_431, %parallel_loop3A_432] : memref<3x2000x16xf32, #tpu.memory_space<vmem>> -> memref<1x2000x16xf32, #tpu.memory_space<vmem>>
      %parallel_loop3A_434 = tpu.memref_squeeze %parallel_loop3A_433 : memref<1x2000x16xf32, #tpu.memory_space<vmem>> -> memref<2000x16xf32, #tpu.memory_space<vmem>>
      %parallel_loop3A_435 = arith.index_cast %parallel_loop3A_429 : i32 to index
      %parallel_loop3A_436 = arith.constant 0 : index
      %parallel_loop3A_437 = tpu.vector_load %parallel_loop3A_434[%parallel_loop3A_435, %parallel_loop3A_436] {strides = array<i32>} : memref<2000x16xf32, #tpu.memory_space<vmem>>, vector<16xf32>,
      %parallel_loop3A_438 = arith.mulf %parallel_loop3A_437, %parallel_loop3A_427 : vector<16xf32>
      %parallel_loop3A_439 = arith.constant 2 : i32
      %parallel_loop3A_440 = arith.addi %parallel_loop3A_367, %parallel_loop3A_439 : i32
      %parallel_loop3A_441 = arith.constant 2 : i32
      %parallel_loop3A_442 = arith.constant 0 : i32
      %parallel_loop3A_443 = arith.constant 0 : i32
      %parallel_loop3A_444 = tpu.memref_slice %arg9[%parallel_loop3A_441, %parallel_loop3A_442, %parallel_loop3A_443] : memref<3x2000x16xf32, #tpu.memory_space<vmem>> -> memref<1x2000x16xf32, #tpu.memory_space<vmem>>
      %parallel_loop3A_445 = tpu.memref_squeeze %parallel_loop3A_444 : memref<1x2000x16xf32, #tpu.memory_space<vmem>> -> memref<2000x16xf32, #tpu.memory_space<vmem>>
      %parallel_loop3A_446 = arith.index_cast %parallel_loop3A_440 : i32 to index
      %parallel_loop3A_447 = arith.constant 0 : index
      %parallel_loop3A_448 = tpu.vector_load %parallel_loop3A_445[%parallel_loop3A_446, %parallel_loop3A_447] {strides = array<i32>} : memref<2000x16xf32, #tpu.memory_space<vmem>>, vector<16xf32>,
      tpu.vector_store %parallel_loop3A_445[%parallel_loop3A_446, %parallel_loop3A_447], %parallel_loop3A_438 {strides = array<i32>} : memref<2000x16xf32, #tpu.memory_space<vmem>>, vector<16xf32>,
      %parallel_loop3A_449 = arith.constant 3 : i32
      %parallel_loop3A_450 = vector.broadcast %parallel_loop3A_449 : i32 to vector<16x1xi32>
      %parallel_loop3A_451 = vector.shape_cast %parallel_loop3A_450 : vector<16x1xi32> to vector<16xi32>
      %parallel_loop3A_452 = tpu.dynamic_gather %parallel_loop3A_373[%parallel_loop3A_451] in [0] : vector<16xf32>, vector<16xi32> -> vector<16xf32>
      %parallel_loop3A_453 = arith.constant 3 : i32
      %parallel_loop3A_454 = arith.addi %parallel_loop3A_367, %parallel_loop3A_453 : i32
      %parallel_loop3A_455 = arith.constant 2 : i32
      %parallel_loop3A_456 = arith.constant 0 : i32
      %parallel_loop3A_457 = arith.constant 0 : i32
      %parallel_loop3A_458 = tpu.memref_slice %arg9[%parallel_loop3A_455, %parallel_loop3A_456, %parallel_loop3A_457] : memref<3x2000x16xf32, #tpu.memory_space<vmem>> -> memref<1x2000x16xf32, #tpu.memory_space<vmem>>
      %parallel_loop3A_459 = tpu.memref_squeeze %parallel_loop3A_458 : memref<1x2000x16xf32, #tpu.memory_space<vmem>> -> memref<2000x16xf32, #tpu.memory_space<vmem>>
      %parallel_loop3A_460 = arith.index_cast %parallel_loop3A_454 : i32 to index
      %parallel_loop3A_461 = arith.constant 0 : index
      %parallel_loop3A_462 = tpu.vector_load %parallel_loop3A_459[%parallel_loop3A_460, %parallel_loop3A_461] {strides = array<i32>} : memref<2000x16xf32, #tpu.memory_space<vmem>>, vector<16xf32>,
      %parallel_loop3A_463 = arith.mulf %parallel_loop3A_462, %parallel_loop3A_452 : vector<16xf32>
      %parallel_loop3A_464 = arith.constant 3 : i32
      %parallel_loop3A_465 = arith.addi %parallel_loop3A_367, %parallel_loop3A_464 : i32
      %parallel_loop3A_466 = arith.constant 2 : i32
      %parallel_loop3A_467 = arith.constant 0 : i32
      %parallel_loop3A_468 = arith.constant 0 : i32
      %parallel_loop3A_469 = tpu.memref_slice %arg9[%parallel_loop3A_466, %parallel_loop3A_467, %parallel_loop3A_468] : memref<3x2000x16xf32, #tpu.memory_space<vmem>> -> memref<1x2000x16xf32, #tpu.memory_space<vmem>>
      %parallel_loop3A_470 = tpu.memref_squeeze %parallel_loop3A_469 : memref<1x2000x16xf32, #tpu.memory_space<vmem>> -> memref<2000x16xf32, #tpu.memory_space<vmem>>
      %parallel_loop3A_471 = arith.index_cast %parallel_loop3A_465 : i32 to index
      %parallel_loop3A_472 = arith.constant 0 : index
      %parallel_loop3A_473 = tpu.vector_load %parallel_loop3A_470[%parallel_loop3A_471, %parallel_loop3A_472] {strides = array<i32>} : memref<2000x16xf32, #tpu.memory_space<vmem>>, vector<16xf32>,
      tpu.vector_store %parallel_loop3A_470[%parallel_loop3A_471, %parallel_loop3A_472], %parallel_loop3A_463 {strides = array<i32>} : memref<2000x16xf32, #tpu.memory_space<vmem>>, vector<16xf32>,
      %parallel_loop3A_474 = arith.constant 4 : i32
      %parallel_loop3A_475 = vector.broadcast %parallel_loop3A_474 : i32 to vector<16x1xi32>
      %parallel_loop3A_476 = vector.shape_cast %parallel_loop3A_475 : vector<16x1xi32> to vector<16xi32>
      %parallel_loop3A_477 = tpu.dynamic_gather %parallel_loop3A_373[%parallel_loop3A_476] in [0] : vector<16xf32>, vector<16xi32> -> vector<16xf32>
      %parallel_loop3A_478 = arith.constant 4 : i32
      %parallel_loop3A_479 = arith.addi %parallel_loop3A_367, %parallel_loop3A_478 : i32
      %parallel_loop3A_480 = arith.constant 2 : i32
      %parallel_loop3A_481 = arith.constant 0 : i32
      %parallel_loop3A_482 = arith.constant 0 : i32
      %parallel_loop3A_483 = tpu.memref_slice %arg9[%parallel_loop3A_480, %parallel_loop3A_481, %parallel_loop3A_482] : memref<3x2000x16xf32, #tpu.memory_space<vmem>> -> memref<1x2000x16xf32, #tpu.memory_space<vmem>>
      %parallel_loop3A_484 = tpu.memref_squeeze %parallel_loop3A_483 : memref<1x2000x16xf32, #tpu.memory_space<vmem>> -> memref<2000x16xf32, #tpu.memory_space<vmem>>
      %parallel_loop3A_485 = arith.index_cast %parallel_loop3A_479 : i32 to index
      %parallel_loop3A_486 = arith.constant 0 : index
      %parallel_loop3A_487 = tpu.vector_load %parallel_loop3A_484[%parallel_loop3A_485, %parallel_loop3A_486] {strides = array<i32>} : memref<2000x16xf32, #tpu.memory_space<vmem>>, vector<16xf32>,
      %parallel_loop3A_488 = arith.mulf %parallel_loop3A_487, %parallel_loop3A_477 : vector<16xf32>
      %parallel_loop3A_489 = arith.constant 4 : i32
      %parallel_loop3A_490 = arith.addi %parallel_loop3A_367, %parallel_loop3A_489 : i32
      %parallel_loop3A_491 = arith.constant 2 : i32
      %parallel_loop3A_492 = arith.constant 0 : i32
      %parallel_loop3A_493 = arith.constant 0 : i32
      %parallel_loop3A_494 = tpu.memref_slice %arg9[%parallel_loop3A_491, %parallel_loop3A_492, %parallel_loop3A_493] : memref<3x2000x16xf32, #tpu.memory_space<vmem>> -> memref<1x2000x16xf32, #tpu.memory_space<vmem>>
      %parallel_loop3A_495 = tpu.memref_squeeze %parallel_loop3A_494 : memref<1x2000x16xf32, #tpu.memory_space<vmem>> -> memref<2000x16xf32, #tpu.memory_space<vmem>>
      %parallel_loop3A_496 = arith.index_cast %parallel_loop3A_490 : i32 to index
      %parallel_loop3A_497 = arith.constant 0 : index
      %parallel_loop3A_498 = tpu.vector_load %parallel_loop3A_495[%parallel_loop3A_496, %parallel_loop3A_497] {strides = array<i32>} : memref<2000x16xf32, #tpu.memory_space<vmem>>, vector<16xf32>,
      tpu.vector_store %parallel_loop3A_495[%parallel_loop3A_496, %parallel_loop3A_497], %parallel_loop3A_488 {strides = array<i32>} : memref<2000x16xf32, #tpu.memory_space<vmem>>, vector<16xf32>,
      %parallel_loop3A_499 = arith.constant 5 : i32
      %parallel_loop3A_500 = vector.broadcast %parallel_loop3A_499 : i32 to vector<16x1xi32>
      %parallel_loop3A_501 = vector.shape_cast %parallel_loop3A_500 : vector<16x1xi32> to vector<16xi32>
      %parallel_loop3A_502 = tpu.dynamic_gather %parallel_loop3A_373[%parallel_loop3A_501] in [0] : vector<16xf32>, vector<16xi32> -> vector<16xf32>
      %parallel_loop3A_503 = arith.constant 5 : i32
      %parallel_loop3A_504 = arith.addi %parallel_loop3A_367, %parallel_loop3A_503 : i32
      %parallel_loop3A_505 = arith.constant 2 : i32
      %parallel_loop3A_506 = arith.constant 0 : i32
      %parallel_loop3A_507 = arith.constant 0 : i32
      %parallel_loop3A_508 = tpu.memref_slice %arg9[%parallel_loop3A_505, %parallel_loop3A_506, %parallel_loop3A_507] : memref<3x2000x16xf32, #tpu.memory_space<vmem>> -> memref<1x2000x16xf32, #tpu.memory_space<vmem>>
      %parallel_loop3A_509 = tpu.memref_squeeze %parallel_loop3A_508 : memref<1x2000x16xf32, #tpu.memory_space<vmem>> -> memref<2000x16xf32, #tpu.memory_space<vmem>>
      %parallel_loop3A_510 = arith.index_cast %parallel_loop3A_504 : i32 to index
      %parallel_loop3A_511 = arith.constant 0 : index
      %parallel_loop3A_512 = tpu.vector_load %parallel_loop3A_509[%parallel_loop3A_510, %parallel_loop3A_511] {strides = array<i32>} : memref<2000x16xf32, #tpu.memory_space<vmem>>, vector<16xf32>,
      %parallel_loop3A_513 = arith.mulf %parallel_loop3A_512, %parallel_loop3A_502 : vector<16xf32>
      %parallel_loop3A_514 = arith.constant 5 : i32
      %parallel_loop3A_515 = arith.addi %parallel_loop3A_367, %parallel_loop3A_514 : i32
      %parallel_loop3A_516 = arith.constant 2 : i32
      %parallel_loop3A_517 = arith.constant 0 : i32
      %parallel_loop3A_518 = arith.constant 0 : i32
      %parallel_loop3A_519 = tpu.memref_slice %arg9[%parallel_loop3A_516, %parallel_loop3A_517, %parallel_loop3A_518] : memref<3x2000x16xf32, #tpu.memory_space<vmem>> -> memref<1x2000x16xf32, #tpu.memory_space<vmem>>
      %parallel_loop3A_520 = tpu.memref_squeeze %parallel_loop3A_519 : memref<1x2000x16xf32, #tpu.memory_space<vmem>> -> memref<2000x16xf32, #tpu.memory_space<vmem>>
      %parallel_loop3A_521 = arith.index_cast %parallel_loop3A_515 : i32 to index
      %parallel_loop3A_522 = arith.constant 0 : index
      %parallel_loop3A_523 = tpu.vector_load %parallel_loop3A_520[%parallel_loop3A_521, %parallel_loop3A_522] {strides = array<i32>} : memref<2000x16xf32, #tpu.memory_space<vmem>>, vector<16xf32>,
      tpu.vector_store %parallel_loop3A_520[%parallel_loop3A_521, %parallel_loop3A_522], %parallel_loop3A_513 {strides = array<i32>} : memref<2000x16xf32, #tpu.memory_space<vmem>>, vector<16xf32>,
      %parallel_loop3A_524 = arith.constant 6 : i32
      %parallel_loop3A_525 = vector.broadcast %parallel_loop3A_524 : i32 to vector<16x1xi32>
      %parallel_loop3A_526 = vector.shape_cast %parallel_loop3A_525 : vector<16x1xi32> to vector<16xi32>
      %parallel_loop3A_527 = tpu.dynamic_gather %parallel_loop3A_373[%parallel_loop3A_526] in [0] : vector<16xf32>, vector<16xi32> -> vector<16xf32>
      %parallel_loop3A_528 = arith.constant 6 : i32
      %parallel_loop3A_529 = arith.addi %parallel_loop3A_367, %parallel_loop3A_528 : i32
      %parallel_loop3A_530 = arith.constant 2 : i32
      %parallel_loop3A_531 = arith.constant 0 : i32
      %parallel_loop3A_532 = arith.constant 0 : i32
      %parallel_loop3A_533 = tpu.memref_slice %arg9[%parallel_loop3A_530, %parallel_loop3A_531, %parallel_loop3A_532] : memref<3x2000x16xf32, #tpu.memory_space<vmem>> -> memref<1x2000x16xf32, #tpu.memory_space<vmem>>
      %parallel_loop3A_534 = tpu.memref_squeeze %parallel_loop3A_533 : memref<1x2000x16xf32, #tpu.memory_space<vmem>> -> memref<2000x16xf32, #tpu.memory_space<vmem>>
      %parallel_loop3A_535 = arith.index_cast %parallel_loop3A_529 : i32 to index
      %parallel_loop3A_536 = arith.constant 0 : index
      %parallel_loop3A_537 = tpu.vector_load %parallel_loop3A_534[%parallel_loop3A_535, %parallel_loop3A_536] {strides = array<i32>} : memref<2000x16xf32, #tpu.memory_space<vmem>>, vector<16xf32>,
      %parallel_loop3A_538 = arith.mulf %parallel_loop3A_537, %parallel_loop3A_527 : vector<16xf32>
      %parallel_loop3A_539 = arith.constant 6 : i32
      %parallel_loop3A_540 = arith.addi %parallel_loop3A_367, %parallel_loop3A_539 : i32
      %parallel_loop3A_541 = arith.constant 2 : i32
      %parallel_loop3A_542 = arith.constant 0 : i32
      %parallel_loop3A_543 = arith.constant 0 : i32
      %parallel_loop3A_544 = tpu.memref_slice %arg9[%parallel_loop3A_541, %parallel_loop3A_542, %parallel_loop3A_543] : memref<3x2000x16xf32, #tpu.memory_space<vmem>> -> memref<1x2000x16xf32, #tpu.memory_space<vmem>>
      %parallel_loop3A_545 = tpu.memref_squeeze %parallel_loop3A_544 : memref<1x2000x16xf32, #tpu.memory_space<vmem>> -> memref<2000x16xf32, #tpu.memory_space<vmem>>
      %parallel_loop3A_546 = arith.index_cast %parallel_loop3A_540 : i32 to index
      %parallel_loop3A_547 = arith.constant 0 : index
      %parallel_loop3A_548 = tpu.vector_load %parallel_loop3A_545[%parallel_loop3A_546, %parallel_loop3A_547] {strides = array<i32>} : memref<2000x16xf32, #tpu.memory_space<vmem>>, vector<16xf32>,
      tpu.vector_store %parallel_loop3A_545[%parallel_loop3A_546, %parallel_loop3A_547], %parallel_loop3A_538 {strides = array<i32>} : memref<2000x16xf32, #tpu.memory_space<vmem>>, vector<16xf32>,
      %parallel_loop3A_549 = arith.constant 7 : i32
      %parallel_loop3A_550 = vector.broadcast %parallel_loop3A_549 : i32 to vector<16x1xi32>
      %parallel_loop3A_551 = vector.shape_cast %parallel_loop3A_550 : vector<16x1xi32> to vector<16xi32>
      %parallel_loop3A_552 = tpu.dynamic_gather %parallel_loop3A_373[%parallel_loop3A_551] in [0] : vector<16xf32>, vector<16xi32> -> vector<16xf32>
      %parallel_loop3A_553 = arith.constant 7 : i32
      %parallel_loop3A_554 = arith.addi %parallel_loop3A_367, %parallel_loop3A_553 : i32
      %parallel_loop3A_555 = arith.constant 2 : i32
      %parallel_loop3A_556 = arith.constant 0 : i32
      %parallel_loop3A_557 = arith.constant 0 : i32
      %parallel_loop3A_558 = tpu.memref_slice %arg9[%parallel_loop3A_555, %parallel_loop3A_556, %parallel_loop3A_557] : memref<3x2000x16xf32, #tpu.memory_space<vmem>> -> memref<1x2000x16xf32, #tpu.memory_space<vmem>>
      %parallel_loop3A_559 = tpu.memref_squeeze %parallel_loop3A_558 : memref<1x2000x16xf32, #tpu.memory_space<vmem>> -> memref<2000x16xf32, #tpu.memory_space<vmem>>
      %parallel_loop3A_560 = arith.index_cast %parallel_loop3A_554 : i32 to index
      %parallel_loop3A_561 = arith.constant 0 : index
      %parallel_loop3A_562 = tpu.vector_load %parallel_loop3A_559[%parallel_loop3A_560, %parallel_loop3A_561] {strides = array<i32>} : memref<2000x16xf32, #tpu.memory_space<vmem>>, vector<16xf32>,
      %parallel_loop3A_563 = arith.mulf %parallel_loop3A_562, %parallel_loop3A_552 : vector<16xf32>
      %parallel_loop3A_564 = arith.constant 7 : i32
      %parallel_loop3A_565 = arith.addi %parallel_loop3A_367, %parallel_loop3A_564 : i32
      %parallel_loop3A_566 = arith.constant 2 : i32
      %parallel_loop3A_567 = arith.constant 0 : i32
      %parallel_loop3A_568 = arith.constant 0 : i32
      %parallel_loop3A_569 = tpu.memref_slice %arg9[%parallel_loop3A_566, %parallel_loop3A_567, %parallel_loop3A_568] : memref<3x2000x16xf32, #tpu.memory_space<vmem>> -> memref<1x2000x16xf32, #tpu.memory_space<vmem>>
      %parallel_loop3A_570 = tpu.memref_squeeze %parallel_loop3A_569 : memref<1x2000x16xf32, #tpu.memory_space<vmem>> -> memref<2000x16xf32, #tpu.memory_space<vmem>>
      %parallel_loop3A_571 = arith.index_cast %parallel_loop3A_565 : i32 to index
      %parallel_loop3A_572 = arith.constant 0 : index
      %parallel_loop3A_573 = tpu.vector_load %parallel_loop3A_570[%parallel_loop3A_571, %parallel_loop3A_572] {strides = array<i32>} : memref<2000x16xf32, #tpu.memory_space<vmem>>, vector<16xf32>,
      tpu.vector_store %parallel_loop3A_570[%parallel_loop3A_571, %parallel_loop3A_572], %parallel_loop3A_563 {strides = array<i32>} : memref<2000x16xf32, #tpu.memory_space<vmem>>, vector<16xf32>,
      %parallel_loop3A_574 = arith.constant 8 : i32
      %parallel_loop3A_575 = vector.broadcast %parallel_loop3A_574 : i32 to vector<16x1xi32>
      %parallel_loop3A_576 = vector.shape_cast %parallel_loop3A_575 : vector<16x1xi32> to vector<16xi32>
      %parallel_loop3A_577 = tpu.dynamic_gather %parallel_loop3A_373[%parallel_loop3A_576] in [0] : vector<16xf32>, vector<16xi32> -> vector<16xf32>
      %parallel_loop3A_578 = arith.constant 8 : i32
      %parallel_loop3A_579 = arith.addi %parallel_loop3A_367, %parallel_loop3A_578 : i32
      %parallel_loop3A_580 = arith.constant 2 : i32
      %parallel_loop3A_581 = arith.constant 0 : i32
      %parallel_loop3A_582 = arith.constant 0 : i32
      %parallel_loop3A_583 = tpu.memref_slice %arg9[%parallel_loop3A_580, %parallel_loop3A_581, %parallel_loop3A_582] : memref<3x2000x16xf32, #tpu.memory_space<vmem>> -> memref<1x2000x16xf32, #tpu.memory_space<vmem>>
      %parallel_loop3A_584 = tpu.memref_squeeze %parallel_loop3A_583 : memref<1x2000x16xf32, #tpu.memory_space<vmem>> -> memref<2000x16xf32, #tpu.memory_space<vmem>>
      %parallel_loop3A_585 = arith.index_cast %parallel_loop3A_579 : i32 to index
      %parallel_loop3A_586 = arith.constant 0 : index
      %parallel_loop3A_587 = tpu.vector_load %parallel_loop3A_584[%parallel_loop3A_585, %parallel_loop3A_586] {strides = array<i32>} : memref<2000x16xf32, #tpu.memory_space<vmem>>, vector<16xf32>,
      %parallel_loop3A_588 = arith.mulf %parallel_loop3A_587, %parallel_loop3A_577 : vector<16xf32>
      %parallel_loop3A_589 = arith.constant 8 : i32
      %parallel_loop3A_590 = arith.addi %parallel_loop3A_367, %parallel_loop3A_589 : i32
      %parallel_loop3A_591 = arith.constant 2 : i32
      %parallel_loop3A_592 = arith.constant 0 : i32
      %parallel_loop3A_593 = arith.constant 0 : i32
      %parallel_loop3A_594 = tpu.memref_slice %arg9[%parallel_loop3A_591, %parallel_loop3A_592, %parallel_loop3A_593] : memref<3x2000x16xf32, #tpu.memory_space<vmem>> -> memref<1x2000x16xf32, #tpu.memory_space<vmem>>
      %parallel_loop3A_595 = tpu.memref_squeeze %parallel_loop3A_594 : memref<1x2000x16xf32, #tpu.memory_space<vmem>> -> memref<2000x16xf32, #tpu.memory_space<vmem>>
      %parallel_loop3A_596 = arith.index_cast %parallel_loop3A_590 : i32 to index
      %parallel_loop3A_597 = arith.constant 0 : index
      %parallel_loop3A_598 = tpu.vector_load %parallel_loop3A_595[%parallel_loop3A_596, %parallel_loop3A_597] {strides = array<i32>} : memref<2000x16xf32, #tpu.memory_space<vmem>>, vector<16xf32>,
      tpu.vector_store %parallel_loop3A_595[%parallel_loop3A_596, %parallel_loop3A_597], %parallel_loop3A_588 {strides = array<i32>} : memref<2000x16xf32, #tpu.memory_space<vmem>>, vector<16xf32>,
      %parallel_loop3A_599 = arith.constant 9 : i32
      %parallel_loop3A_600 = vector.broadcast %parallel_loop3A_599 : i32 to vector<16x1xi32>
      %parallel_loop3A_601 = vector.shape_cast %parallel_loop3A_600 : vector<16x1xi32> to vector<16xi32>
      %parallel_loop3A_602 = tpu.dynamic_gather %parallel_loop3A_373[%parallel_loop3A_601] in [0] : vector<16xf32>, vector<16xi32> -> vector<16xf32>
      %parallel_loop3A_603 = arith.constant 9 : i32
      %parallel_loop3A_604 = arith.addi %parallel_loop3A_367, %parallel_loop3A_603 : i32
      %parallel_loop3A_605 = arith.constant 2 : i32
      %parallel_loop3A_606 = arith.constant 0 : i32
      %parallel_loop3A_607 = arith.constant 0 : i32
      %parallel_loop3A_608 = tpu.memref_slice %arg9[%parallel_loop3A_605, %parallel_loop3A_606, %parallel_loop3A_607] : memref<3x2000x16xf32, #tpu.memory_space<vmem>> -> memref<1x2000x16xf32, #tpu.memory_space<vmem>>
      %parallel_loop3A_609 = tpu.memref_squeeze %parallel_loop3A_608 : memref<1x2000x16xf32, #tpu.memory_space<vmem>> -> memref<2000x16xf32, #tpu.memory_space<vmem>>
      %parallel_loop3A_610 = arith.index_cast %parallel_loop3A_604 : i32 to index
      %parallel_loop3A_611 = arith.constant 0 : index
      %parallel_loop3A_612 = tpu.vector_load %parallel_loop3A_609[%parallel_loop3A_610, %parallel_loop3A_611] {strides = array<i32>} : memref<2000x16xf32, #tpu.memory_space<vmem>>, vector<16xf32>,
      %parallel_loop3A_613 = arith.mulf %parallel_loop3A_612, %parallel_loop3A_602 : vector<16xf32>
      %parallel_loop3A_614 = arith.constant 9 : i32
      %parallel_loop3A_615 = arith.addi %parallel_loop3A_367, %parallel_loop3A_614 : i32
      %parallel_loop3A_616 = arith.constant 2 : i32
      %parallel_loop3A_617 = arith.constant 0 : i32
      %parallel_loop3A_618 = arith.constant 0 : i32
      %parallel_loop3A_619 = tpu.memref_slice %arg9[%parallel_loop3A_616, %parallel_loop3A_617, %parallel_loop3A_618] : memref<3x2000x16xf32, #tpu.memory_space<vmem>> -> memref<1x2000x16xf32, #tpu.memory_space<vmem>>
      %parallel_loop3A_620 = tpu.memref_squeeze %parallel_loop3A_619 : memref<1x2000x16xf32, #tpu.memory_space<vmem>> -> memref<2000x16xf32, #tpu.memory_space<vmem>>
      %parallel_loop3A_621 = arith.index_cast %parallel_loop3A_615 : i32 to index
      %parallel_loop3A_622 = arith.constant 0 : index
      %parallel_loop3A_623 = tpu.vector_load %parallel_loop3A_620[%parallel_loop3A_621, %parallel_loop3A_622] {strides = array<i32>} : memref<2000x16xf32, #tpu.memory_space<vmem>>, vector<16xf32>,
      tpu.vector_store %parallel_loop3A_620[%parallel_loop3A_621, %parallel_loop3A_622], %parallel_loop3A_613 {strides = array<i32>} : memref<2000x16xf32, #tpu.memory_space<vmem>>, vector<16xf32>,
      %parallel_loop3A_624 = arith.constant 10 : i32
      %parallel_loop3A_625 = vector.broadcast %parallel_loop3A_624 : i32 to vector<16x1xi32>
      %parallel_loop3A_626 = vector.shape_cast %parallel_loop3A_625 : vector<16x1xi32> to vector<16xi32>
      %parallel_loop3A_627 = tpu.dynamic_gather %parallel_loop3A_373[%parallel_loop3A_626] in [0] : vector<16xf32>, vector<16xi32> -> vector<16xf32>
      %parallel_loop3A_628 = arith.constant 10 : i32
      %parallel_loop3A_629 = arith.addi %parallel_loop3A_367, %parallel_loop3A_628 : i32
      %parallel_loop3A_630 = arith.constant 2 : i32
      %parallel_loop3A_631 = arith.constant 0 : i32
      %parallel_loop3A_632 = arith.constant 0 : i32
      %parallel_loop3A_633 = tpu.memref_slice %arg9[%parallel_loop3A_630, %parallel_loop3A_631, %parallel_loop3A_632] : memref<3x2000x16xf32, #tpu.memory_space<vmem>> -> memref<1x2000x16xf32, #tpu.memory_space<vmem>>
      %parallel_loop3A_634 = tpu.memref_squeeze %parallel_loop3A_633 : memref<1x2000x16xf32, #tpu.memory_space<vmem>> -> memref<2000x16xf32, #tpu.memory_space<vmem>>
      %parallel_loop3A_635 = arith.index_cast %parallel_loop3A_629 : i32 to index
      %parallel_loop3A_636 = arith.constant 0 : index
      %parallel_loop3A_637 = tpu.vector_load %parallel_loop3A_634[%parallel_loop3A_635, %parallel_loop3A_636] {strides = array<i32>} : memref<2000x16xf32, #tpu.memory_space<vmem>>, vector<16xf32>,
      %parallel_loop3A_638 = arith.mulf %parallel_loop3A_637, %parallel_loop3A_627 : vector<16xf32>
      %parallel_loop3A_639 = arith.constant 10 : i32
      %parallel_loop3A_640 = arith.addi %parallel_loop3A_367, %parallel_loop3A_639 : i32
      %parallel_loop3A_641 = arith.constant 2 : i32
      %parallel_loop3A_642 = arith.constant 0 : i32
      %parallel_loop3A_643 = arith.constant 0 : i32
      %parallel_loop3A_644 = tpu.memref_slice %arg9[%parallel_loop3A_641, %parallel_loop3A_642, %parallel_loop3A_643] : memref<3x2000x16xf32, #tpu.memory_space<vmem>> -> memref<1x2000x16xf32, #tpu.memory_space<vmem>>
      %parallel_loop3A_645 = tpu.memref_squeeze %parallel_loop3A_644 : memref<1x2000x16xf32, #tpu.memory_space<vmem>> -> memref<2000x16xf32, #tpu.memory_space<vmem>>
      %parallel_loop3A_646 = arith.index_cast %parallel_loop3A_640 : i32 to index
      %parallel_loop3A_647 = arith.constant 0 : index
      %parallel_loop3A_648 = tpu.vector_load %parallel_loop3A_645[%parallel_loop3A_646, %parallel_loop3A_647] {strides = array<i32>} : memref<2000x16xf32, #tpu.memory_space<vmem>>, vector<16xf32>,
      tpu.vector_store %parallel_loop3A_645[%parallel_loop3A_646, %parallel_loop3A_647], %parallel_loop3A_638 {strides = array<i32>} : memref<2000x16xf32, #tpu.memory_space<vmem>>, vector<16xf32>,
      %parallel_loop3A_649 = arith.constant 11 : i32
      %parallel_loop3A_650 = vector.broadcast %parallel_loop3A_649 : i32 to vector<16x1xi32>
      %parallel_loop3A_651 = vector.shape_cast %parallel_loop3A_650 : vector<16x1xi32> to vector<16xi32>
      %parallel_loop3A_652 = tpu.dynamic_gather %parallel_loop3A_373[%parallel_loop3A_651] in [0] : vector<16xf32>, vector<16xi32> -> vector<16xf32>
      %parallel_loop3A_653 = arith.constant 11 : i32
      %parallel_loop3A_654 = arith.addi %parallel_loop3A_367, %parallel_loop3A_653 : i32
      %parallel_loop3A_655 = arith.constant 2 : i32
      %parallel_loop3A_656 = arith.constant 0 : i32
      %parallel_loop3A_657 = arith.constant 0 : i32
      %parallel_loop3A_658 = tpu.memref_slice %arg9[%parallel_loop3A_655, %parallel_loop3A_656, %parallel_loop3A_657] : memref<3x2000x16xf32, #tpu.memory_space<vmem>> -> memref<1x2000x16xf32, #tpu.memory_space<vmem>>
      %parallel_loop3A_659 = tpu.memref_squeeze %parallel_loop3A_658 : memref<1x2000x16xf32, #tpu.memory_space<vmem>> -> memref<2000x16xf32, #tpu.memory_space<vmem>>
      %parallel_loop3A_660 = arith.index_cast %parallel_loop3A_654 : i32 to index
      %parallel_loop3A_661 = arith.constant 0 : index
      %parallel_loop3A_662 = tpu.vector_load %parallel_loop3A_659[%parallel_loop3A_660, %parallel_loop3A_661] {strides = array<i32>} : memref<2000x16xf32, #tpu.memory_space<vmem>>, vector<16xf32>,
      %parallel_loop3A_663 = arith.mulf %parallel_loop3A_662, %parallel_loop3A_652 : vector<16xf32>
      %parallel_loop3A_664 = arith.constant 11 : i32
      %parallel_loop3A_665 = arith.addi %parallel_loop3A_367, %parallel_loop3A_664 : i32
      %parallel_loop3A_666 = arith.constant 2 : i32
      %parallel_loop3A_667 = arith.constant 0 : i32
      %parallel_loop3A_668 = arith.constant 0 : i32
      %parallel_loop3A_669 = tpu.memref_slice %arg9[%parallel_loop3A_666, %parallel_loop3A_667, %parallel_loop3A_668] : memref<3x2000x16xf32, #tpu.memory_space<vmem>> -> memref<1x2000x16xf32, #tpu.memory_space<vmem>>
      %parallel_loop3A_670 = tpu.memref_squeeze %parallel_loop3A_669 : memref<1x2000x16xf32, #tpu.memory_space<vmem>> -> memref<2000x16xf32, #tpu.memory_space<vmem>>
      %parallel_loop3A_671 = arith.index_cast %parallel_loop3A_665 : i32 to index
      %parallel_loop3A_672 = arith.constant 0 : index
      %parallel_loop3A_673 = tpu.vector_load %parallel_loop3A_670[%parallel_loop3A_671, %parallel_loop3A_672] {strides = array<i32>} : memref<2000x16xf32, #tpu.memory_space<vmem>>, vector<16xf32>,
      tpu.vector_store %parallel_loop3A_670[%parallel_loop3A_671, %parallel_loop3A_672], %parallel_loop3A_663 {strides = array<i32>} : memref<2000x16xf32, #tpu.memory_space<vmem>>, vector<16xf32>,
      %parallel_loop3A_674 = arith.constant 12 : i32
      %parallel_loop3A_675 = vector.broadcast %parallel_loop3A_674 : i32 to vector<16x1xi32>
      %parallel_loop3A_676 = vector.shape_cast %parallel_loop3A_675 : vector<16x1xi32> to vector<16xi32>
      %parallel_loop3A_677 = tpu.dynamic_gather %parallel_loop3A_373[%parallel_loop3A_676] in [0] : vector<16xf32>, vector<16xi32> -> vector<16xf32>
      %parallel_loop3A_678 = arith.constant 12 : i32
      %parallel_loop3A_679 = arith.addi %parallel_loop3A_367, %parallel_loop3A_678 : i32
      %parallel_loop3A_680 = arith.constant 2 : i32
      %parallel_loop3A_681 = arith.constant 0 : i32
      %parallel_loop3A_682 = arith.constant 0 : i32
      %parallel_loop3A_683 = tpu.memref_slice %arg9[%parallel_loop3A_680, %parallel_loop3A_681, %parallel_loop3A_682] : memref<3x2000x16xf32, #tpu.memory_space<vmem>> -> memref<1x2000x16xf32, #tpu.memory_space<vmem>>
      %parallel_loop3A_684 = tpu.memref_squeeze %parallel_loop3A_683 : memref<1x2000x16xf32, #tpu.memory_space<vmem>> -> memref<2000x16xf32, #tpu.memory_space<vmem>>
      %parallel_loop3A_685 = arith.index_cast %parallel_loop3A_679 : i32 to index
      %parallel_loop3A_686 = arith.constant 0 : index
      %parallel_loop3A_687 = tpu.vector_load %parallel_loop3A_684[%parallel_loop3A_685, %parallel_loop3A_686] {strides = array<i32>} : memref<2000x16xf32, #tpu.memory_space<vmem>>, vector<16xf32>,
      %parallel_loop3A_688 = arith.mulf %parallel_loop3A_687, %parallel_loop3A_677 : vector<16xf32>
      %parallel_loop3A_689 = arith.constant 12 : i32
      %parallel_loop3A_690 = arith.addi %parallel_loop3A_367, %parallel_loop3A_689 : i32
      %parallel_loop3A_691 = arith.constant 2 : i32
      %parallel_loop3A_692 = arith.constant 0 : i32
      %parallel_loop3A_693 = arith.constant 0 : i32
      %parallel_loop3A_694 = tpu.memref_slice %arg9[%parallel_loop3A_691, %parallel_loop3A_692, %parallel_loop3A_693] : memref<3x2000x16xf32, #tpu.memory_space<vmem>> -> memref<1x2000x16xf32, #tpu.memory_space<vmem>>
      %parallel_loop3A_695 = tpu.memref_squeeze %parallel_loop3A_694 : memref<1x2000x16xf32, #tpu.memory_space<vmem>> -> memref<2000x16xf32, #tpu.memory_space<vmem>>
      %parallel_loop3A_696 = arith.index_cast %parallel_loop3A_690 : i32 to index
      %parallel_loop3A_697 = arith.constant 0 : index
      %parallel_loop3A_698 = tpu.vector_load %parallel_loop3A_695[%parallel_loop3A_696, %parallel_loop3A_697] {strides = array<i32>} : memref<2000x16xf32, #tpu.memory_space<vmem>>, vector<16xf32>,
      tpu.vector_store %parallel_loop3A_695[%parallel_loop3A_696, %parallel_loop3A_697], %parallel_loop3A_688 {strides = array<i32>} : memref<2000x16xf32, #tpu.memory_space<vmem>>, vector<16xf32>,
      %parallel_loop3A_699 = arith.constant 13 : i32
      %parallel_loop3A_700 = vector.broadcast %parallel_loop3A_699 : i32 to vector<16x1xi32>
      %parallel_loop3A_701 = vector.shape_cast %parallel_loop3A_700 : vector<16x1xi32> to vector<16xi32>
      %parallel_loop3A_702 = tpu.dynamic_gather %parallel_loop3A_373[%parallel_loop3A_701] in [0] : vector<16xf32>, vector<16xi32> -> vector<16xf32>
      %parallel_loop3A_703 = arith.constant 13 : i32
      %parallel_loop3A_704 = arith.addi %parallel_loop3A_367, %parallel_loop3A_703 : i32
      %parallel_loop3A_705 = arith.constant 2 : i32
      %parallel_loop3A_706 = arith.constant 0 : i32
      %parallel_loop3A_707 = arith.constant 0 : i32
      %parallel_loop3A_708 = tpu.memref_slice %arg9[%parallel_loop3A_705, %parallel_loop3A_706, %parallel_loop3A_707] : memref<3x2000x16xf32, #tpu.memory_space<vmem>> -> memref<1x2000x16xf32, #tpu.memory_space<vmem>>
      %parallel_loop3A_709 = tpu.memref_squeeze %parallel_loop3A_708 : memref<1x2000x16xf32, #tpu.memory_space<vmem>> -> memref<2000x16xf32, #tpu.memory_space<vmem>>
      %parallel_loop3A_710 = arith.index_cast %parallel_loop3A_704 : i32 to index
      %parallel_loop3A_711 = arith.constant 0 : index
      %parallel_loop3A_712 = tpu.vector_load %parallel_loop3A_709[%parallel_loop3A_710, %parallel_loop3A_711] {strides = array<i32>} : memref<2000x16xf32, #tpu.memory_space<vmem>>, vector<16xf32>,
      %parallel_loop3A_713 = arith.mulf %parallel_loop3A_712, %parallel_loop3A_702 : vector<16xf32>
      %parallel_loop3A_714 = arith.constant 13 : i32
      %parallel_loop3A_715 = arith.addi %parallel_loop3A_367, %parallel_loop3A_714 : i32
      %parallel_loop3A_716 = arith.constant 2 : i32
      %parallel_loop3A_717 = arith.constant 0 : i32
      %parallel_loop3A_718 = arith.constant 0 : i32
      %parallel_loop3A_719 = tpu.memref_slice %arg9[%parallel_loop3A_716, %parallel_loop3A_717, %parallel_loop3A_718] : memref<3x2000x16xf32, #tpu.memory_space<vmem>> -> memref<1x2000x16xf32, #tpu.memory_space<vmem>>
      %parallel_loop3A_720 = tpu.memref_squeeze %parallel_loop3A_719 : memref<1x2000x16xf32, #tpu.memory_space<vmem>> -> memref<2000x16xf32, #tpu.memory_space<vmem>>
      %parallel_loop3A_721 = arith.index_cast %parallel_loop3A_715 : i32 to index
      %parallel_loop3A_722 = arith.constant 0 : index
      %parallel_loop3A_723 = tpu.vector_load %parallel_loop3A_720[%parallel_loop3A_721, %parallel_loop3A_722] {strides = array<i32>} : memref<2000x16xf32, #tpu.memory_space<vmem>>, vector<16xf32>,
      tpu.vector_store %parallel_loop3A_720[%parallel_loop3A_721, %parallel_loop3A_722], %parallel_loop3A_713 {strides = array<i32>} : memref<2000x16xf32, #tpu.memory_space<vmem>>, vector<16xf32>,
      %parallel_loop3A_724 = arith.constant 14 : i32
      %parallel_loop3A_725 = vector.broadcast %parallel_loop3A_724 : i32 to vector<16x1xi32>
      %parallel_loop3A_726 = vector.shape_cast %parallel_loop3A_725 : vector<16x1xi32> to vector<16xi32>
      %parallel_loop3A_727 = tpu.dynamic_gather %parallel_loop3A_373[%parallel_loop3A_726] in [0] : vector<16xf32>, vector<16xi32> -> vector<16xf32>
      %parallel_loop3A_728 = arith.constant 14 : i32
      %parallel_loop3A_729 = arith.addi %parallel_loop3A_367, %parallel_loop3A_728 : i32
      %parallel_loop3A_730 = arith.constant 2 : i32
      %parallel_loop3A_731 = arith.constant 0 : i32
      %parallel_loop3A_732 = arith.constant 0 : i32
      %parallel_loop3A_733 = tpu.memref_slice %arg9[%parallel_loop3A_730, %parallel_loop3A_731, %parallel_loop3A_732] : memref<3x2000x16xf32, #tpu.memory_space<vmem>> -> memref<1x2000x16xf32, #tpu.memory_space<vmem>>
      %parallel_loop3A_734 = tpu.memref_squeeze %parallel_loop3A_733 : memref<1x2000x16xf32, #tpu.memory_space<vmem>> -> memref<2000x16xf32, #tpu.memory_space<vmem>>
      %parallel_loop3A_735 = arith.index_cast %parallel_loop3A_729 : i32 to index
      %parallel_loop3A_736 = arith.constant 0 : index
      %parallel_loop3A_737 = tpu.vector_load %parallel_loop3A_734[%parallel_loop3A_735, %parallel_loop3A_736] {strides = array<i32>} : memref<2000x16xf32, #tpu.memory_space<vmem>>, vector<16xf32>,
      %parallel_loop3A_738 = arith.mulf %parallel_loop3A_737, %parallel_loop3A_727 : vector<16xf32>
      %parallel_loop3A_739 = arith.constant 14 : i32
      %parallel_loop3A_740 = arith.addi %parallel_loop3A_367, %parallel_loop3A_739 : i32
      %parallel_loop3A_741 = arith.constant 2 : i32
      %parallel_loop3A_742 = arith.constant 0 : i32
      %parallel_loop3A_743 = arith.constant 0 : i32
      %parallel_loop3A_744 = tpu.memref_slice %arg9[%parallel_loop3A_741, %parallel_loop3A_742, %parallel_loop3A_743] : memref<3x2000x16xf32, #tpu.memory_space<vmem>> -> memref<1x2000x16xf32, #tpu.memory_space<vmem>>
      %parallel_loop3A_745 = tpu.memref_squeeze %parallel_loop3A_744 : memref<1x2000x16xf32, #tpu.memory_space<vmem>> -> memref<2000x16xf32, #tpu.memory_space<vmem>>
      %parallel_loop3A_746 = arith.index_cast %parallel_loop3A_740 : i32 to index
      %parallel_loop3A_747 = arith.constant 0 : index
      %parallel_loop3A_748 = tpu.vector_load %parallel_loop3A_745[%parallel_loop3A_746, %parallel_loop3A_747] {strides = array<i32>} : memref<2000x16xf32, #tpu.memory_space<vmem>>, vector<16xf32>,
      tpu.vector_store %parallel_loop3A_745[%parallel_loop3A_746, %parallel_loop3A_747], %parallel_loop3A_738 {strides = array<i32>} : memref<2000x16xf32, #tpu.memory_space<vmem>>, vector<16xf32>,
      %parallel_loop3A_749 = arith.constant 15 : i32
      %parallel_loop3A_750 = vector.broadcast %parallel_loop3A_749 : i32 to vector<16x1xi32>
      %parallel_loop3A_751 = vector.shape_cast %parallel_loop3A_750 : vector<16x1xi32> to vector<16xi32>
      %parallel_loop3A_752 = tpu.dynamic_gather %parallel_loop3A_373[%parallel_loop3A_751] in [0] : vector<16xf32>, vector<16xi32> -> vector<16xf32>
      %parallel_loop3A_753 = arith.constant 15 : i32
      %parallel_loop3A_754 = arith.addi %parallel_loop3A_367, %parallel_loop3A_753 : i32
      %parallel_loop3A_755 = arith.constant 2 : i32
      %parallel_loop3A_756 = arith.constant 0 : i32
      %parallel_loop3A_757 = arith.constant 0 : i32
      %parallel_loop3A_758 = tpu.memref_slice %arg9[%parallel_loop3A_755, %parallel_loop3A_756, %parallel_loop3A_757] : memref<3x2000x16xf32, #tpu.memory_space<vmem>> -> memref<1x2000x16xf32, #tpu.memory_space<vmem>>
      %parallel_loop3A_759 = tpu.memref_squeeze %parallel_loop3A_758 : memref<1x2000x16xf32, #tpu.memory_space<vmem>> -> memref<2000x16xf32, #tpu.memory_space<vmem>>
      %parallel_loop3A_760 = arith.index_cast %parallel_loop3A_754 : i32 to index
      %parallel_loop3A_761 = arith.constant 0 : index
      %parallel_loop3A_762 = tpu.vector_load %parallel_loop3A_759[%parallel_loop3A_760, %parallel_loop3A_761] {strides = array<i32>} : memref<2000x16xf32, #tpu.memory_space<vmem>>, vector<16xf32>,
      %parallel_loop3A_763 = arith.mulf %parallel_loop3A_762, %parallel_loop3A_752 : vector<16xf32>
      %parallel_loop3A_764 = arith.constant 15 : i32
      %parallel_loop3A_765 = arith.addi %parallel_loop3A_367, %parallel_loop3A_764 : i32
      %parallel_loop3A_766 = arith.constant 2 : i32
      %parallel_loop3A_767 = arith.constant 0 : i32
      %parallel_loop3A_768 = arith.constant 0 : i32
      %parallel_loop3A_769 = tpu.memref_slice %arg9[%parallel_loop3A_766, %parallel_loop3A_767, %parallel_loop3A_768] : memref<3x2000x16xf32, #tpu.memory_space<vmem>> -> memref<1x2000x16xf32, #tpu.memory_space<vmem>>
      %parallel_loop3A_770 = tpu.memref_squeeze %parallel_loop3A_769 : memref<1x2000x16xf32, #tpu.memory_space<vmem>> -> memref<2000x16xf32, #tpu.memory_space<vmem>>
      %parallel_loop3A_771 = arith.index_cast %parallel_loop3A_765 : i32 to index
      %parallel_loop3A_772 = arith.constant 0 : index
      %parallel_loop3A_773 = tpu.vector_load %parallel_loop3A_770[%parallel_loop3A_771, %parallel_loop3A_772] {strides = array<i32>} : memref<2000x16xf32, #tpu.memory_space<vmem>>, vector<16xf32>,
      tpu.vector_store %parallel_loop3A_770[%parallel_loop3A_771, %parallel_loop3A_772], %parallel_loop3A_763 {strides = array<i32>} : memref<2000x16xf32, #tpu.memory_space<vmem>>, vector<16xf32>,
    } {sc.loop_unroll_factor = 2 : i64, sc.parallel_access}
    %dma_start3A_193 = arith.constant 2 : i32
    %dma_start3A_194 = arith.constant 2 : i32
    %dma_start3A_195 = arith.constant 2 : i32
    %dma_start3A_196 = arith.constant 0 : i32
    %dma_start3A_197 = arith.constant 0 : i32
    %dma_start3A_198 = tpu.memref_slice %arg9[%dma_start3A_193, %dma_start3A_196, %dma_start3A_197] : memref<3x2000x16xf32, #tpu.memory_space<vmem>> -> memref<1x2000x16xf32, #tpu.memory_space<vmem>>
    %dma_start3A_199 = tpu.memref_squeeze %dma_start3A_198 : memref<1x2000x16xf32, #tpu.memory_space<vmem>> -> memref<2000x16xf32, #tpu.memory_space<vmem>>
    %dma_start3A_200 = arith.constant 0 : i32
    %dma_start3A_201 = tpu.memref_slice %arg7[%dma_start3A_194, %dma_start3A_200] : memref<3x2000xi32, #tpu.memory_space<vmem>> -> memref<1x2000xi32, #tpu.memory_space<vmem>>
    %dma_start3A_202 = tpu.memref_squeeze %dma_start3A_201 : memref<1x2000xi32, #tpu.memory_space<vmem>> -> memref<2000xi32, #tpu.memory_space<vmem>>
    %dma_start3A_203 = arith.constant 0 : i32
    %dma_start3A_204 = arith.constant 0 : i32
    %dma_start3A_205 = tpu.memref_slice %arg11[%dma_start3A_203, %dma_start3A_204] : memref<10240x16xf32, #tpu.memory_space<vmem_shared>> -> memref<10240x16xf32, #tpu.memory_space<vmem_shared>>
    %dma_start3A_206 = tpu.memref_slice %arg13[%dma_start3A_195] : memref<3x!tpu.dma_semaphore, #tpu.memory_space<semaphore_mem>> -> memref<1x!tpu.dma_semaphore, #tpu.memory_space<semaphore_mem>>
    %dma_start3A_207 = tpu.memref_squeeze %dma_start3A_206 : memref<1x!tpu.dma_semaphore, #tpu.memory_space<semaphore_mem>> -> memref<!tpu.dma_semaphore, #tpu.memory_space<semaphore_mem>>
    tpu.enqueue_indirect_dma source(%dma_start3A_199 : memref<2000x16xf32, #tpu.memory_space<vmem>>) target(%dma_start3A_205 : memref<10240x16xf32, #tpu.memory_space<vmem_shared>>) offsets(%dma_start3A_202 : memref<2000xi32, #tpu.memory_space<vmem>>) semaphore(%dma_start3A_207 : memref<!tpu.dma_semaphore, #tpu.memory_space<semaphore_mem>>) {add = true}
    %dma_wait3A_208 = arith.constant 1 : i32
    %dma_wait3A_209 = arith.constant 1 : i32
    %dma_wait3A_210 = arith.constant 1 : i32
    %dma_wait3A_211 = arith.constant 0 : i32
    %dma_wait3A_212 = arith.constant 0 : i32
    %dma_wait3A_213 = tpu.memref_slice %arg9[%dma_wait3A_208, %dma_wait3A_211, %dma_wait3A_212] : memref<3x2000x16xf32, #tpu.memory_space<vmem>> -> memref<1x2000x16xf32, #tpu.memory_space<vmem>>
    %dma_wait3A_214 = tpu.memref_squeeze %dma_wait3A_213 : memref<1x2000x16xf32, #tpu.memory_space<vmem>> -> memref<2000x16xf32, #tpu.memory_space<vmem>>
    %dma_wait3A_215 = arith.constant 0 : i32
    %dma_wait3A_216 = tpu.memref_slice %arg7[%dma_wait3A_209, %dma_wait3A_215] : memref<3x2000xi32, #tpu.memory_space<vmem>> -> memref<1x2000xi32, #tpu.memory_space<vmem>>
    %dma_wait3A_217 = tpu.memref_squeeze %dma_wait3A_216 : memref<1x2000xi32, #tpu.memory_space<vmem>> -> memref<2000xi32, #tpu.memory_space<vmem>>
    %dma_wait3A_218 = arith.constant 0 : i32
    %dma_wait3A_219 = arith.constant 0 : i32
    %dma_wait3A_220 = tpu.memref_slice %arg11[%dma_wait3A_218, %dma_wait3A_219] : memref<10240x16xf32, #tpu.memory_space<vmem_shared>> -> memref<10240x16xf32, #tpu.memory_space<vmem_shared>>
    %dma_wait3A_221 = tpu.memref_slice %arg13[%dma_wait3A_210] : memref<3x!tpu.dma_semaphore, #tpu.memory_space<semaphore_mem>> -> memref<1x!tpu.dma_semaphore, #tpu.memory_space<semaphore_mem>>
    %dma_wait3A_222 = tpu.memref_squeeze %dma_wait3A_221 : memref<1x!tpu.dma_semaphore, #tpu.memory_space<semaphore_mem>> -> memref<!tpu.dma_semaphore, #tpu.memory_space<semaphore_mem>>
    tpu.wait_indirect_dma semaphore(%dma_wait3A_222 : memref<!tpu.dma_semaphore, #tpu.memory_space<semaphore_mem>>) src(%dma_wait3A_214 : memref<2000x16xf32, #tpu.memory_space<vmem>>) dst(%dma_wait3A_220 : memref<10240x16xf32, #tpu.memory_space<vmem_shared>>)
    %add3A_223 = arith.constant 8000 : i32
    %add3A_224 = arith.addi %mul3A_2, %add3A_223 : i32
    %run_scoped3A_225 = arith.constant 0 : i32
    %run_scoped3A_226 = arith.constant 0 : i32
    "tpu.region"() ({
      %run_scoped3A_367 = tpu.sem_alloc : memref<!tpu.dma_semaphore, #tpu.memory_space<semaphore_mem>>
      %dma_start3A_368 = arith.constant 0 : i32
      %dma_start3A_369 = tpu.memref_slice %arg6[%run_scoped3A_226, %dma_start3A_368] : memref<2x2000xi32, #tpu.memory_space<vmem>> -> memref<1x2000xi32, #tpu.memory_space<vmem>>
      %dma_start3A_370 = tpu.memref_squeeze %dma_start3A_369 : memref<1x2000xi32, #tpu.memory_space<vmem>> -> memref<2000xi32, #tpu.memory_space<vmem>>
      %dma_start3A_371 = arith.constant 0 : i32
      %dma_start3A_372 = tpu.memref_slice %arg3[%run_scoped3A_225, %dma_start3A_371] : memref<2x320000xi32, #tpu.memory_space<hbm>> -> memref<1x320000xi32, #tpu.memory_space<hbm>>
      %dma_start3A_373 = tpu.memref_squeeze %dma_start3A_372 : memref<1x320000xi32, #tpu.memory_space<hbm>> -> memref<320000xi32, #tpu.memory_space<hbm>>
      %dma_start3A_374 = tpu.memref_slice %dma_start3A_373[%add3A_224] : memref<320000xi32, #tpu.memory_space<hbm>> -> memref<2000xi32, #tpu.memory_space<hbm>>
      %dma_start3A_375 = arith.constant 0 : i32
      %dma_start3A_376 = tpu.memref_slice %arg6[%run_scoped3A_226, %dma_start3A_375] : memref<2x2000xi32, #tpu.memory_space<vmem>> -> memref<1x2000xi32, #tpu.memory_space<vmem>>
      %dma_start3A_377 = tpu.memref_squeeze %dma_start3A_376 : memref<1x2000xi32, #tpu.memory_space<vmem>> -> memref<2000xi32, #tpu.memory_space<vmem>>
      %dma_start3A_378 = arith.constant 0 : i32
      %dma_start3A_379 = tpu.memref_slice %arg3[%run_scoped3A_225, %dma_start3A_378] : memref<2x320000xi32, #tpu.memory_space<hbm>> -> memref<1x320000xi32, #tpu.memory_space<hbm>>
      %dma_start3A_380 = tpu.memref_squeeze %dma_start3A_379 : memref<1x320000xi32, #tpu.memory_space<hbm>> -> memref<320000xi32, #tpu.memory_space<hbm>>
      %dma_start3A_381 = tpu.memref_slice %dma_start3A_380[%add3A_224] : memref<320000xi32, #tpu.memory_space<hbm>> -> memref<2000xi32, #tpu.memory_space<hbm>>
      tpu.enqueue_dma source(%dma_start3A_381 : memref<2000xi32, #tpu.memory_space<hbm>>) target(%dma_start3A_377 : memref<2000xi32, #tpu.memory_space<vmem>>) target_semaphore(%run_scoped3A_367 : memref<!tpu.dma_semaphore, #tpu.memory_space<semaphore_mem>>)
      %dma_wait3A_382 = arith.constant 0 : i32
      %dma_wait3A_383 = tpu.memref_slice %arg6[%run_scoped3A_226, %dma_wait3A_382] : memref<2x2000xi32, #tpu.memory_space<vmem>> -> memref<1x2000xi32, #tpu.memory_space<vmem>>
      %dma_wait3A_384 = tpu.memref_squeeze %dma_wait3A_383 : memref<1x2000xi32, #tpu.memory_space<vmem>> -> memref<2000xi32, #tpu.memory_space<vmem>>
      %dma_wait3A_385 = arith.constant 0 : i32
      %dma_wait3A_386 = tpu.memref_slice %arg3[%run_scoped3A_225, %dma_wait3A_385] : memref<2x320000xi32, #tpu.memory_space<hbm>> -> memref<1x320000xi32, #tpu.memory_space<hbm>>
      %dma_wait3A_387 = tpu.memref_squeeze %dma_wait3A_386 : memref<1x320000xi32, #tpu.memory_space<hbm>> -> memref<320000xi32, #tpu.memory_space<hbm>>
      %dma_wait3A_388 = tpu.memref_slice %dma_wait3A_387[%add3A_224] : memref<320000xi32, #tpu.memory_space<hbm>> -> memref<2000xi32, #tpu.memory_space<hbm>>
      %dma_wait3A_389 = arith.constant 0 : i32
      %dma_wait3A_390 = tpu.memref_slice %arg6[%run_scoped3A_226, %dma_wait3A_389] : memref<2x2000xi32, #tpu.memory_space<vmem>> -> memref<1x2000xi32, #tpu.memory_space<vmem>>
      %dma_wait3A_391 = tpu.memref_squeeze %dma_wait3A_390 : memref<1x2000xi32, #tpu.memory_space<vmem>> -> memref<2000xi32, #tpu.memory_space<vmem>>
      %dma_wait3A_392 = arith.constant 0 : i32
      %dma_wait3A_393 = tpu.memref_slice %arg3[%run_scoped3A_225, %dma_wait3A_392] : memref<2x320000xi32, #tpu.memory_space<hbm>> -> memref<1x320000xi32, #tpu.memory_space<hbm>>
      %dma_wait3A_394 = tpu.memref_squeeze %dma_wait3A_393 : memref<1x320000xi32, #tpu.memory_space<hbm>> -> memref<320000xi32, #tpu.memory_space<hbm>>
      %dma_wait3A_395 = tpu.memref_slice %dma_wait3A_394[%add3A_224] : memref<320000xi32, #tpu.memory_space<hbm>> -> memref<2000xi32, #tpu.memory_space<hbm>>
      tpu.wait_dma2 semaphore(%run_scoped3A_367 : memref<!tpu.dma_semaphore, #tpu.memory_space<semaphore_mem>>) src(%dma_wait3A_395 : memref<2000xi32, #tpu.memory_space<hbm>>) dst(%dma_wait3A_391 : memref<2000xi32, #tpu.memory_space<vmem>>)
      tpu.yield
    }) : () -> ()
    %run_scoped3A_227 = arith.constant 1 : i32
    %run_scoped3A_228 = arith.constant 1 : i32
    "tpu.region"() ({
      %run_scoped3A_367 = tpu.sem_alloc : memref<!tpu.dma_semaphore, #tpu.memory_space<semaphore_mem>>
      %dma_start3A_368 = arith.constant 0 : i32
      %dma_start3A_369 = tpu.memref_slice %arg7[%run_scoped3A_228, %dma_start3A_368] : memref<3x2000xi32, #tpu.memory_space<vmem>> -> memref<1x2000xi32, #tpu.memory_space<vmem>>
      %dma_start3A_370 = tpu.memref_squeeze %dma_start3A_369 : memref<1x2000xi32, #tpu.memory_space<vmem>> -> memref<2000xi32, #tpu.memory_space<vmem>>
      %dma_start3A_371 = arith.constant 0 : i32
      %dma_start3A_372 = tpu.memref_slice %arg3[%run_scoped3A_227, %dma_start3A_371] : memref<2x320000xi32, #tpu.memory_space<hbm>> -> memref<1x320000xi32, #tpu.memory_space<hbm>>
      %dma_start3A_373 = tpu.memref_squeeze %dma_start3A_372 : memref<1x320000xi32, #tpu.memory_space<hbm>> -> memref<320000xi32, #tpu.memory_space<hbm>>
      %dma_start3A_374 = tpu.memref_slice %dma_start3A_373[%add3A_224] : memref<320000xi32, #tpu.memory_space<hbm>> -> memref<2000xi32, #tpu.memory_space<hbm>>
      %dma_start3A_375 = arith.constant 0 : i32
      %dma_start3A_376 = tpu.memref_slice %arg7[%run_scoped3A_228, %dma_start3A_375] : memref<3x2000xi32, #tpu.memory_space<vmem>> -> memref<1x2000xi32, #tpu.memory_space<vmem>>
      %dma_start3A_377 = tpu.memref_squeeze %dma_start3A_376 : memref<1x2000xi32, #tpu.memory_space<vmem>> -> memref<2000xi32, #tpu.memory_space<vmem>>
      %dma_start3A_378 = arith.constant 0 : i32
      %dma_start3A_379 = tpu.memref_slice %arg3[%run_scoped3A_227, %dma_start3A_378] : memref<2x320000xi32, #tpu.memory_space<hbm>> -> memref<1x320000xi32, #tpu.memory_space<hbm>>
      %dma_start3A_380 = tpu.memref_squeeze %dma_start3A_379 : memref<1x320000xi32, #tpu.memory_space<hbm>> -> memref<320000xi32, #tpu.memory_space<hbm>>
      %dma_start3A_381 = tpu.memref_slice %dma_start3A_380[%add3A_224] : memref<320000xi32, #tpu.memory_space<hbm>> -> memref<2000xi32, #tpu.memory_space<hbm>>
      tpu.enqueue_dma source(%dma_start3A_381 : memref<2000xi32, #tpu.memory_space<hbm>>) target(%dma_start3A_377 : memref<2000xi32, #tpu.memory_space<vmem>>) target_semaphore(%run_scoped3A_367 : memref<!tpu.dma_semaphore, #tpu.memory_space<semaphore_mem>>)
      %dma_wait3A_382 = arith.constant 0 : i32
      %dma_wait3A_383 = tpu.memref_slice %arg7[%run_scoped3A_228, %dma_wait3A_382] : memref<3x2000xi32, #tpu.memory_space<vmem>> -> memref<1x2000xi32, #tpu.memory_space<vmem>>
      %dma_wait3A_384 = tpu.memref_squeeze %dma_wait3A_383 : memref<1x2000xi32, #tpu.memory_space<vmem>> -> memref<2000xi32, #tpu.memory_space<vmem>>
      %dma_wait3A_385 = arith.constant 0 : i32
      %dma_wait3A_386 = tpu.memref_slice %arg3[%run_scoped3A_227, %dma_wait3A_385] : memref<2x320000xi32, #tpu.memory_space<hbm>> -> memref<1x320000xi32, #tpu.memory_space<hbm>>
      %dma_wait3A_387 = tpu.memref_squeeze %dma_wait3A_386 : memref<1x320000xi32, #tpu.memory_space<hbm>> -> memref<320000xi32, #tpu.memory_space<hbm>>
      %dma_wait3A_388 = tpu.memref_slice %dma_wait3A_387[%add3A_224] : memref<320000xi32, #tpu.memory_space<hbm>> -> memref<2000xi32, #tpu.memory_space<hbm>>
      %dma_wait3A_389 = arith.constant 0 : i32
      %dma_wait3A_390 = tpu.memref_slice %arg7[%run_scoped3A_228, %dma_wait3A_389] : memref<3x2000xi32, #tpu.memory_space<vmem>> -> memref<1x2000xi32, #tpu.memory_space<vmem>>
      %dma_wait3A_391 = tpu.memref_squeeze %dma_wait3A_390 : memref<1x2000xi32, #tpu.memory_space<vmem>> -> memref<2000xi32, #tpu.memory_space<vmem>>
      %dma_wait3A_392 = arith.constant 0 : i32
      %dma_wait3A_393 = tpu.memref_slice %arg3[%run_scoped3A_227, %dma_wait3A_392] : memref<2x320000xi32, #tpu.memory_space<hbm>> -> memref<1x320000xi32, #tpu.memory_space<hbm>>
      %dma_wait3A_394 = tpu.memref_squeeze %dma_wait3A_393 : memref<1x320000xi32, #tpu.memory_space<hbm>> -> memref<320000xi32, #tpu.memory_space<hbm>>
      %dma_wait3A_395 = tpu.memref_slice %dma_wait3A_394[%add3A_224] : memref<320000xi32, #tpu.memory_space<hbm>> -> memref<2000xi32, #tpu.memory_space<hbm>>
      tpu.wait_dma2 semaphore(%run_scoped3A_367 : memref<!tpu.dma_semaphore, #tpu.memory_space<semaphore_mem>>) src(%dma_wait3A_395 : memref<2000xi32, #tpu.memory_space<hbm>>) dst(%dma_wait3A_391 : memref<2000xi32, #tpu.memory_space<vmem>>)
      tpu.yield
    }) : () -> ()
    %run_scoped3A_229 = arith.constant 0 : i32
    "tpu.region"() ({
      %run_scoped3A_367 = tpu.sem_alloc : memref<!tpu.dma_semaphore, #tpu.memory_space<semaphore_mem>>
      %dma_start3A_368 = arith.constant 0 : i32
      %dma_start3A_369 = tpu.memref_slice %arg8[%run_scoped3A_229, %dma_start3A_368] : memref<2x2000xf32, #tpu.memory_space<vmem>> -> memref<1x2000xf32, #tpu.memory_space<vmem>>
      %dma_start3A_370 = tpu.memref_squeeze %dma_start3A_369 : memref<1x2000xf32, #tpu.memory_space<vmem>> -> memref<2000xf32, #tpu.memory_space<vmem>>
      %dma_start3A_371 = tpu.memref_slice %arg4[%add3A_224] : memref<320000xf32, #tpu.memory_space<hbm>> -> memref<2000xf32, #tpu.memory_space<hbm>>
      %dma_start3A_372 = arith.constant 0 : i32
      %dma_start3A_373 = tpu.memref_slice %arg8[%run_scoped3A_229, %dma_start3A_372] : memref<2x2000xf32, #tpu.memory_space<vmem>> -> memref<1x2000xf32, #tpu.memory_space<vmem>>
      %dma_start3A_374 = tpu.memref_squeeze %dma_start3A_373 : memref<1x2000xf32, #tpu.memory_space<vmem>> -> memref<2000xf32, #tpu.memory_space<vmem>>
      %dma_start3A_375 = tpu.memref_slice %arg4[%add3A_224] : memref<320000xf32, #tpu.memory_space<hbm>> -> memref<2000xf32, #tpu.memory_space<hbm>>
      tpu.enqueue_dma source(%dma_start3A_375 : memref<2000xf32, #tpu.memory_space<hbm>>) target(%dma_start3A_374 : memref<2000xf32, #tpu.memory_space<vmem>>) target_semaphore(%run_scoped3A_367 : memref<!tpu.dma_semaphore, #tpu.memory_space<semaphore_mem>>)
      %dma_wait3A_376 = arith.constant 0 : i32
      %dma_wait3A_377 = tpu.memref_slice %arg8[%run_scoped3A_229, %dma_wait3A_376] : memref<2x2000xf32, #tpu.memory_space<vmem>> -> memref<1x2000xf32, #tpu.memory_space<vmem>>
      %dma_wait3A_378 = tpu.memref_squeeze %dma_wait3A_377 : memref<1x2000xf32, #tpu.memory_space<vmem>> -> memref<2000xf32, #tpu.memory_space<vmem>>
      %dma_wait3A_379 = tpu.memref_slice %arg4[%add3A_224] : memref<320000xf32, #tpu.memory_space<hbm>> -> memref<2000xf32, #tpu.memory_space<hbm>>
      %dma_wait3A_380 = arith.constant 0 : i32
      %dma_wait3A_381 = tpu.memref_slice %arg8[%run_scoped3A_229, %dma_wait3A_380] : memref<2x2000xf32, #tpu.memory_space<vmem>> -> memref<1x2000xf32, #tpu.memory_space<vmem>>
      %dma_wait3A_382 = tpu.memref_squeeze %dma_wait3A_381 : memref<1x2000xf32, #tpu.memory_space<vmem>> -> memref<2000xf32, #tpu.memory_space<vmem>>
      %dma_wait3A_383 = tpu.memref_slice %arg4[%add3A_224] : memref<320000xf32, #tpu.memory_space<hbm>> -> memref<2000xf32, #tpu.memory_space<hbm>>
      tpu.wait_dma2 semaphore(%run_scoped3A_367 : memref<!tpu.dma_semaphore, #tpu.memory_space<semaphore_mem>>) src(%dma_wait3A_383 : memref<2000xf32, #tpu.memory_space<hbm>>) dst(%dma_wait3A_382 : memref<2000xf32, #tpu.memory_space<vmem>>)
      tpu.yield
    }) : () -> ()
    %dma_start3A_230 = arith.constant 0 : i32
    %dma_start3A_231 = arith.constant 1 : i32
    %dma_start3A_232 = arith.constant 1 : i32
    %dma_start3A_233 = arith.constant 0 : i32
    %dma_start3A_234 = arith.constant 0 : i32
    %dma_start3A_235 = tpu.memref_slice %arg9[%dma_start3A_231, %dma_start3A_233, %dma_start3A_234] : memref<3x2000x16xf32, #tpu.memory_space<vmem>> -> memref<1x2000x16xf32, #tpu.memory_space<vmem>>
    %dma_start3A_236 = tpu.memref_squeeze %dma_start3A_235 : memref<1x2000x16xf32, #tpu.memory_space<vmem>> -> memref<2000x16xf32, #tpu.memory_space<vmem>>
    %dma_start3A_237 = arith.constant 0 : i32
    %dma_start3A_238 = tpu.memref_slice %arg6[%dma_start3A_230, %dma_start3A_237] : memref<2x2000xi32, #tpu.memory_space<vmem>> -> memref<1x2000xi32, #tpu.memory_space<vmem>>
    %dma_start3A_239 = tpu.memref_squeeze %dma_start3A_238 : memref<1x2000xi32, #tpu.memory_space<vmem>> -> memref<2000xi32, #tpu.memory_space<vmem>>
    %dma_start3A_240 = arith.constant 0 : i32
    %dma_start3A_241 = arith.constant 0 : i32
    %dma_start3A_242 = tpu.memref_slice %arg2[%dma_start3A_240, %dma_start3A_241] : memref<80000x16xf32, #tpu.memory_space<hbm>> -> memref<80000x16xf32, #tpu.memory_space<hbm>>
    %dma_start3A_243 = tpu.memref_slice %arg12[%dma_start3A_232] : memref<3x!tpu.dma_semaphore, #tpu.memory_space<semaphore_mem>> -> memref<1x!tpu.dma_semaphore, #tpu.memory_space<semaphore_mem>>
    %dma_start3A_244 = tpu.memref_squeeze %dma_start3A_243 : memref<1x!tpu.dma_semaphore, #tpu.memory_space<semaphore_mem>> -> memref<!tpu.dma_semaphore, #tpu.memory_space<semaphore_mem>>
    tpu.enqueue_indirect_dma source(%dma_start3A_242 : memref<80000x16xf32, #tpu.memory_space<hbm>>) target(%dma_start3A_236 : memref<2000x16xf32, #tpu.memory_space<vmem>>) offsets(%dma_start3A_239 : memref<2000xi32, #tpu.memory_space<vmem>>) semaphore(%dma_start3A_244 : memref<!tpu.dma_semaphore, #tpu.memory_space<semaphore_mem>>)
    %dma_wait3A_245 = arith.constant 1 : i32
    %dma_wait3A_246 = arith.constant 0 : i32
    %dma_wait3A_247 = arith.constant 0 : i32
    %dma_wait3A_248 = arith.constant 0 : i32
    %dma_wait3A_249 = arith.constant 0 : i32
    %dma_wait3A_250 = tpu.memref_slice %arg9[%dma_wait3A_246, %dma_wait3A_248, %dma_wait3A_249] : memref<3x2000x16xf32, #tpu.memory_space<vmem>> -> memref<1x2000x16xf32, #tpu.memory_space<vmem>>
    %dma_wait3A_251 = tpu.memref_squeeze %dma_wait3A_250 : memref<1x2000x16xf32, #tpu.memory_space<vmem>> -> memref<2000x16xf32, #tpu.memory_space<vmem>>
    %dma_wait3A_252 = arith.constant 0 : i32
    %dma_wait3A_253 = tpu.memref_slice %arg6[%dma_wait3A_245, %dma_wait3A_252] : memref<2x2000xi32, #tpu.memory_space<vmem>> -> memref<1x2000xi32, #tpu.memory_space<vmem>>
    %dma_wait3A_254 = tpu.memref_squeeze %dma_wait3A_253 : memref<1x2000xi32, #tpu.memory_space<vmem>> -> memref<2000xi32, #tpu.memory_space<vmem>>
    %dma_wait3A_255 = arith.constant 0 : i32
    %dma_wait3A_256 = arith.constant 0 : i32
    %dma_wait3A_257 = tpu.memref_slice %arg2[%dma_wait3A_255, %dma_wait3A_256] : memref<80000x16xf32, #tpu.memory_space<hbm>> -> memref<80000x16xf32, #tpu.memory_space<hbm>>
    %dma_wait3A_258 = tpu.memref_slice %arg12[%dma_wait3A_247] : memref<3x!tpu.dma_semaphore, #tpu.memory_space<semaphore_mem>> -> memref<1x!tpu.dma_semaphore, #tpu.memory_space<semaphore_mem>>
    %dma_wait3A_259 = tpu.memref_squeeze %dma_wait3A_258 : memref<1x!tpu.dma_semaphore, #tpu.memory_space<semaphore_mem>> -> memref<!tpu.dma_semaphore, #tpu.memory_space<semaphore_mem>>
    tpu.wait_indirect_dma semaphore(%dma_wait3A_259 : memref<!tpu.dma_semaphore, #tpu.memory_space<semaphore_mem>>) src(%dma_wait3A_257 : memref<80000x16xf32, #tpu.memory_space<hbm>>) dst(%dma_wait3A_251 : memref<2000x16xf32, #tpu.memory_space<vmem>>)
    %parallel_loop3A_260 = arith.constant 0 : i32
    %parallel_loop3A_261 = arith.constant 2000 : i32
    %parallel_loop3A_262 = arith.constant 16 : i32
    scf.for %parallel_loop3A_367 = %parallel_loop3A_260 to %parallel_loop3A_261 step %parallel_loop3A_262  : i32 {
      %parallel_loop3A_368 = arith.constant 1 : i32
      %parallel_loop3A_369 = arith.constant 0 : i32
      %parallel_loop3A_370 = tpu.memref_slice %arg8[%parallel_loop3A_368, %parallel_loop3A_369] : memref<2x2000xf32, #tpu.memory_space<vmem>> -> memref<1x2000xf32, #tpu.memory_space<vmem>>
      %parallel_loop3A_371 = tpu.memref_squeeze %parallel_loop3A_370 : memref<1x2000xf32, #tpu.memory_space<vmem>> -> memref<2000xf32, #tpu.memory_space<vmem>>
      %parallel_loop3A_372 = arith.index_cast %parallel_loop3A_367 : i32 to index
      %parallel_loop3A_373 = tpu.vector_load %parallel_loop3A_371[%parallel_loop3A_372] {strides = array<i32>} : memref<2000xf32, #tpu.memory_space<vmem>>, vector<16xf32>,
      %parallel_loop3A_374 = arith.constant 0 : i32
      %parallel_loop3A_375 = vector.broadcast %parallel_loop3A_374 : i32 to vector<16x1xi32>
      %parallel_loop3A_376 = vector.shape_cast %parallel_loop3A_375 : vector<16x1xi32> to vector<16xi32>
      %parallel_loop3A_377 = tpu.dynamic_gather %parallel_loop3A_373[%parallel_loop3A_376] in [0] : vector<16xf32>, vector<16xi32> -> vector<16xf32>
      %parallel_loop3A_378 = arith.constant 0 : i32
      %parallel_loop3A_379 = arith.addi %parallel_loop3A_367, %parallel_loop3A_378 : i32
      %parallel_loop3A_380 = arith.constant 0 : i32
      %parallel_loop3A_381 = arith.constant 0 : i32
      %parallel_loop3A_382 = arith.constant 0 : i32
      %parallel_loop3A_383 = tpu.memref_slice %arg9[%parallel_loop3A_380, %parallel_loop3A_381, %parallel_loop3A_382] : memref<3x2000x16xf32, #tpu.memory_space<vmem>> -> memref<1x2000x16xf32, #tpu.memory_space<vmem>>
      %parallel_loop3A_384 = tpu.memref_squeeze %parallel_loop3A_383 : memref<1x2000x16xf32, #tpu.memory_space<vmem>> -> memref<2000x16xf32, #tpu.memory_space<vmem>>
      %parallel_loop3A_385 = arith.index_cast %parallel_loop3A_379 : i32 to index
      %parallel_loop3A_386 = arith.constant 0 : index
      %parallel_loop3A_387 = tpu.vector_load %parallel_loop3A_384[%parallel_loop3A_385, %parallel_loop3A_386] {strides = array<i32>} : memref<2000x16xf32, #tpu.memory_space<vmem>>, vector<16xf32>,
      %parallel_loop3A_388 = arith.mulf %parallel_loop3A_387, %parallel_loop3A_377 : vector<16xf32>
      %parallel_loop3A_389 = arith.constant 0 : i32
      %parallel_loop3A_390 = arith.addi %parallel_loop3A_367, %parallel_loop3A_389 : i32
      %parallel_loop3A_391 = arith.constant 0 : i32
      %parallel_loop3A_392 = arith.constant 0 : i32
      %parallel_loop3A_393 = arith.constant 0 : i32
      %parallel_loop3A_394 = tpu.memref_slice %arg9[%parallel_loop3A_391, %parallel_loop3A_392, %parallel_loop3A_393] : memref<3x2000x16xf32, #tpu.memory_space<vmem>> -> memref<1x2000x16xf32, #tpu.memory_space<vmem>>
      %parallel_loop3A_395 = tpu.memref_squeeze %parallel_loop3A_394 : memref<1x2000x16xf32, #tpu.memory_space<vmem>> -> memref<2000x16xf32, #tpu.memory_space<vmem>>
      %parallel_loop3A_396 = arith.index_cast %parallel_loop3A_390 : i32 to index
      %parallel_loop3A_397 = arith.constant 0 : index
      %parallel_loop3A_398 = tpu.vector_load %parallel_loop3A_395[%parallel_loop3A_396, %parallel_loop3A_397] {strides = array<i32>} : memref<2000x16xf32, #tpu.memory_space<vmem>>, vector<16xf32>,
      tpu.vector_store %parallel_loop3A_395[%parallel_loop3A_396, %parallel_loop3A_397], %parallel_loop3A_388 {strides = array<i32>} : memref<2000x16xf32, #tpu.memory_space<vmem>>, vector<16xf32>,
      %parallel_loop3A_399 = arith.constant 1 : i32
      %parallel_loop3A_400 = vector.broadcast %parallel_loop3A_399 : i32 to vector<16x1xi32>
      %parallel_loop3A_401 = vector.shape_cast %parallel_loop3A_400 : vector<16x1xi32> to vector<16xi32>
      %parallel_loop3A_402 = tpu.dynamic_gather %parallel_loop3A_373[%parallel_loop3A_401] in [0] : vector<16xf32>, vector<16xi32> -> vector<16xf32>
      %parallel_loop3A_403 = arith.constant 1 : i32
      %parallel_loop3A_404 = arith.addi %parallel_loop3A_367, %parallel_loop3A_403 : i32
      %parallel_loop3A_405 = arith.constant 0 : i32
      %parallel_loop3A_406 = arith.constant 0 : i32
      %parallel_loop3A_407 = arith.constant 0 : i32
      %parallel_loop3A_408 = tpu.memref_slice %arg9[%parallel_loop3A_405, %parallel_loop3A_406, %parallel_loop3A_407] : memref<3x2000x16xf32, #tpu.memory_space<vmem>> -> memref<1x2000x16xf32, #tpu.memory_space<vmem>>
      %parallel_loop3A_409 = tpu.memref_squeeze %parallel_loop3A_408 : memref<1x2000x16xf32, #tpu.memory_space<vmem>> -> memref<2000x16xf32, #tpu.memory_space<vmem>>
      %parallel_loop3A_410 = arith.index_cast %parallel_loop3A_404 : i32 to index
      %parallel_loop3A_411 = arith.constant 0 : index
      %parallel_loop3A_412 = tpu.vector_load %parallel_loop3A_409[%parallel_loop3A_410, %parallel_loop3A_411] {strides = array<i32>} : memref<2000x16xf32, #tpu.memory_space<vmem>>, vector<16xf32>,
      %parallel_loop3A_413 = arith.mulf %parallel_loop3A_412, %parallel_loop3A_402 : vector<16xf32>
      %parallel_loop3A_414 = arith.constant 1 : i32
      %parallel_loop3A_415 = arith.addi %parallel_loop3A_367, %parallel_loop3A_414 : i32
      %parallel_loop3A_416 = arith.constant 0 : i32
      %parallel_loop3A_417 = arith.constant 0 : i32
      %parallel_loop3A_418 = arith.constant 0 : i32
      %parallel_loop3A_419 = tpu.memref_slice %arg9[%parallel_loop3A_416, %parallel_loop3A_417, %parallel_loop3A_418] : memref<3x2000x16xf32, #tpu.memory_space<vmem>> -> memref<1x2000x16xf32, #tpu.memory_space<vmem>>
      %parallel_loop3A_420 = tpu.memref_squeeze %parallel_loop3A_419 : memref<1x2000x16xf32, #tpu.memory_space<vmem>> -> memref<2000x16xf32, #tpu.memory_space<vmem>>
      %parallel_loop3A_421 = arith.index_cast %parallel_loop3A_415 : i32 to index
      %parallel_loop3A_422 = arith.constant 0 : index
      %parallel_loop3A_423 = tpu.vector_load %parallel_loop3A_420[%parallel_loop3A_421, %parallel_loop3A_422] {strides = array<i32>} : memref<2000x16xf32, #tpu.memory_space<vmem>>, vector<16xf32>,
      tpu.vector_store %parallel_loop3A_420[%parallel_loop3A_421, %parallel_loop3A_422], %parallel_loop3A_413 {strides = array<i32>} : memref<2000x16xf32, #tpu.memory_space<vmem>>, vector<16xf32>,
      %parallel_loop3A_424 = arith.constant 2 : i32
      %parallel_loop3A_425 = vector.broadcast %parallel_loop3A_424 : i32 to vector<16x1xi32>
      %parallel_loop3A_426 = vector.shape_cast %parallel_loop3A_425 : vector<16x1xi32> to vector<16xi32>
      %parallel_loop3A_427 = tpu.dynamic_gather %parallel_loop3A_373[%parallel_loop3A_426] in [0] : vector<16xf32>, vector<16xi32> -> vector<16xf32>
      %parallel_loop3A_428 = arith.constant 2 : i32
      %parallel_loop3A_429 = arith.addi %parallel_loop3A_367, %parallel_loop3A_428 : i32
      %parallel_loop3A_430 = arith.constant 0 : i32
      %parallel_loop3A_431 = arith.constant 0 : i32
      %parallel_loop3A_432 = arith.constant 0 : i32
      %parallel_loop3A_433 = tpu.memref_slice %arg9[%parallel_loop3A_430, %parallel_loop3A_431, %parallel_loop3A_432] : memref<3x2000x16xf32, #tpu.memory_space<vmem>> -> memref<1x2000x16xf32, #tpu.memory_space<vmem>>
      %parallel_loop3A_434 = tpu.memref_squeeze %parallel_loop3A_433 : memref<1x2000x16xf32, #tpu.memory_space<vmem>> -> memref<2000x16xf32, #tpu.memory_space<vmem>>
      %parallel_loop3A_435 = arith.index_cast %parallel_loop3A_429 : i32 to index
      %parallel_loop3A_436 = arith.constant 0 : index
      %parallel_loop3A_437 = tpu.vector_load %parallel_loop3A_434[%parallel_loop3A_435, %parallel_loop3A_436] {strides = array<i32>} : memref<2000x16xf32, #tpu.memory_space<vmem>>, vector<16xf32>,
      %parallel_loop3A_438 = arith.mulf %parallel_loop3A_437, %parallel_loop3A_427 : vector<16xf32>
      %parallel_loop3A_439 = arith.constant 2 : i32
      %parallel_loop3A_440 = arith.addi %parallel_loop3A_367, %parallel_loop3A_439 : i32
      %parallel_loop3A_441 = arith.constant 0 : i32
      %parallel_loop3A_442 = arith.constant 0 : i32
      %parallel_loop3A_443 = arith.constant 0 : i32
      %parallel_loop3A_444 = tpu.memref_slice %arg9[%parallel_loop3A_441, %parallel_loop3A_442, %parallel_loop3A_443] : memref<3x2000x16xf32, #tpu.memory_space<vmem>> -> memref<1x2000x16xf32, #tpu.memory_space<vmem>>
      %parallel_loop3A_445 = tpu.memref_squeeze %parallel_loop3A_444 : memref<1x2000x16xf32, #tpu.memory_space<vmem>> -> memref<2000x16xf32, #tpu.memory_space<vmem>>
      %parallel_loop3A_446 = arith.index_cast %parallel_loop3A_440 : i32 to index
      %parallel_loop3A_447 = arith.constant 0 : index
      %parallel_loop3A_448 = tpu.vector_load %parallel_loop3A_445[%parallel_loop3A_446, %parallel_loop3A_447] {strides = array<i32>} : memref<2000x16xf32, #tpu.memory_space<vmem>>, vector<16xf32>,
      tpu.vector_store %parallel_loop3A_445[%parallel_loop3A_446, %parallel_loop3A_447], %parallel_loop3A_438 {strides = array<i32>} : memref<2000x16xf32, #tpu.memory_space<vmem>>, vector<16xf32>,
      %parallel_loop3A_449 = arith.constant 3 : i32
      %parallel_loop3A_450 = vector.broadcast %parallel_loop3A_449 : i32 to vector<16x1xi32>
      %parallel_loop3A_451 = vector.shape_cast %parallel_loop3A_450 : vector<16x1xi32> to vector<16xi32>
      %parallel_loop3A_452 = tpu.dynamic_gather %parallel_loop3A_373[%parallel_loop3A_451] in [0] : vector<16xf32>, vector<16xi32> -> vector<16xf32>
      %parallel_loop3A_453 = arith.constant 3 : i32
      %parallel_loop3A_454 = arith.addi %parallel_loop3A_367, %parallel_loop3A_453 : i32
      %parallel_loop3A_455 = arith.constant 0 : i32
      %parallel_loop3A_456 = arith.constant 0 : i32
      %parallel_loop3A_457 = arith.constant 0 : i32
      %parallel_loop3A_458 = tpu.memref_slice %arg9[%parallel_loop3A_455, %parallel_loop3A_456, %parallel_loop3A_457] : memref<3x2000x16xf32, #tpu.memory_space<vmem>> -> memref<1x2000x16xf32, #tpu.memory_space<vmem>>
      %parallel_loop3A_459 = tpu.memref_squeeze %parallel_loop3A_458 : memref<1x2000x16xf32, #tpu.memory_space<vmem>> -> memref<2000x16xf32, #tpu.memory_space<vmem>>
      %parallel_loop3A_460 = arith.index_cast %parallel_loop3A_454 : i32 to index
      %parallel_loop3A_461 = arith.constant 0 : index
      %parallel_loop3A_462 = tpu.vector_load %parallel_loop3A_459[%parallel_loop3A_460, %parallel_loop3A_461] {strides = array<i32>} : memref<2000x16xf32, #tpu.memory_space<vmem>>, vector<16xf32>,
      %parallel_loop3A_463 = arith.mulf %parallel_loop3A_462, %parallel_loop3A_452 : vector<16xf32>
      %parallel_loop3A_464 = arith.constant 3 : i32
      %parallel_loop3A_465 = arith.addi %parallel_loop3A_367, %parallel_loop3A_464 : i32
      %parallel_loop3A_466 = arith.constant 0 : i32
      %parallel_loop3A_467 = arith.constant 0 : i32
      %parallel_loop3A_468 = arith.constant 0 : i32
      %parallel_loop3A_469 = tpu.memref_slice %arg9[%parallel_loop3A_466, %parallel_loop3A_467, %parallel_loop3A_468] : memref<3x2000x16xf32, #tpu.memory_space<vmem>> -> memref<1x2000x16xf32, #tpu.memory_space<vmem>>
      %parallel_loop3A_470 = tpu.memref_squeeze %parallel_loop3A_469 : memref<1x2000x16xf32, #tpu.memory_space<vmem>> -> memref<2000x16xf32, #tpu.memory_space<vmem>>
      %parallel_loop3A_471 = arith.index_cast %parallel_loop3A_465 : i32 to index
      %parallel_loop3A_472 = arith.constant 0 : index
      %parallel_loop3A_473 = tpu.vector_load %parallel_loop3A_470[%parallel_loop3A_471, %parallel_loop3A_472] {strides = array<i32>} : memref<2000x16xf32, #tpu.memory_space<vmem>>, vector<16xf32>,
      tpu.vector_store %parallel_loop3A_470[%parallel_loop3A_471, %parallel_loop3A_472], %parallel_loop3A_463 {strides = array<i32>} : memref<2000x16xf32, #tpu.memory_space<vmem>>, vector<16xf32>,
      %parallel_loop3A_474 = arith.constant 4 : i32
      %parallel_loop3A_475 = vector.broadcast %parallel_loop3A_474 : i32 to vector<16x1xi32>
      %parallel_loop3A_476 = vector.shape_cast %parallel_loop3A_475 : vector<16x1xi32> to vector<16xi32>
      %parallel_loop3A_477 = tpu.dynamic_gather %parallel_loop3A_373[%parallel_loop3A_476] in [0] : vector<16xf32>, vector<16xi32> -> vector<16xf32>
      %parallel_loop3A_478 = arith.constant 4 : i32
      %parallel_loop3A_479 = arith.addi %parallel_loop3A_367, %parallel_loop3A_478 : i32
      %parallel_loop3A_480 = arith.constant 0 : i32
      %parallel_loop3A_481 = arith.constant 0 : i32
      %parallel_loop3A_482 = arith.constant 0 : i32
      %parallel_loop3A_483 = tpu.memref_slice %arg9[%parallel_loop3A_480, %parallel_loop3A_481, %parallel_loop3A_482] : memref<3x2000x16xf32, #tpu.memory_space<vmem>> -> memref<1x2000x16xf32, #tpu.memory_space<vmem>>
      %parallel_loop3A_484 = tpu.memref_squeeze %parallel_loop3A_483 : memref<1x2000x16xf32, #tpu.memory_space<vmem>> -> memref<2000x16xf32, #tpu.memory_space<vmem>>
      %parallel_loop3A_485 = arith.index_cast %parallel_loop3A_479 : i32 to index
      %parallel_loop3A_486 = arith.constant 0 : index
      %parallel_loop3A_487 = tpu.vector_load %parallel_loop3A_484[%parallel_loop3A_485, %parallel_loop3A_486] {strides = array<i32>} : memref<2000x16xf32, #tpu.memory_space<vmem>>, vector<16xf32>,
      %parallel_loop3A_488 = arith.mulf %parallel_loop3A_487, %parallel_loop3A_477 : vector<16xf32>
      %parallel_loop3A_489 = arith.constant 4 : i32
      %parallel_loop3A_490 = arith.addi %parallel_loop3A_367, %parallel_loop3A_489 : i32
      %parallel_loop3A_491 = arith.constant 0 : i32
      %parallel_loop3A_492 = arith.constant 0 : i32
      %parallel_loop3A_493 = arith.constant 0 : i32
      %parallel_loop3A_494 = tpu.memref_slice %arg9[%parallel_loop3A_491, %parallel_loop3A_492, %parallel_loop3A_493] : memref<3x2000x16xf32, #tpu.memory_space<vmem>> -> memref<1x2000x16xf32, #tpu.memory_space<vmem>>
      %parallel_loop3A_495 = tpu.memref_squeeze %parallel_loop3A_494 : memref<1x2000x16xf32, #tpu.memory_space<vmem>> -> memref<2000x16xf32, #tpu.memory_space<vmem>>
      %parallel_loop3A_496 = arith.index_cast %parallel_loop3A_490 : i32 to index
      %parallel_loop3A_497 = arith.constant 0 : index
      %parallel_loop3A_498 = tpu.vector_load %parallel_loop3A_495[%parallel_loop3A_496, %parallel_loop3A_497] {strides = array<i32>} : memref<2000x16xf32, #tpu.memory_space<vmem>>, vector<16xf32>,
      tpu.vector_store %parallel_loop3A_495[%parallel_loop3A_496, %parallel_loop3A_497], %parallel_loop3A_488 {strides = array<i32>} : memref<2000x16xf32, #tpu.memory_space<vmem>>, vector<16xf32>,
      %parallel_loop3A_499 = arith.constant 5 : i32
      %parallel_loop3A_500 = vector.broadcast %parallel_loop3A_499 : i32 to vector<16x1xi32>
      %parallel_loop3A_501 = vector.shape_cast %parallel_loop3A_500 : vector<16x1xi32> to vector<16xi32>
      %parallel_loop3A_502 = tpu.dynamic_gather %parallel_loop3A_373[%parallel_loop3A_501] in [0] : vector<16xf32>, vector<16xi32> -> vector<16xf32>
      %parallel_loop3A_503 = arith.constant 5 : i32
      %parallel_loop3A_504 = arith.addi %parallel_loop3A_367, %parallel_loop3A_503 : i32
      %parallel_loop3A_505 = arith.constant 0 : i32
      %parallel_loop3A_506 = arith.constant 0 : i32
      %parallel_loop3A_507 = arith.constant 0 : i32
      %parallel_loop3A_508 = tpu.memref_slice %arg9[%parallel_loop3A_505, %parallel_loop3A_506, %parallel_loop3A_507] : memref<3x2000x16xf32, #tpu.memory_space<vmem>> -> memref<1x2000x16xf32, #tpu.memory_space<vmem>>
      %parallel_loop3A_509 = tpu.memref_squeeze %parallel_loop3A_508 : memref<1x2000x16xf32, #tpu.memory_space<vmem>> -> memref<2000x16xf32, #tpu.memory_space<vmem>>
      %parallel_loop3A_510 = arith.index_cast %parallel_loop3A_504 : i32 to index
      %parallel_loop3A_511 = arith.constant 0 : index
      %parallel_loop3A_512 = tpu.vector_load %parallel_loop3A_509[%parallel_loop3A_510, %parallel_loop3A_511] {strides = array<i32>} : memref<2000x16xf32, #tpu.memory_space<vmem>>, vector<16xf32>,
      %parallel_loop3A_513 = arith.mulf %parallel_loop3A_512, %parallel_loop3A_502 : vector<16xf32>
      %parallel_loop3A_514 = arith.constant 5 : i32
      %parallel_loop3A_515 = arith.addi %parallel_loop3A_367, %parallel_loop3A_514 : i32
      %parallel_loop3A_516 = arith.constant 0 : i32
      %parallel_loop3A_517 = arith.constant 0 : i32
      %parallel_loop3A_518 = arith.constant 0 : i32
      %parallel_loop3A_519 = tpu.memref_slice %arg9[%parallel_loop3A_516, %parallel_loop3A_517, %parallel_loop3A_518] : memref<3x2000x16xf32, #tpu.memory_space<vmem>> -> memref<1x2000x16xf32, #tpu.memory_space<vmem>>
      %parallel_loop3A_520 = tpu.memref_squeeze %parallel_loop3A_519 : memref<1x2000x16xf32, #tpu.memory_space<vmem>> -> memref<2000x16xf32, #tpu.memory_space<vmem>>
      %parallel_loop3A_521 = arith.index_cast %parallel_loop3A_515 : i32 to index
      %parallel_loop3A_522 = arith.constant 0 : index
      %parallel_loop3A_523 = tpu.vector_load %parallel_loop3A_520[%parallel_loop3A_521, %parallel_loop3A_522] {strides = array<i32>} : memref<2000x16xf32, #tpu.memory_space<vmem>>, vector<16xf32>,
      tpu.vector_store %parallel_loop3A_520[%parallel_loop3A_521, %parallel_loop3A_522], %parallel_loop3A_513 {strides = array<i32>} : memref<2000x16xf32, #tpu.memory_space<vmem>>, vector<16xf32>,
      %parallel_loop3A_524 = arith.constant 6 : i32
      %parallel_loop3A_525 = vector.broadcast %parallel_loop3A_524 : i32 to vector<16x1xi32>
      %parallel_loop3A_526 = vector.shape_cast %parallel_loop3A_525 : vector<16x1xi32> to vector<16xi32>
      %parallel_loop3A_527 = tpu.dynamic_gather %parallel_loop3A_373[%parallel_loop3A_526] in [0] : vector<16xf32>, vector<16xi32> -> vector<16xf32>
      %parallel_loop3A_528 = arith.constant 6 : i32
      %parallel_loop3A_529 = arith.addi %parallel_loop3A_367, %parallel_loop3A_528 : i32
      %parallel_loop3A_530 = arith.constant 0 : i32
      %parallel_loop3A_531 = arith.constant 0 : i32
      %parallel_loop3A_532 = arith.constant 0 : i32
      %parallel_loop3A_533 = tpu.memref_slice %arg9[%parallel_loop3A_530, %parallel_loop3A_531, %parallel_loop3A_532] : memref<3x2000x16xf32, #tpu.memory_space<vmem>> -> memref<1x2000x16xf32, #tpu.memory_space<vmem>>
      %parallel_loop3A_534 = tpu.memref_squeeze %parallel_loop3A_533 : memref<1x2000x16xf32, #tpu.memory_space<vmem>> -> memref<2000x16xf32, #tpu.memory_space<vmem>>
      %parallel_loop3A_535 = arith.index_cast %parallel_loop3A_529 : i32 to index
      %parallel_loop3A_536 = arith.constant 0 : index
      %parallel_loop3A_537 = tpu.vector_load %parallel_loop3A_534[%parallel_loop3A_535, %parallel_loop3A_536] {strides = array<i32>} : memref<2000x16xf32, #tpu.memory_space<vmem>>, vector<16xf32>,
      %parallel_loop3A_538 = arith.mulf %parallel_loop3A_537, %parallel_loop3A_527 : vector<16xf32>
      %parallel_loop3A_539 = arith.constant 6 : i32
      %parallel_loop3A_540 = arith.addi %parallel_loop3A_367, %parallel_loop3A_539 : i32
      %parallel_loop3A_541 = arith.constant 0 : i32
      %parallel_loop3A_542 = arith.constant 0 : i32
      %parallel_loop3A_543 = arith.constant 0 : i32
      %parallel_loop3A_544 = tpu.memref_slice %arg9[%parallel_loop3A_541, %parallel_loop3A_542, %parallel_loop3A_543] : memref<3x2000x16xf32, #tpu.memory_space<vmem>> -> memref<1x2000x16xf32, #tpu.memory_space<vmem>>
      %parallel_loop3A_545 = tpu.memref_squeeze %parallel_loop3A_544 : memref<1x2000x16xf32, #tpu.memory_space<vmem>> -> memref<2000x16xf32, #tpu.memory_space<vmem>>
      %parallel_loop3A_546 = arith.index_cast %parallel_loop3A_540 : i32 to index
      %parallel_loop3A_547 = arith.constant 0 : index
      %parallel_loop3A_548 = tpu.vector_load %parallel_loop3A_545[%parallel_loop3A_546, %parallel_loop3A_547] {strides = array<i32>} : memref<2000x16xf32, #tpu.memory_space<vmem>>, vector<16xf32>,
      tpu.vector_store %parallel_loop3A_545[%parallel_loop3A_546, %parallel_loop3A_547], %parallel_loop3A_538 {strides = array<i32>} : memref<2000x16xf32, #tpu.memory_space<vmem>>, vector<16xf32>,
      %parallel_loop3A_549 = arith.constant 7 : i32
      %parallel_loop3A_550 = vector.broadcast %parallel_loop3A_549 : i32 to vector<16x1xi32>
      %parallel_loop3A_551 = vector.shape_cast %parallel_loop3A_550 : vector<16x1xi32> to vector<16xi32>
      %parallel_loop3A_552 = tpu.dynamic_gather %parallel_loop3A_373[%parallel_loop3A_551] in [0] : vector<16xf32>, vector<16xi32> -> vector<16xf32>
      %parallel_loop3A_553 = arith.constant 7 : i32
      %parallel_loop3A_554 = arith.addi %parallel_loop3A_367, %parallel_loop3A_553 : i32
      %parallel_loop3A_555 = arith.constant 0 : i32
      %parallel_loop3A_556 = arith.constant 0 : i32
      %parallel_loop3A_557 = arith.constant 0 : i32
      %parallel_loop3A_558 = tpu.memref_slice %arg9[%parallel_loop3A_555, %parallel_loop3A_556, %parallel_loop3A_557] : memref<3x2000x16xf32, #tpu.memory_space<vmem>> -> memref<1x2000x16xf32, #tpu.memory_space<vmem>>
      %parallel_loop3A_559 = tpu.memref_squeeze %parallel_loop3A_558 : memref<1x2000x16xf32, #tpu.memory_space<vmem>> -> memref<2000x16xf32, #tpu.memory_space<vmem>>
      %parallel_loop3A_560 = arith.index_cast %parallel_loop3A_554 : i32 to index
      %parallel_loop3A_561 = arith.constant 0 : index
      %parallel_loop3A_562 = tpu.vector_load %parallel_loop3A_559[%parallel_loop3A_560, %parallel_loop3A_561] {strides = array<i32>} : memref<2000x16xf32, #tpu.memory_space<vmem>>, vector<16xf32>,
      %parallel_loop3A_563 = arith.mulf %parallel_loop3A_562, %parallel_loop3A_552 : vector<16xf32>
      %parallel_loop3A_564 = arith.constant 7 : i32
      %parallel_loop3A_565 = arith.addi %parallel_loop3A_367, %parallel_loop3A_564 : i32
      %parallel_loop3A_566 = arith.constant 0 : i32
      %parallel_loop3A_567 = arith.constant 0 : i32
      %parallel_loop3A_568 = arith.constant 0 : i32
      %parallel_loop3A_569 = tpu.memref_slice %arg9[%parallel_loop3A_566, %parallel_loop3A_567, %parallel_loop3A_568] : memref<3x2000x16xf32, #tpu.memory_space<vmem>> -> memref<1x2000x16xf32, #tpu.memory_space<vmem>>
      %parallel_loop3A_570 = tpu.memref_squeeze %parallel_loop3A_569 : memref<1x2000x16xf32, #tpu.memory_space<vmem>> -> memref<2000x16xf32, #tpu.memory_space<vmem>>
      %parallel_loop3A_571 = arith.index_cast %parallel_loop3A_565 : i32 to index
      %parallel_loop3A_572 = arith.constant 0 : index
      %parallel_loop3A_573 = tpu.vector_load %parallel_loop3A_570[%parallel_loop3A_571, %parallel_loop3A_572] {strides = array<i32>} : memref<2000x16xf32, #tpu.memory_space<vmem>>, vector<16xf32>,
      tpu.vector_store %parallel_loop3A_570[%parallel_loop3A_571, %parallel_loop3A_572], %parallel_loop3A_563 {strides = array<i32>} : memref<2000x16xf32, #tpu.memory_space<vmem>>, vector<16xf32>,
      %parallel_loop3A_574 = arith.constant 8 : i32
      %parallel_loop3A_575 = vector.broadcast %parallel_loop3A_574 : i32 to vector<16x1xi32>
      %parallel_loop3A_576 = vector.shape_cast %parallel_loop3A_575 : vector<16x1xi32> to vector<16xi32>
      %parallel_loop3A_577 = tpu.dynamic_gather %parallel_loop3A_373[%parallel_loop3A_576] in [0] : vector<16xf32>, vector<16xi32> -> vector<16xf32>
      %parallel_loop3A_578 = arith.constant 8 : i32
      %parallel_loop3A_579 = arith.addi %parallel_loop3A_367, %parallel_loop3A_578 : i32
      %parallel_loop3A_580 = arith.constant 0 : i32
      %parallel_loop3A_581 = arith.constant 0 : i32
      %parallel_loop3A_582 = arith.constant 0 : i32
      %parallel_loop3A_583 = tpu.memref_slice %arg9[%parallel_loop3A_580, %parallel_loop3A_581, %parallel_loop3A_582] : memref<3x2000x16xf32, #tpu.memory_space<vmem>> -> memref<1x2000x16xf32, #tpu.memory_space<vmem>>
      %parallel_loop3A_584 = tpu.memref_squeeze %parallel_loop3A_583 : memref<1x2000x16xf32, #tpu.memory_space<vmem>> -> memref<2000x16xf32, #tpu.memory_space<vmem>>
      %parallel_loop3A_585 = arith.index_cast %parallel_loop3A_579 : i32 to index
      %parallel_loop3A_586 = arith.constant 0 : index
      %parallel_loop3A_587 = tpu.vector_load %parallel_loop3A_584[%parallel_loop3A_585, %parallel_loop3A_586] {strides = array<i32>} : memref<2000x16xf32, #tpu.memory_space<vmem>>, vector<16xf32>,
      %parallel_loop3A_588 = arith.mulf %parallel_loop3A_587, %parallel_loop3A_577 : vector<16xf32>
      %parallel_loop3A_589 = arith.constant 8 : i32
      %parallel_loop3A_590 = arith.addi %parallel_loop3A_367, %parallel_loop3A_589 : i32
      %parallel_loop3A_591 = arith.constant 0 : i32
      %parallel_loop3A_592 = arith.constant 0 : i32
      %parallel_loop3A_593 = arith.constant 0 : i32
      %parallel_loop3A_594 = tpu.memref_slice %arg9[%parallel_loop3A_591, %parallel_loop3A_592, %parallel_loop3A_593] : memref<3x2000x16xf32, #tpu.memory_space<vmem>> -> memref<1x2000x16xf32, #tpu.memory_space<vmem>>
      %parallel_loop3A_595 = tpu.memref_squeeze %parallel_loop3A_594 : memref<1x2000x16xf32, #tpu.memory_space<vmem>> -> memref<2000x16xf32, #tpu.memory_space<vmem>>
      %parallel_loop3A_596 = arith.index_cast %parallel_loop3A_590 : i32 to index
      %parallel_loop3A_597 = arith.constant 0 : index
      %parallel_loop3A_598 = tpu.vector_load %parallel_loop3A_595[%parallel_loop3A_596, %parallel_loop3A_597] {strides = array<i32>} : memref<2000x16xf32, #tpu.memory_space<vmem>>, vector<16xf32>,
      tpu.vector_store %parallel_loop3A_595[%parallel_loop3A_596, %parallel_loop3A_597], %parallel_loop3A_588 {strides = array<i32>} : memref<2000x16xf32, #tpu.memory_space<vmem>>, vector<16xf32>,
      %parallel_loop3A_599 = arith.constant 9 : i32
      %parallel_loop3A_600 = vector.broadcast %parallel_loop3A_599 : i32 to vector<16x1xi32>
      %parallel_loop3A_601 = vector.shape_cast %parallel_loop3A_600 : vector<16x1xi32> to vector<16xi32>
      %parallel_loop3A_602 = tpu.dynamic_gather %parallel_loop3A_373[%parallel_loop3A_601] in [0] : vector<16xf32>, vector<16xi32> -> vector<16xf32>
      %parallel_loop3A_603 = arith.constant 9 : i32
      %parallel_loop3A_604 = arith.addi %parallel_loop3A_367, %parallel_loop3A_603 : i32
      %parallel_loop3A_605 = arith.constant 0 : i32
      %parallel_loop3A_606 = arith.constant 0 : i32
      %parallel_loop3A_607 = arith.constant 0 : i32
      %parallel_loop3A_608 = tpu.memref_slice %arg9[%parallel_loop3A_605, %parallel_loop3A_606, %parallel_loop3A_607] : memref<3x2000x16xf32, #tpu.memory_space<vmem>> -> memref<1x2000x16xf32, #tpu.memory_space<vmem>>
      %parallel_loop3A_609 = tpu.memref_squeeze %parallel_loop3A_608 : memref<1x2000x16xf32, #tpu.memory_space<vmem>> -> memref<2000x16xf32, #tpu.memory_space<vmem>>
      %parallel_loop3A_610 = arith.index_cast %parallel_loop3A_604 : i32 to index
      %parallel_loop3A_611 = arith.constant 0 : index
      %parallel_loop3A_612 = tpu.vector_load %parallel_loop3A_609[%parallel_loop3A_610, %parallel_loop3A_611] {strides = array<i32>} : memref<2000x16xf32, #tpu.memory_space<vmem>>, vector<16xf32>,
      %parallel_loop3A_613 = arith.mulf %parallel_loop3A_612, %parallel_loop3A_602 : vector<16xf32>
      %parallel_loop3A_614 = arith.constant 9 : i32
      %parallel_loop3A_615 = arith.addi %parallel_loop3A_367, %parallel_loop3A_614 : i32
      %parallel_loop3A_616 = arith.constant 0 : i32
      %parallel_loop3A_617 = arith.constant 0 : i32
      %parallel_loop3A_618 = arith.constant 0 : i32
      %parallel_loop3A_619 = tpu.memref_slice %arg9[%parallel_loop3A_616, %parallel_loop3A_617, %parallel_loop3A_618] : memref<3x2000x16xf32, #tpu.memory_space<vmem>> -> memref<1x2000x16xf32, #tpu.memory_space<vmem>>
      %parallel_loop3A_620 = tpu.memref_squeeze %parallel_loop3A_619 : memref<1x2000x16xf32, #tpu.memory_space<vmem>> -> memref<2000x16xf32, #tpu.memory_space<vmem>>
      %parallel_loop3A_621 = arith.index_cast %parallel_loop3A_615 : i32 to index
      %parallel_loop3A_622 = arith.constant 0 : index
      %parallel_loop3A_623 = tpu.vector_load %parallel_loop3A_620[%parallel_loop3A_621, %parallel_loop3A_622] {strides = array<i32>} : memref<2000x16xf32, #tpu.memory_space<vmem>>, vector<16xf32>,
      tpu.vector_store %parallel_loop3A_620[%parallel_loop3A_621, %parallel_loop3A_622], %parallel_loop3A_613 {strides = array<i32>} : memref<2000x16xf32, #tpu.memory_space<vmem>>, vector<16xf32>,
      %parallel_loop3A_624 = arith.constant 10 : i32
      %parallel_loop3A_625 = vector.broadcast %parallel_loop3A_624 : i32 to vector<16x1xi32>
      %parallel_loop3A_626 = vector.shape_cast %parallel_loop3A_625 : vector<16x1xi32> to vector<16xi32>
      %parallel_loop3A_627 = tpu.dynamic_gather %parallel_loop3A_373[%parallel_loop3A_626] in [0] : vector<16xf32>, vector<16xi32> -> vector<16xf32>
      %parallel_loop3A_628 = arith.constant 10 : i32
      %parallel_loop3A_629 = arith.addi %parallel_loop3A_367, %parallel_loop3A_628 : i32
      %parallel_loop3A_630 = arith.constant 0 : i32
      %parallel_loop3A_631 = arith.constant 0 : i32
      %parallel_loop3A_632 = arith.constant 0 : i32
      %parallel_loop3A_633 = tpu.memref_slice %arg9[%parallel_loop3A_630, %parallel_loop3A_631, %parallel_loop3A_632] : memref<3x2000x16xf32, #tpu.memory_space<vmem>> -> memref<1x2000x16xf32, #tpu.memory_space<vmem>>
      %parallel_loop3A_634 = tpu.memref_squeeze %parallel_loop3A_633 : memref<1x2000x16xf32, #tpu.memory_space<vmem>> -> memref<2000x16xf32, #tpu.memory_space<vmem>>
      %parallel_loop3A_635 = arith.index_cast %parallel_loop3A_629 : i32 to index
      %parallel_loop3A_636 = arith.constant 0 : index
      %parallel_loop3A_637 = tpu.vector_load %parallel_loop3A_634[%parallel_loop3A_635, %parallel_loop3A_636] {strides = array<i32>} : memref<2000x16xf32, #tpu.memory_space<vmem>>, vector<16xf32>,
      %parallel_loop3A_638 = arith.mulf %parallel_loop3A_637, %parallel_loop3A_627 : vector<16xf32>
      %parallel_loop3A_639 = arith.constant 10 : i32
      %parallel_loop3A_640 = arith.addi %parallel_loop3A_367, %parallel_loop3A_639 : i32
      %parallel_loop3A_641 = arith.constant 0 : i32
      %parallel_loop3A_642 = arith.constant 0 : i32
      %parallel_loop3A_643 = arith.constant 0 : i32
      %parallel_loop3A_644 = tpu.memref_slice %arg9[%parallel_loop3A_641, %parallel_loop3A_642, %parallel_loop3A_643] : memref<3x2000x16xf32, #tpu.memory_space<vmem>> -> memref<1x2000x16xf32, #tpu.memory_space<vmem>>
      %parallel_loop3A_645 = tpu.memref_squeeze %parallel_loop3A_644 : memref<1x2000x16xf32, #tpu.memory_space<vmem>> -> memref<2000x16xf32, #tpu.memory_space<vmem>>
      %parallel_loop3A_646 = arith.index_cast %parallel_loop3A_640 : i32 to index
      %parallel_loop3A_647 = arith.constant 0 : index
      %parallel_loop3A_648 = tpu.vector_load %parallel_loop3A_645[%parallel_loop3A_646, %parallel_loop3A_647] {strides = array<i32>} : memref<2000x16xf32, #tpu.memory_space<vmem>>, vector<16xf32>,
      tpu.vector_store %parallel_loop3A_645[%parallel_loop3A_646, %parallel_loop3A_647], %parallel_loop3A_638 {strides = array<i32>} : memref<2000x16xf32, #tpu.memory_space<vmem>>, vector<16xf32>,
      %parallel_loop3A_649 = arith.constant 11 : i32
      %parallel_loop3A_650 = vector.broadcast %parallel_loop3A_649 : i32 to vector<16x1xi32>
      %parallel_loop3A_651 = vector.shape_cast %parallel_loop3A_650 : vector<16x1xi32> to vector<16xi32>
      %parallel_loop3A_652 = tpu.dynamic_gather %parallel_loop3A_373[%parallel_loop3A_651] in [0] : vector<16xf32>, vector<16xi32> -> vector<16xf32>
      %parallel_loop3A_653 = arith.constant 11 : i32
      %parallel_loop3A_654 = arith.addi %parallel_loop3A_367, %parallel_loop3A_653 : i32
      %parallel_loop3A_655 = arith.constant 0 : i32
      %parallel_loop3A_656 = arith.constant 0 : i32
      %parallel_loop3A_657 = arith.constant 0 : i32
      %parallel_loop3A_658 = tpu.memref_slice %arg9[%parallel_loop3A_655, %parallel_loop3A_656, %parallel_loop3A_657] : memref<3x2000x16xf32, #tpu.memory_space<vmem>> -> memref<1x2000x16xf32, #tpu.memory_space<vmem>>
      %parallel_loop3A_659 = tpu.memref_squeeze %parallel_loop3A_658 : memref<1x2000x16xf32, #tpu.memory_space<vmem>> -> memref<2000x16xf32, #tpu.memory_space<vmem>>
      %parallel_loop3A_660 = arith.index_cast %parallel_loop3A_654 : i32 to index
      %parallel_loop3A_661 = arith.constant 0 : index
      %parallel_loop3A_662 = tpu.vector_load %parallel_loop3A_659[%parallel_loop3A_660, %parallel_loop3A_661] {strides = array<i32>} : memref<2000x16xf32, #tpu.memory_space<vmem>>, vector<16xf32>,
      %parallel_loop3A_663 = arith.mulf %parallel_loop3A_662, %parallel_loop3A_652 : vector<16xf32>
      %parallel_loop3A_664 = arith.constant 11 : i32
      %parallel_loop3A_665 = arith.addi %parallel_loop3A_367, %parallel_loop3A_664 : i32
      %parallel_loop3A_666 = arith.constant 0 : i32
      %parallel_loop3A_667 = arith.constant 0 : i32
      %parallel_loop3A_668 = arith.constant 0 : i32
      %parallel_loop3A_669 = tpu.memref_slice %arg9[%parallel_loop3A_666, %parallel_loop3A_667, %parallel_loop3A_668] : memref<3x2000x16xf32, #tpu.memory_space<vmem>> -> memref<1x2000x16xf32, #tpu.memory_space<vmem>>
      %parallel_loop3A_670 = tpu.memref_squeeze %parallel_loop3A_669 : memref<1x2000x16xf32, #tpu.memory_space<vmem>> -> memref<2000x16xf32, #tpu.memory_space<vmem>>
      %parallel_loop3A_671 = arith.index_cast %parallel_loop3A_665 : i32 to index
      %parallel_loop3A_672 = arith.constant 0 : index
      %parallel_loop3A_673 = tpu.vector_load %parallel_loop3A_670[%parallel_loop3A_671, %parallel_loop3A_672] {strides = array<i32>} : memref<2000x16xf32, #tpu.memory_space<vmem>>, vector<16xf32>,
      tpu.vector_store %parallel_loop3A_670[%parallel_loop3A_671, %parallel_loop3A_672], %parallel_loop3A_663 {strides = array<i32>} : memref<2000x16xf32, #tpu.memory_space<vmem>>, vector<16xf32>,
      %parallel_loop3A_674 = arith.constant 12 : i32
      %parallel_loop3A_675 = vector.broadcast %parallel_loop3A_674 : i32 to vector<16x1xi32>
      %parallel_loop3A_676 = vector.shape_cast %parallel_loop3A_675 : vector<16x1xi32> to vector<16xi32>
      %parallel_loop3A_677 = tpu.dynamic_gather %parallel_loop3A_373[%parallel_loop3A_676] in [0] : vector<16xf32>, vector<16xi32> -> vector<16xf32>
      %parallel_loop3A_678 = arith.constant 12 : i32
      %parallel_loop3A_679 = arith.addi %parallel_loop3A_367, %parallel_loop3A_678 : i32
      %parallel_loop3A_680 = arith.constant 0 : i32
      %parallel_loop3A_681 = arith.constant 0 : i32
      %parallel_loop3A_682 = arith.constant 0 : i32
      %parallel_loop3A_683 = tpu.memref_slice %arg9[%parallel_loop3A_680, %parallel_loop3A_681, %parallel_loop3A_682] : memref<3x2000x16xf32, #tpu.memory_space<vmem>> -> memref<1x2000x16xf32, #tpu.memory_space<vmem>>
      %parallel_loop3A_684 = tpu.memref_squeeze %parallel_loop3A_683 : memref<1x2000x16xf32, #tpu.memory_space<vmem>> -> memref<2000x16xf32, #tpu.memory_space<vmem>>
      %parallel_loop3A_685 = arith.index_cast %parallel_loop3A_679 : i32 to index
      %parallel_loop3A_686 = arith.constant 0 : index
      %parallel_loop3A_687 = tpu.vector_load %parallel_loop3A_684[%parallel_loop3A_685, %parallel_loop3A_686] {strides = array<i32>} : memref<2000x16xf32, #tpu.memory_space<vmem>>, vector<16xf32>,
      %parallel_loop3A_688 = arith.mulf %parallel_loop3A_687, %parallel_loop3A_677 : vector<16xf32>
      %parallel_loop3A_689 = arith.constant 12 : i32
      %parallel_loop3A_690 = arith.addi %parallel_loop3A_367, %parallel_loop3A_689 : i32
      %parallel_loop3A_691 = arith.constant 0 : i32
      %parallel_loop3A_692 = arith.constant 0 : i32
      %parallel_loop3A_693 = arith.constant 0 : i32
      %parallel_loop3A_694 = tpu.memref_slice %arg9[%parallel_loop3A_691, %parallel_loop3A_692, %parallel_loop3A_693] : memref<3x2000x16xf32, #tpu.memory_space<vmem>> -> memref<1x2000x16xf32, #tpu.memory_space<vmem>>
      %parallel_loop3A_695 = tpu.memref_squeeze %parallel_loop3A_694 : memref<1x2000x16xf32, #tpu.memory_space<vmem>> -> memref<2000x16xf32, #tpu.memory_space<vmem>>
      %parallel_loop3A_696 = arith.index_cast %parallel_loop3A_690 : i32 to index
      %parallel_loop3A_697 = arith.constant 0 : index
      %parallel_loop3A_698 = tpu.vector_load %parallel_loop3A_695[%parallel_loop3A_696, %parallel_loop3A_697] {strides = array<i32>} : memref<2000x16xf32, #tpu.memory_space<vmem>>, vector<16xf32>,
      tpu.vector_store %parallel_loop3A_695[%parallel_loop3A_696, %parallel_loop3A_697], %parallel_loop3A_688 {strides = array<i32>} : memref<2000x16xf32, #tpu.memory_space<vmem>>, vector<16xf32>,
      %parallel_loop3A_699 = arith.constant 13 : i32
      %parallel_loop3A_700 = vector.broadcast %parallel_loop3A_699 : i32 to vector<16x1xi32>
      %parallel_loop3A_701 = vector.shape_cast %parallel_loop3A_700 : vector<16x1xi32> to vector<16xi32>
      %parallel_loop3A_702 = tpu.dynamic_gather %parallel_loop3A_373[%parallel_loop3A_701] in [0] : vector<16xf32>, vector<16xi32> -> vector<16xf32>
      %parallel_loop3A_703 = arith.constant 13 : i32
      %parallel_loop3A_704 = arith.addi %parallel_loop3A_367, %parallel_loop3A_703 : i32
      %parallel_loop3A_705 = arith.constant 0 : i32
      %parallel_loop3A_706 = arith.constant 0 : i32
      %parallel_loop3A_707 = arith.constant 0 : i32
      %parallel_loop3A_708 = tpu.memref_slice %arg9[%parallel_loop3A_705, %parallel_loop3A_706, %parallel_loop3A_707] : memref<3x2000x16xf32, #tpu.memory_space<vmem>> -> memref<1x2000x16xf32, #tpu.memory_space<vmem>>
      %parallel_loop3A_709 = tpu.memref_squeeze %parallel_loop3A_708 : memref<1x2000x16xf32, #tpu.memory_space<vmem>> -> memref<2000x16xf32, #tpu.memory_space<vmem>>
      %parallel_loop3A_710 = arith.index_cast %parallel_loop3A_704 : i32 to index
      %parallel_loop3A_711 = arith.constant 0 : index
      %parallel_loop3A_712 = tpu.vector_load %parallel_loop3A_709[%parallel_loop3A_710, %parallel_loop3A_711] {strides = array<i32>} : memref<2000x16xf32, #tpu.memory_space<vmem>>, vector<16xf32>,
      %parallel_loop3A_713 = arith.mulf %parallel_loop3A_712, %parallel_loop3A_702 : vector<16xf32>
      %parallel_loop3A_714 = arith.constant 13 : i32
      %parallel_loop3A_715 = arith.addi %parallel_loop3A_367, %parallel_loop3A_714 : i32
      %parallel_loop3A_716 = arith.constant 0 : i32
      %parallel_loop3A_717 = arith.constant 0 : i32
      %parallel_loop3A_718 = arith.constant 0 : i32
      %parallel_loop3A_719 = tpu.memref_slice %arg9[%parallel_loop3A_716, %parallel_loop3A_717, %parallel_loop3A_718] : memref<3x2000x16xf32, #tpu.memory_space<vmem>> -> memref<1x2000x16xf32, #tpu.memory_space<vmem>>
      %parallel_loop3A_720 = tpu.memref_squeeze %parallel_loop3A_719 : memref<1x2000x16xf32, #tpu.memory_space<vmem>> -> memref<2000x16xf32, #tpu.memory_space<vmem>>
      %parallel_loop3A_721 = arith.index_cast %parallel_loop3A_715 : i32 to index
      %parallel_loop3A_722 = arith.constant 0 : index
      %parallel_loop3A_723 = tpu.vector_load %parallel_loop3A_720[%parallel_loop3A_721, %parallel_loop3A_722] {strides = array<i32>} : memref<2000x16xf32, #tpu.memory_space<vmem>>, vector<16xf32>,
      tpu.vector_store %parallel_loop3A_720[%parallel_loop3A_721, %parallel_loop3A_722], %parallel_loop3A_713 {strides = array<i32>} : memref<2000x16xf32, #tpu.memory_space<vmem>>, vector<16xf32>,
      %parallel_loop3A_724 = arith.constant 14 : i32
      %parallel_loop3A_725 = vector.broadcast %parallel_loop3A_724 : i32 to vector<16x1xi32>
      %parallel_loop3A_726 = vector.shape_cast %parallel_loop3A_725 : vector<16x1xi32> to vector<16xi32>
      %parallel_loop3A_727 = tpu.dynamic_gather %parallel_loop3A_373[%parallel_loop3A_726] in [0] : vector<16xf32>, vector<16xi32> -> vector<16xf32>
      %parallel_loop3A_728 = arith.constant 14 : i32
      %parallel_loop3A_729 = arith.addi %parallel_loop3A_367, %parallel_loop3A_728 : i32
      %parallel_loop3A_730 = arith.constant 0 : i32
      %parallel_loop3A_731 = arith.constant 0 : i32
      %parallel_loop3A_732 = arith.constant 0 : i32
      %parallel_loop3A_733 = tpu.memref_slice %arg9[%parallel_loop3A_730, %parallel_loop3A_731, %parallel_loop3A_732] : memref<3x2000x16xf32, #tpu.memory_space<vmem>> -> memref<1x2000x16xf32, #tpu.memory_space<vmem>>
      %parallel_loop3A_734 = tpu.memref_squeeze %parallel_loop3A_733 : memref<1x2000x16xf32, #tpu.memory_space<vmem>> -> memref<2000x16xf32, #tpu.memory_space<vmem>>
      %parallel_loop3A_735 = arith.index_cast %parallel_loop3A_729 : i32 to index
      %parallel_loop3A_736 = arith.constant 0 : index
      %parallel_loop3A_737 = tpu.vector_load %parallel_loop3A_734[%parallel_loop3A_735, %parallel_loop3A_736] {strides = array<i32>} : memref<2000x16xf32, #tpu.memory_space<vmem>>, vector<16xf32>,
      %parallel_loop3A_738 = arith.mulf %parallel_loop3A_737, %parallel_loop3A_727 : vector<16xf32>
      %parallel_loop3A_739 = arith.constant 14 : i32
      %parallel_loop3A_740 = arith.addi %parallel_loop3A_367, %parallel_loop3A_739 : i32
      %parallel_loop3A_741 = arith.constant 0 : i32
      %parallel_loop3A_742 = arith.constant 0 : i32
      %parallel_loop3A_743 = arith.constant 0 : i32
      %parallel_loop3A_744 = tpu.memref_slice %arg9[%parallel_loop3A_741, %parallel_loop3A_742, %parallel_loop3A_743] : memref<3x2000x16xf32, #tpu.memory_space<vmem>> -> memref<1x2000x16xf32, #tpu.memory_space<vmem>>
      %parallel_loop3A_745 = tpu.memref_squeeze %parallel_loop3A_744 : memref<1x2000x16xf32, #tpu.memory_space<vmem>> -> memref<2000x16xf32, #tpu.memory_space<vmem>>
      %parallel_loop3A_746 = arith.index_cast %parallel_loop3A_740 : i32 to index
      %parallel_loop3A_747 = arith.constant 0 : index
      %parallel_loop3A_748 = tpu.vector_load %parallel_loop3A_745[%parallel_loop3A_746, %parallel_loop3A_747] {strides = array<i32>} : memref<2000x16xf32, #tpu.memory_space<vmem>>, vector<16xf32>,
      tpu.vector_store %parallel_loop3A_745[%parallel_loop3A_746, %parallel_loop3A_747], %parallel_loop3A_738 {strides = array<i32>} : memref<2000x16xf32, #tpu.memory_space<vmem>>, vector<16xf32>,
      %parallel_loop3A_749 = arith.constant 15 : i32
      %parallel_loop3A_750 = vector.broadcast %parallel_loop3A_749 : i32 to vector<16x1xi32>
      %parallel_loop3A_751 = vector.shape_cast %parallel_loop3A_750 : vector<16x1xi32> to vector<16xi32>
      %parallel_loop3A_752 = tpu.dynamic_gather %parallel_loop3A_373[%parallel_loop3A_751] in [0] : vector<16xf32>, vector<16xi32> -> vector<16xf32>
      %parallel_loop3A_753 = arith.constant 15 : i32
      %parallel_loop3A_754 = arith.addi %parallel_loop3A_367, %parallel_loop3A_753 : i32
      %parallel_loop3A_755 = arith.constant 0 : i32
      %parallel_loop3A_756 = arith.constant 0 : i32
      %parallel_loop3A_757 = arith.constant 0 : i32
      %parallel_loop3A_758 = tpu.memref_slice %arg9[%parallel_loop3A_755, %parallel_loop3A_756, %parallel_loop3A_757] : memref<3x2000x16xf32, #tpu.memory_space<vmem>> -> memref<1x2000x16xf32, #tpu.memory_space<vmem>>
      %parallel_loop3A_759 = tpu.memref_squeeze %parallel_loop3A_758 : memref<1x2000x16xf32, #tpu.memory_space<vmem>> -> memref<2000x16xf32, #tpu.memory_space<vmem>>
      %parallel_loop3A_760 = arith.index_cast %parallel_loop3A_754 : i32 to index
      %parallel_loop3A_761 = arith.constant 0 : index
      %parallel_loop3A_762 = tpu.vector_load %parallel_loop3A_759[%parallel_loop3A_760, %parallel_loop3A_761] {strides = array<i32>} : memref<2000x16xf32, #tpu.memory_space<vmem>>, vector<16xf32>,
      %parallel_loop3A_763 = arith.mulf %parallel_loop3A_762, %parallel_loop3A_752 : vector<16xf32>
      %parallel_loop3A_764 = arith.constant 15 : i32
      %parallel_loop3A_765 = arith.addi %parallel_loop3A_367, %parallel_loop3A_764 : i32
      %parallel_loop3A_766 = arith.constant 0 : i32
      %parallel_loop3A_767 = arith.constant 0 : i32
      %parallel_loop3A_768 = arith.constant 0 : i32
      %parallel_loop3A_769 = tpu.memref_slice %arg9[%parallel_loop3A_766, %parallel_loop3A_767, %parallel_loop3A_768] : memref<3x2000x16xf32, #tpu.memory_space<vmem>> -> memref<1x2000x16xf32, #tpu.memory_space<vmem>>
      %parallel_loop3A_770 = tpu.memref_squeeze %parallel_loop3A_769 : memref<1x2000x16xf32, #tpu.memory_space<vmem>> -> memref<2000x16xf32, #tpu.memory_space<vmem>>
      %parallel_loop3A_771 = arith.index_cast %parallel_loop3A_765 : i32 to index
      %parallel_loop3A_772 = arith.constant 0 : index
      %parallel_loop3A_773 = tpu.vector_load %parallel_loop3A_770[%parallel_loop3A_771, %parallel_loop3A_772] {strides = array<i32>} : memref<2000x16xf32, #tpu.memory_space<vmem>>, vector<16xf32>,
      tpu.vector_store %parallel_loop3A_770[%parallel_loop3A_771, %parallel_loop3A_772], %parallel_loop3A_763 {strides = array<i32>} : memref<2000x16xf32, #tpu.memory_space<vmem>>, vector<16xf32>,
    } {sc.loop_unroll_factor = 2 : i64, sc.parallel_access}
    %dma_start3A_263 = arith.constant 0 : i32
    %dma_start3A_264 = arith.constant 0 : i32
    %dma_start3A_265 = arith.constant 0 : i32
    %dma_start3A_266 = arith.constant 0 : i32
    %dma_start3A_267 = arith.constant 0 : i32
    %dma_start3A_268 = tpu.memref_slice %arg9[%dma_start3A_263, %dma_start3A_266, %dma_start3A_267] : memref<3x2000x16xf32, #tpu.memory_space<vmem>> -> memref<1x2000x16xf32, #tpu.memory_space<vmem>>
    %dma_start3A_269 = tpu.memref_squeeze %dma_start3A_268 : memref<1x2000x16xf32, #tpu.memory_space<vmem>> -> memref<2000x16xf32, #tpu.memory_space<vmem>>
    %dma_start3A_270 = arith.constant 0 : i32
    %dma_start3A_271 = tpu.memref_slice %arg7[%dma_start3A_264, %dma_start3A_270] : memref<3x2000xi32, #tpu.memory_space<vmem>> -> memref<1x2000xi32, #tpu.memory_space<vmem>>
    %dma_start3A_272 = tpu.memref_squeeze %dma_start3A_271 : memref<1x2000xi32, #tpu.memory_space<vmem>> -> memref<2000xi32, #tpu.memory_space<vmem>>
    %dma_start3A_273 = arith.constant 0 : i32
    %dma_start3A_274 = arith.constant 0 : i32
    %dma_start3A_275 = tpu.memref_slice %arg11[%dma_start3A_273, %dma_start3A_274] : memref<10240x16xf32, #tpu.memory_space<vmem_shared>> -> memref<10240x16xf32, #tpu.memory_space<vmem_shared>>
    %dma_start3A_276 = tpu.memref_slice %arg13[%dma_start3A_265] : memref<3x!tpu.dma_semaphore, #tpu.memory_space<semaphore_mem>> -> memref<1x!tpu.dma_semaphore, #tpu.memory_space<semaphore_mem>>
    %dma_start3A_277 = tpu.memref_squeeze %dma_start3A_276 : memref<1x!tpu.dma_semaphore, #tpu.memory_space<semaphore_mem>> -> memref<!tpu.dma_semaphore, #tpu.memory_space<semaphore_mem>>
    tpu.enqueue_indirect_dma source(%dma_start3A_269 : memref<2000x16xf32, #tpu.memory_space<vmem>>) target(%dma_start3A_275 : memref<10240x16xf32, #tpu.memory_space<vmem_shared>>) offsets(%dma_start3A_272 : memref<2000xi32, #tpu.memory_space<vmem>>) semaphore(%dma_start3A_277 : memref<!tpu.dma_semaphore, #tpu.memory_space<semaphore_mem>>) {add = true}
    %dma_wait3A_278 = arith.constant 0 : i32
    %dma_wait3A_279 = arith.constant 1 : i32
    %dma_wait3A_280 = arith.constant 1 : i32
    %dma_wait3A_281 = arith.constant 0 : i32
    %dma_wait3A_282 = arith.constant 0 : i32
    %dma_wait3A_283 = tpu.memref_slice %arg9[%dma_wait3A_279, %dma_wait3A_281, %dma_wait3A_282] : memref<3x2000x16xf32, #tpu.memory_space<vmem>> -> memref<1x2000x16xf32, #tpu.memory_space<vmem>>
    %dma_wait3A_284 = tpu.memref_squeeze %dma_wait3A_283 : memref<1x2000x16xf32, #tpu.memory_space<vmem>> -> memref<2000x16xf32, #tpu.memory_space<vmem>>
    %dma_wait3A_285 = arith.constant 0 : i32
    %dma_wait3A_286 = tpu.memref_slice %arg6[%dma_wait3A_278, %dma_wait3A_285] : memref<2x2000xi32, #tpu.memory_space<vmem>> -> memref<1x2000xi32, #tpu.memory_space<vmem>>
    %dma_wait3A_287 = tpu.memref_squeeze %dma_wait3A_286 : memref<1x2000xi32, #tpu.memory_space<vmem>> -> memref<2000xi32, #tpu.memory_space<vmem>>
    %dma_wait3A_288 = arith.constant 0 : i32
    %dma_wait3A_289 = arith.constant 0 : i32
    %dma_wait3A_290 = tpu.memref_slice %arg2[%dma_wait3A_288, %dma_wait3A_289] : memref<80000x16xf32, #tpu.memory_space<hbm>> -> memref<80000x16xf32, #tpu.memory_space<hbm>>
    %dma_wait3A_291 = tpu.memref_slice %arg12[%dma_wait3A_280] : memref<3x!tpu.dma_semaphore, #tpu.memory_space<semaphore_mem>> -> memref<1x!tpu.dma_semaphore, #tpu.memory_space<semaphore_mem>>
    %dma_wait3A_292 = tpu.memref_squeeze %dma_wait3A_291 : memref<1x!tpu.dma_semaphore, #tpu.memory_space<semaphore_mem>> -> memref<!tpu.dma_semaphore, #tpu.memory_space<semaphore_mem>>
    tpu.wait_indirect_dma semaphore(%dma_wait3A_292 : memref<!tpu.dma_semaphore, #tpu.memory_space<semaphore_mem>>) src(%dma_wait3A_290 : memref<80000x16xf32, #tpu.memory_space<hbm>>) dst(%dma_wait3A_284 : memref<2000x16xf32, #tpu.memory_space<vmem>>)
    %parallel_loop3A_293 = arith.constant 0 : i32
    %parallel_loop3A_294 = arith.constant 2000 : i32
    %parallel_loop3A_295 = arith.constant 16 : i32
    scf.for %parallel_loop3A_367 = %parallel_loop3A_293 to %parallel_loop3A_294 step %parallel_loop3A_295  : i32 {
      %parallel_loop3A_368 = arith.constant 0 : i32
      %parallel_loop3A_369 = arith.constant 0 : i32
      %parallel_loop3A_370 = tpu.memref_slice %arg8[%parallel_loop3A_368, %parallel_loop3A_369] : memref<2x2000xf32, #tpu.memory_space<vmem>> -> memref<1x2000xf32, #tpu.memory_space<vmem>>
      %parallel_loop3A_371 = tpu.memref_squeeze %parallel_loop3A_370 : memref<1x2000xf32, #tpu.memory_space<vmem>> -> memref<2000xf32, #tpu.memory_space<vmem>>
      %parallel_loop3A_372 = arith.index_cast %parallel_loop3A_367 : i32 to index
      %parallel_loop3A_373 = tpu.vector_load %parallel_loop3A_371[%parallel_loop3A_372] {strides = array<i32>} : memref<2000xf32, #tpu.memory_space<vmem>>, vector<16xf32>,
      %parallel_loop3A_374 = arith.constant 0 : i32
      %parallel_loop3A_375 = vector.broadcast %parallel_loop3A_374 : i32 to vector<16x1xi32>
      %parallel_loop3A_376 = vector.shape_cast %parallel_loop3A_375 : vector<16x1xi32> to vector<16xi32>
      %parallel_loop3A_377 = tpu.dynamic_gather %parallel_loop3A_373[%parallel_loop3A_376] in [0] : vector<16xf32>, vector<16xi32> -> vector<16xf32>
      %parallel_loop3A_378 = arith.constant 0 : i32
      %parallel_loop3A_379 = arith.addi %parallel_loop3A_367, %parallel_loop3A_378 : i32
      %parallel_loop3A_380 = arith.constant 1 : i32
      %parallel_loop3A_381 = arith.constant 0 : i32
      %parallel_loop3A_382 = arith.constant 0 : i32
      %parallel_loop3A_383 = tpu.memref_slice %arg9[%parallel_loop3A_380, %parallel_loop3A_381, %parallel_loop3A_382] : memref<3x2000x16xf32, #tpu.memory_space<vmem>> -> memref<1x2000x16xf32, #tpu.memory_space<vmem>>
      %parallel_loop3A_384 = tpu.memref_squeeze %parallel_loop3A_383 : memref<1x2000x16xf32, #tpu.memory_space<vmem>> -> memref<2000x16xf32, #tpu.memory_space<vmem>>
      %parallel_loop3A_385 = arith.index_cast %parallel_loop3A_379 : i32 to index
      %parallel_loop3A_386 = arith.constant 0 : index
      %parallel_loop3A_387 = tpu.vector_load %parallel_loop3A_384[%parallel_loop3A_385, %parallel_loop3A_386] {strides = array<i32>} : memref<2000x16xf32, #tpu.memory_space<vmem>>, vector<16xf32>,
      %parallel_loop3A_388 = arith.mulf %parallel_loop3A_387, %parallel_loop3A_377 : vector<16xf32>
      %parallel_loop3A_389 = arith.constant 0 : i32
      %parallel_loop3A_390 = arith.addi %parallel_loop3A_367, %parallel_loop3A_389 : i32
      %parallel_loop3A_391 = arith.constant 1 : i32
      %parallel_loop3A_392 = arith.constant 0 : i32
      %parallel_loop3A_393 = arith.constant 0 : i32
      %parallel_loop3A_394 = tpu.memref_slice %arg9[%parallel_loop3A_391, %parallel_loop3A_392, %parallel_loop3A_393] : memref<3x2000x16xf32, #tpu.memory_space<vmem>> -> memref<1x2000x16xf32, #tpu.memory_space<vmem>>
      %parallel_loop3A_395 = tpu.memref_squeeze %parallel_loop3A_394 : memref<1x2000x16xf32, #tpu.memory_space<vmem>> -> memref<2000x16xf32, #tpu.memory_space<vmem>>
      %parallel_loop3A_396 = arith.index_cast %parallel_loop3A_390 : i32 to index
      %parallel_loop3A_397 = arith.constant 0 : index
      %parallel_loop3A_398 = tpu.vector_load %parallel_loop3A_395[%parallel_loop3A_396, %parallel_loop3A_397] {strides = array<i32>} : memref<2000x16xf32, #tpu.memory_space<vmem>>, vector<16xf32>,
      tpu.vector_store %parallel_loop3A_395[%parallel_loop3A_396, %parallel_loop3A_397], %parallel_loop3A_388 {strides = array<i32>} : memref<2000x16xf32, #tpu.memory_space<vmem>>, vector<16xf32>,
      %parallel_loop3A_399 = arith.constant 1 : i32
      %parallel_loop3A_400 = vector.broadcast %parallel_loop3A_399 : i32 to vector<16x1xi32>
      %parallel_loop3A_401 = vector.shape_cast %parallel_loop3A_400 : vector<16x1xi32> to vector<16xi32>
      %parallel_loop3A_402 = tpu.dynamic_gather %parallel_loop3A_373[%parallel_loop3A_401] in [0] : vector<16xf32>, vector<16xi32> -> vector<16xf32>
      %parallel_loop3A_403 = arith.constant 1 : i32
      %parallel_loop3A_404 = arith.addi %parallel_loop3A_367, %parallel_loop3A_403 : i32
      %parallel_loop3A_405 = arith.constant 1 : i32
      %parallel_loop3A_406 = arith.constant 0 : i32
      %parallel_loop3A_407 = arith.constant 0 : i32
      %parallel_loop3A_408 = tpu.memref_slice %arg9[%parallel_loop3A_405, %parallel_loop3A_406, %parallel_loop3A_407] : memref<3x2000x16xf32, #tpu.memory_space<vmem>> -> memref<1x2000x16xf32, #tpu.memory_space<vmem>>
      %parallel_loop3A_409 = tpu.memref_squeeze %parallel_loop3A_408 : memref<1x2000x16xf32, #tpu.memory_space<vmem>> -> memref<2000x16xf32, #tpu.memory_space<vmem>>
      %parallel_loop3A_410 = arith.index_cast %parallel_loop3A_404 : i32 to index
      %parallel_loop3A_411 = arith.constant 0 : index
      %parallel_loop3A_412 = tpu.vector_load %parallel_loop3A_409[%parallel_loop3A_410, %parallel_loop3A_411] {strides = array<i32>} : memref<2000x16xf32, #tpu.memory_space<vmem>>, vector<16xf32>,
      %parallel_loop3A_413 = arith.mulf %parallel_loop3A_412, %parallel_loop3A_402 : vector<16xf32>
      %parallel_loop3A_414 = arith.constant 1 : i32
      %parallel_loop3A_415 = arith.addi %parallel_loop3A_367, %parallel_loop3A_414 : i32
      %parallel_loop3A_416 = arith.constant 1 : i32
      %parallel_loop3A_417 = arith.constant 0 : i32
      %parallel_loop3A_418 = arith.constant 0 : i32
      %parallel_loop3A_419 = tpu.memref_slice %arg9[%parallel_loop3A_416, %parallel_loop3A_417, %parallel_loop3A_418] : memref<3x2000x16xf32, #tpu.memory_space<vmem>> -> memref<1x2000x16xf32, #tpu.memory_space<vmem>>
      %parallel_loop3A_420 = tpu.memref_squeeze %parallel_loop3A_419 : memref<1x2000x16xf32, #tpu.memory_space<vmem>> -> memref<2000x16xf32, #tpu.memory_space<vmem>>
      %parallel_loop3A_421 = arith.index_cast %parallel_loop3A_415 : i32 to index
      %parallel_loop3A_422 = arith.constant 0 : index
      %parallel_loop3A_423 = tpu.vector_load %parallel_loop3A_420[%parallel_loop3A_421, %parallel_loop3A_422] {strides = array<i32>} : memref<2000x16xf32, #tpu.memory_space<vmem>>, vector<16xf32>,
      tpu.vector_store %parallel_loop3A_420[%parallel_loop3A_421, %parallel_loop3A_422], %parallel_loop3A_413 {strides = array<i32>} : memref<2000x16xf32, #tpu.memory_space<vmem>>, vector<16xf32>,
      %parallel_loop3A_424 = arith.constant 2 : i32
      %parallel_loop3A_425 = vector.broadcast %parallel_loop3A_424 : i32 to vector<16x1xi32>
      %parallel_loop3A_426 = vector.shape_cast %parallel_loop3A_425 : vector<16x1xi32> to vector<16xi32>
      %parallel_loop3A_427 = tpu.dynamic_gather %parallel_loop3A_373[%parallel_loop3A_426] in [0] : vector<16xf32>, vector<16xi32> -> vector<16xf32>
      %parallel_loop3A_428 = arith.constant 2 : i32
      %parallel_loop3A_429 = arith.addi %parallel_loop3A_367, %parallel_loop3A_428 : i32
      %parallel_loop3A_430 = arith.constant 1 : i32
      %parallel_loop3A_431 = arith.constant 0 : i32
      %parallel_loop3A_432 = arith.constant 0 : i32
      %parallel_loop3A_433 = tpu.memref_slice %arg9[%parallel_loop3A_430, %parallel_loop3A_431, %parallel_loop3A_432] : memref<3x2000x16xf32, #tpu.memory_space<vmem>> -> memref<1x2000x16xf32, #tpu.memory_space<vmem>>
      %parallel_loop3A_434 = tpu.memref_squeeze %parallel_loop3A_433 : memref<1x2000x16xf32, #tpu.memory_space<vmem>> -> memref<2000x16xf32, #tpu.memory_space<vmem>>
      %parallel_loop3A_435 = arith.index_cast %parallel_loop3A_429 : i32 to index
      %parallel_loop3A_436 = arith.constant 0 : index
      %parallel_loop3A_437 = tpu.vector_load %parallel_loop3A_434[%parallel_loop3A_435, %parallel_loop3A_436] {strides = array<i32>} : memref<2000x16xf32, #tpu.memory_space<vmem>>, vector<16xf32>,
      %parallel_loop3A_438 = arith.mulf %parallel_loop3A_437, %parallel_loop3A_427 : vector<16xf32>
      %parallel_loop3A_439 = arith.constant 2 : i32
      %parallel_loop3A_440 = arith.addi %parallel_loop3A_367, %parallel_loop3A_439 : i32
      %parallel_loop3A_441 = arith.constant 1 : i32
      %parallel_loop3A_442 = arith.constant 0 : i32
      %parallel_loop3A_443 = arith.constant 0 : i32
      %parallel_loop3A_444 = tpu.memref_slice %arg9[%parallel_loop3A_441, %parallel_loop3A_442, %parallel_loop3A_443] : memref<3x2000x16xf32, #tpu.memory_space<vmem>> -> memref<1x2000x16xf32, #tpu.memory_space<vmem>>
      %parallel_loop3A_445 = tpu.memref_squeeze %parallel_loop3A_444 : memref<1x2000x16xf32, #tpu.memory_space<vmem>> -> memref<2000x16xf32, #tpu.memory_space<vmem>>
      %parallel_loop3A_446 = arith.index_cast %parallel_loop3A_440 : i32 to index
      %parallel_loop3A_447 = arith.constant 0 : index
      %parallel_loop3A_448 = tpu.vector_load %parallel_loop3A_445[%parallel_loop3A_446, %parallel_loop3A_447] {strides = array<i32>} : memref<2000x16xf32, #tpu.memory_space<vmem>>, vector<16xf32>,
      tpu.vector_store %parallel_loop3A_445[%parallel_loop3A_446, %parallel_loop3A_447], %parallel_loop3A_438 {strides = array<i32>} : memref<2000x16xf32, #tpu.memory_space<vmem>>, vector<16xf32>,
      %parallel_loop3A_449 = arith.constant 3 : i32
      %parallel_loop3A_450 = vector.broadcast %parallel_loop3A_449 : i32 to vector<16x1xi32>
      %parallel_loop3A_451 = vector.shape_cast %parallel_loop3A_450 : vector<16x1xi32> to vector<16xi32>
      %parallel_loop3A_452 = tpu.dynamic_gather %parallel_loop3A_373[%parallel_loop3A_451] in [0] : vector<16xf32>, vector<16xi32> -> vector<16xf32>
      %parallel_loop3A_453 = arith.constant 3 : i32
      %parallel_loop3A_454 = arith.addi %parallel_loop3A_367, %parallel_loop3A_453 : i32
      %parallel_loop3A_455 = arith.constant 1 : i32
      %parallel_loop3A_456 = arith.constant 0 : i32
      %parallel_loop3A_457 = arith.constant 0 : i32
      %parallel_loop3A_458 = tpu.memref_slice %arg9[%parallel_loop3A_455, %parallel_loop3A_456, %parallel_loop3A_457] : memref<3x2000x16xf32, #tpu.memory_space<vmem>> -> memref<1x2000x16xf32, #tpu.memory_space<vmem>>
      %parallel_loop3A_459 = tpu.memref_squeeze %parallel_loop3A_458 : memref<1x2000x16xf32, #tpu.memory_space<vmem>> -> memref<2000x16xf32, #tpu.memory_space<vmem>>
      %parallel_loop3A_460 = arith.index_cast %parallel_loop3A_454 : i32 to index
      %parallel_loop3A_461 = arith.constant 0 : index
      %parallel_loop3A_462 = tpu.vector_load %parallel_loop3A_459[%parallel_loop3A_460, %parallel_loop3A_461] {strides = array<i32>} : memref<2000x16xf32, #tpu.memory_space<vmem>>, vector<16xf32>,
      %parallel_loop3A_463 = arith.mulf %parallel_loop3A_462, %parallel_loop3A_452 : vector<16xf32>
      %parallel_loop3A_464 = arith.constant 3 : i32
      %parallel_loop3A_465 = arith.addi %parallel_loop3A_367, %parallel_loop3A_464 : i32
      %parallel_loop3A_466 = arith.constant 1 : i32
      %parallel_loop3A_467 = arith.constant 0 : i32
      %parallel_loop3A_468 = arith.constant 0 : i32
      %parallel_loop3A_469 = tpu.memref_slice %arg9[%parallel_loop3A_466, %parallel_loop3A_467, %parallel_loop3A_468] : memref<3x2000x16xf32, #tpu.memory_space<vmem>> -> memref<1x2000x16xf32, #tpu.memory_space<vmem>>
      %parallel_loop3A_470 = tpu.memref_squeeze %parallel_loop3A_469 : memref<1x2000x16xf32, #tpu.memory_space<vmem>> -> memref<2000x16xf32, #tpu.memory_space<vmem>>
      %parallel_loop3A_471 = arith.index_cast %parallel_loop3A_465 : i32 to index
      %parallel_loop3A_472 = arith.constant 0 : index
      %parallel_loop3A_473 = tpu.vector_load %parallel_loop3A_470[%parallel_loop3A_471, %parallel_loop3A_472] {strides = array<i32>} : memref<2000x16xf32, #tpu.memory_space<vmem>>, vector<16xf32>,
      tpu.vector_store %parallel_loop3A_470[%parallel_loop3A_471, %parallel_loop3A_472], %parallel_loop3A_463 {strides = array<i32>} : memref<2000x16xf32, #tpu.memory_space<vmem>>, vector<16xf32>,
      %parallel_loop3A_474 = arith.constant 4 : i32
      %parallel_loop3A_475 = vector.broadcast %parallel_loop3A_474 : i32 to vector<16x1xi32>
      %parallel_loop3A_476 = vector.shape_cast %parallel_loop3A_475 : vector<16x1xi32> to vector<16xi32>
      %parallel_loop3A_477 = tpu.dynamic_gather %parallel_loop3A_373[%parallel_loop3A_476] in [0] : vector<16xf32>, vector<16xi32> -> vector<16xf32>
      %parallel_loop3A_478 = arith.constant 4 : i32
      %parallel_loop3A_479 = arith.addi %parallel_loop3A_367, %parallel_loop3A_478 : i32
      %parallel_loop3A_480 = arith.constant 1 : i32
      %parallel_loop3A_481 = arith.constant 0 : i32
      %parallel_loop3A_482 = arith.constant 0 : i32
      %parallel_loop3A_483 = tpu.memref_slice %arg9[%parallel_loop3A_480, %parallel_loop3A_481, %parallel_loop3A_482] : memref<3x2000x16xf32, #tpu.memory_space<vmem>> -> memref<1x2000x16xf32, #tpu.memory_space<vmem>>
      %parallel_loop3A_484 = tpu.memref_squeeze %parallel_loop3A_483 : memref<1x2000x16xf32, #tpu.memory_space<vmem>> -> memref<2000x16xf32, #tpu.memory_space<vmem>>
      %parallel_loop3A_485 = arith.index_cast %parallel_loop3A_479 : i32 to index
      %parallel_loop3A_486 = arith.constant 0 : index
      %parallel_loop3A_487 = tpu.vector_load %parallel_loop3A_484[%parallel_loop3A_485, %parallel_loop3A_486] {strides = array<i32>} : memref<2000x16xf32, #tpu.memory_space<vmem>>, vector<16xf32>,
      %parallel_loop3A_488 = arith.mulf %parallel_loop3A_487, %parallel_loop3A_477 : vector<16xf32>
      %parallel_loop3A_489 = arith.constant 4 : i32
      %parallel_loop3A_490 = arith.addi %parallel_loop3A_367, %parallel_loop3A_489 : i32
      %parallel_loop3A_491 = arith.constant 1 : i32
      %parallel_loop3A_492 = arith.constant 0 : i32
      %parallel_loop3A_493 = arith.constant 0 : i32
      %parallel_loop3A_494 = tpu.memref_slice %arg9[%parallel_loop3A_491, %parallel_loop3A_492, %parallel_loop3A_493] : memref<3x2000x16xf32, #tpu.memory_space<vmem>> -> memref<1x2000x16xf32, #tpu.memory_space<vmem>>
      %parallel_loop3A_495 = tpu.memref_squeeze %parallel_loop3A_494 : memref<1x2000x16xf32, #tpu.memory_space<vmem>> -> memref<2000x16xf32, #tpu.memory_space<vmem>>
      %parallel_loop3A_496 = arith.index_cast %parallel_loop3A_490 : i32 to index
      %parallel_loop3A_497 = arith.constant 0 : index
      %parallel_loop3A_498 = tpu.vector_load %parallel_loop3A_495[%parallel_loop3A_496, %parallel_loop3A_497] {strides = array<i32>} : memref<2000x16xf32, #tpu.memory_space<vmem>>, vector<16xf32>,
      tpu.vector_store %parallel_loop3A_495[%parallel_loop3A_496, %parallel_loop3A_497], %parallel_loop3A_488 {strides = array<i32>} : memref<2000x16xf32, #tpu.memory_space<vmem>>, vector<16xf32>,
      %parallel_loop3A_499 = arith.constant 5 : i32
      %parallel_loop3A_500 = vector.broadcast %parallel_loop3A_499 : i32 to vector<16x1xi32>
      %parallel_loop3A_501 = vector.shape_cast %parallel_loop3A_500 : vector<16x1xi32> to vector<16xi32>
      %parallel_loop3A_502 = tpu.dynamic_gather %parallel_loop3A_373[%parallel_loop3A_501] in [0] : vector<16xf32>, vector<16xi32> -> vector<16xf32>
      %parallel_loop3A_503 = arith.constant 5 : i32
      %parallel_loop3A_504 = arith.addi %parallel_loop3A_367, %parallel_loop3A_503 : i32
      %parallel_loop3A_505 = arith.constant 1 : i32
      %parallel_loop3A_506 = arith.constant 0 : i32
      %parallel_loop3A_507 = arith.constant 0 : i32
      %parallel_loop3A_508 = tpu.memref_slice %arg9[%parallel_loop3A_505, %parallel_loop3A_506, %parallel_loop3A_507] : memref<3x2000x16xf32, #tpu.memory_space<vmem>> -> memref<1x2000x16xf32, #tpu.memory_space<vmem>>
      %parallel_loop3A_509 = tpu.memref_squeeze %parallel_loop3A_508 : memref<1x2000x16xf32, #tpu.memory_space<vmem>> -> memref<2000x16xf32, #tpu.memory_space<vmem>>
      %parallel_loop3A_510 = arith.index_cast %parallel_loop3A_504 : i32 to index
      %parallel_loop3A_511 = arith.constant 0 : index
      %parallel_loop3A_512 = tpu.vector_load %parallel_loop3A_509[%parallel_loop3A_510, %parallel_loop3A_511] {strides = array<i32>} : memref<2000x16xf32, #tpu.memory_space<vmem>>, vector<16xf32>,
      %parallel_loop3A_513 = arith.mulf %parallel_loop3A_512, %parallel_loop3A_502 : vector<16xf32>
      %parallel_loop3A_514 = arith.constant 5 : i32
      %parallel_loop3A_515 = arith.addi %parallel_loop3A_367, %parallel_loop3A_514 : i32
      %parallel_loop3A_516 = arith.constant 1 : i32
      %parallel_loop3A_517 = arith.constant 0 : i32
      %parallel_loop3A_518 = arith.constant 0 : i32
      %parallel_loop3A_519 = tpu.memref_slice %arg9[%parallel_loop3A_516, %parallel_loop3A_517, %parallel_loop3A_518] : memref<3x2000x16xf32, #tpu.memory_space<vmem>> -> memref<1x2000x16xf32, #tpu.memory_space<vmem>>
      %parallel_loop3A_520 = tpu.memref_squeeze %parallel_loop3A_519 : memref<1x2000x16xf32, #tpu.memory_space<vmem>> -> memref<2000x16xf32, #tpu.memory_space<vmem>>
      %parallel_loop3A_521 = arith.index_cast %parallel_loop3A_515 : i32 to index
      %parallel_loop3A_522 = arith.constant 0 : index
      %parallel_loop3A_523 = tpu.vector_load %parallel_loop3A_520[%parallel_loop3A_521, %parallel_loop3A_522] {strides = array<i32>} : memref<2000x16xf32, #tpu.memory_space<vmem>>, vector<16xf32>,
      tpu.vector_store %parallel_loop3A_520[%parallel_loop3A_521, %parallel_loop3A_522], %parallel_loop3A_513 {strides = array<i32>} : memref<2000x16xf32, #tpu.memory_space<vmem>>, vector<16xf32>,
      %parallel_loop3A_524 = arith.constant 6 : i32
      %parallel_loop3A_525 = vector.broadcast %parallel_loop3A_524 : i32 to vector<16x1xi32>
      %parallel_loop3A_526 = vector.shape_cast %parallel_loop3A_525 : vector<16x1xi32> to vector<16xi32>
      %parallel_loop3A_527 = tpu.dynamic_gather %parallel_loop3A_373[%parallel_loop3A_526] in [0] : vector<16xf32>, vector<16xi32> -> vector<16xf32>
      %parallel_loop3A_528 = arith.constant 6 : i32
      %parallel_loop3A_529 = arith.addi %parallel_loop3A_367, %parallel_loop3A_528 : i32
      %parallel_loop3A_530 = arith.constant 1 : i32
      %parallel_loop3A_531 = arith.constant 0 : i32
      %parallel_loop3A_532 = arith.constant 0 : i32
      %parallel_loop3A_533 = tpu.memref_slice %arg9[%parallel_loop3A_530, %parallel_loop3A_531, %parallel_loop3A_532] : memref<3x2000x16xf32, #tpu.memory_space<vmem>> -> memref<1x2000x16xf32, #tpu.memory_space<vmem>>
      %parallel_loop3A_534 = tpu.memref_squeeze %parallel_loop3A_533 : memref<1x2000x16xf32, #tpu.memory_space<vmem>> -> memref<2000x16xf32, #tpu.memory_space<vmem>>
      %parallel_loop3A_535 = arith.index_cast %parallel_loop3A_529 : i32 to index
      %parallel_loop3A_536 = arith.constant 0 : index
      %parallel_loop3A_537 = tpu.vector_load %parallel_loop3A_534[%parallel_loop3A_535, %parallel_loop3A_536] {strides = array<i32>} : memref<2000x16xf32, #tpu.memory_space<vmem>>, vector<16xf32>,
      %parallel_loop3A_538 = arith.mulf %parallel_loop3A_537, %parallel_loop3A_527 : vector<16xf32>
      %parallel_loop3A_539 = arith.constant 6 : i32
      %parallel_loop3A_540 = arith.addi %parallel_loop3A_367, %parallel_loop3A_539 : i32
      %parallel_loop3A_541 = arith.constant 1 : i32
      %parallel_loop3A_542 = arith.constant 0 : i32
      %parallel_loop3A_543 = arith.constant 0 : i32
      %parallel_loop3A_544 = tpu.memref_slice %arg9[%parallel_loop3A_541, %parallel_loop3A_542, %parallel_loop3A_543] : memref<3x2000x16xf32, #tpu.memory_space<vmem>> -> memref<1x2000x16xf32, #tpu.memory_space<vmem>>
      %parallel_loop3A_545 = tpu.memref_squeeze %parallel_loop3A_544 : memref<1x2000x16xf32, #tpu.memory_space<vmem>> -> memref<2000x16xf32, #tpu.memory_space<vmem>>
      %parallel_loop3A_546 = arith.index_cast %parallel_loop3A_540 : i32 to index
      %parallel_loop3A_547 = arith.constant 0 : index
      %parallel_loop3A_548 = tpu.vector_load %parallel_loop3A_545[%parallel_loop3A_546, %parallel_loop3A_547] {strides = array<i32>} : memref<2000x16xf32, #tpu.memory_space<vmem>>, vector<16xf32>,
      tpu.vector_store %parallel_loop3A_545[%parallel_loop3A_546, %parallel_loop3A_547], %parallel_loop3A_538 {strides = array<i32>} : memref<2000x16xf32, #tpu.memory_space<vmem>>, vector<16xf32>,
      %parallel_loop3A_549 = arith.constant 7 : i32
      %parallel_loop3A_550 = vector.broadcast %parallel_loop3A_549 : i32 to vector<16x1xi32>
      %parallel_loop3A_551 = vector.shape_cast %parallel_loop3A_550 : vector<16x1xi32> to vector<16xi32>
      %parallel_loop3A_552 = tpu.dynamic_gather %parallel_loop3A_373[%parallel_loop3A_551] in [0] : vector<16xf32>, vector<16xi32> -> vector<16xf32>
      %parallel_loop3A_553 = arith.constant 7 : i32
      %parallel_loop3A_554 = arith.addi %parallel_loop3A_367, %parallel_loop3A_553 : i32
      %parallel_loop3A_555 = arith.constant 1 : i32
      %parallel_loop3A_556 = arith.constant 0 : i32
      %parallel_loop3A_557 = arith.constant 0 : i32
      %parallel_loop3A_558 = tpu.memref_slice %arg9[%parallel_loop3A_555, %parallel_loop3A_556, %parallel_loop3A_557] : memref<3x2000x16xf32, #tpu.memory_space<vmem>> -> memref<1x2000x16xf32, #tpu.memory_space<vmem>>
      %parallel_loop3A_559 = tpu.memref_squeeze %parallel_loop3A_558 : memref<1x2000x16xf32, #tpu.memory_space<vmem>> -> memref<2000x16xf32, #tpu.memory_space<vmem>>
      %parallel_loop3A_560 = arith.index_cast %parallel_loop3A_554 : i32 to index
      %parallel_loop3A_561 = arith.constant 0 : index
      %parallel_loop3A_562 = tpu.vector_load %parallel_loop3A_559[%parallel_loop3A_560, %parallel_loop3A_561] {strides = array<i32>} : memref<2000x16xf32, #tpu.memory_space<vmem>>, vector<16xf32>,
      %parallel_loop3A_563 = arith.mulf %parallel_loop3A_562, %parallel_loop3A_552 : vector<16xf32>
      %parallel_loop3A_564 = arith.constant 7 : i32
      %parallel_loop3A_565 = arith.addi %parallel_loop3A_367, %parallel_loop3A_564 : i32
      %parallel_loop3A_566 = arith.constant 1 : i32
      %parallel_loop3A_567 = arith.constant 0 : i32
      %parallel_loop3A_568 = arith.constant 0 : i32
      %parallel_loop3A_569 = tpu.memref_slice %arg9[%parallel_loop3A_566, %parallel_loop3A_567, %parallel_loop3A_568] : memref<3x2000x16xf32, #tpu.memory_space<vmem>> -> memref<1x2000x16xf32, #tpu.memory_space<vmem>>
      %parallel_loop3A_570 = tpu.memref_squeeze %parallel_loop3A_569 : memref<1x2000x16xf32, #tpu.memory_space<vmem>> -> memref<2000x16xf32, #tpu.memory_space<vmem>>
      %parallel_loop3A_571 = arith.index_cast %parallel_loop3A_565 : i32 to index
      %parallel_loop3A_572 = arith.constant 0 : index
      %parallel_loop3A_573 = tpu.vector_load %parallel_loop3A_570[%parallel_loop3A_571, %parallel_loop3A_572] {strides = array<i32>} : memref<2000x16xf32, #tpu.memory_space<vmem>>, vector<16xf32>,
      tpu.vector_store %parallel_loop3A_570[%parallel_loop3A_571, %parallel_loop3A_572], %parallel_loop3A_563 {strides = array<i32>} : memref<2000x16xf32, #tpu.memory_space<vmem>>, vector<16xf32>,
      %parallel_loop3A_574 = arith.constant 8 : i32
      %parallel_loop3A_575 = vector.broadcast %parallel_loop3A_574 : i32 to vector<16x1xi32>
      %parallel_loop3A_576 = vector.shape_cast %parallel_loop3A_575 : vector<16x1xi32> to vector<16xi32>
      %parallel_loop3A_577 = tpu.dynamic_gather %parallel_loop3A_373[%parallel_loop3A_576] in [0] : vector<16xf32>, vector<16xi32> -> vector<16xf32>
      %parallel_loop3A_578 = arith.constant 8 : i32
      %parallel_loop3A_579 = arith.addi %parallel_loop3A_367, %parallel_loop3A_578 : i32
      %parallel_loop3A_580 = arith.constant 1 : i32
      %parallel_loop3A_581 = arith.constant 0 : i32
      %parallel_loop3A_582 = arith.constant 0 : i32
      %parallel_loop3A_583 = tpu.memref_slice %arg9[%parallel_loop3A_580, %parallel_loop3A_581, %parallel_loop3A_582] : memref<3x2000x16xf32, #tpu.memory_space<vmem>> -> memref<1x2000x16xf32, #tpu.memory_space<vmem>>
      %parallel_loop3A_584 = tpu.memref_squeeze %parallel_loop3A_583 : memref<1x2000x16xf32, #tpu.memory_space<vmem>> -> memref<2000x16xf32, #tpu.memory_space<vmem>>
      %parallel_loop3A_585 = arith.index_cast %parallel_loop3A_579 : i32 to index
      %parallel_loop3A_586 = arith.constant 0 : index
      %parallel_loop3A_587 = tpu.vector_load %parallel_loop3A_584[%parallel_loop3A_585, %parallel_loop3A_586] {strides = array<i32>} : memref<2000x16xf32, #tpu.memory_space<vmem>>, vector<16xf32>,
      %parallel_loop3A_588 = arith.mulf %parallel_loop3A_587, %parallel_loop3A_577 : vector<16xf32>
      %parallel_loop3A_589 = arith.constant 8 : i32
      %parallel_loop3A_590 = arith.addi %parallel_loop3A_367, %parallel_loop3A_589 : i32
      %parallel_loop3A_591 = arith.constant 1 : i32
      %parallel_loop3A_592 = arith.constant 0 : i32
      %parallel_loop3A_593 = arith.constant 0 : i32
      %parallel_loop3A_594 = tpu.memref_slice %arg9[%parallel_loop3A_591, %parallel_loop3A_592, %parallel_loop3A_593] : memref<3x2000x16xf32, #tpu.memory_space<vmem>> -> memref<1x2000x16xf32, #tpu.memory_space<vmem>>
      %parallel_loop3A_595 = tpu.memref_squeeze %parallel_loop3A_594 : memref<1x2000x16xf32, #tpu.memory_space<vmem>> -> memref<2000x16xf32, #tpu.memory_space<vmem>>
      %parallel_loop3A_596 = arith.index_cast %parallel_loop3A_590 : i32 to index
      %parallel_loop3A_597 = arith.constant 0 : index
      %parallel_loop3A_598 = tpu.vector_load %parallel_loop3A_595[%parallel_loop3A_596, %parallel_loop3A_597] {strides = array<i32>} : memref<2000x16xf32, #tpu.memory_space<vmem>>, vector<16xf32>,
      tpu.vector_store %parallel_loop3A_595[%parallel_loop3A_596, %parallel_loop3A_597], %parallel_loop3A_588 {strides = array<i32>} : memref<2000x16xf32, #tpu.memory_space<vmem>>, vector<16xf32>,
      %parallel_loop3A_599 = arith.constant 9 : i32
      %parallel_loop3A_600 = vector.broadcast %parallel_loop3A_599 : i32 to vector<16x1xi32>
      %parallel_loop3A_601 = vector.shape_cast %parallel_loop3A_600 : vector<16x1xi32> to vector<16xi32>
      %parallel_loop3A_602 = tpu.dynamic_gather %parallel_loop3A_373[%parallel_loop3A_601] in [0] : vector<16xf32>, vector<16xi32> -> vector<16xf32>
      %parallel_loop3A_603 = arith.constant 9 : i32
      %parallel_loop3A_604 = arith.addi %parallel_loop3A_367, %parallel_loop3A_603 : i32
      %parallel_loop3A_605 = arith.constant 1 : i32
      %parallel_loop3A_606 = arith.constant 0 : i32
      %parallel_loop3A_607 = arith.constant 0 : i32
      %parallel_loop3A_608 = tpu.memref_slice %arg9[%parallel_loop3A_605, %parallel_loop3A_606, %parallel_loop3A_607] : memref<3x2000x16xf32, #tpu.memory_space<vmem>> -> memref<1x2000x16xf32, #tpu.memory_space<vmem>>
      %parallel_loop3A_609 = tpu.memref_squeeze %parallel_loop3A_608 : memref<1x2000x16xf32, #tpu.memory_space<vmem>> -> memref<2000x16xf32, #tpu.memory_space<vmem>>
      %parallel_loop3A_610 = arith.index_cast %parallel_loop3A_604 : i32 to index
      %parallel_loop3A_611 = arith.constant 0 : index
      %parallel_loop3A_612 = tpu.vector_load %parallel_loop3A_609[%parallel_loop3A_610, %parallel_loop3A_611] {strides = array<i32>} : memref<2000x16xf32, #tpu.memory_space<vmem>>, vector<16xf32>,
      %parallel_loop3A_613 = arith.mulf %parallel_loop3A_612, %parallel_loop3A_602 : vector<16xf32>
      %parallel_loop3A_614 = arith.constant 9 : i32
      %parallel_loop3A_615 = arith.addi %parallel_loop3A_367, %parallel_loop3A_614 : i32
      %parallel_loop3A_616 = arith.constant 1 : i32
      %parallel_loop3A_617 = arith.constant 0 : i32
      %parallel_loop3A_618 = arith.constant 0 : i32
      %parallel_loop3A_619 = tpu.memref_slice %arg9[%parallel_loop3A_616, %parallel_loop3A_617, %parallel_loop3A_618] : memref<3x2000x16xf32, #tpu.memory_space<vmem>> -> memref<1x2000x16xf32, #tpu.memory_space<vmem>>
      %parallel_loop3A_620 = tpu.memref_squeeze %parallel_loop3A_619 : memref<1x2000x16xf32, #tpu.memory_space<vmem>> -> memref<2000x16xf32, #tpu.memory_space<vmem>>
      %parallel_loop3A_621 = arith.index_cast %parallel_loop3A_615 : i32 to index
      %parallel_loop3A_622 = arith.constant 0 : index
      %parallel_loop3A_623 = tpu.vector_load %parallel_loop3A_620[%parallel_loop3A_621, %parallel_loop3A_622] {strides = array<i32>} : memref<2000x16xf32, #tpu.memory_space<vmem>>, vector<16xf32>,
      tpu.vector_store %parallel_loop3A_620[%parallel_loop3A_621, %parallel_loop3A_622], %parallel_loop3A_613 {strides = array<i32>} : memref<2000x16xf32, #tpu.memory_space<vmem>>, vector<16xf32>,
      %parallel_loop3A_624 = arith.constant 10 : i32
      %parallel_loop3A_625 = vector.broadcast %parallel_loop3A_624 : i32 to vector<16x1xi32>
      %parallel_loop3A_626 = vector.shape_cast %parallel_loop3A_625 : vector<16x1xi32> to vector<16xi32>
      %parallel_loop3A_627 = tpu.dynamic_gather %parallel_loop3A_373[%parallel_loop3A_626] in [0] : vector<16xf32>, vector<16xi32> -> vector<16xf32>
      %parallel_loop3A_628 = arith.constant 10 : i32
      %parallel_loop3A_629 = arith.addi %parallel_loop3A_367, %parallel_loop3A_628 : i32
      %parallel_loop3A_630 = arith.constant 1 : i32
      %parallel_loop3A_631 = arith.constant 0 : i32
      %parallel_loop3A_632 = arith.constant 0 : i32
      %parallel_loop3A_633 = tpu.memref_slice %arg9[%parallel_loop3A_630, %parallel_loop3A_631, %parallel_loop3A_632] : memref<3x2000x16xf32, #tpu.memory_space<vmem>> -> memref<1x2000x16xf32, #tpu.memory_space<vmem>>
      %parallel_loop3A_634 = tpu.memref_squeeze %parallel_loop3A_633 : memref<1x2000x16xf32, #tpu.memory_space<vmem>> -> memref<2000x16xf32, #tpu.memory_space<vmem>>
      %parallel_loop3A_635 = arith.index_cast %parallel_loop3A_629 : i32 to index
      %parallel_loop3A_636 = arith.constant 0 : index
      %parallel_loop3A_637 = tpu.vector_load %parallel_loop3A_634[%parallel_loop3A_635, %parallel_loop3A_636] {strides = array<i32>} : memref<2000x16xf32, #tpu.memory_space<vmem>>, vector<16xf32>,
      %parallel_loop3A_638 = arith.mulf %parallel_loop3A_637, %parallel_loop3A_627 : vector<16xf32>
      %parallel_loop3A_639 = arith.constant 10 : i32
      %parallel_loop3A_640 = arith.addi %parallel_loop3A_367, %parallel_loop3A_639 : i32
      %parallel_loop3A_641 = arith.constant 1 : i32
      %parallel_loop3A_642 = arith.constant 0 : i32
      %parallel_loop3A_643 = arith.constant 0 : i32
      %parallel_loop3A_644 = tpu.memref_slice %arg9[%parallel_loop3A_641, %parallel_loop3A_642, %parallel_loop3A_643] : memref<3x2000x16xf32, #tpu.memory_space<vmem>> -> memref<1x2000x16xf32, #tpu.memory_space<vmem>>
      %parallel_loop3A_645 = tpu.memref_squeeze %parallel_loop3A_644 : memref<1x2000x16xf32, #tpu.memory_space<vmem>> -> memref<2000x16xf32, #tpu.memory_space<vmem>>
      %parallel_loop3A_646 = arith.index_cast %parallel_loop3A_640 : i32 to index
      %parallel_loop3A_647 = arith.constant 0 : index
      %parallel_loop3A_648 = tpu.vector_load %parallel_loop3A_645[%parallel_loop3A_646, %parallel_loop3A_647] {strides = array<i32>} : memref<2000x16xf32, #tpu.memory_space<vmem>>, vector<16xf32>,
      tpu.vector_store %parallel_loop3A_645[%parallel_loop3A_646, %parallel_loop3A_647], %parallel_loop3A_638 {strides = array<i32>} : memref<2000x16xf32, #tpu.memory_space<vmem>>, vector<16xf32>,
      %parallel_loop3A_649 = arith.constant 11 : i32
      %parallel_loop3A_650 = vector.broadcast %parallel_loop3A_649 : i32 to vector<16x1xi32>
      %parallel_loop3A_651 = vector.shape_cast %parallel_loop3A_650 : vector<16x1xi32> to vector<16xi32>
      %parallel_loop3A_652 = tpu.dynamic_gather %parallel_loop3A_373[%parallel_loop3A_651] in [0] : vector<16xf32>, vector<16xi32> -> vector<16xf32>
      %parallel_loop3A_653 = arith.constant 11 : i32
      %parallel_loop3A_654 = arith.addi %parallel_loop3A_367, %parallel_loop3A_653 : i32
      %parallel_loop3A_655 = arith.constant 1 : i32
      %parallel_loop3A_656 = arith.constant 0 : i32
      %parallel_loop3A_657 = arith.constant 0 : i32
      %parallel_loop3A_658 = tpu.memref_slice %arg9[%parallel_loop3A_655, %parallel_loop3A_656, %parallel_loop3A_657] : memref<3x2000x16xf32, #tpu.memory_space<vmem>> -> memref<1x2000x16xf32, #tpu.memory_space<vmem>>
      %parallel_loop3A_659 = tpu.memref_squeeze %parallel_loop3A_658 : memref<1x2000x16xf32, #tpu.memory_space<vmem>> -> memref<2000x16xf32, #tpu.memory_space<vmem>>
      %parallel_loop3A_660 = arith.index_cast %parallel_loop3A_654 : i32 to index
      %parallel_loop3A_661 = arith.constant 0 : index
      %parallel_loop3A_662 = tpu.vector_load %parallel_loop3A_659[%parallel_loop3A_660, %parallel_loop3A_661] {strides = array<i32>} : memref<2000x16xf32, #tpu.memory_space<vmem>>, vector<16xf32>,
      %parallel_loop3A_663 = arith.mulf %parallel_loop3A_662, %parallel_loop3A_652 : vector<16xf32>
      %parallel_loop3A_664 = arith.constant 11 : i32
      %parallel_loop3A_665 = arith.addi %parallel_loop3A_367, %parallel_loop3A_664 : i32
      %parallel_loop3A_666 = arith.constant 1 : i32
      %parallel_loop3A_667 = arith.constant 0 : i32
      %parallel_loop3A_668 = arith.constant 0 : i32
      %parallel_loop3A_669 = tpu.memref_slice %arg9[%parallel_loop3A_666, %parallel_loop3A_667, %parallel_loop3A_668] : memref<3x2000x16xf32, #tpu.memory_space<vmem>> -> memref<1x2000x16xf32, #tpu.memory_space<vmem>>
      %parallel_loop3A_670 = tpu.memref_squeeze %parallel_loop3A_669 : memref<1x2000x16xf32, #tpu.memory_space<vmem>> -> memref<2000x16xf32, #tpu.memory_space<vmem>>
      %parallel_loop3A_671 = arith.index_cast %parallel_loop3A_665 : i32 to index
      %parallel_loop3A_672 = arith.constant 0 : index
      %parallel_loop3A_673 = tpu.vector_load %parallel_loop3A_670[%parallel_loop3A_671, %parallel_loop3A_672] {strides = array<i32>} : memref<2000x16xf32, #tpu.memory_space<vmem>>, vector<16xf32>,
      tpu.vector_store %parallel_loop3A_670[%parallel_loop3A_671, %parallel_loop3A_672], %parallel_loop3A_663 {strides = array<i32>} : memref<2000x16xf32, #tpu.memory_space<vmem>>, vector<16xf32>,
      %parallel_loop3A_674 = arith.constant 12 : i32
      %parallel_loop3A_675 = vector.broadcast %parallel_loop3A_674 : i32 to vector<16x1xi32>
      %parallel_loop3A_676 = vector.shape_cast %parallel_loop3A_675 : vector<16x1xi32> to vector<16xi32>
      %parallel_loop3A_677 = tpu.dynamic_gather %parallel_loop3A_373[%parallel_loop3A_676] in [0] : vector<16xf32>, vector<16xi32> -> vector<16xf32>
      %parallel_loop3A_678 = arith.constant 12 : i32
      %parallel_loop3A_679 = arith.addi %parallel_loop3A_367, %parallel_loop3A_678 : i32
      %parallel_loop3A_680 = arith.constant 1 : i32
      %parallel_loop3A_681 = arith.constant 0 : i32
      %parallel_loop3A_682 = arith.constant 0 : i32
      %parallel_loop3A_683 = tpu.memref_slice %arg9[%parallel_loop3A_680, %parallel_loop3A_681, %parallel_loop3A_682] : memref<3x2000x16xf32, #tpu.memory_space<vmem>> -> memref<1x2000x16xf32, #tpu.memory_space<vmem>>
      %parallel_loop3A_684 = tpu.memref_squeeze %parallel_loop3A_683 : memref<1x2000x16xf32, #tpu.memory_space<vmem>> -> memref<2000x16xf32, #tpu.memory_space<vmem>>
      %parallel_loop3A_685 = arith.index_cast %parallel_loop3A_679 : i32 to index
      %parallel_loop3A_686 = arith.constant 0 : index
      %parallel_loop3A_687 = tpu.vector_load %parallel_loop3A_684[%parallel_loop3A_685, %parallel_loop3A_686] {strides = array<i32>} : memref<2000x16xf32, #tpu.memory_space<vmem>>, vector<16xf32>,
      %parallel_loop3A_688 = arith.mulf %parallel_loop3A_687, %parallel_loop3A_677 : vector<16xf32>
      %parallel_loop3A_689 = arith.constant 12 : i32
      %parallel_loop3A_690 = arith.addi %parallel_loop3A_367, %parallel_loop3A_689 : i32
      %parallel_loop3A_691 = arith.constant 1 : i32
      %parallel_loop3A_692 = arith.constant 0 : i32
      %parallel_loop3A_693 = arith.constant 0 : i32
      %parallel_loop3A_694 = tpu.memref_slice %arg9[%parallel_loop3A_691, %parallel_loop3A_692, %parallel_loop3A_693] : memref<3x2000x16xf32, #tpu.memory_space<vmem>> -> memref<1x2000x16xf32, #tpu.memory_space<vmem>>
      %parallel_loop3A_695 = tpu.memref_squeeze %parallel_loop3A_694 : memref<1x2000x16xf32, #tpu.memory_space<vmem>> -> memref<2000x16xf32, #tpu.memory_space<vmem>>
      %parallel_loop3A_696 = arith.index_cast %parallel_loop3A_690 : i32 to index
      %parallel_loop3A_697 = arith.constant 0 : index
      %parallel_loop3A_698 = tpu.vector_load %parallel_loop3A_695[%parallel_loop3A_696, %parallel_loop3A_697] {strides = array<i32>} : memref<2000x16xf32, #tpu.memory_space<vmem>>, vector<16xf32>,
      tpu.vector_store %parallel_loop3A_695[%parallel_loop3A_696, %parallel_loop3A_697], %parallel_loop3A_688 {strides = array<i32>} : memref<2000x16xf32, #tpu.memory_space<vmem>>, vector<16xf32>,
      %parallel_loop3A_699 = arith.constant 13 : i32
      %parallel_loop3A_700 = vector.broadcast %parallel_loop3A_699 : i32 to vector<16x1xi32>
      %parallel_loop3A_701 = vector.shape_cast %parallel_loop3A_700 : vector<16x1xi32> to vector<16xi32>
      %parallel_loop3A_702 = tpu.dynamic_gather %parallel_loop3A_373[%parallel_loop3A_701] in [0] : vector<16xf32>, vector<16xi32> -> vector<16xf32>
      %parallel_loop3A_703 = arith.constant 13 : i32
      %parallel_loop3A_704 = arith.addi %parallel_loop3A_367, %parallel_loop3A_703 : i32
      %parallel_loop3A_705 = arith.constant 1 : i32
      %parallel_loop3A_706 = arith.constant 0 : i32
      %parallel_loop3A_707 = arith.constant 0 : i32
      %parallel_loop3A_708 = tpu.memref_slice %arg9[%parallel_loop3A_705, %parallel_loop3A_706, %parallel_loop3A_707] : memref<3x2000x16xf32, #tpu.memory_space<vmem>> -> memref<1x2000x16xf32, #tpu.memory_space<vmem>>
      %parallel_loop3A_709 = tpu.memref_squeeze %parallel_loop3A_708 : memref<1x2000x16xf32, #tpu.memory_space<vmem>> -> memref<2000x16xf32, #tpu.memory_space<vmem>>
      %parallel_loop3A_710 = arith.index_cast %parallel_loop3A_704 : i32 to index
      %parallel_loop3A_711 = arith.constant 0 : index
      %parallel_loop3A_712 = tpu.vector_load %parallel_loop3A_709[%parallel_loop3A_710, %parallel_loop3A_711] {strides = array<i32>} : memref<2000x16xf32, #tpu.memory_space<vmem>>, vector<16xf32>,
      %parallel_loop3A_713 = arith.mulf %parallel_loop3A_712, %parallel_loop3A_702 : vector<16xf32>
      %parallel_loop3A_714 = arith.constant 13 : i32
      %parallel_loop3A_715 = arith.addi %parallel_loop3A_367, %parallel_loop3A_714 : i32
      %parallel_loop3A_716 = arith.constant 1 : i32
      %parallel_loop3A_717 = arith.constant 0 : i32
      %parallel_loop3A_718 = arith.constant 0 : i32
      %parallel_loop3A_719 = tpu.memref_slice %arg9[%parallel_loop3A_716, %parallel_loop3A_717, %parallel_loop3A_718] : memref<3x2000x16xf32, #tpu.memory_space<vmem>> -> memref<1x2000x16xf32, #tpu.memory_space<vmem>>
      %parallel_loop3A_720 = tpu.memref_squeeze %parallel_loop3A_719 : memref<1x2000x16xf32, #tpu.memory_space<vmem>> -> memref<2000x16xf32, #tpu.memory_space<vmem>>
      %parallel_loop3A_721 = arith.index_cast %parallel_loop3A_715 : i32 to index
      %parallel_loop3A_722 = arith.constant 0 : index
      %parallel_loop3A_723 = tpu.vector_load %parallel_loop3A_720[%parallel_loop3A_721, %parallel_loop3A_722] {strides = array<i32>} : memref<2000x16xf32, #tpu.memory_space<vmem>>, vector<16xf32>,
      tpu.vector_store %parallel_loop3A_720[%parallel_loop3A_721, %parallel_loop3A_722], %parallel_loop3A_713 {strides = array<i32>} : memref<2000x16xf32, #tpu.memory_space<vmem>>, vector<16xf32>,
      %parallel_loop3A_724 = arith.constant 14 : i32
      %parallel_loop3A_725 = vector.broadcast %parallel_loop3A_724 : i32 to vector<16x1xi32>
      %parallel_loop3A_726 = vector.shape_cast %parallel_loop3A_725 : vector<16x1xi32> to vector<16xi32>
      %parallel_loop3A_727 = tpu.dynamic_gather %parallel_loop3A_373[%parallel_loop3A_726] in [0] : vector<16xf32>, vector<16xi32> -> vector<16xf32>
      %parallel_loop3A_728 = arith.constant 14 : i32
      %parallel_loop3A_729 = arith.addi %parallel_loop3A_367, %parallel_loop3A_728 : i32
      %parallel_loop3A_730 = arith.constant 1 : i32
      %parallel_loop3A_731 = arith.constant 0 : i32
      %parallel_loop3A_732 = arith.constant 0 : i32
      %parallel_loop3A_733 = tpu.memref_slice %arg9[%parallel_loop3A_730, %parallel_loop3A_731, %parallel_loop3A_732] : memref<3x2000x16xf32, #tpu.memory_space<vmem>> -> memref<1x2000x16xf32, #tpu.memory_space<vmem>>
      %parallel_loop3A_734 = tpu.memref_squeeze %parallel_loop3A_733 : memref<1x2000x16xf32, #tpu.memory_space<vmem>> -> memref<2000x16xf32, #tpu.memory_space<vmem>>
      %parallel_loop3A_735 = arith.index_cast %parallel_loop3A_729 : i32 to index
      %parallel_loop3A_736 = arith.constant 0 : index
      %parallel_loop3A_737 = tpu.vector_load %parallel_loop3A_734[%parallel_loop3A_735, %parallel_loop3A_736] {strides = array<i32>} : memref<2000x16xf32, #tpu.memory_space<vmem>>, vector<16xf32>,
      %parallel_loop3A_738 = arith.mulf %parallel_loop3A_737, %parallel_loop3A_727 : vector<16xf32>
      %parallel_loop3A_739 = arith.constant 14 : i32
      %parallel_loop3A_740 = arith.addi %parallel_loop3A_367, %parallel_loop3A_739 : i32
      %parallel_loop3A_741 = arith.constant 1 : i32
      %parallel_loop3A_742 = arith.constant 0 : i32
      %parallel_loop3A_743 = arith.constant 0 : i32
      %parallel_loop3A_744 = tpu.memref_slice %arg9[%parallel_loop3A_741, %parallel_loop3A_742, %parallel_loop3A_743] : memref<3x2000x16xf32, #tpu.memory_space<vmem>> -> memref<1x2000x16xf32, #tpu.memory_space<vmem>>
      %parallel_loop3A_745 = tpu.memref_squeeze %parallel_loop3A_744 : memref<1x2000x16xf32, #tpu.memory_space<vmem>> -> memref<2000x16xf32, #tpu.memory_space<vmem>>
      %parallel_loop3A_746 = arith.index_cast %parallel_loop3A_740 : i32 to index
      %parallel_loop3A_747 = arith.constant 0 : index
      %parallel_loop3A_748 = tpu.vector_load %parallel_loop3A_745[%parallel_loop3A_746, %parallel_loop3A_747] {strides = array<i32>} : memref<2000x16xf32, #tpu.memory_space<vmem>>, vector<16xf32>,
      tpu.vector_store %parallel_loop3A_745[%parallel_loop3A_746, %parallel_loop3A_747], %parallel_loop3A_738 {strides = array<i32>} : memref<2000x16xf32, #tpu.memory_space<vmem>>, vector<16xf32>,
      %parallel_loop3A_749 = arith.constant 15 : i32
      %parallel_loop3A_750 = vector.broadcast %parallel_loop3A_749 : i32 to vector<16x1xi32>
      %parallel_loop3A_751 = vector.shape_cast %parallel_loop3A_750 : vector<16x1xi32> to vector<16xi32>
      %parallel_loop3A_752 = tpu.dynamic_gather %parallel_loop3A_373[%parallel_loop3A_751] in [0] : vector<16xf32>, vector<16xi32> -> vector<16xf32>
      %parallel_loop3A_753 = arith.constant 15 : i32
      %parallel_loop3A_754 = arith.addi %parallel_loop3A_367, %parallel_loop3A_753 : i32
      %parallel_loop3A_755 = arith.constant 1 : i32
      %parallel_loop3A_756 = arith.constant 0 : i32
      %parallel_loop3A_757 = arith.constant 0 : i32
      %parallel_loop3A_758 = tpu.memref_slice %arg9[%parallel_loop3A_755, %parallel_loop3A_756, %parallel_loop3A_757] : memref<3x2000x16xf32, #tpu.memory_space<vmem>> -> memref<1x2000x16xf32, #tpu.memory_space<vmem>>
      %parallel_loop3A_759 = tpu.memref_squeeze %parallel_loop3A_758 : memref<1x2000x16xf32, #tpu.memory_space<vmem>> -> memref<2000x16xf32, #tpu.memory_space<vmem>>
      %parallel_loop3A_760 = arith.index_cast %parallel_loop3A_754 : i32 to index
      %parallel_loop3A_761 = arith.constant 0 : index
      %parallel_loop3A_762 = tpu.vector_load %parallel_loop3A_759[%parallel_loop3A_760, %parallel_loop3A_761] {strides = array<i32>} : memref<2000x16xf32, #tpu.memory_space<vmem>>, vector<16xf32>,
      %parallel_loop3A_763 = arith.mulf %parallel_loop3A_762, %parallel_loop3A_752 : vector<16xf32>
      %parallel_loop3A_764 = arith.constant 15 : i32
      %parallel_loop3A_765 = arith.addi %parallel_loop3A_367, %parallel_loop3A_764 : i32
      %parallel_loop3A_766 = arith.constant 1 : i32
      %parallel_loop3A_767 = arith.constant 0 : i32
      %parallel_loop3A_768 = arith.constant 0 : i32
      %parallel_loop3A_769 = tpu.memref_slice %arg9[%parallel_loop3A_766, %parallel_loop3A_767, %parallel_loop3A_768] : memref<3x2000x16xf32, #tpu.memory_space<vmem>> -> memref<1x2000x16xf32, #tpu.memory_space<vmem>>
      %parallel_loop3A_770 = tpu.memref_squeeze %parallel_loop3A_769 : memref<1x2000x16xf32, #tpu.memory_space<vmem>> -> memref<2000x16xf32, #tpu.memory_space<vmem>>
      %parallel_loop3A_771 = arith.index_cast %parallel_loop3A_765 : i32 to index
      %parallel_loop3A_772 = arith.constant 0 : index
      %parallel_loop3A_773 = tpu.vector_load %parallel_loop3A_770[%parallel_loop3A_771, %parallel_loop3A_772] {strides = array<i32>} : memref<2000x16xf32, #tpu.memory_space<vmem>>, vector<16xf32>,
      tpu.vector_store %parallel_loop3A_770[%parallel_loop3A_771, %parallel_loop3A_772], %parallel_loop3A_763 {strides = array<i32>} : memref<2000x16xf32, #tpu.memory_space<vmem>>, vector<16xf32>,
    } {sc.loop_unroll_factor = 2 : i64, sc.parallel_access}
    %dma_start3A_296 = arith.constant 1 : i32
    %dma_start3A_297 = arith.constant 1 : i32
    %dma_start3A_298 = arith.constant 1 : i32
    %dma_start3A_299 = arith.constant 0 : i32
    %dma_start3A_300 = arith.constant 0 : i32
    %dma_start3A_301 = tpu.memref_slice %arg9[%dma_start3A_296, %dma_start3A_299, %dma_start3A_300] : memref<3x2000x16xf32, #tpu.memory_space<vmem>> -> memref<1x2000x16xf32, #tpu.memory_space<vmem>>
    %dma_start3A_302 = tpu.memref_squeeze %dma_start3A_301 : memref<1x2000x16xf32, #tpu.memory_space<vmem>> -> memref<2000x16xf32, #tpu.memory_space<vmem>>
    %dma_start3A_303 = arith.constant 0 : i32
    %dma_start3A_304 = tpu.memref_slice %arg7[%dma_start3A_297, %dma_start3A_303] : memref<3x2000xi32, #tpu.memory_space<vmem>> -> memref<1x2000xi32, #tpu.memory_space<vmem>>
    %dma_start3A_305 = tpu.memref_squeeze %dma_start3A_304 : memref<1x2000xi32, #tpu.memory_space<vmem>> -> memref<2000xi32, #tpu.memory_space<vmem>>
    %dma_start3A_306 = arith.constant 0 : i32
    %dma_start3A_307 = arith.constant 0 : i32
    %dma_start3A_308 = tpu.memref_slice %arg11[%dma_start3A_306, %dma_start3A_307] : memref<10240x16xf32, #tpu.memory_space<vmem_shared>> -> memref<10240x16xf32, #tpu.memory_space<vmem_shared>>
    %dma_start3A_309 = tpu.memref_slice %arg13[%dma_start3A_298] : memref<3x!tpu.dma_semaphore, #tpu.memory_space<semaphore_mem>> -> memref<1x!tpu.dma_semaphore, #tpu.memory_space<semaphore_mem>>
    %dma_start3A_310 = tpu.memref_squeeze %dma_start3A_309 : memref<1x!tpu.dma_semaphore, #tpu.memory_space<semaphore_mem>> -> memref<!tpu.dma_semaphore, #tpu.memory_space<semaphore_mem>>
    tpu.enqueue_indirect_dma source(%dma_start3A_302 : memref<2000x16xf32, #tpu.memory_space<vmem>>) target(%dma_start3A_308 : memref<10240x16xf32, #tpu.memory_space<vmem_shared>>) offsets(%dma_start3A_305 : memref<2000xi32, #tpu.memory_space<vmem>>) semaphore(%dma_start3A_310 : memref<!tpu.dma_semaphore, #tpu.memory_space<semaphore_mem>>) {add = true}
    %dma_wait3A_311 = arith.constant 2 : i32
    %dma_wait3A_312 = arith.constant 2 : i32
    %dma_wait3A_313 = arith.constant 2 : i32
    %dma_wait3A_314 = arith.constant 0 : i32
    %dma_wait3A_315 = arith.constant 0 : i32
    %dma_wait3A_316 = tpu.memref_slice %arg9[%dma_wait3A_311, %dma_wait3A_314, %dma_wait3A_315] : memref<3x2000x16xf32, #tpu.memory_space<vmem>> -> memref<1x2000x16xf32, #tpu.memory_space<vmem>>
    %dma_wait3A_317 = tpu.memref_squeeze %dma_wait3A_316 : memref<1x2000x16xf32, #tpu.memory_space<vmem>> -> memref<2000x16xf32, #tpu.memory_space<vmem>>
    %dma_wait3A_318 = arith.constant 0 : i32
    %dma_wait3A_319 = tpu.memref_slice %arg7[%dma_wait3A_312, %dma_wait3A_318] : memref<3x2000xi32, #tpu.memory_space<vmem>> -> memref<1x2000xi32, #tpu.memory_space<vmem>>
    %dma_wait3A_320 = tpu.memref_squeeze %dma_wait3A_319 : memref<1x2000xi32, #tpu.memory_space<vmem>> -> memref<2000xi32, #tpu.memory_space<vmem>>
    %dma_wait3A_321 = arith.constant 0 : i32
    %dma_wait3A_322 = arith.constant 0 : i32
    %dma_wait3A_323 = tpu.memref_slice %arg11[%dma_wait3A_321, %dma_wait3A_322] : memref<10240x16xf32, #tpu.memory_space<vmem_shared>> -> memref<10240x16xf32, #tpu.memory_space<vmem_shared>>
    %dma_wait3A_324 = tpu.memref_slice %arg13[%dma_wait3A_313] : memref<3x!tpu.dma_semaphore, #tpu.memory_space<semaphore_mem>> -> memref<1x!tpu.dma_semaphore, #tpu.memory_space<semaphore_mem>>
    %dma_wait3A_325 = tpu.memref_squeeze %dma_wait3A_324 : memref<1x!tpu.dma_semaphore, #tpu.memory_space<semaphore_mem>> -> memref<!tpu.dma_semaphore, #tpu.memory_space<semaphore_mem>>
    tpu.wait_indirect_dma semaphore(%dma_wait3A_325 : memref<!tpu.dma_semaphore, #tpu.memory_space<semaphore_mem>>) src(%dma_wait3A_317 : memref<2000x16xf32, #tpu.memory_space<vmem>>) dst(%dma_wait3A_323 : memref<10240x16xf32, #tpu.memory_space<vmem_shared>>)
    %dma_wait3A_326 = arith.constant 0 : i32
    %dma_wait3A_327 = arith.constant 0 : i32
    %dma_wait3A_328 = arith.constant 0 : i32
    %dma_wait3A_329 = arith.constant 0 : i32
    %dma_wait3A_330 = arith.constant 0 : i32
    %dma_wait3A_331 = tpu.memref_slice %arg9[%dma_wait3A_326, %dma_wait3A_329, %dma_wait3A_330] : memref<3x2000x16xf32, #tpu.memory_space<vmem>> -> memref<1x2000x16xf32, #tpu.memory_space<vmem>>
    %dma_wait3A_332 = tpu.memref_squeeze %dma_wait3A_331 : memref<1x2000x16xf32, #tpu.memory_space<vmem>> -> memref<2000x16xf32, #tpu.memory_space<vmem>>
    %dma_wait3A_333 = arith.constant 0 : i32
    %dma_wait3A_334 = tpu.memref_slice %arg7[%dma_wait3A_327, %dma_wait3A_333] : memref<3x2000xi32, #tpu.memory_space<vmem>> -> memref<1x2000xi32, #tpu.memory_space<vmem>>
    %dma_wait3A_335 = tpu.memref_squeeze %dma_wait3A_334 : memref<1x2000xi32, #tpu.memory_space<vmem>> -> memref<2000xi32, #tpu.memory_space<vmem>>
    %dma_wait3A_336 = arith.constant 0 : i32
    %dma_wait3A_337 = arith.constant 0 : i32
    %dma_wait3A_338 = tpu.memref_slice %arg11[%dma_wait3A_336, %dma_wait3A_337] : memref<10240x16xf32, #tpu.memory_space<vmem_shared>> -> memref<10240x16xf32, #tpu.memory_space<vmem_shared>>
    %dma_wait3A_339 = tpu.memref_slice %arg13[%dma_wait3A_328] : memref<3x!tpu.dma_semaphore, #tpu.memory_space<semaphore_mem>> -> memref<1x!tpu.dma_semaphore, #tpu.memory_space<semaphore_mem>>
    %dma_wait3A_340 = tpu.memref_squeeze %dma_wait3A_339 : memref<1x!tpu.dma_semaphore, #tpu.memory_space<semaphore_mem>> -> memref<!tpu.dma_semaphore, #tpu.memory_space<semaphore_mem>>
    tpu.wait_indirect_dma semaphore(%dma_wait3A_340 : memref<!tpu.dma_semaphore, #tpu.memory_space<semaphore_mem>>) src(%dma_wait3A_332 : memref<2000x16xf32, #tpu.memory_space<vmem>>) dst(%dma_wait3A_338 : memref<10240x16xf32, #tpu.memory_space<vmem_shared>>)
    %dma_wait3A_341 = arith.constant 1 : i32
    %dma_wait3A_342 = arith.constant 1 : i32
    %dma_wait3A_343 = arith.constant 1 : i32
    %dma_wait3A_344 = arith.constant 0 : i32
    %dma_wait3A_345 = arith.constant 0 : i32
    %dma_wait3A_346 = tpu.memref_slice %arg9[%dma_wait3A_341, %dma_wait3A_344, %dma_wait3A_345] : memref<3x2000x16xf32, #tpu.memory_space<vmem>> -> memref<1x2000x16xf32, #tpu.memory_space<vmem>>
    %dma_wait3A_347 = tpu.memref_squeeze %dma_wait3A_346 : memref<1x2000x16xf32, #tpu.memory_space<vmem>> -> memref<2000x16xf32, #tpu.memory_space<vmem>>
    %dma_wait3A_348 = arith.constant 0 : i32
    %dma_wait3A_349 = tpu.memref_slice %arg7[%dma_wait3A_342, %dma_wait3A_348] : memref<3x2000xi32, #tpu.memory_space<vmem>> -> memref<1x2000xi32, #tpu.memory_space<vmem>>
    %dma_wait3A_350 = tpu.memref_squeeze %dma_wait3A_349 : memref<1x2000xi32, #tpu.memory_space<vmem>> -> memref<2000xi32, #tpu.memory_space<vmem>>
    %dma_wait3A_351 = arith.constant 0 : i32
    %dma_wait3A_352 = arith.constant 0 : i32
    %dma_wait3A_353 = tpu.memref_slice %arg11[%dma_wait3A_351, %dma_wait3A_352] : memref<10240x16xf32, #tpu.memory_space<vmem_shared>> -> memref<10240x16xf32, #tpu.memory_space<vmem_shared>>
    %dma_wait3A_354 = tpu.memref_slice %arg13[%dma_wait3A_343] : memref<3x!tpu.dma_semaphore, #tpu.memory_space<semaphore_mem>> -> memref<1x!tpu.dma_semaphore, #tpu.memory_space<semaphore_mem>>
    %dma_wait3A_355 = tpu.memref_squeeze %dma_wait3A_354 : memref<1x!tpu.dma_semaphore, #tpu.memory_space<semaphore_mem>> -> memref<!tpu.dma_semaphore, #tpu.memory_space<semaphore_mem>>
    tpu.wait_indirect_dma semaphore(%dma_wait3A_355 : memref<!tpu.dma_semaphore, #tpu.memory_space<semaphore_mem>>) src(%dma_wait3A_347 : memref<2000x16xf32, #tpu.memory_space<vmem>>) dst(%dma_wait3A_353 : memref<10240x16xf32, #tpu.memory_space<vmem_shared>>)
    %barrier3A_356 = arith.constant 0 : index
    tpu.barrier barrier_id(%barrier3A_356)
    %mul3A_357 = arith.constant 640 : i32
    %mul3A_358 = arith.muli %arg1, %mul3A_357 : i32
    %run_scoped3A_359 = arith.constant 0 : i32
    "tpu.region"() ({
      %run_scoped3A_367 = tpu.sem_alloc : memref<!tpu.dma_semaphore, #tpu.memory_space<semaphore_mem>>
      %dma_start3A_368 = arith.constant 0 : i32
      %dma_start3A_369 = arith.constant 0 : i32
      %dma_start3A_370 = tpu.memref_slice %arg9[%run_scoped3A_359, %dma_start3A_368, %dma_start3A_369] : memref<3x2000x16xf32, #tpu.memory_space<vmem>> -> memref<1x2000x16xf32, #tpu.memory_space<vmem>>
      %dma_start3A_371 = tpu.memref_squeeze %dma_start3A_370 : memref<1x2000x16xf32, #tpu.memory_space<vmem>> -> memref<2000x16xf32, #tpu.memory_space<vmem>>
      %dma_start3A_372 = arith.constant 0 : i32
      %dma_start3A_373 = arith.constant 0 : i32
      %dma_start3A_374 = tpu.memref_slice %dma_start3A_371[%dma_start3A_372, %dma_start3A_373] : memref<2000x16xf32, #tpu.memory_space<vmem>> -> memref<640x16xf32, #tpu.memory_space<vmem>>
      %dma_start3A_375 = arith.constant 0 : i32
      %dma_start3A_376 = tpu.memref_slice %arg11[%mul3A_358, %dma_start3A_375] : memref<10240x16xf32, #tpu.memory_space<vmem_shared>> -> memref<640x16xf32, #tpu.memory_space<vmem_shared>>
      %dma_start3A_377 = arith.constant 0 : i32
      %dma_start3A_378 = arith.constant 0 : i32
      %dma_start3A_379 = tpu.memref_slice %arg9[%run_scoped3A_359, %dma_start3A_377, %dma_start3A_378] : memref<3x2000x16xf32, #tpu.memory_space<vmem>> -> memref<1x2000x16xf32, #tpu.memory_space<vmem>>
      %dma_start3A_380 = tpu.memref_squeeze %dma_start3A_379 : memref<1x2000x16xf32, #tpu.memory_space<vmem>> -> memref<2000x16xf32, #tpu.memory_space<vmem>>
      %dma_start3A_381 = arith.constant 0 : i32
      %dma_start3A_382 = arith.constant 0 : i32
      %dma_start3A_383 = tpu.memref_slice %dma_start3A_380[%dma_start3A_381, %dma_start3A_382] : memref<2000x16xf32, #tpu.memory_space<vmem>> -> memref<640x16xf32, #tpu.memory_space<vmem>>
      %dma_start3A_384 = arith.constant 0 : i32
      %dma_start3A_385 = tpu.memref_slice %arg11[%mul3A_358, %dma_start3A_384] : memref<10240x16xf32, #tpu.memory_space<vmem_shared>> -> memref<640x16xf32, #tpu.memory_space<vmem_shared>>
      tpu.enqueue_dma source(%dma_start3A_385 : memref<640x16xf32, #tpu.memory_space<vmem_shared>>) target(%dma_start3A_383 : memref<640x16xf32, #tpu.memory_space<vmem>>) target_semaphore(%run_scoped3A_367 : memref<!tpu.dma_semaphore, #tpu.memory_space<semaphore_mem>>)
      %dma_wait3A_386 = arith.constant 0 : i32
      %dma_wait3A_387 = arith.constant 0 : i32
      %dma_wait3A_388 = tpu.memref_slice %arg9[%run_scoped3A_359, %dma_wait3A_386, %dma_wait3A_387] : memref<3x2000x16xf32, #tpu.memory_space<vmem>> -> memref<1x2000x16xf32, #tpu.memory_space<vmem>>
      %dma_wait3A_389 = tpu.memref_squeeze %dma_wait3A_388 : memref<1x2000x16xf32, #tpu.memory_space<vmem>> -> memref<2000x16xf32, #tpu.memory_space<vmem>>
      %dma_wait3A_390 = arith.constant 0 : i32
      %dma_wait3A_391 = arith.constant 0 : i32
      %dma_wait3A_392 = tpu.memref_slice %dma_wait3A_389[%dma_wait3A_390, %dma_wait3A_391] : memref<2000x16xf32, #tpu.memory_space<vmem>> -> memref<640x16xf32, #tpu.memory_space<vmem>>
      %dma_wait3A_393 = arith.constant 0 : i32
      %dma_wait3A_394 = tpu.memref_slice %arg11[%mul3A_358, %dma_wait3A_393] : memref<10240x16xf32, #tpu.memory_space<vmem_shared>> -> memref<640x16xf32, #tpu.memory_space<vmem_shared>>
      %dma_wait3A_395 = arith.constant 0 : i32
      %dma_wait3A_396 = arith.constant 0 : i32
      %dma_wait3A_397 = tpu.memref_slice %arg9[%run_scoped3A_359, %dma_wait3A_395, %dma_wait3A_396] : memref<3x2000x16xf32, #tpu.memory_space<vmem>> -> memref<1x2000x16xf32, #tpu.memory_space<vmem>>
      %dma_wait3A_398 = tpu.memref_squeeze %dma_wait3A_397 : memref<1x2000x16xf32, #tpu.memory_space<vmem>> -> memref<2000x16xf32, #tpu.memory_space<vmem>>
      %dma_wait3A_399 = arith.constant 0 : i32
      %dma_wait3A_400 = arith.constant 0 : i32
      %dma_wait3A_401 = tpu.memref_slice %dma_wait3A_398[%dma_wait3A_399, %dma_wait3A_400] : memref<2000x16xf32, #tpu.memory_space<vmem>> -> memref<640x16xf32, #tpu.memory_space<vmem>>
      %dma_wait3A_402 = arith.constant 0 : i32
      %dma_wait3A_403 = tpu.memref_slice %arg11[%mul3A_358, %dma_wait3A_402] : memref<10240x16xf32, #tpu.memory_space<vmem_shared>> -> memref<640x16xf32, #tpu.memory_space<vmem_shared>>
      tpu.wait_dma2 semaphore(%run_scoped3A_367 : memref<!tpu.dma_semaphore, #tpu.memory_space<semaphore_mem>>) src(%dma_wait3A_403 : memref<640x16xf32, #tpu.memory_space<vmem_shared>>) dst(%dma_wait3A_401 : memref<640x16xf32, #tpu.memory_space<vmem>>)
      tpu.yield
    }) : () -> ()
    %scan3A_360 = arith.constant 0 : i32
    %scan3A_361 = arith.constant 80 : i32
    %scan3A_362 = arith.addi %scan3A_360, %scan3A_361 : i32
    %scan3A_363 = arith.constant 1 : i32
    scf.for %scan3A_367 = %scan3A_360 to %scan3A_362 step %scan3A_363  : i32 {
      %mul3A_368 = arith.constant 1 : i32
      %mul3A_369 = arith.muli %scan3A_367, %mul3A_368 : i32
      %add3A_370 = arith.constant 0 : i32
      %add3A_371 = arith.addi %add3A_370, %mul3A_369 : i32
      %mul3A_372 = arith.constant 8 : i32
      %mul3A_373 = arith.muli %add3A_371, %mul3A_372 : i32
      %add3A_374 = arith.constant 0 : i32
      %add3A_375 = arith.addi %mul3A_373, %add3A_374 : i32
      %get3A = arith.constant 0 : i32
      %get3A_376 = arith.constant 0 : i32
      %get3A_377 = arith.constant 0 : i32
      %get3A_378 = tpu.memref_slice %arg9[%get3A, %get3A_376, %get3A_377] : memref<3x2000x16xf32, #tpu.memory_space<vmem>> -> memref<1x2000x16xf32, #tpu.memory_space<vmem>>
      %get3A_379 = tpu.memref_squeeze %get3A_378 : memref<1x2000x16xf32, #tpu.memory_space<vmem>> -> memref<2000x16xf32, #tpu.memory_space<vmem>>
      %get3A_380 = arith.index_cast %add3A_375 : i32 to index
      %get3A_381 = arith.constant 0 : index
      %get3A_382 = tpu.vector_load %get3A_379[%get3A_380, %get3A_381] {strides = array<i32>} : memref<2000x16xf32, #tpu.memory_space<vmem>>, vector<16xf32>,
      %swap3A = arith.index_cast %add3A_371 : i32 to index
      %swap3A_383 = arith.constant 0 : index
      %swap3A_384 = tpu.vector_load %arg10[%swap3A, %swap3A_383] {strides = array<i32>} : memref<80x128xf32, #tpu.memory_space<vmem>>, vector<16xf32>,
      tpu.vector_store %arg10[%swap3A, %swap3A_383], %get3A_382 {strides = array<i32>} : memref<80x128xf32, #tpu.memory_space<vmem>>, vector<16xf32>,
      %mul3A_385 = arith.constant 8 : i32
      %mul3A_386 = arith.muli %add3A_371, %mul3A_385 : i32
      %add3A_387 = arith.constant 1 : i32
      %add3A_388 = arith.addi %mul3A_386, %add3A_387 : i32
      %get3A_389 = arith.constant 0 : i32
      %get3A_390 = arith.constant 0 : i32
      %get3A_391 = arith.constant 0 : i32
      %get3A_392 = tpu.memref_slice %arg9[%get3A_389, %get3A_390, %get3A_391] : memref<3x2000x16xf32, #tpu.memory_space<vmem>> -> memref<1x2000x16xf32, #tpu.memory_space<vmem>>
      %get3A_393 = tpu.memref_squeeze %get3A_392 : memref<1x2000x16xf32, #tpu.memory_space<vmem>> -> memref<2000x16xf32, #tpu.memory_space<vmem>>
      %get3A_394 = arith.index_cast %add3A_388 : i32 to index
      %get3A_395 = arith.constant 0 : index
      %get3A_396 = tpu.vector_load %get3A_393[%get3A_394, %get3A_395] {strides = array<i32>} : memref<2000x16xf32, #tpu.memory_space<vmem>>, vector<16xf32>,
      %swap3A_397 = arith.index_cast %add3A_371 : i32 to index
      %swap3A_398 = arith.constant 16 : index
      %swap3A_399 = tpu.vector_load %arg10[%swap3A_397, %swap3A_398] {strides = array<i32>} : memref<80x128xf32, #tpu.memory_space<vmem>>, vector<16xf32>,
      tpu.vector_store %arg10[%swap3A_397, %swap3A_398], %get3A_396 {strides = array<i32>} : memref<80x128xf32, #tpu.memory_space<vmem>>, vector<16xf32>,
      %mul3A_400 = arith.constant 8 : i32
      %mul3A_401 = arith.muli %add3A_371, %mul3A_400 : i32
      %add3A_402 = arith.constant 2 : i32
      %add3A_403 = arith.addi %mul3A_401, %add3A_402 : i32
      %get3A_404 = arith.constant 0 : i32
      %get3A_405 = arith.constant 0 : i32
      %get3A_406 = arith.constant 0 : i32
      %get3A_407 = tpu.memref_slice %arg9[%get3A_404, %get3A_405, %get3A_406] : memref<3x2000x16xf32, #tpu.memory_space<vmem>> -> memref<1x2000x16xf32, #tpu.memory_space<vmem>>
      %get3A_408 = tpu.memref_squeeze %get3A_407 : memref<1x2000x16xf32, #tpu.memory_space<vmem>> -> memref<2000x16xf32, #tpu.memory_space<vmem>>
      %get3A_409 = arith.index_cast %add3A_403 : i32 to index
      %get3A_410 = arith.constant 0 : index
      %get3A_411 = tpu.vector_load %get3A_408[%get3A_409, %get3A_410] {strides = array<i32>} : memref<2000x16xf32, #tpu.memory_space<vmem>>, vector<16xf32>,
      %swap3A_412 = arith.index_cast %add3A_371 : i32 to index
      %swap3A_413 = arith.constant 32 : index
      %swap3A_414 = tpu.vector_load %arg10[%swap3A_412, %swap3A_413] {strides = array<i32>} : memref<80x128xf32, #tpu.memory_space<vmem>>, vector<16xf32>,
      tpu.vector_store %arg10[%swap3A_412, %swap3A_413], %get3A_411 {strides = array<i32>} : memref<80x128xf32, #tpu.memory_space<vmem>>, vector<16xf32>,
      %mul3A_415 = arith.constant 8 : i32
      %mul3A_416 = arith.muli %add3A_371, %mul3A_415 : i32
      %add3A_417 = arith.constant 3 : i32
      %add3A_418 = arith.addi %mul3A_416, %add3A_417 : i32
      %get3A_419 = arith.constant 0 : i32
      %get3A_420 = arith.constant 0 : i32
      %get3A_421 = arith.constant 0 : i32
      %get3A_422 = tpu.memref_slice %arg9[%get3A_419, %get3A_420, %get3A_421] : memref<3x2000x16xf32, #tpu.memory_space<vmem>> -> memref<1x2000x16xf32, #tpu.memory_space<vmem>>
      %get3A_423 = tpu.memref_squeeze %get3A_422 : memref<1x2000x16xf32, #tpu.memory_space<vmem>> -> memref<2000x16xf32, #tpu.memory_space<vmem>>
      %get3A_424 = arith.index_cast %add3A_418 : i32 to index
      %get3A_425 = arith.constant 0 : index
      %get3A_426 = tpu.vector_load %get3A_423[%get3A_424, %get3A_425] {strides = array<i32>} : memref<2000x16xf32, #tpu.memory_space<vmem>>, vector<16xf32>,
      %swap3A_427 = arith.index_cast %add3A_371 : i32 to index
      %swap3A_428 = arith.constant 48 : index
      %swap3A_429 = tpu.vector_load %arg10[%swap3A_427, %swap3A_428] {strides = array<i32>} : memref<80x128xf32, #tpu.memory_space<vmem>>, vector<16xf32>,
      tpu.vector_store %arg10[%swap3A_427, %swap3A_428], %get3A_426 {strides = array<i32>} : memref<80x128xf32, #tpu.memory_space<vmem>>, vector<16xf32>,
      %mul3A_430 = arith.constant 8 : i32
      %mul3A_431 = arith.muli %add3A_371, %mul3A_430 : i32
      %add3A_432 = arith.constant 4 : i32
      %add3A_433 = arith.addi %mul3A_431, %add3A_432 : i32
      %get3A_434 = arith.constant 0 : i32
      %get3A_435 = arith.constant 0 : i32
      %get3A_436 = arith.constant 0 : i32
      %get3A_437 = tpu.memref_slice %arg9[%get3A_434, %get3A_435, %get3A_436] : memref<3x2000x16xf32, #tpu.memory_space<vmem>> -> memref<1x2000x16xf32, #tpu.memory_space<vmem>>
      %get3A_438 = tpu.memref_squeeze %get3A_437 : memref<1x2000x16xf32, #tpu.memory_space<vmem>> -> memref<2000x16xf32, #tpu.memory_space<vmem>>
      %get3A_439 = arith.index_cast %add3A_433 : i32 to index
      %get3A_440 = arith.constant 0 : index
      %get3A_441 = tpu.vector_load %get3A_438[%get3A_439, %get3A_440] {strides = array<i32>} : memref<2000x16xf32, #tpu.memory_space<vmem>>, vector<16xf32>,
      %swap3A_442 = arith.index_cast %add3A_371 : i32 to index
      %swap3A_443 = arith.constant 64 : index
      %swap3A_444 = tpu.vector_load %arg10[%swap3A_442, %swap3A_443] {strides = array<i32>} : memref<80x128xf32, #tpu.memory_space<vmem>>, vector<16xf32>,
      tpu.vector_store %arg10[%swap3A_442, %swap3A_443], %get3A_441 {strides = array<i32>} : memref<80x128xf32, #tpu.memory_space<vmem>>, vector<16xf32>,
      %mul3A_445 = arith.constant 8 : i32
      %mul3A_446 = arith.muli %add3A_371, %mul3A_445 : i32
      %add3A_447 = arith.constant 5 : i32
      %add3A_448 = arith.addi %mul3A_446, %add3A_447 : i32
      %get3A_449 = arith.constant 0 : i32
      %get3A_450 = arith.constant 0 : i32
      %get3A_451 = arith.constant 0 : i32
      %get3A_452 = tpu.memref_slice %arg9[%get3A_449, %get3A_450, %get3A_451] : memref<3x2000x16xf32, #tpu.memory_space<vmem>> -> memref<1x2000x16xf32, #tpu.memory_space<vmem>>
      %get3A_453 = tpu.memref_squeeze %get3A_452 : memref<1x2000x16xf32, #tpu.memory_space<vmem>> -> memref<2000x16xf32, #tpu.memory_space<vmem>>
      %get3A_454 = arith.index_cast %add3A_448 : i32 to index
      %get3A_455 = arith.constant 0 : index
      %get3A_456 = tpu.vector_load %get3A_453[%get3A_454, %get3A_455] {strides = array<i32>} : memref<2000x16xf32, #tpu.memory_space<vmem>>, vector<16xf32>,
      %swap3A_457 = arith.index_cast %add3A_371 : i32 to index
      %swap3A_458 = arith.constant 80 : index
      %swap3A_459 = tpu.vector_load %arg10[%swap3A_457, %swap3A_458] {strides = array<i32>} : memref<80x128xf32, #tpu.memory_space<vmem>>, vector<16xf32>,
      tpu.vector_store %arg10[%swap3A_457, %swap3A_458], %get3A_456 {strides = array<i32>} : memref<80x128xf32, #tpu.memory_space<vmem>>, vector<16xf32>,
      %mul3A_460 = arith.constant 8 : i32
      %mul3A_461 = arith.muli %add3A_371, %mul3A_460 : i32
      %add3A_462 = arith.constant 6 : i32
      %add3A_463 = arith.addi %mul3A_461, %add3A_462 : i32
      %get3A_464 = arith.constant 0 : i32
      %get3A_465 = arith.constant 0 : i32
      %get3A_466 = arith.constant 0 : i32
      %get3A_467 = tpu.memref_slice %arg9[%get3A_464, %get3A_465, %get3A_466] : memref<3x2000x16xf32, #tpu.memory_space<vmem>> -> memref<1x2000x16xf32, #tpu.memory_space<vmem>>
      %get3A_468 = tpu.memref_squeeze %get3A_467 : memref<1x2000x16xf32, #tpu.memory_space<vmem>> -> memref<2000x16xf32, #tpu.memory_space<vmem>>
      %get3A_469 = arith.index_cast %add3A_463 : i32 to index
      %get3A_470 = arith.constant 0 : index
      %get3A_471 = tpu.vector_load %get3A_468[%get3A_469, %get3A_470] {strides = array<i32>} : memref<2000x16xf32, #tpu.memory_space<vmem>>, vector<16xf32>,
      %swap3A_472 = arith.index_cast %add3A_371 : i32 to index
      %swap3A_473 = arith.constant 96 : index
      %swap3A_474 = tpu.vector_load %arg10[%swap3A_472, %swap3A_473] {strides = array<i32>} : memref<80x128xf32, #tpu.memory_space<vmem>>, vector<16xf32>,
      tpu.vector_store %arg10[%swap3A_472, %swap3A_473], %get3A_471 {strides = array<i32>} : memref<80x128xf32, #tpu.memory_space<vmem>>, vector<16xf32>,
      %mul3A_475 = arith.constant 8 : i32
      %mul3A_476 = arith.muli %add3A_371, %mul3A_475 : i32
      %add3A_477 = arith.constant 7 : i32
      %add3A_478 = arith.addi %mul3A_476, %add3A_477 : i32
      %get3A_479 = arith.constant 0 : i32
      %get3A_480 = arith.constant 0 : i32
      %get3A_481 = arith.constant 0 : i32
      %get3A_482 = tpu.memref_slice %arg9[%get3A_479, %get3A_480, %get3A_481] : memref<3x2000x16xf32, #tpu.memory_space<vmem>> -> memref<1x2000x16xf32, #tpu.memory_space<vmem>>
      %get3A_483 = tpu.memref_squeeze %get3A_482 : memref<1x2000x16xf32, #tpu.memory_space<vmem>> -> memref<2000x16xf32, #tpu.memory_space<vmem>>
      %get3A_484 = arith.index_cast %add3A_478 : i32 to index
      %get3A_485 = arith.constant 0 : index
      %get3A_486 = tpu.vector_load %get3A_483[%get3A_484, %get3A_485] {strides = array<i32>} : memref<2000x16xf32, #tpu.memory_space<vmem>>, vector<16xf32>,
      %swap3A_487 = arith.index_cast %add3A_371 : i32 to index
      %swap3A_488 = arith.constant 112 : index
      %swap3A_489 = tpu.vector_load %arg10[%swap3A_487, %swap3A_488] {strides = array<i32>} : memref<80x128xf32, #tpu.memory_space<vmem>>, vector<16xf32>,
      tpu.vector_store %arg10[%swap3A_487, %swap3A_488], %get3A_486 {strides = array<i32>} : memref<80x128xf32, #tpu.memory_space<vmem>>, vector<16xf32>,
    }
    %scan3A_364 = arith.constant 80 : i32
    %mul3A_365 = arith.constant 80 : i32
    %mul3A_366 = arith.muli %arg1, %mul3A_365 : i32
    "tpu.region"() ({
      %run_scoped3A_367 = tpu.sem_alloc : memref<!tpu.dma_semaphore, #tpu.memory_space<semaphore_mem>>
      %dma_start3A_368 = arith.constant 0 : i32
      %dma_start3A_369 = arith.constant 0 : i32
      %dma_start3A_370 = tpu.memref_slice %arg5[%arg0, %dma_start3A_368, %dma_start3A_369] : memref<2x1280x128xf32, #tpu.memory_space<hbm>> -> memref<1x1280x128xf32, #tpu.memory_space<hbm>>
      %dma_start3A_371 = tpu.memref_squeeze %dma_start3A_370 : memref<1x1280x128xf32, #tpu.memory_space<hbm>> -> memref<1280x128xf32, #tpu.memory_space<hbm>>
      %dma_start3A_372 = arith.constant 0 : i32
      %dma_start3A_373 = tpu.memref_slice %dma_start3A_371[%mul3A_366, %dma_start3A_372] : memref<1280x128xf32, #tpu.memory_space<hbm>> -> memref<80x128xf32, #tpu.memory_space<hbm>>
      %dma_start3A_374 = arith.constant 0 : i32
      %dma_start3A_375 = arith.constant 0 : i32
      %dma_start3A_376 = tpu.memref_slice %arg5[%arg0, %dma_start3A_374, %dma_start3A_375] : memref<2x1280x128xf32, #tpu.memory_space<hbm>> -> memref<1x1280x128xf32, #tpu.memory_space<hbm>>
      %dma_start3A_377 = tpu.memref_squeeze %dma_start3A_376 : memref<1x1280x128xf32, #tpu.memory_space<hbm>> -> memref<1280x128xf32, #tpu.memory_space<hbm>>
      %dma_start3A_378 = arith.constant 0 : i32
      %dma_start3A_379 = tpu.memref_slice %dma_start3A_377[%mul3A_366, %dma_start3A_378] : memref<1280x128xf32, #tpu.memory_space<hbm>> -> memref<80x128xf32, #tpu.memory_space<hbm>>
      tpu.enqueue_dma source(%arg10 : memref<80x128xf32, #tpu.memory_space<vmem>>) target(%dma_start3A_379 : memref<80x128xf32, #tpu.memory_space<hbm>>) target_semaphore(%run_scoped3A_367 : memref<!tpu.dma_semaphore, #tpu.memory_space<semaphore_mem>>)
      %dma_wait3A_380 = arith.constant 0 : i32
      %dma_wait3A_381 = arith.constant 0 : i32
      %dma_wait3A_382 = tpu.memref_slice %arg5[%arg0, %dma_wait3A_380, %dma_wait3A_381] : memref<2x1280x128xf32, #tpu.memory_space<hbm>> -> memref<1x1280x128xf32, #tpu.memory_space<hbm>>
      %dma_wait3A_383 = tpu.memref_squeeze %dma_wait3A_382 : memref<1x1280x128xf32, #tpu.memory_space<hbm>> -> memref<1280x128xf32, #tpu.memory_space<hbm>>
      %dma_wait3A_384 = arith.constant 0 : i32
      %dma_wait3A_385 = tpu.memref_slice %dma_wait3A_383[%mul3A_366, %dma_wait3A_384] : memref<1280x128xf32, #tpu.memory_space<hbm>> -> memref<80x128xf32, #tpu.memory_space<hbm>>
      %dma_wait3A_386 = arith.constant 0 : i32
      %dma_wait3A_387 = arith.constant 0 : i32
      %dma_wait3A_388 = tpu.memref_slice %arg5[%arg0, %dma_wait3A_386, %dma_wait3A_387] : memref<2x1280x128xf32, #tpu.memory_space<hbm>> -> memref<1x1280x128xf32, #tpu.memory_space<hbm>>
      %dma_wait3A_389 = tpu.memref_squeeze %dma_wait3A_388 : memref<1x1280x128xf32, #tpu.memory_space<hbm>> -> memref<1280x128xf32, #tpu.memory_space<hbm>>
      %dma_wait3A_390 = arith.constant 0 : i32
      %dma_wait3A_391 = tpu.memref_slice %dma_wait3A_389[%mul3A_366, %dma_wait3A_390] : memref<1280x128xf32, #tpu.memory_space<hbm>> -> memref<80x128xf32, #tpu.memory_space<hbm>>
      tpu.wait_dma2 semaphore(%run_scoped3A_367 : memref<!tpu.dma_semaphore, #tpu.memory_space<semaphore_mem>>) src(%arg10 : memref<80x128xf32, #tpu.memory_space<vmem>>) dst(%dma_wait3A_391 : memref<80x128xf32, #tpu.memory_space<hbm>>)
      tpu.yield
    }) : () -> ()
    return
  }
}

module attributes {stable_mosaic.version = 14 : i64} {
  func.func @_matmul_body(%arg0: memref<10000x128xf32, #tpu.memory_space<vmem>>, %arg1: memref<128x16xf32, #tpu.memory_space<vmem>>, %arg2: memref<10000x128xf32, #tpu.memory_space<vmem>>) attributes {dimension_semantics = [], scalar_prefetch = 0 : i64, scratch_operands = 0 : i64, tpu.core_type = #tpu.core_type<tc>} {
    %get3A = arith.constant 0 : index
    %get3A_0 = arith.constant 0 : index
    %get3A_1 = vector.load %arg1[%get3A, %get3A_0] : memref<128x16xf32, #tpu.memory_space<vmem>>, vector<128x16xf32>
    %broadcast_in_dim3A = arith.constant 0.000000e+00 : f32
    %broadcast_in_dim3A_2 = vector.broadcast %broadcast_in_dim3A : f32 to vector<128x112xf32>
    %concatenate3A = tpu.concatenate %get3A_1, %broadcast_in_dim3A_2 in 1 : vector<128x16xf32>, vector<128x112xf32> -> vector<128x128xf32>
    %get3A_3 = arith.constant 0 : index
    %get3A_4 = arith.constant 0 : index
    %get3A_5 = vector.load %arg0[%get3A_3, %get3A_4] : memref<10000x128xf32, #tpu.memory_space<vmem>>, vector<10000x128xf32>
    %dot_general3A = arith.constant dense<0.000000e+00> : vector<10000x128xf32>
    %dot_general3A_6 = tpu.matmul %get3A_5, %concatenate3A, %dot_general3A {dimension_numbers = #tpu.dot_dimension_numbers<[1], [0], [0], [1], [0, 0, 1, 1], [], []>, transpose_lhs_hint = false} : vector<10000x128xf32>, vector<128x128xf32>, vector<10000x128xf32> -> vector<10000x128xf32>
    %swap3A = arith.constant 0 : index
    %swap3A_7 = arith.constant 0 : index
    %swap3A_8 = vector.load %arg2[%swap3A, %swap3A_7] : memref<10000x128xf32, #tpu.memory_space<vmem>>, vector<10000x128xf32>
    tpu.vector_store %arg2[%swap3A, %swap3A_7], %dot_general3A_6 {strides = array<i32>} : memref<10000x128xf32, #tpu.memory_space<vmem>>, vector<10000x128xf32>,
    return
  }
}

module attributes {stable_mosaic.version = 14 : i64} {
  func.func @_epilogue_body(%arg0: memref<2x1280x128xf32, #tpu.memory_space<vmem>>, %arg1: memref<1x16xf32, #tpu.memory_space<vmem>>, %arg2: memref<128x128xf32, #tpu.memory_space<vmem>>, %arg3: memref<1250x128xf32, #tpu.memory_space<vmem>>) attributes {dimension_semantics = [], scalar_prefetch = 0 : i64, scratch_operands = 0 : i64, tpu.core_type = #tpu.core_type<tc>} {
    %get3A = arith.constant 0 : index
    %get3A_0 = arith.constant 0 : index
    %get3A_1 = vector.load %arg1[%get3A, %get3A_0] : memref<1x16xf32, #tpu.memory_space<vmem>>, vector<1x16xf32>
    %concatenate3A = tpu.concatenate %get3A_1, %get3A_1, %get3A_1, %get3A_1, %get3A_1, %get3A_1, %get3A_1, %get3A_1 in 1 : vector<1x16xf32>, vector<1x16xf32>, vector<1x16xf32>, vector<1x16xf32>, vector<1x16xf32>, vector<1x16xf32>, vector<1x16xf32>, vector<1x16xf32> -> vector<1x128xf32>
    %get3A_2 = arith.constant 0 : index
    %get3A_3 = arith.constant 0 : index
    %get3A_4 = arith.constant 0 : index
    %get3A_5 = vector.load %arg0[%get3A_2, %get3A_3, %get3A_4] : memref<2x1280x128xf32, #tpu.memory_space<vmem>>, vector<1x1280x128xf32>
    %get3A_6 = vector.shape_cast %get3A_5 : vector<1x1280x128xf32> to vector<1280x128xf32>
    %get3A_7 = arith.constant 1 : index
    %get3A_8 = arith.constant 0 : index
    %get3A_9 = arith.constant 0 : index
    %get3A_10 = vector.load %arg0[%get3A_7, %get3A_8, %get3A_9] : memref<2x1280x128xf32, #tpu.memory_space<vmem>>, vector<1x1280x128xf32>
    %get3A_11 = vector.shape_cast %get3A_10 : vector<1x1280x128xf32> to vector<1280x128xf32>
    %add3A = arith.addf %get3A_6, %get3A_11 : vector<1280x128xf32>
    %add3A_12 = vector.broadcast %concatenate3A : vector<1x128xf32> to vector<1280x128xf32>
    %add3A_13 = arith.addf %add3A, %add3A_12 : vector<1280x128xf32>
    %max3A = arith.constant 0.000000e+00 : f32
    %max3A_14 = vector.broadcast %max3A : f32 to vector<1280x128xf32>
    %max3A_15 = arith.maximumf %add3A_13, %max3A_14 : vector<1280x128xf32>
    %reduce_max3A = arith.constant dense<0xFF800000> : vector<1280xf32>
    %reduce_max3A_16 = vector.multi_reduction <maximumf>, %max3A_15, %reduce_max3A [1] : vector<1280x128xf32> to vector<1280xf32>
    %broadcast_in_dim3A = vector.shape_cast %reduce_max3A_16 : vector<1280xf32> to vector<1280x1xf32>
    %sub3A = vector.broadcast %broadcast_in_dim3A : vector<1280x1xf32> to vector<1280x128xf32>
    %sub3A_17 = arith.subf %max3A_15, %sub3A : vector<1280x128xf32>
    %exp3A = math.exp %sub3A_17 : vector<1280x128xf32>
    %get3A_18 = arith.constant 0 : index
    %get3A_19 = arith.constant 0 : index
    %get3A_20 = vector.load %arg2[%get3A_18, %get3A_19] : memref<128x128xf32, #tpu.memory_space<vmem>>, vector<128x128xf32>
    %dot_general3A = arith.constant dense<0.000000e+00> : vector<1280x128xf32>
    %dot_general3A_21 = tpu.matmul %exp3A, %get3A_20, %dot_general3A {dimension_numbers = #tpu.dot_dimension_numbers<[1], [0], [0], [1], [0, 0, 1, 1], [], []>, transpose_lhs_hint = false} : vector<1280x128xf32>, vector<128x128xf32>, vector<1280x128xf32> -> vector<1280x128xf32>
    %sub3A_22 = vector.broadcast %broadcast_in_dim3A : vector<1280x1xf32> to vector<1280x128xf32>
    %sub3A_23 = arith.subf %max3A_15, %sub3A_22 : vector<1280x128xf32>
    %log3A = math.log %dot_general3A_21 : vector<1280x128xf32>
    %sub3A_24 = arith.subf %sub3A_23, %log3A : vector<1280x128xf32>
    %slice3A = vector.extract_strided_slice %sub3A_24 {offsets = [0, 0], sizes = [1250, 128], strides = [1, 1]} : vector<1280x128xf32> to vector<1250x128xf32>
    %swap3A = arith.constant 0 : index
    %swap3A_25 = arith.constant 0 : index
    %swap3A_26 = vector.load %arg3[%swap3A, %swap3A_25] : memref<1250x128xf32, #tpu.memory_space<vmem>>, vector<1250x128xf32>
    tpu.vector_store %arg3[%swap3A, %swap3A_25], %slice3A {strides = array<i32>} : memref<1250x128xf32, #tpu.memory_space<vmem>>, vector<1250x128xf32>,
    return
  }
}

</mosaic_0001>

<sc_bundles>
// kernel: kernel.5.cloned.1.call-start
scs
__scs_entry_jumppad:
0x0: {  	(pc) =	sbr.rel $0x88, $3  }
0x1: {  	(tag) =	ssettag $0x0;
	lr =	simm.s32 $0x1  }
0x2: {  	[smem:$0x3F9C] =	sst lr;
	_ =	strace $0xD0000000  }
0x3: {  	_ = 	snop  }
0x4: {  	_ = 	snop  }
0x5: {  	_ = 	snop  }
0x6: {  	_ = 	snop  }
0x7: {  	_ = 	snop  }
__scs_overlays_trampoline_lowered:
0x8: {  	[smem:$0x3FAB] =	sst s0  }
0x9: {  	[smem:$0x3FAC] =	sst s1  }
0xa: {  	[smem:$0x3FAD] =	sst s2  }
0xb: {  	[smem:$0x3FAE] =	sst s3  }
0xc: {  	[smem:$0x3FAF] =	sst s4  }
0xd: {  	[smem:$0x3FB0] =	sst s5  }
0xe: {  	[smem:$0x3FB1] =	sst s6  }
0xf: {  	[smem:$0x3FB2] =	sst s7  }
0x10: {  	[smem:$0x3FB3] =	sst s8  }
0x11: {  	[smem:$0x3FB4] =	sst s9;
	s0 =	simm.s32 @!p0 $0x0  }
0x12: {  	s1 =	sld [smem:$0x3F9A];
	s0 =	simm.s32 @p0 $0x1  }
0x13: {  	[smem:$0x3FB5] =	sst s0;
	s0 =	simm.s32 @!p1 $0x0  }
0x14: {  	s2 =	sld [smem:$0x3F99];
	s0 =	simm.s32 @p1 $0x1  }
0x15: {  	[smem:$0x3FB6] =	sst s0;
	s0 =	simm.s32 @!p2 $0x0  }
0x16: {  	s3 =	sld [smem:$0x3FDB];
	s0 =	simm.s32 @p2 $0x1  }
0x17: {  	s4 =	simm.s32 $0x1BF5;
	[smem:$0x3FB8] =	sst s0  }
0x18: {  	s0 =	sld [smem:$0x3F9B];
	_ =	swait.ge [sflag:s4], $0x0  }
0x19: {  	s7 =	sld [smem:$0x3F9C]  }
0x1a: {  	s8 =	sadd.s32 $0xFFFFE003, lr  }
0x1b: {  	s9 =	sadd.s32 $0xFFFFFEF7, lr;
	s5 =	simm.s32 $0xFFFFFFFF;
	p2 =	slt.u32 s8, $0xFFFFF086  }
0x1c: {  	p1 =	slt.u32 s9, $0xF7A;
	s5 =	simm.s32 @!p2 $0x0  }
0x1d: {  	s5 =	simm.s32 @p1 $0x1;
	p0 =	seq.s32 s7, s2  }
0x1e: {  	s7 =	smul.u32 @!p0 $0xF7A, s2;
	p2 =	seq.s32 @!p0 s5, $0x0  }
0x1f: {  	s9 =	smul.u32 $0xF7A, s1;
	s8 =	simm.s32 @!p0 $0x1BF5;
	p2 =	por !p2, p0  }
0x20: {  	[sflag:s8] =	ssyncset.s32 @!p0 $0xFFFFF086;
	s6 =	sadd.s32 @!p0 s3, s7;
	s7 =	simm.s32 @!p0 $0x108  }
0x21: {  	s3 =	sadd.s32 s3, s9;
	s6 =	sadd.s32 @!p0 $0x88, s6;
	s7 =	simm.s32 @p2 $0x1082  }
0x22: {  	[simem:s7], [sflag:s8] =	dma.local @!p0 [hbm:s6], $0xF7A  }
0x23: {  	s9 =	sor.u32 $0xD0000000, s2;
	s6 =	simm.s32 $0x108;
	_ =	swait.ge @!p0 [sflag:s8], $0x0  }
0x24: {  	s3 =	sadd.s32 $0x88, s3;
	s6 =	simm.s32 @!p1 $0x1082;
	[sflag:s4] =	ssyncset.s32 $0xFFFFF086  }
0x25: {  	[simem:s6], [sflag:s4] =	dma.local [hbm:s3], $0xF7A  }
0x26: {  	[smem:$0x3F9C] =	sst s1;
	(tag) =	ssettag s2;
	_ =	strace s9  }
0x27: {  	s1 =	sld [smem:$0x3FAC]  }
0x28: {  	s2 =	sld [smem:$0x3FAD]  }
0x29: {  	s4 =	sld [smem:$0x3FAF]  }
0x2a: {  	p0 =	seq.s32 s5, $0x0;
	s5 =	sld [smem:$0x3FB0]  }
0x2b: {  	s6 =	sld [smem:$0x3FB1]  }
0x2c: {  	s7 =	sld [smem:$0x3FB2]  }
0x2d: {  	s3 =	simm.s32 $0x108;
	s8 =	sld [smem:$0x3FB3]  }
0x2e: {  	s3 =	simm.s32 @!p0 $0x1082;
	s9 =	sld [smem:$0x3FB4]  }
0x2f: {  	lr =	sadd.s32 s0, s3;
	s0 =	sld [smem:$0x3FAB]  }
0x30: {  	s3 =	sld [smem:$0x3FAE]  }
0x31: {  	[smem:$0x3FB7] =	sst s10  }
0x32: {  	s10 =	sld [smem:$0x3FB5];
	_ =	sdelay $0x3  }
0x33: {  	p0 =	seq.s32 s10, $0x1;
	s10 =	sld [smem:$0x3FB7];
	_ =	sdelay $0x3  }
0x34: {  	[smem:$0x3FB7] =	sst s10  }
0x35: {  	s10 =	sld [smem:$0x3FB6];
	_ =	sdelay $0x3  }
0x36: {  	p1 =	seq.s32 s10, $0x1;
	s10 =	sld [smem:$0x3FB7];
	_ =	sdelay $0x3  }
0x37: {  	[smem:$0x3FB7] =	sst s10  }
0x38: {  	s10 =	sld [smem:$0x3FB8]  }
0x39: {  	_ = 	snop;
	(pc) =	sbr.ind lr, $3  }
0x3a: {  	_ = 	snop  }
0x3b: {  	_ = 	snop  }
0x3c: {  	p2 =	seq.s32 s10, $0x1;
	s10 =	sld [smem:$0x3FB7]  }
0x3d: {  	_ =	shalt  }
0x3e: {  	_ =	shalt  }
0x3f: {  	_ =	shalt  }
0x40: {  	_ =	shalt  }
0x41: {  	_ =	shalt  }
0x42: {  	_ =	shalt  }
0x43: {  	_ =	shalt  }
0x44: {  	_ =	shalt  }
0x45: {  	_ =	shalt  }
0x46: {  	_ =	shalt  }
0x47: {  	_ =	shalt  }
0x48: {  	_ =	shalt  }
0x49: {  	_ =	shalt  }
0x4a: {  	_ =	shalt  }
0x4b: {  	_ =	shalt  }
0x4c: {  	_ =	shalt  }
0x4d: {  	_ =	shalt  }
0x4e: {  	_ =	shalt  }
0x4f: {  	_ =	shalt  }
0x50: {  	_ =	shalt  }
0x51: {  	_ =	shalt  }
0x52: {  	_ =	shalt  }
0x53: {  	_ =	shalt  }
0x54: {  	_ =	shalt  }
0x55: {  	_ =	shalt  }
0x56: {  	_ =	shalt  }
0x57: {  	_ =	shalt  }
0x58: {  	_ =	shalt  }
0x59: {  	_ =	shalt  }
0x5a: {  	_ =	shalt  }
0x5b: {  	_ =	shalt  }
0x5c: {  	_ =	shalt  }
0x5d: {  	_ =	shalt  }
0x5e: {  	_ =	shalt  }
0x5f: {  	_ =	shalt  }
0x60: {  	_ =	shalt  }
0x61: {  	_ =	shalt  }
0x62: {  	_ =	shalt  }
0x63: {  	_ =	shalt  }
0x64: {  	_ =	shalt  }
0x65: {  	_ =	shalt  }
0x66: {  	_ =	shalt  }
0x67: {  	_ =	shalt  }
0x68: {  	_ =	shalt  }
0x69: {  	_ =	shalt  }
0x6a: {  	_ =	shalt  }
0x6b: {  	_ =	shalt  }
0x6c: {  	_ =	shalt  }
0x6d: {  	_ =	shalt  }
0x6e: {  	_ =	shalt  }
0x6f: {  	_ =	shalt  }
0x70: {  	_ =	shalt  }
0x71: {  	_ =	shalt  }
0x72: {  	_ =	shalt  }
0x73: {  	_ =	shalt  }
0x74: {  	_ =	shalt  }
0x75: {  	_ =	shalt  }
0x76: {  	_ =	shalt  }
0x77: {  	_ =	shalt  }
0x78: {  	_ =	shalt  }
0x79: {  	_ =	shalt  }
0x7a: {  	_ =	shalt  }
0x7b: {  	_ =	shalt  }
0x7c: {  	_ =	shalt  }
0x7d: {  	_ =	shalt  }
0x7e: {  	_ =	shalt  }
0x7f: {  	_ =	shalt  }
0x80: {  	_ =	shalt  }
0x81: {  	_ =	shalt  }
0x82: {  	_ =	shalt  }
0x83: {  	_ =	shalt  }
0x84: {  	_ =	shalt  }
0x85: {  	_ =	shalt  }
0x86: {  	_ =	shalt  }
0x87: {  	_ =	shalt  }
.Lfunc_end0:
.L_simem_size_0:
called_computation_lowered:
.L_overlay_start_0:
0x88: {  	s2 =	sld [smem:$0x3FD9]  }
0x89: {  	s3 =	sld [smem:$0x3FFE];
	_ =	sdelay $0x1  }
0x8a: {  	s1 =	srdreg.scid  }
0x8b: {  	s0 =	sand.u32 $0x1, s1  }
0x8c: {  	s17 =	sshll.u32 s0, $0xA;
	s2 =	sadd.s32 s3, s2  }
0x8d: {  	s2 =	sadd.s32 s2, s17  }
0x8e: {  	[smem:$0x3FC3] =	sst s2  }
0x8f: {  	_ = 	snop  }
0x90: {  	s2 =	sld [smem:$0x3FC7];
	(tm) =	ssettm $0x1  }
0x91: {  	s18 =	sld [smem:$0x3FFB];
	_ =	sdelay $0x3  }
0x92: {  	_ =	strace s18  }
0x93: {  	s3 =	sld [smem:$0x3FFC];
	_ =	sdelay $0x3  }
0x94: {  	_ =	strace s3  }
0x95: {  	s3 =	sld [smem:$0x3FFD];
	_ =	sdelay $0x3  }
0x96: {  	_ =	strace s3  }
0x97: {  	_ =	strace $0x8FFFFFFF  }
0x98: {  	s19 =	sld [smem:$0x3FDB];
	_ =	sdelay $0x1  }
0x99: {  	s4 =	simm.s32 $_scs_section_size  }
0x9a: {  	s5 =	simm.s32 $_size__tile_overlayer_lowered;
	s6 =	simm.s32 $_tile_overlayer_lowered  }
0x9b: {  	s22 =	simm.s32 $0x1BFF;
	s21 =	sshll.u32 s6, $0x1;
	s3 =	sadd.s32 s4, s19  }
0x9c: {  	s7 =	simm.s32 $0x0;
	s20 =	sshll.u32 s5, $0x1;
	s5 =	sadd.s32 s21, s3  }
0x9d: {  	[timem:s7], [sflag:s22] =	dma.local [hbm:s5], s20  }
0x9e: {  	_ =	swait.ge [sflag:s22], s20  }
0x9f: {  	s4 =	ssub.s32 $0x0, s20;
	[sflag:s22] =	ssyncset.done $0x0  }
0xa0: {  	[sflag:s22] =	ssyncadd.s32 s4;
	_ =	sdelay $0x1  }
0xa1: {  	s23 =	simm.s32 $0x1B8B  }
0xa2: {  	_ =	swait.ge [sflag:s23], $0x1  }
0xa3: {  	[sflag:s23] =	ssyncset.done $0x0  }
0xa4: {  	s25 =	simm.s32 $0x1B8E;
	s24 =	sld [smem:$0x3FFE];
	[sflag:s23] =	ssyncadd.s32 $0xFFFFFFFF  }
0xa5: {  	s26 =	simm.s32 $execute0_lowered;
	[smem:$0x3FD2] =	sst s25  }
0xa6: {  	s5 =	sshll.u32 s26, $0x1;
	_ =	strace $0x80000046;
	[dreg:$0x1] =	wrdreg $0xFFFFFFFF  }
0xa7: {  	s28 =	simm.s32 $_size_execute0_lowered;
	s3 =	sadd.s32 s3, s5;
	[dreg:$0x0] =	wrdreg $0x0  }
0xa8: {  	s5 =	sshll.u32 s28, $0x1;
	[dreg:$0x2] =	wrdreg s3  }
0xa9: {  	[dreg:$0x3] =	wrdreg s5  }
0xaa: {  	[dreg:$0x4] =	wrdreg $0xC0  }
0xab: {  	_ =	task [dreg:s7], $0x5FFFF  }
0xac: {  	[dreg:$0x1] =	wrdreg $0xFFFFFFFF  }
0xad: {  	[dreg:$0x0] =	wrdreg $0x60  }
0xae: {  	[dreg:$0x2] =	wrdreg s24  }
0xaf: {  	[dreg:$0x3] =	wrdreg s2  }
0xb0: {  	[dreg:$0x4] =	wrdreg $0x1D5B00  }
0xb1: {  	[dreg:$0x5] =	wrdreg $0x9  }
0xb2: {  	_ =	task.clear_ibuf [dreg:s7], $0x6FFFF;
	_ =	strace $0x90000046  }
0xb3: {  	s29 =	simm.s32 $0x9;
	_ =	strace $0x80000048  }
0xb4: {  	_ =	swait.ge [sflag:s29], $0x1  }
0xb5: {  	[sflag:s29] =	ssyncadd.s32 $0xFFFFFFFF  }
0xb6: {  	_ =	strace $0x90000048  }
0xb7: {  	_ =	sfence  }
0xb8: {  	s30 =	sld [smem:$0x0];
	_ =	sdelay $0x2  }
0xb9: {  	s31 =	sshll.u32 s1, $0xD;
	s1 =	sshrl.u32 s1, $0x2  }
0xba: {  	s3 =	sand.u32 $0x4000, s31;
	s1 =	sadd.s32 s1, s30  }
0xbb: {  	s0 =	sor.u32 s3, s0;
	s1 =	sshll.u32 s1, $0x11  }
0xbc: {  	s0 =	sor.u32 s1, s0  }
0xbd: {  	s0 =	sadd.s32 $0x8F2B, s0  }
0xbe: {  	[sflag:s0] =	ssyncadd.remote.s32 $0x1  }
0xbf: {  	_ =	sfence.sel $0xFFFF  }
0xc0: {  	[dreg:$0x0] =	wrdreg $0xFFFFFFFF;
	(pc) =	sbr.abs _section_cstart, $3  }
0xc1: {  	[dreg:$0x1] =	wrdreg $0xFFFFFFFF  }
0xc2: {  	_ =	task.clear_ibuf [dreg:s7], $0x2FFFF;
	_ =	strace $0x9FFFFFFF  }
0xc3: {  	(tm) =	ssettm $0x7FFFFFFF  }
tec
execute0_lowered:
.L_overlay_start_1:
0x0: {  	(tag) =	ssettag $0x1  }
0x1: {  	s0 =	rddreg [dreg:$0x0]  }
0x2: {  	s2 =	rddreg [dreg:$0x1]  }
0x3: {  	s1 =	rddreg [dreg:$0x2];
	s4 =	srdreg.scid  }
0x4: {  	s3 =	simm.s32 $0x0;
	s12 =	stileid.u32;
	s28 =	simm.s32 $0x7D0  }
0x5: {  	s29 =	simm.s32 $0x36B0;
	s30 =	simm.s32 $0x130B0;
	s31 =	simm.s32 $0x1770  }
0x6: {  	s14 =	simm.s32 $0x5;
	s5 =	sand.u32 $0x1, s4;
	s10 =	smul.u32 $0xA000, s12  }
0x7: {  	[smem:$0x7FF] =	sst s3;
	s25 =	smul.u32 $0x500, s12;
	s4 =	sshll.u32 s5, $0x4  }
0x8: {  	s8 =	sadd.s32 $0xC00, s0;
	s6 =	smul.u32 $0x5000, s5;
	s7 =	sor.u32 s12, s4  }
0x9: {  	_ =	strace $0x80000047;
	s5 =	ssub.s32 $0x2, s5;
	s7 =	smul.u32 $0x2710, s7  }
0xa: {  	s4 =	sadd.s32 $0x14600, s0;
	s9 =	sshrl.u32 s5, $0x1;
	s15 =	sshrl.u32 s10, $0x2  }
0xb: {  	s12 =	simm.s32 $0x3;
	s11 =	ssub.s32 s5, s9;
	s5 =	sshrl.u32 s7, $0x3  }
0xc: {  	s6 =	sadd.s32 s6, s0;
	s9 =	sadd.s32 s15, s1;
	s7 =	sadd.s32 s8, s5  }
0xd: {  	s16 =	sadd.s32 s2, s5;
	s10 =	sadd.s32 $0xFA, s5;
	[dreg:$0x4] =	wrdreg s7  }
0xe: {  	s15 =	simm.s32 $0x0;
	[dreg:$0x5] =	wrdreg s16;
	s17 =	sadd.s32 s8, s10  }
0xf: {  	s13 =	sadd.s32 $0x1F4, s5;
	s18 =	sadd.s32 s2, s10;
	[dreg:$0x6] =	wrdreg s17  }
0x10: {  	s26 =	sadd.s32 $0x3B800, s6;
	s19 =	sadd.s32 s8, s13;
	[dreg:$0x7] =	wrdreg s18  }
0x11: {  	s20 =	sadd.s32 s2, s13;
	s16 =	sadd.s32 $0x2EE, s5;
	[dreg:$0x8] =	wrdreg s19  }
0x12: {  	s6 =	simm.s32 $0x1;
	[dreg:$0x9] =	wrdreg s20;
	s21 =	sadd.s32 s8, s16  }
0x13: {  	s7 =	sadd.s32 $0xA840, s0;
	s22 =	sadd.s32 s2, s16;
	[dreg:$0xa] =	wrdreg s21  }
0x14: {  	v0 =	vimm.f32 $0.0e+00;
	v5 =	vimm.s32 $0x0;
	s0 =	simm.s32 $0x2;
	s19 =	sadd.s32 $0x3E8, s5;
	[dreg:$0xb] =	wrdreg s22  }
0x15: {  	v54 =	vimm.s32 $0x1;
	v55 =	vimm.s32 $0x2;
	v8 =	vimm.s32 $0x3;
	s23 =	sadd.s32 s8, s19;
	s24 =	sadd.s32 s2, s19;
	s22 =	smax.u32 s11, $0x1  }
0x16: {  	v9 =	vimm.s32 $0x4;
	v10 =	vimm.s32 $0x5;
	v11 =	vimm.s32 $0x6;
	s2 =	simm.s32 $0xB3B0;
	s11 =	simm.s32 $0x4;
	[dreg:$0xc] =	wrdreg s23  }
0x17: {  	v12 =	vimm.s32 $0x7;
	v13 =	vimm.s32 $0x8;
	v14 =	vimm.s32 $0x9;
	s8 =	simm.s32 $0x6;
	[dreg:$0xd] =	wrdreg s24;
	s23 =	simm.s32 $0x7  }
0x18: {  	v15 =	vimm.s32 $0xA;
	v16 =	vimm.s32 $0xB;
	v53 =	vimm.s32 $0xF;
	s24 =	sadd.s32 s25, s26;
	s25 =	simm.s32 $0xFA0;
	s26 =	simm.s32 $0x2710  }
.LBB2_1:
0x19: {  	s17 =	rddreg [dreg:$0x4]  }
0x1a: {  	[tilespmem:s3], [sflag:$0x7] =	stream.linear.gather [hbm4b:s17+s3], $0x7D0, $0x38;
	[tilespmem:$0x1FDB0] =	vst v63  }
0x1b: {  	_ =	swait.ge [sflag:s23], $0x7D0  }
0x1c: {  	[sflag:s23] =	ssyncset.done $0x0  }
0x1d: {  	s20 =	sadd.s32 s5, s7;
	[sflag:s23] =	ssyncadd.s32 $0xFFFFF830  }
0x1e: {  	[tilespmem:s25], [sflag:$0x7] =	stream.linear.gather [hbm4b:s20+s3], $0x7D0, $0x38;
	[tilespmem:$0x1FDB0] =	vst v63  }
0x1f: {  	_ =	swait.ge [sflag:s23], $0x7D0  }
0x20: {  	[sflag:s23] =	ssyncset.done $0x0  }
0x21: {  	s21 =	rddreg [dreg:$0x5];
	[sflag:s23] =	ssyncadd.s32 $0xFFFFF830  }
0x22: {  	[tilespmem:s26], [sflag:$0x7] =	stream.linear.gather [hbm4b:s21+s3], $0x7D0, $0x38;
	[tilespmem:$0x1FDB0] =	vst v63  }
0x23: {  	_ =	swait.ge [sflag:s23], $0x7D0  }
0x24: {  	[sflag:s23] =	ssyncset.done $0x0  }
0x25: {  	s18 =	simm.s32 $0x0;
	s17 =	simm.s32 $0x40;
	[sflag:s23] =	ssyncadd.s32 $0xFFFFF830  }
0x26: {  	[tilespmem:s29], [sflag:$0x1] =	stream.indirect.gather [hbm4b:s4+s28], $0x10, s3, s28, $0xb8;
	[tilespmem:$0x1FDB0] =	vst v63  }
.LBB2_2:
0x27: {  	p0 =	sne.s32 s17, $0x9FC0;
	[tilespmem:s18+$0x130B0] =	vst v0;
	s18 =	smov.u32 s17;
	s17 =	sadd.s32 $0x40, s17  }
.Ltmp0:
0x28: {  	(pc) =	sbr.rel @p0 .LBB2_2-.Ltmp0, $2  }
0x29: {  	_ =	sdelay $0x2  }
0x2a: {  	s18 =	sshra.s32 s18, $0x2  }
0x2b: {  	[tilespmem:s18+$0x130B0] =	vst v0  }
0x2c: {  	[spmem:s9] =	stream.linear.scatter [tilespmem:s30], [sflag:$0x7], $0x2800, $0x38;
	[tilespmem:$0x1FDB0] =	vst v63  }
0x2d: {  	_ =	swait.ge [sflag:s23], $0x2800  }
0x2e: {  	[sflag:s23] =	ssyncset.done $0x0  }
0x2f: {  	s17 =	rddreg [dreg:$0x6];
	[sflag:s23] =	ssyncadd.s32 $0xFFFFD800  }
0x30: {  	[tilespmem:s28], [sflag:$0x7] =	stream.linear.gather [hbm4b:s17+s3], $0x7D0, $0x38;
	[tilespmem:$0x1FDB0] =	vst v63  }
0x31: {  	_ =	swait.ge [sflag:s23], $0x7D0  }
0x32: {  	[sflag:s23] =	ssyncset.done $0x0  }
0x33: {  	s21 =	sadd.s32 s10, s7;
	[sflag:s23] =	ssyncadd.s32 $0xFFFFF830  }
0x34: {  	[tilespmem:s31], [sflag:$0x7] =	stream.linear.gather [hbm4b:s21+s3], $0x7D0, $0x38;
	[tilespmem:$0x1FDB0] =	vst v63  }
0x35: {  	_ =	swait.ge [sflag:s23], $0x7D0  }
0x36: {  	[sflag:s23] =	ssyncset.done $0x0  }
0x37: {  	s20 =	simm.s32 $0x2EE0;
	s18 =	rddreg [dreg:$0x7];
	[sflag:s23] =	ssyncadd.s32 $0xFFFFF830  }
0x38: {  	[tilespmem:s20], [sflag:$0x7] =	stream.linear.gather [hbm4b:s18+s3], $0x7D0, $0x38;
	[tilespmem:$0x1FDB0] =	vst v63  }
0x39: {  	_ =	swait.ge [sflag:s23], $0x7D0  }
0x3a: {  	[sflag:s23] =	ssyncset.done $0x0  }
0x3b: {  	[sflag:s23] =	ssyncadd.s32 $0xFFFFF830  }
0x3c: {  	[tilespmem:s2], [sflag:$0x2] =	stream.indirect.gather [hbm4b:s4+s28], $0x10, s28, s28, $0xb8;
	[tilespmem:$0x1FDB0] =	vst v63  }
0x3d: {  	[bflag:$0x0] =	sbarrier.arrive $0xFFFF  }
0x3e: {  	_ =	swait.ge [sflag:s6], $0x7D00  }
0x3f: {  	[sflag:s6] =	ssyncset.done $0x0  }
0x40: {  	s21 =	simm.s32 $0x2720;
	[sflag:s6] =	ssyncadd.s32 $0xFFFF8300  }
0x41: {  	v22 =	vld [tilespmem:s21+$0x0]  }
0x42: {  	s17 =	simm.s32 $0x37B0;
	v17 =	vld [tilespmem:s21+$0xFFFFFFF0]  }
0x43: {  	v18 =	vld [tilespmem:s17+$0xF0]  }
0x44: {  	v19 =	vld [tilespmem:s17+$0xFFFFFF00]  }
0x45: {  	v20 =	vld [tilespmem:s17+$0xFFFFFF10]  }
0x46: {  	v21 =	vld [tilespmem:s17+$0xFFFFFF20];
	v23 =	vperm.xlane v22, v5;
	v24 =	vperm.xlane v22, v53  }
0x47: {  	v27 =	vld [tilespmem:s17+$0xFFFFFF30];
	v25 =	vperm.xlane v17, v5;
	v26 =	vperm.xlane v17, v54  }
0x48: {  	v29 =	vld [tilespmem:s17+$0xFFFFFF40];
	v28 =	vperm.xlane v17, v55;
	v30 =	vperm.xlane v17, v9  }
0x49: {  	v31 =	vld [tilespmem:s17+$0xFFFFFF50];
	v32 =	vperm.xlane v17, v10;
	v33 =	vperm.xlane v17, v11  }
0x4a: {  	v34 =	vld [tilespmem:s17+$0xFFFFFF60];
	v35 =	vperm.xlane v17, v12;
	v37 =	vperm.xlane v17, v13  }
0x4b: {  	v0 =	vimm.s32 $0xC;
	v36 =	vld [tilespmem:s17+$0xFFFFFF70];
	v39 =	vperm.xlane v17, v14;
	v40 =	vperm.xlane v17, v15  }
0x4c: {  	v1 =	vimm.s32 $0xD;
	v38 =	vld [tilespmem:s17+$0xFFFFFF80];
	v42 =	vperm.xlane v17, v16;
	v43 =	vperm.xlane v17, v0  }
0x4d: {  	v41 =	vld [tilespmem:s17+$0xFFFFFF90];
	v44 =	vperm.xlane v17, v1;
	v56 =	vperm.xlane v22, v55  }
0x4e: {  	v50 =	vld [tilespmem:s17+$0xFFFFFFE0];
	v59 =	vperm.xlane v22, v8;
	v63 =	vperm.xlane v22, v11  }
0x4f: {  	v51 =	vld [tilespmem:s17+$0xFFFFFFF0];
	v49 =	vperm.xlane v22, v12;
	v18 =	vmul.f32 v18, v24  }
0x50: {  	v58 =	vld [tilespmem:s17+$0x20];
	v24 =	vperm.xlane v17, v8;
	v19 =	vmul.f32 v19, v25  }
0x51: {  	v2 =	vimm.s32 $0xE;
	v60 =	vld [tilespmem:s17+$0x30];
	v20 =	vmul.f32 v20, v26;
	v21 =	vmul.f32 v21, v28  }
0x52: {  	v52 =	vld [tilespmem:s17+$0x0];
	v29 =	vmul.f32 v29, v30;
	v28 =	vperm.xlane v17, v2  }
0x53: {  	v57 =	vld [tilespmem:s17+$0x10];
	v30 =	vmul.f32 v31, v32;
	v17 =	vperm.xlane v17, v53  }
0x54: {  	v61 =	vld [tilespmem:s17+$0x40];
	v45 =	vmul.f32 v34, v33;
	v46 =	vmul.f32 v36, v35  }
0x55: {  	v62 =	vld [tilespmem:s17+$0x50];
	v47 =	vmul.f32 v38, v37;
	v41 =	vmul.f32 v41, v39  }
0x56: {  	v26 =	vld [tilespmem:s17+$0xFFFFFFB0];
	v32 =	vmul.f32 v58, v56;
	v36 =	vmul.f32 v60, v59  }
0x57: {  	v24 =	vmul.f32 v27, v24;
	v27 =	vld [tilespmem:s17+$0xFFFFFFC0];
	[tilespmem:s17+$0xF0] =	vst v18;
	v18 =	vperm.xlane v22, v54  }
0x58: {  	v31 =	vld [tilespmem:s17+$0xFFFFFFD0];
	[tilespmem:s17+$0xFFFFFF00] =	vst v19;
	v19 =	vperm.xlane v22, v9;
	v28 =	vmul.f32 v50, v28  }
0x59: {  	v48 =	vld [tilespmem:s17+$0x60];
	[tilespmem:s17+$0xFFFFFF10] =	vst v20;
	v20 =	vperm.xlane v22, v10;
	v33 =	vmul.f32 v51, v17  }
0x5a: {  	v25 =	vld [tilespmem:s17+$0xFFFFFFA0];
	[tilespmem:s17+$0xFFFFFF20] =	vst v21;
	v51 =	vperm.xlane v22, v13;
	v17 =	vperm.xlane v22, v14  }
0x5b: {  	v37 =	vld [tilespmem:s17+$0x90];
	[tilespmem:s17+$0xFFFFFF40] =	vst v29;
	v21 =	vperm.xlane v22, v15;
	v34 =	vmul.f32 v57, v18  }
0x5c: {  	v50 =	vld [tilespmem:s17+$0x70];
	[tilespmem:s17+$0xFFFFFF50] =	vst v30;
	v35 =	vmul.f32 v26, v42;
	v26 =	vmul.f32 v27, v43  }
0x5d: {  	[tilespmem:s17+$0xFFFFFF60] =	vst v45;
	v27 =	vmul.f32 v31, v44;
	v31 =	vmul.f32 v52, v23;
	v52 =	vld [tilespmem:s17+$0x80]  }
0x5e: {  	v38 =	vld [tilespmem:s17+$0xA0];
	[tilespmem:s17+$0xFFFFFF70] =	vst v46;
	v18 =	vperm.xlane v22, v16;
	v29 =	vmul.f32 v62, v20  }
0x5f: {  	v39 =	vld [tilespmem:s17+$0xB0];
	[tilespmem:s17+$0xFFFFFF30] =	vst v24;
	v20 =	vperm.xlane v22, v0;
	v24 =	vmul.f32 v48, v63  }
0x60: {  	[tilespmem:s17+$0xFFFFFF90] =	vst v41;
	v41 =	vld [tilespmem:s17+$0xD0];
	v25 =	vmul.f32 v25, v40;
	v23 =	vmul.f32 v61, v19  }
0x61: {  	[tilespmem:s17+$0xFFFFFF80] =	vst v47;
	v40 =	vld [tilespmem:s17+$0xC0];
	v19 =	vperm.xlane v22, v1;
	v30 =	vmul.f32 v50, v49  }
0x62: {  	s20 =	simm.s32 $0x0;
	s18 =	simm.s32 $0x37B0;
	s21 =	simm.s32 $0x2740;
	v42 =	vld [tilespmem:s17+$0xE0];
	[tilespmem:s17+$0xFFFFFFA0] =	vst v25;
	v22 =	vperm.xlane v22, v2;
	v25 =	vmul.f32 v52, v51  }
.LBB2_4:
0x63: {  	v43 =	vld [tilespmem:s21+$0x0];
	s20 =	sadd.s32 $0x20, s20;
	[tilespmem:s17+$0xFFFFFFB0] =	vst v35;
	v17 =	vmul.f32 v37, v17;
	v21 =	vmul.f32 v38, v21  }
0x64: {  	v35 =	vld [tilespmem:s21+$0xFFFFFFF0]  }
0x65: {  	s17 =	sadd.s32 $0x200, s17;
	p0 =	slt.u32 s20, $0x7A0;
	[tilespmem:s18+$0xFFFFFFC0] =	vst v26;
	v18 =	vmul.f32 v39, v18  }
0x66: {  	v26 =	vld [tilespmem:s17+$0xF0];
	[tilespmem:s18+$0xFFFFFFD0] =	vst v27;
	v20 =	vmul.f32 v40, v20  }
0x67: {  	v27 =	vld [tilespmem:s17+$0xFFFFFF00];
	[tilespmem:s18+$0xFFFFFFE0] =	vst v28;
	v19 =	vmul.f32 v41, v19  }
0x68: {  	v28 =	vld [tilespmem:s17+$0xFFFFFF10];
	[tilespmem:s18+$0xFFFFFFF0] =	vst v33;
	v22 =	vmul.f32 v42, v22;
	v38 =	vperm.xlane v43, v5  }
0x69: {  	v33 =	vld [tilespmem:s17+$0xFFFFFF20];
	v37 =	vperm.xlane v43, v53;
	[tilespmem:s18+$0x0] =	vst v31;
	v31 =	vperm.xlane v35, v5  }
0x6a: {  	v39 =	vperm.xlane v35, v54;
	v40 =	vld [tilespmem:s17+$0xFFFFFF30];
	[tilespmem:s18+$0x10] =	vst v34;
	v34 =	vperm.xlane v35, v55  }
0x6b: {  	v44 =	vperm.xlane v35, v11;
	v41 =	vld [tilespmem:s17+$0xFFFFFF40];
	v26 =	vmul.f32 v26, v37;
	[tilespmem:s18+$0x20] =	vst v32  }
0x6c: {  	v32 =	vperm.xlane v35, v8;
	v37 =	vperm.xlane v35, v9;
	v42 =	vld [tilespmem:s17+$0xFFFFFF50];
	[tilespmem:s18+$0x30] =	vst v36  }
0x6d: {  	v4 =	vimm.s32 $0xC;
	v47 =	vperm.xlane v35, v13;
	v36 =	vperm.xlane v35, v10;
	v45 =	vld [tilespmem:s17+$0xFFFFFF60];
	[tilespmem:s17+$0xF0] =	vst v26  }
0x6e: {  	v6 =	vimm.s32 $0xD;
	v48 =	vperm.xlane v35, v14;
	v26 =	vperm.xlane v35, v12;
	v46 =	vld [tilespmem:s17+$0xFFFFFF70];
	[tilespmem:s18+$0x40] =	vst v23  }
0x6f: {  	v7 =	vimm.s32 $0xE;
	v49 =	vperm.xlane v35, v15;
	v50 =	vperm.xlane v35, v16;
	v23 =	vld [tilespmem:s17+$0xFFFFFF80];
	[tilespmem:s18+$0x50] =	vst v29  }
0x70: {  	v0 =	vimm.s32 $0xF;
	v51 =	vperm.xlane v35, v4;
	v52 =	vperm.xlane v35, v6;
	v29 =	vld [tilespmem:s17+$0xFFFFFF90];
	[tilespmem:s18+$0x60] =	vst v24  }
0x71: {  	v53 =	vperm.xlane v35, v7;
	v54 =	vperm.xlane v35, v0;
	v0 =	vimm.s32 $0x1;
	v24 =	vld [tilespmem:s17+$0xFFFFFFA0];
	[tilespmem:s18+$0x70] =	vst v30  }
0x72: {  	v57 =	vperm.xlane v43, v8;
	v55 =	vperm.xlane v43, v0;
	v0 =	vimm.s32 $0x2;
	v30 =	vld [tilespmem:s17+$0xFFFFFFB0];
	[tilespmem:s18+$0x80] =	vst v25  }
0x73: {  	v59 =	vperm.xlane v43, v9;
	v56 =	vperm.xlane v43, v0;
	v25 =	vld [tilespmem:s17+$0xFFFFFFC0];
	[tilespmem:s18+$0x90] =	vst v17  }
0x74: {  	v60 =	vperm.xlane v43, v10;
	v62 =	vperm.xlane v43, v11;
	v58 =	vld [tilespmem:s17+$0xFFFFFFD0];
	[tilespmem:s18+$0xA0] =	vst v21  }
0x75: {  	v63 =	vperm.xlane v43, v12;
	v1 =	vperm.xlane v43, v13;
	v61 =	vld [tilespmem:s17+$0xFFFFFFE0];
	[tilespmem:s18+$0xB0] =	vst v18  }
0x76: {  	v27 =	vmul.f32 v27, v31;
	v17 =	vperm.xlane v43, v14;
	v0 =	vld [tilespmem:s17+$0xFFFFFFF0];
	[tilespmem:s18+$0xC0] =	vst v20  }
0x77: {  	v21 =	vperm.xlane v43, v15;
	v18 =	vperm.xlane v43, v16;
	v2 =	vld [tilespmem:s17+$0x0];
	[tilespmem:s18+$0xD0] =	vst v19  }
0x78: {  	v20 =	vperm.xlane v43, v4;
	v19 =	vperm.xlane v43, v6;
	v3 =	vld [tilespmem:s17+$0x10];
	[tilespmem:s18+$0xE0] =	vst v22;
	s18 =	smov.u32 s17  }
0x79: {  	v28 =	vmul.f32 v28, v39;
	v22 =	vperm.xlane v43, v7;
	v4 =	vld [tilespmem:s17+$0x20]  }
0x7a: {  	v31 =	vmul.f32 v33, v34;
	v33 =	vmul.f32 v45, v44;
	v43 =	vld [tilespmem:s17+$0x30]  }
0x7b: {  	[tilespmem:s17+$0xFFFFFF00] =	vst v27;
	v27 =	vmul.f32 v40, v32;
	v32 =	vmul.f32 v41, v37;
	v40 =	vld [tilespmem:s17+$0x40]  }
0x7c: {  	v34 =	vmul.f32 v46, v26;
	[tilespmem:s17+$0xFFFFFF10] =	vst v28;
	v28 =	vmul.f32 v42, v36;
	v41 =	vld [tilespmem:s17+$0x50]  }
0x7d: {  	v23 =	vmul.f32 v23, v47;
	v29 =	vmul.f32 v29, v48;
	[tilespmem:s17+$0xFFFFFF20] =	vst v31;
	v42 =	vld [tilespmem:s17+$0x60]  }
0x7e: {  	v44 =	vmul.f32 v24, v49;
	v35 =	vmul.f32 v30, v50;
	[tilespmem:s17+$0xFFFFFF30] =	vst v27;
	v45 =	vld [tilespmem:s17+$0x70]  }
0x7f: {  	v26 =	vmul.f32 v25, v51;
	v31 =	vmul.f32 v2, v38;
	[tilespmem:s17+$0xFFFFFF40] =	vst v32;
	v25 =	vld [tilespmem:s17+$0x80]  }
0x80: {  	v27 =	vmul.f32 v58, v52;
	[tilespmem:s17+$0xFFFFFF50] =	vst v28;
	v28 =	vmul.f32 v61, v53;
	v37 =	vld [tilespmem:s17+$0x90]  }
.Ltmp1:
0x81: {  	v32 =	vmul.f32 v4, v56;
	v53 =	vimm.s32 $0xF;
	[tilespmem:s17+$0xFFFFFF60] =	vst v33;
	v33 =	vmul.f32 v0, v54;
	v38 =	vld [tilespmem:s17+$0xA0];
	(pc) =	sbr.rel @p0 .LBB2_4-.Ltmp1, $4  }
0x82: {  	v54 =	vimm.s32 $0x1;
	[tilespmem:s17+$0xFFFFFF70] =	vst v34;
	v34 =	vmul.f32 v3, v55;
	v55 =	vimm.s32 $0x2;
	v39 =	vld [tilespmem:s17+$0xB0]  }
0x83: {  	v36 =	vmul.f32 v43, v57;
	[tilespmem:s17+$0xFFFFFF80] =	vst v23;
	v23 =	vmul.f32 v40, v59;
	v40 =	vld [tilespmem:s17+$0xC0]  }
0x84: {  	v24 =	vmul.f32 v42, v62;
	[tilespmem:s17+$0xFFFFFF90] =	vst v29;
	v29 =	vmul.f32 v41, v60;
	v41 =	vld [tilespmem:s17+$0xD0]  }
0x85: {  	s21 =	sadd.s32 $0x20, s21;
	v30 =	vmul.f32 v45, v63;
	v25 =	vmul.f32 v25, v1;
	[tilespmem:s17+$0xFFFFFFA0] =	vst v44;
	v42 =	vld [tilespmem:s17+$0xE0]  }
0x86: {  	[tilespmem:s17+$0xFFFFFFB0] =	vst v35  }
0x87: {  	[tilespmem:s18+$0x0] =	vst v31  }
0x88: {  	[tilespmem:s18+$0x10] =	vst v34  }
0x89: {  	[tilespmem:s18+$0x20] =	vst v32  }
0x8a: {  	[tilespmem:s18+$0x30] =	vst v36  }
0x8b: {  	[tilespmem:s18+$0x40] =	vst v23  }
0x8c: {  	[tilespmem:s18+$0x50] =	vst v29  }
0x8d: {  	[tilespmem:s18+$0x60] =	vst v24  }
0x8e: {  	[tilespmem:s18+$0xFFFFFFC0] =	vst v26  }
0x8f: {  	[tilespmem:s18+$0xFFFFFFD0] =	vst v27  }
0x90: {  	[tilespmem:s18+$0xFFFFFFE0] =	vst v28  }
0x91: {  	[tilespmem:s18+$0xFFFFFFF0] =	vst v33  }
0x92: {  	v0 =	vmul.f32 v37, v17;
	[tilespmem:s18+$0x70] =	vst v30  }
0x93: {  	v1 =	vmul.f32 v38, v21;
	[tilespmem:s18+$0x80] =	vst v25  }
0x94: {  	v2 =	vmul.f32 v39, v18;
	[tilespmem:s18+$0x90] =	vst v0  }
0x95: {  	v44 =	vmul.f32 v40, v20;
	[tilespmem:s18+$0xA0] =	vst v1  }
0x96: {  	v45 =	vmul.f32 v41, v19;
	[tilespmem:s18+$0xB0] =	vst v2  }
0x97: {  	v46 =	vmul.f32 v42, v22;
	[tilespmem:s18+$0xC0] =	vst v44  }
0x98: {  	[tilespmem:s18+$0xD0] =	vst v45  }
0x99: {  	[tilespmem:s18+$0xE0] =	vst v46  }
0x9a: {  	v0 =	vld [tilespmem:$0x2ED0];
	_ =	sdelay $0x1  }
0x9b: {  	v1 =	vld [tilespmem:$0xB2B0]  }
0x9c: {  	v2 =	vld [tilespmem:$0xB2C0]  }
0x9d: {  	v3 =	vld [tilespmem:$0xB2D0]  }
0x9e: {  	v17 =	vld [tilespmem:$0xB2E0];
	v4 =	vperm.xlane v0, v5  }
0x9f: {  	v19 =	vld [tilespmem:$0xB2F0];
	v18 =	vperm.xlane v0, v54  }
0xa0: {  	v20 =	vld [tilespmem:$0xB300];
	v1 =	vmul.f32 v1, v4;
	v4 =	vperm.xlane v0, v55  }
0xa1: {  	v21 =	vld [tilespmem:$0xB310];
	v2 =	vmul.f32 v2, v18;
	v18 =	vperm.xlane v0, v8  }
0xa2: {  	[tilespmem:$0xB2B0] =	vst v1;
	v47 =	vmul.f32 v3, v4;
	v3 =	vperm.xlane v0, v9;
	v4 =	vld [tilespmem:$0xB320]  }
0xa3: {  	[tilespmem:$0xB2C0] =	vst v2;
	v48 =	vmul.f32 v17, v18;
	v17 =	vperm.xlane v0, v10;
	v18 =	vld [tilespmem:$0xB330]  }
0xa4: {  	[tilespmem:$0xB2D0] =	vst v47;
	v49 =	vmul.f32 v19, v3;
	v3 =	vperm.xlane v0, v11;
	v19 =	vld [tilespmem:$0xB340]  }
0xa5: {  	[tilespmem:$0xB2E0] =	vst v48;
	v50 =	vmul.f32 v20, v17;
	v17 =	vperm.xlane v0, v12;
	v20 =	vld [tilespmem:$0xB350]  }
0xa6: {  	[tilespmem:$0xB2F0] =	vst v49;
	v51 =	vmul.f32 v21, v3;
	v3 =	vperm.xlane v0, v13;
	v21 =	vld [tilespmem:$0xB360]  }
0xa7: {  	[tilespmem:$0xB300] =	vst v50;
	v52 =	vmul.f32 v4, v17;
	v4 =	vperm.xlane v0, v14;
	v17 =	vld [tilespmem:$0xB370]  }
0xa8: {  	[tilespmem:$0xB310] =	vst v51;
	v56 =	vmul.f32 v18, v3;
	v3 =	vperm.xlane v0, v15;
	v18 =	vld [tilespmem:$0xB380]  }
0xa9: {  	v48 =	vimm.s32 $0xC;
	[tilespmem:$0xB320] =	vst v52;
	v57 =	vmul.f32 v19, v4;
	v4 =	vperm.xlane v0, v16;
	v19 =	vld [tilespmem:$0xB390]  }
0xaa: {  	v49 =	vimm.s32 $0xD;
	[tilespmem:$0xB330] =	vst v56;
	v58 =	vmul.f32 v20, v3;
	v3 =	vperm.xlane v0, v48;
	v20 =	vld [tilespmem:$0xB3A0]  }
0xab: {  	v6 =	vimm.s32 $0xE;
	[tilespmem:$0xB340] =	vst v57;
	v59 =	vmul.f32 v21, v4;
	v4 =	vperm.xlane v0, v49  }
0xac: {  	[tilespmem:$0xB350] =	vst v58;
	v60 =	vmul.f32 v17, v3;
	v3 =	vperm.xlane v0, v6  }
0xad: {  	v0 =	vperm.xlane v0, v53;
	[tilespmem:$0xB360] =	vst v59;
	v61 =	vmul.f32 v18, v4  }
0xae: {  	[tilespmem:$0xB370] =	vst v60;
	v62 =	vmul.f32 v19, v3  }
0xaf: {  	[tilespmem:$0xB380] =	vst v61;
	v0 =	vmul.f32 v20, v0  }
0xb0: {  	[tilespmem:$0xB390] =	vst v62  }
0xb1: {  	[tilespmem:$0xB3A0] =	vst v0  }
0xb2: {  	[spmem:s1] =	stream.indirect.scatter.add.f32 [tilespmem:s29], [sflag:$0x4], $0x10, s25, s28, $0xb8;
	[tilespmem:$0x1FDB0] =	vst v63  }
0xb3: {  	s17 =	rddreg [dreg:$0x8]  }
0xb4: {  	[tilespmem:s3], [sflag:$0x7] =	stream.linear.gather [hbm4b:s17+s3], $0x7D0, $0x38;
	[tilespmem:$0x1FDB0] =	vst v63  }
0xb5: {  	_ =	swait.ge [sflag:s23], $0x7D0  }
0xb6: {  	[sflag:s23] =	ssyncset.done $0x0  }
0xb7: {  	s20 =	sadd.s32 s13, s7;
	s21 =	simm.s32 $0x1F40;
	[sflag:s23] =	ssyncadd.s32 $0xFFFFF830  }
0xb8: {  	[tilespmem:s21], [sflag:$0x7] =	stream.linear.gather [hbm4b:s20+s3], $0x7D0, $0x38;
	[tilespmem:$0x1FDB0] =	vst v63  }
0xb9: {  	_ =	swait.ge [sflag:s23], $0x7D0  }
0xba: {  	[sflag:s23] =	ssyncset.done $0x0  }
0xbb: {  	s20 =	rddreg [dreg:$0x9];
	[sflag:s23] =	ssyncadd.s32 $0xFFFFF830  }
0xbc: {  	[tilespmem:s26], [sflag:$0x7] =	stream.linear.gather [hbm4b:s20+s3], $0x7D0, $0x38;
	[tilespmem:$0x1FDB0] =	vst v63  }
0xbd: {  	_ =	swait.ge [sflag:s23], $0x7D0  }
0xbe: {  	[sflag:s23] =	ssyncset.done $0x0  }
0xbf: {  	[sflag:s23] =	ssyncadd.s32 $0xFFFFF830  }
0xc0: {  	[tilespmem:s30], [sflag:$0x3] =	stream.indirect.gather [hbm4b:s4+s28], $0x10, s3, s28, $0xb8;
	[tilespmem:$0x1FDB0] =	vst v63  }
0xc1: {  	_ =	swait.ge [sflag:s0], $0x7D00  }
0xc2: {  	[sflag:s0] =	ssyncset.done $0x0  }
0xc3: {  	s21 =	simm.s32 $0x2EF0;
	[sflag:s0] =	ssyncadd.s32 $0xFFFF8300  }
0xc4: {  	v0 =	vld [tilespmem:s21+$0x0]  }
0xc5: {  	s17 =	simm.s32 $0xB5A0;
	v63 =	vld [tilespmem:s21+$0xFFFFFFF0]  }
0xc6: {  	v42 =	vld [tilespmem:s17+$0x0]  }
0xc7: {  	v3 =	vld [tilespmem:s17+$0xFFFFFE10]  }
0xc8: {  	v4 =	vld [tilespmem:s17+$0xFFFFFE20]  }
0xc9: {  	v17 =	vld [tilespmem:s17+$0xFFFFFE30];
	v18 =	vperm.xlane v0, v5;
	v19 =	vperm.xlane v0, v53  }
0xca: {  	v22 =	vld [tilespmem:s17+$0xFFFFFE40];
	v20 =	vperm.xlane v63, v5;
	v21 =	vperm.xlane v63, v54  }
0xcb: {  	v24 =	vld [tilespmem:s17+$0xFFFFFE50];
	v23 =	vperm.xlane v63, v55;
	v25 =	vperm.xlane v63, v9  }
0xcc: {  	v26 =	vld [tilespmem:s17+$0xFFFFFE60];
	v27 =	vperm.xlane v63, v10;
	v28 =	vperm.xlane v63, v11  }
0xcd: {  	v29 =	vld [tilespmem:s17+$0xFFFFFE70];
	v30 =	vperm.xlane v63, v12;
	v43 =	vperm.xlane v63, v13  }
0xce: {  	v31 =	vld [tilespmem:s17+$0xFFFFFE80];
	v45 =	vperm.xlane v63, v14;
	v46 =	vperm.xlane v63, v15  }
0xcf: {  	v44 =	vld [tilespmem:s17+$0xFFFFFE90];
	v50 =	vperm.xlane v63, v16;
	v51 =	vperm.xlane v63, v48  }
0xd0: {  	v47 =	vld [tilespmem:s17+$0xFFFFFEA0];
	v1 =	vperm.xlane v63, v53;
	v56 =	vperm.xlane v0, v54  }
0xd1: {  	v58 =	vld [tilespmem:s17+$0xFFFFFF10];
	v60 =	vperm.xlane v0, v55;
	v2 =	vmul.f32 v42, v19  }
0xd2: {  	v62 =	vld [tilespmem:s17+$0xFFFFFF60];
	v19 =	vperm.xlane v63, v8;
	v3 =	vmul.f32 v3, v20  }
0xd3: {  	v37 =	vld [tilespmem:s17+$0xFFFFFFA0];
	v4 =	vmul.f32 v4, v21;
	v21 =	vperm.xlane v63, v49  }
0xd4: {  	v20 =	vld [tilespmem:s17+$0xFFFFFEB0];
	v17 =	vmul.f32 v17, v23;
	v24 =	vmul.f32 v24, v25  }
0xd5: {  	v23 =	vld [tilespmem:s17+$0xFFFFFEC0];
	v25 =	vperm.xlane v63, v6;
	v52 =	vmul.f32 v26, v27  }
0xd6: {  	v27 =	vld [tilespmem:s17+$0xFFFFFEE0];
	v29 =	vmul.f32 v29, v28;
	v30 =	vmul.f32 v31, v30  }
0xd7: {  	v28 =	vld [tilespmem:s17+$0xFFFFFEF0];
	v57 =	vmul.f32 v44, v43;
	v59 =	vmul.f32 v47, v45;
	[tilespmem:s17+$0xFFFFFE10] =	vst v3  }
0xd8: {  	v31 =	vld [tilespmem:s17+$0xFFFFFF00];
	v43 =	vperm.xlane v0, v11;
	v45 =	vperm.xlane v0, v12;
	[tilespmem:s17+$0xFFFFFE20] =	vst v4  }
0xd9: {  	v44 =	vld [tilespmem:s17+$0xFFFFFF70];
	v19 =	vmul.f32 v22, v19;
	v4 =	vperm.xlane v0, v10;
	[tilespmem:s17+$0xFFFFFE30] =	vst v17  }
0xda: {  	v63 =	vld [tilespmem:s17+$0xFFFFFF80];
	v3 =	vperm.xlane v0, v9;
	v17 =	vperm.xlane v0, v14;
	[tilespmem:s17+$0xFFFFFE70] =	vst v29  }
0xdb: {  	v22 =	vld [tilespmem:s17+$0xFFFFFED0];
	[tilespmem:s17+$0xFFFFFE40] =	vst v19;
	v29 =	vmul.f32 v62, v4;
	v19 =	vperm.xlane v0, v49  }
0xdc: {  	v61 =	vmul.f32 v20, v46;
	v20 =	vld [tilespmem:s17+$0xFFFFFF20];
	v35 =	vmul.f32 v23, v50  }
0xdd: {  	v23 =	vld [tilespmem:s17+$0xFFFFFF30];
	v27 =	vmul.f32 v27, v21;
	v28 =	vmul.f32 v28, v25  }
0xde: {  	v21 =	vld [tilespmem:s17+$0xFFFFFF40];
	v33 =	vmul.f32 v31, v1;
	v31 =	vmul.f32 v58, v18  }
0xdf: {  	[tilespmem:s17+$0xFFFFFE50] =	vst v24;
	v25 =	vld [tilespmem:s17+$0xFFFFFF50];
	v46 =	vperm.xlane v0, v13;
	v18 =	vperm.xlane v0, v16  }
0xe0: {  	v47 =	vld [tilespmem:s17+$0xFFFFFF90];
	[tilespmem:s17+$0xFFFFFE80] =	vst v30;
	v24 =	vmul.f32 v44, v43;
	v30 =	vmul.f32 v63, v45  }
0xe1: {  	v38 =	vld [tilespmem:s17+$0xFFFFFFB0];
	[tilespmem:s17+$0x0] =	vst v2;
	v26 =	vmul.f32 v22, v51;
	v22 =	vperm.xlane v0, v8  }
0xe2: {  	v39 =	vld [tilespmem:s17+$0xFFFFFFC0];
	[tilespmem:s17+$0xFFFFFE60] =	vst v52;
	v34 =	vmul.f32 v20, v56;
	v32 =	vmul.f32 v23, v60  }
0xe3: {  	v40 =	vld [tilespmem:s17+$0xFFFFFFD0];
	[tilespmem:s17+$0xFFFFFE90] =	vst v57;
	v36 =	vmul.f32 v21, v22;
	v21 =	vperm.xlane v0, v15  }
0xe4: {  	v41 =	vld [tilespmem:s17+$0xFFFFFFE0];
	[tilespmem:s17+$0xFFFFFEA0] =	vst v59;
	v23 =	vmul.f32 v25, v3;
	v20 =	vperm.xlane v0, v48  }
0xe5: {  	s18 =	simm.s32 $0xB5A0;
	s20 =	simm.s32 $0x0;
	s21 =	simm.s32 $0x2F10;
	v42 =	vld [tilespmem:s17+$0xFFFFFFF0];
	[tilespmem:s17+$0xFFFFFEB0] =	vst v61;
	v22 =	vperm.xlane v0, v6;
	v25 =	vmul.f32 v47, v46  }
.LBB2_6:
0xe6: {  	v0 =	vld [tilespmem:s21+$0x0]  }
0xe7: {  	s20 =	sadd.s32 $0x20, s20;
	[tilespmem:s17+$0xFFFFFEC0] =	vst v35;
	v1 =	vmul.f32 v37, v17;
	v2 =	vmul.f32 v38, v21  }
0xe8: {  	s17 =	sadd.s32 $0x200, s17;
	v3 =	vld [tilespmem:s21+$0xFFFFFFF0];
	p0 =	slt.u32 s20, $0x7A0;
	[tilespmem:s18+$0xFFFFFED0] =	vst v26;
	v4 =	vmul.f32 v39, v18  }
0xe9: {  	v17 =	vld [tilespmem:s17+$0x0];
	[tilespmem:s18+$0xFFFFFEE0] =	vst v27;
	v18 =	vmul.f32 v40, v20  }
0xea: {  	v26 =	vld [tilespmem:s17+$0xFFFFFE10];
	[tilespmem:s18+$0xFFFFFEF0] =	vst v28;
	v19 =	vmul.f32 v41, v19  }
0xeb: {  	v27 =	vld [tilespmem:s17+$0xFFFFFE20];
	[tilespmem:s18+$0xFFFFFF00] =	vst v33;
	v22 =	vmul.f32 v42, v22;
	v38 =	vperm.xlane v0, v5  }
0xec: {  	v28 =	vld [tilespmem:s17+$0xFFFFFE30];
	v20 =	vperm.xlane v0, v53;
	[tilespmem:s18+$0xFFFFFF10] =	vst v31;
	v52 =	vperm.xlane v0, v54  }
0xed: {  	v31 =	vperm.xlane v3, v5;
	v33 =	vperm.xlane v3, v54;
	v35 =	vld [tilespmem:s17+$0xFFFFFE40];
	[tilespmem:s18+$0xFFFFFF20] =	vst v34  }
0xee: {  	v34 =	vperm.xlane v3, v55;
	v37 =	vld [tilespmem:s17+$0xFFFFFE50];
	v17 =	vmul.f32 v17, v20;
	[tilespmem:s18+$0xFFFFFF30] =	vst v32  }
0xef: {  	v39 =	vperm.xlane v3, v9;
	v32 =	vperm.xlane v3, v8;
	v40 =	vld [tilespmem:s17+$0xFFFFFE60];
	[tilespmem:s18+$0xFFFFFF40] =	vst v36  }
0xf0: {  	v41 =	vperm.xlane v3, v11;
	v36 =	vperm.xlane v3, v10;
	v42 =	vld [tilespmem:s17+$0xFFFFFE70];
	[tilespmem:s17+$0x0] =	vst v17  }
0xf1: {  	v6 =	vimm.s32 $0xD;
	v43 =	vperm.xlane v3, v12;
	v45 =	vperm.xlane v3, v13;
	v44 =	vld [tilespmem:s17+$0xFFFFFE80];
	[tilespmem:s18+$0xFFFFFF50] =	vst v23  }
0xf2: {  	v46 =	vperm.xlane v3, v14;
	v47 =	vperm.xlane v3, v15;
	v5 =	vimm.s32 $0xC;
	v23 =	vld [tilespmem:s17+$0xFFFFFE90];
	[tilespmem:s18+$0xFFFFFF60] =	vst v29  }
0xf3: {  	v7 =	vimm.s32 $0xE;
	v48 =	vperm.xlane v3, v16;
	v49 =	vperm.xlane v3, v5;
	v29 =	vld [tilespmem:s17+$0xFFFFFEA0];
	[tilespmem:s18+$0xFFFFFF70] =	vst v24  }
0xf4: {  	v50 =	vperm.xlane v3, v6;
	v51 =	vperm.xlane v3, v7;
	v24 =	vld [tilespmem:s17+$0xFFFFFEB0];
	[tilespmem:s18+$0xFFFFFF80] =	vst v30  }
0xf5: {  	v56 =	vperm.xlane v0, v10;
	v3 =	vperm.xlane v3, v53;
	v30 =	vld [tilespmem:s17+$0xFFFFFEC0];
	[tilespmem:s18+$0xFFFFFF90] =	vst v25  }
0xf6: {  	v54 =	vperm.xlane v0, v8;
	v53 =	vperm.xlane v0, v55;
	v25 =	vld [tilespmem:s17+$0xFFFFFED0];
	[tilespmem:s18+$0xFFFFFFA0] =	vst v1  }
0xf7: {  	v57 =	vperm.xlane v0, v11;
	v55 =	vperm.xlane v0, v9;
	v1 =	vld [tilespmem:s17+$0xFFFFFEE0];
	[tilespmem:s18+$0xFFFFFFB0] =	vst v2  }
0xf8: {  	v58 =	vperm.xlane v0, v12;
	v59 =	vperm.xlane v0, v13;
	v2 =	vld [tilespmem:s17+$0xFFFFFEF0];
	[tilespmem:s18+$0xFFFFFFC0] =	vst v4  }
0xf9: {  	v21 =	vperm.xlane v0, v15;
	v17 =	vperm.xlane v0, v14;
	v4 =	vld [tilespmem:s17+$0xFFFFFF00];
	[tilespmem:s18+$0xFFFFFFD0] =	vst v18  }
0xfa: {  	v20 =	vperm.xlane v0, v5;
	v18 =	vperm.xlane v0, v16;
	v60 =	vld [tilespmem:s17+$0xFFFFFF10];
	[tilespmem:s18+$0xFFFFFFE0] =	vst v19  }
0xfb: {  	v26 =	vmul.f32 v26, v31;
	v19 =	vperm.xlane v0, v6;
	v61 =	vld [tilespmem:s17+$0xFFFFFF20];
	[tilespmem:s18+$0xFFFFFFF0] =	vst v22;
	s18 =	smov.u32 s17  }
0xfc: {  	v31 =	vmul.f32 v42, v41;
	v22 =	vperm.xlane v0, v7;
	v62 =	vld [tilespmem:s17+$0xFFFFFF30]  }
0xfd: {  	v0 =	vmul.f32 v27, v33;
	v27 =	vmul.f32 v28, v34;
	v63 =	vld [tilespmem:s17+$0xFFFFFF40]  }
0xfe: {  	v28 =	vmul.f32 v37, v39;
	[tilespmem:s17+$0xFFFFFE10] =	vst v26;
	v26 =	vmul.f32 v35, v32;
	v5 =	vld [tilespmem:s17+$0xFFFFFF50]  }
0xff: {  	v23 =	vmul.f32 v23, v45;
	[tilespmem:s17+$0xFFFFFE20] =	vst v0;
	v0 =	vmul.f32 v40, v36;
	v41 =	vld [tilespmem:s17+$0xFFFFFF60]  }
0x100: {  	v29 =	vmul.f32 v29, v46;
	v32 =	vmul.f32 v44, v43;
	[tilespmem:s17+$0xFFFFFE30] =	vst v27;
	v42 =	vld [tilespmem:s17+$0xFFFFFF70]  }
0x101: {  	v43 =	vmul.f32 v24, v47;
	v35 =	vmul.f32 v30, v48;
	[tilespmem:s17+$0xFFFFFE40] =	vst v26;
	v44 =	vld [tilespmem:s17+$0xFFFFFF80]  }
0x102: {  	v33 =	vmul.f32 v4, v3;
	v26 =	vmul.f32 v25, v49;
	[tilespmem:s17+$0xFFFFFE50] =	vst v28;
	v25 =	vld [tilespmem:s17+$0xFFFFFF90]  }
0x103: {  	v27 =	vmul.f32 v1, v50;
	v28 =	vmul.f32 v2, v51;
	[tilespmem:s17+$0xFFFFFE60] =	vst v0;
	v37 =	vld [tilespmem:s17+$0xFFFFFFA0]  }
.Ltmp2:
0x104: {  	v34 =	vmul.f32 v61, v52;
	[tilespmem:s17+$0xFFFFFE70] =	vst v31;
	v31 =	vmul.f32 v60, v38;
	v38 =	vld [tilespmem:s17+$0xFFFFFFB0];
	(pc) =	sbr.rel @p0 .LBB2_6-.Ltmp2, $4  }
0x105: {  	v36 =	vmul.f32 v63, v54;
	v54 =	vimm.s32 $0x1;
	[tilespmem:s17+$0xFFFFFE80] =	vst v32;
	v32 =	vmul.f32 v62, v53;
	v39 =	vld [tilespmem:s17+$0xFFFFFFC0]  }
0x106: {  	v53 =	vimm.s32 $0xF;
	[tilespmem:s17+$0xFFFFFE90] =	vst v23;
	v23 =	vmul.f32 v5, v55;
	v5 =	vimm.s32 $0x0;
	v40 =	vld [tilespmem:s17+$0xFFFFFFD0]  }
0x107: {  	v24 =	vmul.f32 v42, v57;
	v55 =	vimm.s32 $0x2;
	[tilespmem:s17+$0xFFFFFEA0] =	vst v29;
	v29 =	vmul.f32 v41, v56;
	v41 =	vld [tilespmem:s17+$0xFFFFFFE0]  }
0x108: {  	s21 =	sadd.s32 $0x20, s21;
	v30 =	vmul.f32 v44, v58;
	v25 =	vmul.f32 v25, v59;
	[tilespmem:s17+$0xFFFFFEB0] =	vst v43;
	v42 =	vld [tilespmem:s17+$0xFFFFFFF0]  }
0x109: {  	[tilespmem:s17+$0xFFFFFEC0] =	vst v35  }
0x10a: {  	[tilespmem:s18+$0xFFFFFF10] =	vst v31  }
0x10b: {  	[tilespmem:s18+$0xFFFFFF20] =	vst v34  }
0x10c: {  	[tilespmem:s18+$0xFFFFFF30] =	vst v32  }
0x10d: {  	[tilespmem:s18+$0xFFFFFF40] =	vst v36  }
0x10e: {  	[tilespmem:s18+$0xFFFFFF50] =	vst v23  }
0x10f: {  	[tilespmem:s18+$0xFFFFFF60] =	vst v29  }
0x110: {  	[tilespmem:s18+$0xFFFFFF70] =	vst v24  }
0x111: {  	[tilespmem:s18+$0xFFFFFED0] =	vst v26  }
0x112: {  	[tilespmem:s18+$0xFFFFFEE0] =	vst v27  }
0x113: {  	[tilespmem:s18+$0xFFFFFEF0] =	vst v28  }
0x114: {  	[tilespmem:s18+$0xFFFFFF00] =	vst v33  }
0x115: {  	v0 =	vmul.f32 v37, v17;
	[tilespmem:s18+$0xFFFFFF80] =	vst v30  }
0x116: {  	v1 =	vmul.f32 v38, v21;
	[tilespmem:s18+$0xFFFFFF90] =	vst v25  }
0x117: {  	v2 =	vmul.f32 v39, v18;
	[tilespmem:s18+$0xFFFFFFA0] =	vst v0  }
0x118: {  	v59 =	vmul.f32 v40, v20;
	[tilespmem:s18+$0xFFFFFFB0] =	vst v1  }
0x119: {  	v60 =	vmul.f32 v41, v19;
	[tilespmem:s18+$0xFFFFFFC0] =	vst v2  }
0x11a: {  	v61 =	vmul.f32 v42, v22;
	[tilespmem:s18+$0xFFFFFFD0] =	vst v59  }
0x11b: {  	[tilespmem:s18+$0xFFFFFFE0] =	vst v60  }
0x11c: {  	[tilespmem:s18+$0xFFFFFFF0] =	vst v61  }
0x11d: {  	v0 =	vld [tilespmem:$0x36A0]  }
0x11e: {  	v1 =	vld [tilespmem:$0x12FB0]  }
0x11f: {  	v2 =	vld [tilespmem:$0x12FC0]  }
0x120: {  	v3 =	vld [tilespmem:$0x12FD0]  }
0x121: {  	v7 =	vimm.s32 $0x4;
	v40 =	vimm.s32 $0x1;
	v62 =	vld [tilespmem:$0x12FE0]  }
0x122: {  	v42 =	vimm.s32 $0x2;
	v18 =	vld [tilespmem:$0x12FF0];
	v4 =	vperm.xlane v0, v5;
	v17 =	vperm.xlane v0, v40  }
0x123: {  	v8 =	vimm.s32 $0x5;
	v19 =	vld [tilespmem:$0x13000];
	v63 =	vperm.xlane v0, v42;
	v32 =	vperm.xlane v0, v7  }
0x124: {  	v9 =	vimm.s32 $0x6;
	v20 =	vld [tilespmem:$0x13010];
	v35 =	vperm.xlane v0, v8;
	v1 =	vmul.f32 v1, v4  }
0x125: {  	v10 =	vimm.s32 $0x7;
	v33 =	vld [tilespmem:$0x13020];
	v37 =	vperm.xlane v0, v9;
	v2 =	vmul.f32 v2, v17  }
0x126: {  	v6 =	vimm.s32 $0x3;
	v47 =	vld [tilespmem:$0x13070];
	v39 =	vperm.xlane v0, v10;
	v14 =	vmul.f32 v3, v63;
	[tilespmem:$0x12FB0] =	vst v1  }
0x127: {  	v16 =	vimm.s32 $0xC;
	v17 =	vperm.xlane v0, v6;
	v36 =	vmul.f32 v18, v32;
	v18 =	vld [tilespmem:$0x13040];
	[tilespmem:$0x12FC0] =	vst v2  }
0x128: {  	v54 =	vperm.xlane v0, v16;
	v38 =	vmul.f32 v19, v35;
	v19 =	vld [tilespmem:$0x13050];
	[tilespmem:$0x12FD0] =	vst v14  }
0x129: {  	v12 =	vimm.s32 $0x9;
	v41 =	vmul.f32 v20, v37;
	v34 =	vmul.f32 v62, v17;
	v17 =	vld [tilespmem:$0x13030];
	[tilespmem:$0x12FF0] =	vst v36  }
0x12a: {  	v13 =	vimm.s32 $0xA;
	v45 =	vperm.xlane v0, v12;
	v20 =	vld [tilespmem:$0x13060];
	v44 =	vmul.f32 v33, v39;
	[tilespmem:$0x13000] =	vst v38  }
0x12b: {  	v11 =	vimm.s32 $0x8;
	v49 =	vperm.xlane v0, v13;
	v57 =	vmul.f32 v47, v54;
	[tilespmem:$0x13010] =	vst v41  }
0x12c: {  	v46 =	vimm.s32 $0xB;
	v43 =	vperm.xlane v0, v11;
	[tilespmem:$0x13020] =	vst v44;
	v50 =	vmul.f32 v18, v45;
	v18 =	vld [tilespmem:$0x13090]  }
0x12d: {  	v51 =	vperm.xlane v0, v46;
	[tilespmem:$0x13070] =	vst v57;
	v52 =	vmul.f32 v19, v49;
	v19 =	vld [tilespmem:$0x130A0]  }
0x12e: {  	v14 =	vimm.s32 $0xE;
	[tilespmem:$0x12FE0] =	vst v34;
	v48 =	vmul.f32 v17, v43;
	v17 =	vld [tilespmem:$0x13080]  }
0x12f: {  	v15 =	vimm.s32 $0xD;
	v58 =	vperm.xlane v0, v14;
	v55 =	vmul.f32 v20, v51;
	[tilespmem:$0x13040] =	vst v50  }
0x130: {  	v56 =	vperm.xlane v0, v15;
	v0 =	vperm.xlane v0, v53;
	[tilespmem:$0x13050] =	vst v52  }
0x131: {  	[tilespmem:$0x13060] =	vst v55;
	v60 =	vmul.f32 v18, v58  }
0x132: {  	[tilespmem:$0x13030] =	vst v48;
	v0 =	vmul.f32 v19, v0  }
0x133: {  	v59 =	vmul.f32 v17, v56;
	[tilespmem:$0x13090] =	vst v60  }
0x134: {  	[tilespmem:$0x130A0] =	vst v0  }
0x135: {  	[tilespmem:$0x13080] =	vst v59  }
0x136: {  	[spmem:s1] =	stream.indirect.scatter.add.f32 [tilespmem:s2], [sflag:$0x5], $0x10, s31, s28, $0xb8;
	[tilespmem:$0x1FDB0] =	vst v63  }
0x137: {  	_ =	swait.ge [sflag:s11], $0x7D00  }
0x138: {  	[sflag:s11] =	ssyncset.done $0x0  }
0x139: {  	s20 =	rddreg [dreg:$0xa];
	[sflag:s11] =	ssyncadd.s32 $0xFFFF8300  }
0x13a: {  	[tilespmem:s28], [sflag:$0x7] =	stream.linear.gather [hbm4b:s20+s3], $0x7D0, $0x38;
	[tilespmem:$0x1FDB0] =	vst v63  }
0x13b: {  	_ =	swait.ge [sflag:s23], $0x7D0  }
0x13c: {  	[sflag:s23] =	ssyncset.done $0x0  }
0x13d: {  	s21 =	sadd.s32 s16, s7;
	[sflag:s23] =	ssyncadd.s32 $0xFFFFF830  }
0x13e: {  	[tilespmem:s25], [sflag:$0x7] =	stream.linear.gather [hbm4b:s21+s3], $0x7D0, $0x38;
	[tilespmem:$0x1FDB0] =	vst v63  }
0x13f: {  	_ =	swait.ge [sflag:s23], $0x7D0  }
0x140: {  	[sflag:s23] =	ssyncset.done $0x0  }
0x141: {  	s20 =	simm.s32 $0x2EE0;
	s18 =	rddreg [dreg:$0xb];
	[sflag:s23] =	ssyncadd.s32 $0xFFFFF830  }
0x142: {  	[tilespmem:s20], [sflag:$0x7] =	stream.linear.gather [hbm4b:s18+s3], $0x7D0, $0x38;
	[tilespmem:$0x1FDB0] =	vst v63  }
0x143: {  	_ =	swait.ge [sflag:s23], $0x7D0  }
0x144: {  	[sflag:s23] =	ssyncset.done $0x0  }
0x145: {  	[sflag:s23] =	ssyncadd.s32 $0xFFFFF830  }
0x146: {  	[tilespmem:s29], [sflag:$0x1] =	stream.indirect.gather [hbm4b:s4+s28], $0x10, s28, s28, $0xb8;
	[tilespmem:$0x1FDB0] =	vst v63  }
0x147: {  	_ =	swait.ge [sflag:s12], $0x7D00  }
0x148: {  	[sflag:s12] =	ssyncset.done $0x0  }
0x149: {  	s21 =	simm.s32 $0x2720;
	[sflag:s12] =	ssyncadd.s32 $0xFFFF8300  }
0x14a: {  	v0 =	vld [tilespmem:s21+$0x0]  }
0x14b: {  	s17 =	simm.s32 $0x132A0;
	v61 =	vld [tilespmem:s21+$0xFFFFFFF0]  }
0x14c: {  	v62 =	vld [tilespmem:s17+$0x0]  }
0x14d: {  	v63 =	vld [tilespmem:s17+$0xFFFFFE10]  }
0x14e: {  	v21 =	vimm.s32 $0x0;
	v41 =	vld [tilespmem:s17+$0xFFFFFE20]  }
0x14f: {  	v43 =	vld [tilespmem:s17+$0xFFFFFE30];
	v17 =	vperm.xlane v0, v21;
	v18 =	vperm.xlane v0, v53  }
0x150: {  	v23 =	vld [tilespmem:s17+$0xFFFFFE50];
	v19 =	vperm.xlane v61, v21;
	v20 =	vperm.xlane v61, v40  }
0x151: {  	v25 =	vld [tilespmem:s17+$0xFFFFFE60];
	v22 =	vperm.xlane v61, v42;
	v24 =	vperm.xlane v61, v7  }
0x152: {  	v28 =	vld [tilespmem:s17+$0xFFFFFE70];
	v26 =	vperm.xlane v61, v8;
	v27 =	vperm.xlane v61, v9  }
0x153: {  	v30 =	vld [tilespmem:s17+$0xFFFFFE80];
	v29 =	vperm.xlane v61, v10;
	v31 =	vperm.xlane v61, v11  }
0x154: {  	v44 =	vld [tilespmem:s17+$0xFFFFFE90];
	v45 =	vperm.xlane v61, v12;
	v47 =	vperm.xlane v61, v13  }
0x155: {  	v48 =	vld [tilespmem:s17+$0xFFFFFEA0];
	v49 =	vperm.xlane v61, v46;
	v50 =	vperm.xlane v61, v16  }
0x156: {  	v51 =	vld [tilespmem:s17+$0xFFFFFEE0];
	v1 =	vperm.xlane v61, v53;
	v54 =	vperm.xlane v0, v40  }
0x157: {  	v37 =	vld [tilespmem:s17+$0xFFFFFFA0];
	v57 =	vperm.xlane v0, v42;
	v59 =	vperm.xlane v0, v7  }
0x158: {  	v21 =	vld [tilespmem:s17+$0xFFFFFE40];
	v60 =	vperm.xlane v0, v8;
	v2 =	vmul.f32 v62, v18  }
0x159: {  	v18 =	vperm.xlane v61, v6;
	v3 =	vmul.f32 v63, v19;
	v19 =	vld [tilespmem:s17+$0xFFFFFEB0]  }
0x15a: {  	v4 =	vmul.f32 v41, v20;
	v5 =	vmul.f32 v43, v22;
	v22 =	vld [tilespmem:s17+$0xFFFFFEC0]  }
0x15b: {  	v20 =	vperm.xlane v61, v15;
	v52 =	vmul.f32 v28, v27;
	v28 =	vld [tilespmem:s17+$0xFFFFFEF0]  }
0x15c: {  	v23 =	vmul.f32 v23, v24;
	v29 =	vmul.f32 v30, v29;
	v30 =	vld [tilespmem:s17+$0xFFFFFF00]  }
0x15d: {  	v24 =	vperm.xlane v61, v14;
	v55 =	vmul.f32 v44, v31;
	v31 =	vld [tilespmem:s17+$0xFFFFFF10]  }
0x15e: {  	v25 =	vmul.f32 v25, v26;
	v56 =	vmul.f32 v48, v45;
	v61 =	vld [tilespmem:s17+$0xFFFFFF60]  }
0x15f: {  	v62 =	vperm.xlane v0, v9;
	v43 =	vperm.xlane v0, v10;
	v45 =	vld [tilespmem:s17+$0xFFFFFF90]  }
0x160: {  	v44 =	vperm.xlane v0, v11;
	[tilespmem:s17+$0x0] =	vst v2;
	v18 =	vmul.f32 v21, v18;
	v21 =	vld [tilespmem:s17+$0xFFFFFED0]  }
0x161: {  	v27 =	vmul.f32 v51, v20;
	[tilespmem:s17+$0xFFFFFE10] =	vst v3;
	v58 =	vmul.f32 v19, v47;
	v19 =	vld [tilespmem:s17+$0xFFFFFF20]  }
0x162: {  	[tilespmem:s17+$0xFFFFFE20] =	vst v4;
	v35 =	vmul.f32 v22, v49;
	v22 =	vld [tilespmem:s17+$0xFFFFFF30];
	v28 =	vmul.f32 v28, v24  }
0x163: {  	v20 =	vld [tilespmem:s17+$0xFFFFFF40];
	[tilespmem:s17+$0xFFFFFE60] =	vst v25;
	v33 =	vmul.f32 v30, v1;
	v31 =	vmul.f32 v31, v17  }
0x164: {  	v24 =	vld [tilespmem:s17+$0xFFFFFF50];
	[tilespmem:s17+$0xFFFFFE40] =	vst v18;
	v17 =	vperm.xlane v0, v12;
	v18 =	vperm.xlane v0, v46  }
0x165: {  	[tilespmem:s17+$0xFFFFFE80] =	vst v29;
	v30 =	vld [tilespmem:s17+$0xFFFFFF70];
	v29 =	vmul.f32 v61, v60;
	v25 =	vmul.f32 v45, v44  }
0x166: {  	v63 =	vld [tilespmem:s17+$0xFFFFFF80];
	[tilespmem:s17+$0xFFFFFE30] =	vst v5;
	v26 =	vmul.f32 v21, v50;
	v21 =	vperm.xlane v0, v6  }
0x167: {  	v38 =	vld [tilespmem:s17+$0xFFFFFFB0];
	[tilespmem:s17+$0xFFFFFE50] =	vst v23;
	v34 =	vmul.f32 v19, v54;
	v32 =	vmul.f32 v22, v57  }
0x168: {  	v39 =	vld [tilespmem:s17+$0xFFFFFFC0];
	[tilespmem:s17+$0xFFFFFE70] =	vst v52;
	v36 =	vmul.f32 v20, v21;
	v21 =	vperm.xlane v0, v13  }
0x169: {  	v40 =	vld [tilespmem:s17+$0xFFFFFFD0];
	[tilespmem:s17+$0xFFFFFE90] =	vst v55;
	v23 =	vmul.f32 v24, v59;
	v20 =	vperm.xlane v0, v16  }
0x16a: {  	v42 =	vld [tilespmem:s17+$0xFFFFFFF0];
	[tilespmem:s17+$0xFFFFFEA0] =	vst v56;
	v24 =	vmul.f32 v30, v62;
	v19 =	vperm.xlane v0, v15  }
0x16b: {  	s20 =	simm.s32 $0x0;
	s18 =	simm.s32 $0x132A0;
	s21 =	simm.s32 $0x2740;
	v41 =	vld [tilespmem:s17+$0xFFFFFFE0];
	[tilespmem:s17+$0xFFFFFEB0] =	vst v58;
	v30 =	vmul.f32 v63, v43;
	v22 =	vperm.xlane v0, v14  }
.LBB2_8:
0x16c: {  	v0 =	vld [tilespmem:s21+$0x0];
	s20 =	sadd.s32 $0x20, s20;
	[tilespmem:s17+$0xFFFFFEC0] =	vst v35;
	v1 =	vmul.f32 v37, v17;
	v2 =	vmul.f32 v38, v21  }
0x16d: {  	v3 =	vld [tilespmem:s21+$0xFFFFFFF0]  }
0x16e: {  	s17 =	sadd.s32 $0x200, s17;
	v6 =	vimm.s32 $0x0;
	p0 =	slt.u32 s20, $0x7A0;
	[tilespmem:s18+$0xFFFFFED0] =	vst v26;
	v4 =	vmul.f32 v39, v18  }
0x16f: {  	v21 =	vimm.s32 $0x1;
	v7 =	vimm.s32 $0x5;
	v5 =	vld [tilespmem:s17+$0x0];
	[tilespmem:s18+$0xFFFFFEE0] =	vst v27;
	v18 =	vmul.f32 v40, v20  }
0x170: {  	v8 =	vimm.s32 $0x6;
	v9 =	vimm.s32 $0x7;
	v26 =	vld [tilespmem:s17+$0xFFFFFE10];
	[tilespmem:s18+$0xFFFFFEF0] =	vst v28;
	v19 =	vmul.f32 v41, v19  }
0x171: {  	v10 =	vimm.s32 $0x8;
	v27 =	vld [tilespmem:s17+$0xFFFFFE20];
	[tilespmem:s18+$0xFFFFFF00] =	vst v33;
	v22 =	vmul.f32 v42, v22;
	v38 =	vperm.xlane v0, v6  }
0x172: {  	v20 =	vimm.s32 $0x2;
	v28 =	vld [tilespmem:s17+$0xFFFFFE30];
	v17 =	vperm.xlane v0, v53;
	[tilespmem:s18+$0xFFFFFF10] =	vst v31;
	v31 =	vperm.xlane v3, v6  }
0x173: {  	v11 =	vimm.s32 $0x9;
	v33 =	vperm.xlane v3, v21;
	v35 =	vld [tilespmem:s17+$0xFFFFFE40];
	[tilespmem:s18+$0xFFFFFF20] =	vst v34;
	v34 =	vperm.xlane v3, v20  }
0x174: {  	v6 =	vimm.s32 $0x4;
	v37 =	vld [tilespmem:s17+$0xFFFFFE50];
	v5 =	vmul.f32 v5, v17;
	[tilespmem:s18+$0xFFFFFF30] =	vst v32;
	v17 =	vimm.s32 $0x3  }
0x175: {  	v12 =	vimm.s32 $0xA;
	v39 =	vperm.xlane v3, v6;
	v32 =	vperm.xlane v3, v17;
	v40 =	vld [tilespmem:s17+$0xFFFFFE60];
	[tilespmem:s18+$0xFFFFFF40] =	vst v36  }
0x176: {  	v13 =	vimm.s32 $0xB;
	v41 =	vperm.xlane v3, v8;
	v36 =	vperm.xlane v3, v7;
	v42 =	vld [tilespmem:s17+$0xFFFFFE70];
	[tilespmem:s17+$0x0] =	vst v5  }
0x177: {  	v16 =	vimm.s32 $0xC;
	v44 =	vperm.xlane v3, v10;
	v5 =	vperm.xlane v3, v9;
	v43 =	vld [tilespmem:s17+$0xFFFFFE80];
	[tilespmem:s18+$0xFFFFFF50] =	vst v23  }
0x178: {  	v15 =	vimm.s32 $0xD;
	v45 =	vperm.xlane v3, v11;
	v46 =	vperm.xlane v3, v12;
	v23 =	vld [tilespmem:s17+$0xFFFFFE90];
	[tilespmem:s18+$0xFFFFFF60] =	vst v29  }
0x179: {  	v14 =	vimm.s32 $0xE;
	v47 =	vperm.xlane v3, v13;
	v48 =	vperm.xlane v3, v16;
	v29 =	vld [tilespmem:s17+$0xFFFFFEA0];
	[tilespmem:s18+$0xFFFFFF70] =	vst v24  }
0x17a: {  	v49 =	vperm.xlane v3, v15;
	v50 =	vperm.xlane v3, v14;
	v24 =	vld [tilespmem:s17+$0xFFFFFEB0];
	[tilespmem:s18+$0xFFFFFF80] =	vst v30  }
0x17b: {  	v51 =	vperm.xlane v0, v21;
	v3 =	vperm.xlane v3, v53;
	v30 =	vld [tilespmem:s17+$0xFFFFFEC0];
	[tilespmem:s18+$0xFFFFFF90] =	vst v25  }
0x17c: {  	v52 =	vperm.xlane v0, v20;
	v53 =	vperm.xlane v0, v17;
	v25 =	vld [tilespmem:s17+$0xFFFFFED0];
	[tilespmem:s18+$0xFFFFFFA0] =	vst v1  }
0x17d: {  	v55 =	vperm.xlane v0, v7;
	v54 =	vperm.xlane v0, v6;
	v1 =	vld [tilespmem:s17+$0xFFFFFEE0];
	[tilespmem:s18+$0xFFFFFFB0] =	vst v2  }
0x17e: {  	v56 =	vperm.xlane v0, v8;
	v57 =	vperm.xlane v0, v9;
	v2 =	vld [tilespmem:s17+$0xFFFFFEF0];
	[tilespmem:s18+$0xFFFFFFC0] =	vst v4  }
0x17f: {  	v58 =	vperm.xlane v0, v10;
	v17 =	vperm.xlane v0, v11;
	v4 =	vld [tilespmem:s17+$0xFFFFFF00];
	[tilespmem:s18+$0xFFFFFFD0] =	vst v18  }
0x180: {  	v21 =	vperm.xlane v0, v12;
	v18 =	vperm.xlane v0, v13;
	v59 =	vld [tilespmem:s17+$0xFFFFFF10];
	[tilespmem:s18+$0xFFFFFFE0] =	vst v19  }
0x181: {  	v20 =	vperm.xlane v0, v16;
	v19 =	vperm.xlane v0, v15;
	v60 =	vld [tilespmem:s17+$0xFFFFFF20];
	[tilespmem:s18+$0xFFFFFFF0] =	vst v22;
	s18 =	smov.u32 s17  }
0x182: {  	v26 =	vmul.f32 v26, v31;
	v22 =	vperm.xlane v0, v14;
	v61 =	vld [tilespmem:s17+$0xFFFFFF30]  }
0x183: {  	v0 =	vmul.f32 v27, v33;
	v27 =	vmul.f32 v28, v34;
	v62 =	vld [tilespmem:s17+$0xFFFFFF40]  }
0x184: {  	v28 =	vmul.f32 v37, v39;
	[tilespmem:s17+$0xFFFFFE10] =	vst v26;
	v26 =	vmul.f32 v35, v32;
	v63 =	vld [tilespmem:s17+$0xFFFFFF50]  }
0x185: {  	v31 =	vmul.f32 v42, v41;
	[tilespmem:s17+$0xFFFFFE20] =	vst v0;
	v0 =	vmul.f32 v40, v36;
	v41 =	vld [tilespmem:s17+$0xFFFFFF60]  }
0x186: {  	v5 =	vmul.f32 v43, v5;
	v23 =	vmul.f32 v23, v44;
	[tilespmem:s17+$0xFFFFFE30] =	vst v27;
	v42 =	vld [tilespmem:s17+$0xFFFFFF70]  }
0x187: {  	v29 =	vmul.f32 v29, v45;
	v43 =	vmul.f32 v24, v46;
	[tilespmem:s17+$0xFFFFFE40] =	vst v26;
	v44 =	vld [tilespmem:s17+$0xFFFFFF80]  }
0x188: {  	v35 =	vmul.f32 v30, v47;
	v26 =	vmul.f32 v25, v48;
	[tilespmem:s17+$0xFFFFFE50] =	vst v28;
	v25 =	vld [tilespmem:s17+$0xFFFFFF90]  }
0x189: {  	v27 =	vmul.f32 v1, v49;
	v28 =	vmul.f32 v2, v50;
	[tilespmem:s17+$0xFFFFFE60] =	vst v0;
	v37 =	vld [tilespmem:s17+$0xFFFFFFA0]  }
.Ltmp3:
0x18a: {  	v33 =	vmul.f32 v4, v3;
	[tilespmem:s17+$0xFFFFFE70] =	vst v31;
	v31 =	vmul.f32 v59, v38;
	v38 =	vld [tilespmem:s17+$0xFFFFFFB0];
	(pc) =	sbr.rel @p0 .LBB2_8-.Ltmp3, $4  }
0x18b: {  	v34 =	vmul.f32 v60, v51;
	v32 =	vmul.f32 v61, v52;
	[tilespmem:s17+$0xFFFFFE80] =	vst v5;
	v39 =	vld [tilespmem:s17+$0xFFFFFFC0]  }
0x18c: {  	v36 =	vmul.f32 v62, v53;
	v53 =	vimm.s32 $0xF;
	[tilespmem:s17+$0xFFFFFE90] =	vst v23;
	v23 =	vmul.f32 v63, v54;
	v40 =	vld [tilespmem:s17+$0xFFFFFFD0]  }
0x18d: {  	v24 =	vmul.f32 v42, v56;
	[tilespmem:s17+$0xFFFFFEA0] =	vst v29;
	v29 =	vmul.f32 v41, v55;
	v41 =	vld [tilespmem:s17+$0xFFFFFFE0]  }
0x18e: {  	s21 =	sadd.s32 $0x20, s21;
	v30 =	vmul.f32 v44, v57;
	v25 =	vmul.f32 v25, v58;
	[tilespmem:s17+$0xFFFFFEB0] =	vst v43;
	v42 =	vld [tilespmem:s17+$0xFFFFFFF0]  }
0x18f: {  	[tilespmem:s17+$0xFFFFFEC0] =	vst v35  }
0x190: {  	[tilespmem:s18+$0xFFFFFF10] =	vst v31  }
0x191: {  	[tilespmem:s18+$0xFFFFFF20] =	vst v34  }
0x192: {  	[tilespmem:s18+$0xFFFFFF30] =	vst v32  }
0x193: {  	[tilespmem:s18+$0xFFFFFF40] =	vst v36  }
0x194: {  	[tilespmem:s18+$0xFFFFFF50] =	vst v23  }
0x195: {  	[tilespmem:s18+$0xFFFFFF60] =	vst v29  }
0x196: {  	[tilespmem:s18+$0xFFFFFF70] =	vst v24  }
0x197: {  	[tilespmem:s18+$0xFFFFFED0] =	vst v26  }
0x198: {  	[tilespmem:s18+$0xFFFFFEE0] =	vst v27  }
0x199: {  	[tilespmem:s18+$0xFFFFFEF0] =	vst v28  }
0x19a: {  	[tilespmem:s18+$0xFFFFFF00] =	vst v33  }
0x19b: {  	v0 =	vmul.f32 v37, v17;
	[tilespmem:s18+$0xFFFFFF80] =	vst v30  }
0x19c: {  	v1 =	vmul.f32 v38, v21;
	[tilespmem:s18+$0xFFFFFF90] =	vst v25  }
0x19d: {  	v2 =	vmul.f32 v39, v18;
	[tilespmem:s18+$0xFFFFFFA0] =	vst v0  }
0x19e: {  	v9 =	vmul.f32 v40, v20;
	[tilespmem:s18+$0xFFFFFFB0] =	vst v1  }
0x19f: {  	v10 =	vmul.f32 v41, v19;
	[tilespmem:s18+$0xFFFFFFC0] =	vst v2  }
0x1a0: {  	v11 =	vmul.f32 v42, v22;
	[tilespmem:s18+$0xFFFFFFD0] =	vst v9  }
0x1a1: {  	[tilespmem:s18+$0xFFFFFFE0] =	vst v10  }
0x1a2: {  	[tilespmem:s18+$0xFFFFFFF0] =	vst v11  }
0x1a3: {  	v0 =	vld [tilespmem:$0x2ED0]  }
0x1a4: {  	v1 =	vld [tilespmem:$0x1ACB0]  }
0x1a5: {  	v2 =	vld [tilespmem:$0x1ACC0]  }
0x1a6: {  	v3 =	vld [tilespmem:$0x1ACD0]  }
0x1a7: {  	v21 =	vimm.s32 $0x0;
	v6 =	vimm.s32 $0x4;
	v40 =	vimm.s32 $0x1;
	v5 =	vld [tilespmem:$0x1ACE0]  }
0x1a8: {  	v42 =	vimm.s32 $0x2;
	v18 =	vld [tilespmem:$0x1ACF0];
	v4 =	vperm.xlane v0, v21;
	v17 =	vperm.xlane v0, v40  }
0x1a9: {  	v7 =	vimm.s32 $0x5;
	v19 =	vld [tilespmem:$0x1AD00];
	v12 =	vperm.xlane v0, v42;
	v14 =	vperm.xlane v0, v6  }
0x1aa: {  	v8 =	vimm.s32 $0x6;
	v20 =	vld [tilespmem:$0x1AD10];
	v34 =	vperm.xlane v0, v7;
	v1 =	vmul.f32 v1, v4  }
0x1ab: {  	v9 =	vimm.s32 $0x7;
	v32 =	vld [tilespmem:$0x1AD20];
	v36 =	vperm.xlane v0, v8;
	v2 =	vmul.f32 v2, v17  }
0x1ac: {  	v43 =	vimm.s32 $0x3;
	v46 =	vld [tilespmem:$0x1AD70];
	v38 =	vperm.xlane v0, v9;
	v13 =	vmul.f32 v3, v12;
	[tilespmem:$0x1ACB0] =	vst v1  }
0x1ad: {  	v16 =	vimm.s32 $0xC;
	v17 =	vperm.xlane v0, v43;
	v35 =	vmul.f32 v18, v14;
	v18 =	vld [tilespmem:$0x1AD40];
	[tilespmem:$0x1ACC0] =	vst v2  }
0x1ae: {  	v52 =	vperm.xlane v0, v16;
	v37 =	vmul.f32 v19, v34;
	v19 =	vld [tilespmem:$0x1AD50];
	[tilespmem:$0x1ACD0] =	vst v13  }
0x1af: {  	v11 =	vimm.s32 $0x9;
	v39 =	vmul.f32 v20, v36;
	v33 =	vmul.f32 v5, v17;
	v17 =	vld [tilespmem:$0x1AD30];
	[tilespmem:$0x1ACF0] =	vst v35  }
0x1b0: {  	v45 =	vperm.xlane v0, v11;
	v20 =	vld [tilespmem:$0x1AD60];
	v44 =	vmul.f32 v32, v38;
	v12 =	vimm.s32 $0xA;
	[tilespmem:$0x1AD00] =	vst v37  }
0x1b1: {  	v10 =	vimm.s32 $0x8;
	v56 =	vmul.f32 v46, v52;
	v48 =	vperm.xlane v0, v12;
	[tilespmem:$0x1AD10] =	vst v39  }
0x1b2: {  	v41 =	vperm.xlane v0, v10;
	[tilespmem:$0x1AD20] =	vst v44;
	v13 =	vimm.s32 $0xB;
	v49 =	vmul.f32 v18, v45;
	v18 =	vld [tilespmem:$0x1AD90]  }
0x1b3: {  	[tilespmem:$0x1AD70] =	vst v56;
	v50 =	vperm.xlane v0, v13;
	v51 =	vmul.f32 v19, v48;
	v19 =	vld [tilespmem:$0x1ADA0]  }
0x1b4: {  	v14 =	vimm.s32 $0xE;
	[tilespmem:$0x1ACE0] =	vst v33;
	v47 =	vmul.f32 v17, v41;
	v17 =	vld [tilespmem:$0x1AD80]  }
0x1b5: {  	v15 =	vimm.s32 $0xD;
	v57 =	vperm.xlane v0, v14;
	v54 =	vmul.f32 v20, v50;
	[tilespmem:$0x1AD40] =	vst v49  }
0x1b6: {  	v55 =	vperm.xlane v0, v15;
	v0 =	vperm.xlane v0, v53;
	[tilespmem:$0x1AD50] =	vst v51  }
0x1b7: {  	[tilespmem:$0x1AD60] =	vst v54;
	v59 =	vmul.f32 v18, v57  }
0x1b8: {  	[tilespmem:$0x1AD30] =	vst v47;
	v0 =	vmul.f32 v19, v0  }
0x1b9: {  	v58 =	vmul.f32 v17, v55;
	[tilespmem:$0x1AD90] =	vst v59  }
0x1ba: {  	[tilespmem:$0x1ADA0] =	vst v0  }
0x1bb: {  	s20 =	simm.s32 $0x1F40;
	[tilespmem:$0x1AD80] =	vst v58  }
0x1bc: {  	[spmem:s1] =	stream.indirect.scatter.add.f32 [tilespmem:s30], [sflag:$0x6], $0x10, s20, s28, $0xb8;
	[tilespmem:$0x1FDB0] =	vst v63  }
0x1bd: {  	_ =	swait.ge [sflag:s14], $0x7D00  }
0x1be: {  	[sflag:s14] =	ssyncset.done $0x0  }
0x1bf: {  	s21 =	rddreg [dreg:$0xc];
	[sflag:s14] =	ssyncadd.s32 $0xFFFF8300  }
0x1c0: {  	[tilespmem:s3], [sflag:$0x7] =	stream.linear.gather [hbm4b:s21+s3], $0x7D0, $0x38;
	[tilespmem:$0x1FDB0] =	vst v63  }
0x1c1: {  	_ =	swait.ge [sflag:s23], $0x7D0  }
0x1c2: {  	[sflag:s23] =	ssyncset.done $0x0  }
0x1c3: {  	s18 =	sadd.s32 s19, s7;
	[sflag:s23] =	ssyncadd.s32 $0xFFFFF830  }
0x1c4: {  	[tilespmem:s31], [sflag:$0x7] =	stream.linear.gather [hbm4b:s18+s3], $0x7D0, $0x38;
	[tilespmem:$0x1FDB0] =	vst v63  }
0x1c5: {  	_ =	swait.ge [sflag:s23], $0x7D0  }
0x1c6: {  	[sflag:s23] =	ssyncset.done $0x0  }
0x1c7: {  	s20 =	rddreg [dreg:$0xd];
	[sflag:s23] =	ssyncadd.s32 $0xFFFFF830  }
0x1c8: {  	[tilespmem:s26], [sflag:$0x7] =	stream.linear.gather [hbm4b:s20+s3], $0x7D0, $0x38;
	[tilespmem:$0x1FDB0] =	vst v63  }
0x1c9: {  	_ =	swait.ge [sflag:s23], $0x7D0  }
0x1ca: {  	[sflag:s23] =	ssyncset.done $0x0  }
0x1cb: {  	[sflag:s23] =	ssyncadd.s32 $0xFFFFF830  }
0x1cc: {  	[tilespmem:s2], [sflag:$0x2] =	stream.indirect.gather [hbm4b:s4+s28], $0x10, s3, s28, $0xb8;
	[tilespmem:$0x1FDB0] =	vst v63  }
0x1cd: {  	_ =	swait.ge [sflag:s6], $0x7D00  }
0x1ce: {  	[sflag:s6] =	ssyncset.done $0x0  }
0x1cf: {  	s21 =	simm.s32 $0x2EF0;
	[sflag:s6] =	ssyncadd.s32 $0xFFFF8300  }
0x1d0: {  	v0 =	vld [tilespmem:s21+$0x0]  }
0x1d1: {  	s17 =	simm.s32 $0x37B0;
	v60 =	vld [tilespmem:s21+$0xFFFFFFF0]  }
0x1d2: {  	v61 =	vld [tilespmem:s17+$0xF0]  }
0x1d3: {  	v62 =	vld [tilespmem:s17+$0xFFFFFF00]  }
0x1d4: {  	v63 =	vld [tilespmem:s17+$0xFFFFFF10]  }
0x1d5: {  	v41 =	vld [tilespmem:s17+$0xFFFFFF20];
	v17 =	vperm.xlane v0, v21;
	v18 =	vperm.xlane v0, v53  }
0x1d6: {  	v23 =	vld [tilespmem:s17+$0xFFFFFF40];
	v19 =	vperm.xlane v60, v21;
	v20 =	vperm.xlane v60, v40  }
0x1d7: {  	v25 =	vld [tilespmem:s17+$0xFFFFFF50];
	v22 =	vperm.xlane v60, v42;
	v24 =	vperm.xlane v60, v6  }
0x1d8: {  	v28 =	vld [tilespmem:s17+$0xFFFFFF60];
	v26 =	vperm.xlane v60, v7;
	v27 =	vperm.xlane v60, v8  }
0x1d9: {  	v30 =	vld [tilespmem:s17+$0xFFFFFF70];
	v29 =	vperm.xlane v60, v9;
	v31 =	vperm.xlane v60, v10  }
0x1da: {  	v44 =	vld [tilespmem:s17+$0xFFFFFF80];
	v45 =	vperm.xlane v60, v11;
	v46 =	vperm.xlane v60, v12  }
0x1db: {  	v47 =	vld [tilespmem:s17+$0xFFFFFF90];
	v48 =	vperm.xlane v60, v13;
	v49 =	vperm.xlane v60, v16  }
0x1dc: {  	v50 =	vld [tilespmem:s17+$0xFFFFFFD0];
	v1 =	vperm.xlane v60, v53;
	v52 =	vperm.xlane v0, v40  }
0x1dd: {  	v37 =	vld [tilespmem:s17+$0x90];
	v56 =	vperm.xlane v0, v42;
	v58 =	vperm.xlane v0, v6  }
0x1de: {  	v21 =	vld [tilespmem:s17+$0xFFFFFF30];
	v59 =	vperm.xlane v0, v7;
	v2 =	vmul.f32 v61, v18  }
0x1df: {  	v18 =	vperm.xlane v60, v43;
	v3 =	vmul.f32 v62, v19;
	v19 =	vld [tilespmem:s17+$0xFFFFFFA0]  }
0x1e0: {  	v4 =	vmul.f32 v63, v20;
	v5 =	vmul.f32 v41, v22;
	v22 =	vld [tilespmem:s17+$0xFFFFFFB0]  }
0x1e1: {  	v20 =	vperm.xlane v60, v15;
	v51 =	vmul.f32 v28, v27;
	v28 =	vld [tilespmem:s17+$0xFFFFFFE0]  }
0x1e2: {  	v23 =	vmul.f32 v23, v24;
	v29 =	vmul.f32 v30, v29;
	v30 =	vld [tilespmem:s17+$0xFFFFFFF0]  }
0x1e3: {  	v24 =	vperm.xlane v60, v14;
	v54 =	vmul.f32 v44, v31;
	v31 =	vld [tilespmem:s17+$0x0]  }
0x1e4: {  	v25 =	vmul.f32 v25, v26;
	v55 =	vmul.f32 v47, v45;
	v60 =	vld [tilespmem:s17+$0x50]  }
0x1e5: {  	v61 =	vperm.xlane v0, v8;
	v62 =	vperm.xlane v0, v9;
	v45 =	vld [tilespmem:s17+$0x80]  }
0x1e6: {  	v44 =	vperm.xlane v0, v10;
	[tilespmem:s17+$0xF0] =	vst v2;
	v18 =	vmul.f32 v21, v18;
	v21 =	vld [tilespmem:s17+$0xFFFFFFC0]  }
0x1e7: {  	v27 =	vmul.f32 v50, v20;
	[tilespmem:s17+$0xFFFFFF00] =	vst v3;
	v57 =	vmul.f32 v19, v46;
	v19 =	vld [tilespmem:s17+$0x10]  }
0x1e8: {  	[tilespmem:s17+$0xFFFFFF10] =	vst v4;
	v35 =	vmul.f32 v22, v48;
	v22 =	vld [tilespmem:s17+$0x20];
	v28 =	vmul.f32 v28, v24  }
0x1e9: {  	v20 =	vld [tilespmem:s17+$0x30];
	[tilespmem:s17+$0xFFFFFF50] =	vst v25;
	v33 =	vmul.f32 v30, v1;
	v31 =	vmul.f32 v31, v17  }
0x1ea: {  	v24 =	vld [tilespmem:s17+$0x40];
	[tilespmem:s17+$0xFFFFFF30] =	vst v18;
	v17 =	vperm.xlane v0, v11;
	v18 =	vperm.xlane v0, v13  }
0x1eb: {  	[tilespmem:s17+$0xFFFFFF70] =	vst v29;
	v30 =	vld [tilespmem:s17+$0x60];
	v29 =	vmul.f32 v60, v59;
	v25 =	vmul.f32 v45, v44  }
0x1ec: {  	v63 =	vld [tilespmem:s17+$0x70];
	[tilespmem:s17+$0xFFFFFF20] =	vst v5;
	v26 =	vmul.f32 v21, v49;
	v21 =	vperm.xlane v0, v43  }
0x1ed: {  	v38 =	vld [tilespmem:s17+$0xA0];
	[tilespmem:s17+$0xFFFFFF40] =	vst v23;
	v34 =	vmul.f32 v19, v52;
	v32 =	vmul.f32 v22, v56  }
0x1ee: {  	v39 =	vld [tilespmem:s17+$0xB0];
	[tilespmem:s17+$0xFFFFFF60] =	vst v51;
	v36 =	vmul.f32 v20, v21;
	v21 =	vperm.xlane v0, v12  }
0x1ef: {  	v40 =	vld [tilespmem:s17+$0xC0];
	[tilespmem:s17+$0xFFFFFF80] =	vst v54;
	v23 =	vmul.f32 v24, v58;
	v20 =	vperm.xlane v0, v16  }
0x1f0: {  	v42 =	vld [tilespmem:s17+$0xE0];
	[tilespmem:s17+$0xFFFFFF90] =	vst v55;
	v24 =	vmul.f32 v30, v61;
	v19 =	vperm.xlane v0, v15  }
0x1f1: {  	s18 =	simm.s32 $0x37B0;
	s20 =	simm.s32 $0x0;
	s21 =	simm.s32 $0x2F10;
	v41 =	vld [tilespmem:s17+$0xD0];
	[tilespmem:s17+$0xFFFFFFA0] =	vst v57;
	v30 =	vmul.f32 v63, v62;
	v22 =	vperm.xlane v0, v14  }
.LBB2_10:
0x1f2: {  	v0 =	vld [tilespmem:s21+$0x0];
	s20 =	sadd.s32 $0x20, s20;
	[tilespmem:s17+$0xFFFFFFB0] =	vst v35;
	v1 =	vmul.f32 v37, v17;
	v2 =	vmul.f32 v38, v21  }
0x1f3: {  	v3 =	vld [tilespmem:s21+$0xFFFFFFF0]  }
0x1f4: {  	s17 =	sadd.s32 $0x200, s17;
	v6 =	vimm.s32 $0x0;
	p0 =	slt.u32 s20, $0x7A0;
	[tilespmem:s18+$0xFFFFFFC0] =	vst v26;
	v4 =	vmul.f32 v39, v18  }
0x1f5: {  	v21 =	vimm.s32 $0x1;
	v7 =	vimm.s32 $0x5;
	v5 =	vld [tilespmem:s17+$0xF0];
	[tilespmem:s18+$0xFFFFFFD0] =	vst v27;
	v18 =	vmul.f32 v40, v20  }
0x1f6: {  	v8 =	vimm.s32 $0x6;
	v9 =	vimm.s32 $0x7;
	v26 =	vld [tilespmem:s17+$0xFFFFFF00];
	[tilespmem:s18+$0xFFFFFFE0] =	vst v28;
	v19 =	vmul.f32 v41, v19  }
0x1f7: {  	v10 =	vimm.s32 $0x8;
	v27 =	vld [tilespmem:s17+$0xFFFFFF10];
	[tilespmem:s18+$0xFFFFFFF0] =	vst v33;
	v22 =	vmul.f32 v42, v22;
	v38 =	vperm.xlane v0, v6  }
0x1f8: {  	v20 =	vimm.s32 $0x2;
	v28 =	vld [tilespmem:s17+$0xFFFFFF20];
	v17 =	vperm.xlane v0, v53;
	[tilespmem:s18+$0x0] =	vst v31;
	v31 =	vperm.xlane v3, v6  }
0x1f9: {  	v11 =	vimm.s32 $0x9;
	v33 =	vperm.xlane v3, v21;
	v35 =	vld [tilespmem:s17+$0xFFFFFF30];
	[tilespmem:s18+$0x10] =	vst v34;
	v34 =	vperm.xlane v3, v20  }
0x1fa: {  	v6 =	vimm.s32 $0x4;
	v37 =	vld [tilespmem:s17+$0xFFFFFF40];
	v5 =	vmul.f32 v5, v17;
	[tilespmem:s18+$0x20] =	vst v32;
	v17 =	vimm.s32 $0x3  }
0x1fb: {  	v12 =	vimm.s32 $0xA;
	v39 =	vperm.xlane v3, v6;
	v32 =	vperm.xlane v3, v17;
	v40 =	vld [tilespmem:s17+$0xFFFFFF50];
	[tilespmem:s18+$0x30] =	vst v36  }
0x1fc: {  	v13 =	vimm.s32 $0xB;
	v41 =	vperm.xlane v3, v8;
	v36 =	vperm.xlane v3, v7;
	v42 =	vld [tilespmem:s17+$0xFFFFFF60];
	[tilespmem:s17+$0xF0] =	vst v5  }
0x1fd: {  	v16 =	vimm.s32 $0xC;
	v44 =	vperm.xlane v3, v10;
	v5 =	vperm.xlane v3, v9;
	v43 =	vld [tilespmem:s17+$0xFFFFFF70];
	[tilespmem:s18+$0x40] =	vst v23  }
0x1fe: {  	v15 =	vimm.s32 $0xD;
	v45 =	vperm.xlane v3, v11;
	v46 =	vperm.xlane v3, v12;
	v23 =	vld [tilespmem:s17+$0xFFFFFF80];
	[tilespmem:s18+$0x50] =	vst v29  }
0x1ff: {  	v14 =	vimm.s32 $0xE;
	v47 =	vperm.xlane v3, v13;
	v48 =	vperm.xlane v3, v16;
	v29 =	vld [tilespmem:s17+$0xFFFFFF90];
	[tilespmem:s18+$0x60] =	vst v24  }
0x200: {  	v49 =	vperm.xlane v3, v15;
	v50 =	vperm.xlane v3, v14;
	v24 =	vld [tilespmem:s17+$0xFFFFFFA0];
	[tilespmem:s18+$0x70] =	vst v30  }
0x201: {  	v51 =	vperm.xlane v0, v21;
	v3 =	vperm.xlane v3, v53;
	v30 =	vld [tilespmem:s17+$0xFFFFFFB0];
	[tilespmem:s18+$0x80] =	vst v25  }
0x202: {  	v52 =	vperm.xlane v0, v20;
	v53 =	vperm.xlane v0, v17;
	v25 =	vld [tilespmem:s17+$0xFFFFFFC0];
	[tilespmem:s18+$0x90] =	vst v1  }
0x203: {  	v55 =	vperm.xlane v0, v7;
	v54 =	vperm.xlane v0, v6;
	v1 =	vld [tilespmem:s17+$0xFFFFFFD0];
	[tilespmem:s18+$0xA0] =	vst v2  }
0x204: {  	v56 =	vperm.xlane v0, v8;
	v57 =	vperm.xlane v0, v9;
	v2 =	vld [tilespmem:s17+$0xFFFFFFE0];
	[tilespmem:s18+$0xB0] =	vst v4  }
0x205: {  	v58 =	vperm.xlane v0, v10;
	v17 =	vperm.xlane v0, v11;
	v4 =	vld [tilespmem:s17+$0xFFFFFFF0];
	[tilespmem:s18+$0xC0] =	vst v18  }
0x206: {  	v21 =	vperm.xlane v0, v12;
	v18 =	vperm.xlane v0, v13;
	v59 =	vld [tilespmem:s17+$0x0];
	[tilespmem:s18+$0xD0] =	vst v19  }
0x207: {  	v20 =	vperm.xlane v0, v16;
	v19 =	vperm.xlane v0, v15;
	v60 =	vld [tilespmem:s17+$0x10];
	[tilespmem:s18+$0xE0] =	vst v22;
	s18 =	smov.u32 s17  }
0x208: {  	v26 =	vmul.f32 v26, v31;
	v22 =	vperm.xlane v0, v14;
	v61 =	vld [tilespmem:s17+$0x20]  }
0x209: {  	v0 =	vmul.f32 v27, v33;
	v27 =	vmul.f32 v28, v34;
	v62 =	vld [tilespmem:s17+$0x30]  }
0x20a: {  	v28 =	vmul.f32 v37, v39;
	[tilespmem:s17+$0xFFFFFF00] =	vst v26;
	v26 =	vmul.f32 v35, v32;
	v63 =	vld [tilespmem:s17+$0x40]  }
0x20b: {  	v31 =	vmul.f32 v42, v41;
	[tilespmem:s17+$0xFFFFFF10] =	vst v0;
	v0 =	vmul.f32 v40, v36;
	v41 =	vld [tilespmem:s17+$0x50]  }
0x20c: {  	v5 =	vmul.f32 v43, v5;
	v23 =	vmul.f32 v23, v44;
	[tilespmem:s17+$0xFFFFFF20] =	vst v27;
	v42 =	vld [tilespmem:s17+$0x60]  }
0x20d: {  	v29 =	vmul.f32 v29, v45;
	v43 =	vmul.f32 v24, v46;
	[tilespmem:s17+$0xFFFFFF30] =	vst v26;
	v44 =	vld [tilespmem:s17+$0x70]  }
0x20e: {  	v35 =	vmul.f32 v30, v47;
	v26 =	vmul.f32 v25, v48;
	[tilespmem:s17+$0xFFFFFF40] =	vst v28;
	v25 =	vld [tilespmem:s17+$0x80]  }
0x20f: {  	v27 =	vmul.f32 v1, v49;
	v28 =	vmul.f32 v2, v50;
	[tilespmem:s17+$0xFFFFFF50] =	vst v0;
	v37 =	vld [tilespmem:s17+$0x90]  }
.Ltmp4:
0x210: {  	v33 =	vmul.f32 v4, v3;
	[tilespmem:s17+$0xFFFFFF60] =	vst v31;
	v31 =	vmul.f32 v59, v38;
	v38 =	vld [tilespmem:s17+$0xA0];
	(pc) =	sbr.rel @p0 .LBB2_10-.Ltmp4, $4  }
0x211: {  	v34 =	vmul.f32 v60, v51;
	v32 =	vmul.f32 v61, v52;
	[tilespmem:s17+$0xFFFFFF70] =	vst v5;
	v39 =	vld [tilespmem:s17+$0xB0]  }
0x212: {  	v36 =	vmul.f32 v62, v53;
	v53 =	vimm.s32 $0xF;
	[tilespmem:s17+$0xFFFFFF80] =	vst v23;
	v23 =	vmul.f32 v63, v54;
	v40 =	vld [tilespmem:s17+$0xC0]  }
0x213: {  	v24 =	vmul.f32 v42, v56;
	[tilespmem:s17+$0xFFFFFF90] =	vst v29;
	v29 =	vmul.f32 v41, v55;
	v41 =	vld [tilespmem:s17+$0xD0]  }
0x214: {  	s21 =	sadd.s32 $0x20, s21;
	v30 =	vmul.f32 v44, v57;
	v25 =	vmul.f32 v25, v58;
	[tilespmem:s17+$0xFFFFFFA0] =	vst v43;
	v42 =	vld [tilespmem:s17+$0xE0]  }
0x215: {  	[tilespmem:s17+$0xFFFFFFB0] =	vst v35  }
0x216: {  	[tilespmem:s18+$0x0] =	vst v31  }
0x217: {  	[tilespmem:s18+$0x10] =	vst v34  }
0x218: {  	[tilespmem:s18+$0x20] =	vst v32  }
0x219: {  	[tilespmem:s18+$0x30] =	vst v36  }
0x21a: {  	[tilespmem:s18+$0x40] =	vst v23  }
0x21b: {  	[tilespmem:s18+$0x50] =	vst v29  }
0x21c: {  	[tilespmem:s18+$0x60] =	vst v24  }
0x21d: {  	[tilespmem:s18+$0xFFFFFFC0] =	vst v26  }
0x21e: {  	[tilespmem:s18+$0xFFFFFFD0] =	vst v27  }
0x21f: {  	[tilespmem:s18+$0xFFFFFFE0] =	vst v28  }
0x220: {  	[tilespmem:s18+$0xFFFFFFF0] =	vst v33  }
0x221: {  	v0 =	vmul.f32 v37, v17;
	[tilespmem:s18+$0x70] =	vst v30  }
0x222: {  	v1 =	vmul.f32 v38, v21;
	[tilespmem:s18+$0x80] =	vst v25  }
0x223: {  	v2 =	vmul.f32 v39, v18;
	[tilespmem:s18+$0x90] =	vst v0  }
0x224: {  	v9 =	vmul.f32 v40, v20;
	[tilespmem:s18+$0xA0] =	vst v1  }
0x225: {  	v10 =	vmul.f32 v41, v19;
	[tilespmem:s18+$0xB0] =	vst v2  }
0x226: {  	v11 =	vmul.f32 v42, v22;
	[tilespmem:s18+$0xC0] =	vst v9  }
0x227: {  	[tilespmem:s18+$0xD0] =	vst v10  }
0x228: {  	[tilespmem:s18+$0xE0] =	vst v11  }
0x229: {  	v0 =	vld [tilespmem:$0x36A0]  }
0x22a: {  	v1 =	vld [tilespmem:$0xB2B0]  }
0x22b: {  	v2 =	vld [tilespmem:$0xB2C0]  }
0x22c: {  	v3 =	vld [tilespmem:$0xB2D0]  }
0x22d: {  	v21 =	vimm.s32 $0x0;
	v6 =	vimm.s32 $0x4;
	v40 =	vimm.s32 $0x1;
	v5 =	vld [tilespmem:$0xB2E0]  }
0x22e: {  	v42 =	vimm.s32 $0x2;
	v18 =	vld [tilespmem:$0xB2F0];
	v4 =	vperm.xlane v0, v21;
	v17 =	vperm.xlane v0, v40  }
0x22f: {  	v7 =	vimm.s32 $0x5;
	v19 =	vld [tilespmem:$0xB300];
	v12 =	vperm.xlane v0, v42;
	v14 =	vperm.xlane v0, v6  }
0x230: {  	v8 =	vimm.s32 $0x6;
	v20 =	vld [tilespmem:$0xB310];
	v34 =	vperm.xlane v0, v7;
	v1 =	vmul.f32 v1, v4  }
0x231: {  	v9 =	vimm.s32 $0x7;
	v32 =	vld [tilespmem:$0xB320];
	v36 =	vperm.xlane v0, v8;
	v2 =	vmul.f32 v2, v17  }
0x232: {  	v43 =	vimm.s32 $0x3;
	v46 =	vld [tilespmem:$0xB370];
	v38 =	vperm.xlane v0, v9;
	v13 =	vmul.f32 v3, v12;
	[tilespmem:$0xB2B0] =	vst v1  }
0x233: {  	v16 =	vimm.s32 $0xC;
	v17 =	vperm.xlane v0, v43;
	v35 =	vmul.f32 v18, v14;
	v18 =	vld [tilespmem:$0xB340];
	[tilespmem:$0xB2C0] =	vst v2  }
0x234: {  	v52 =	vperm.xlane v0, v16;
	v37 =	vmul.f32 v19, v34;
	v19 =	vld [tilespmem:$0xB350];
	[tilespmem:$0xB2D0] =	vst v13  }
0x235: {  	v11 =	vimm.s32 $0x9;
	v39 =	vmul.f32 v20, v36;
	v33 =	vmul.f32 v5, v17;
	v17 =	vld [tilespmem:$0xB330];
	[tilespmem:$0xB2F0] =	vst v35  }
0x236: {  	v45 =	vperm.xlane v0, v11;
	v20 =	vld [tilespmem:$0xB360];
	v44 =	vmul.f32 v32, v38;
	v12 =	vimm.s32 $0xA;
	[tilespmem:$0xB300] =	vst v37  }
0x237: {  	v10 =	vimm.s32 $0x8;
	v56 =	vmul.f32 v46, v52;
	v48 =	vperm.xlane v0, v12;
	[tilespmem:$0xB310] =	vst v39  }
0x238: {  	v41 =	vperm.xlane v0, v10;
	[tilespmem:$0xB320] =	vst v44;
	v13 =	vimm.s32 $0xB;
	v49 =	vmul.f32 v18, v45;
	v18 =	vld [tilespmem:$0xB390]  }
0x239: {  	[tilespmem:$0xB370] =	vst v56;
	v50 =	vperm.xlane v0, v13;
	v51 =	vmul.f32 v19, v48;
	v19 =	vld [tilespmem:$0xB3A0]  }
0x23a: {  	v14 =	vimm.s32 $0xE;
	[tilespmem:$0xB2E0] =	vst v33;
	v47 =	vmul.f32 v17, v41;
	v17 =	vld [tilespmem:$0xB380]  }
0x23b: {  	v15 =	vimm.s32 $0xD;
	v57 =	vperm.xlane v0, v14;
	v54 =	vmul.f32 v20, v50;
	[tilespmem:$0xB340] =	vst v49  }
0x23c: {  	v55 =	vperm.xlane v0, v15;
	v0 =	vperm.xlane v0, v53;
	[tilespmem:$0xB350] =	vst v51  }
0x23d: {  	[tilespmem:$0xB360] =	vst v54;
	v59 =	vmul.f32 v18, v57  }
0x23e: {  	[tilespmem:$0xB330] =	vst v47;
	v0 =	vmul.f32 v19, v0  }
0x23f: {  	v58 =	vmul.f32 v17, v55;
	[tilespmem:$0xB390] =	vst v59  }
0x240: {  	[tilespmem:$0xB3A0] =	vst v0  }
0x241: {  	[tilespmem:$0xB380] =	vst v58  }
0x242: {  	[spmem:s1] =	stream.indirect.scatter.add.f32 [tilespmem:s29], [sflag:$0x4], $0x10, s25, s28, $0xb8;
	[tilespmem:$0x1FDB0] =	vst v63  }
0x243: {  	_ =	swait.ge [sflag:s0], $0x7D00  }
0x244: {  	[sflag:s0] =	ssyncset.done $0x0  }
0x245: {  	s21 =	simm.s32 $0x2720;
	[sflag:s0] =	ssyncadd.s32 $0xFFFF8300  }
0x246: {  	v0 =	vld [tilespmem:s21+$0x0]  }
0x247: {  	s17 =	simm.s32 $0xB5A0;
	v60 =	vld [tilespmem:s21+$0xFFFFFFF0]  }
0x248: {  	v61 =	vld [tilespmem:s17+$0x0]  }
0x249: {  	v62 =	vld [tilespmem:s17+$0xFFFFFE10]  }
0x24a: {  	v63 =	vld [tilespmem:s17+$0xFFFFFE20]  }
0x24b: {  	v41 =	vld [tilespmem:s17+$0xFFFFFE30];
	v17 =	vperm.xlane v0, v21;
	v18 =	vperm.xlane v0, v53  }
0x24c: {  	v23 =	vld [tilespmem:s17+$0xFFFFFE50];
	v19 =	vperm.xlane v60, v21;
	v20 =	vperm.xlane v60, v40  }
0x24d: {  	v25 =	vld [tilespmem:s17+$0xFFFFFE60];
	v22 =	vperm.xlane v60, v42;
	v24 =	vperm.xlane v60, v6  }
0x24e: {  	v28 =	vld [tilespmem:s17+$0xFFFFFE70];
	v26 =	vperm.xlane v60, v7;
	v27 =	vperm.xlane v60, v8  }
0x24f: {  	v30 =	vld [tilespmem:s17+$0xFFFFFE80];
	v29 =	vperm.xlane v60, v9;
	v31 =	vperm.xlane v60, v10  }
0x250: {  	v44 =	vld [tilespmem:s17+$0xFFFFFE90];
	v45 =	vperm.xlane v60, v11;
	v46 =	vperm.xlane v60, v12  }
0x251: {  	v47 =	vld [tilespmem:s17+$0xFFFFFEA0];
	v48 =	vperm.xlane v60, v13;
	v49 =	vperm.xlane v60, v16  }
0x252: {  	v50 =	vld [tilespmem:s17+$0xFFFFFEE0];
	v1 =	vperm.xlane v60, v53;
	v52 =	vperm.xlane v0, v40  }
0x253: {  	v37 =	vld [tilespmem:s17+$0xFFFFFFA0];
	v56 =	vperm.xlane v0, v42;
	v58 =	vperm.xlane v0, v6  }
0x254: {  	v21 =	vld [tilespmem:s17+$0xFFFFFE40];
	v59 =	vperm.xlane v0, v7;
	v2 =	vmul.f32 v61, v18  }
0x255: {  	v18 =	vperm.xlane v60, v43;
	v3 =	vmul.f32 v62, v19;
	v19 =	vld [tilespmem:s17+$0xFFFFFEB0]  }
0x256: {  	v4 =	vmul.f32 v63, v20;
	v5 =	vmul.f32 v41, v22;
	v22 =	vld [tilespmem:s17+$0xFFFFFEC0]  }
0x257: {  	v20 =	vperm.xlane v60, v15;
	v51 =	vmul.f32 v28, v27;
	v28 =	vld [tilespmem:s17+$0xFFFFFEF0]  }
0x258: {  	v23 =	vmul.f32 v23, v24;
	v29 =	vmul.f32 v30, v29;
	v30 =	vld [tilespmem:s17+$0xFFFFFF00]  }
0x259: {  	v24 =	vperm.xlane v60, v14;
	v54 =	vmul.f32 v44, v31;
	v31 =	vld [tilespmem:s17+$0xFFFFFF10]  }
0x25a: {  	v25 =	vmul.f32 v25, v26;
	v55 =	vmul.f32 v47, v45;
	v60 =	vld [tilespmem:s17+$0xFFFFFF60]  }
0x25b: {  	v61 =	vperm.xlane v0, v8;
	v62 =	vperm.xlane v0, v9;
	v45 =	vld [tilespmem:s17+$0xFFFFFF90]  }
0x25c: {  	v44 =	vperm.xlane v0, v10;
	[tilespmem:s17+$0x0] =	vst v2;
	v18 =	vmul.f32 v21, v18;
	v21 =	vld [tilespmem:s17+$0xFFFFFED0]  }
0x25d: {  	v27 =	vmul.f32 v50, v20;
	[tilespmem:s17+$0xFFFFFE10] =	vst v3;
	v57 =	vmul.f32 v19, v46;
	v19 =	vld [tilespmem:s17+$0xFFFFFF20]  }
0x25e: {  	[tilespmem:s17+$0xFFFFFE20] =	vst v4;
	v35 =	vmul.f32 v22, v48;
	v22 =	vld [tilespmem:s17+$0xFFFFFF30];
	v28 =	vmul.f32 v28, v24  }
0x25f: {  	v20 =	vld [tilespmem:s17+$0xFFFFFF40];
	[tilespmem:s17+$0xFFFFFE60] =	vst v25;
	v33 =	vmul.f32 v30, v1;
	v31 =	vmul.f32 v31, v17  }
0x260: {  	v24 =	vld [tilespmem:s17+$0xFFFFFF50];
	[tilespmem:s17+$0xFFFFFE40] =	vst v18;
	v17 =	vperm.xlane v0, v11;
	v18 =	vperm.xlane v0, v13  }
0x261: {  	[tilespmem:s17+$0xFFFFFE80] =	vst v29;
	v30 =	vld [tilespmem:s17+$0xFFFFFF70];
	v29 =	vmul.f32 v60, v59;
	v25 =	vmul.f32 v45, v44  }
0x262: {  	v63 =	vld [tilespmem:s17+$0xFFFFFF80];
	[tilespmem:s17+$0xFFFFFE30] =	vst v5;
	v26 =	vmul.f32 v21, v49;
	v21 =	vperm.xlane v0, v43  }
0x263: {  	v38 =	vld [tilespmem:s17+$0xFFFFFFB0];
	[tilespmem:s17+$0xFFFFFE50] =	vst v23;
	v34 =	vmul.f32 v19, v52;
	v32 =	vmul.f32 v22, v56  }
0x264: {  	v39 =	vld [tilespmem:s17+$0xFFFFFFC0];
	[tilespmem:s17+$0xFFFFFE70] =	vst v51;
	v36 =	vmul.f32 v20, v21;
	v21 =	vperm.xlane v0, v12  }
0x265: {  	v40 =	vld [tilespmem:s17+$0xFFFFFFD0];
	[tilespmem:s17+$0xFFFFFE90] =	vst v54;
	v23 =	vmul.f32 v24, v58;
	v20 =	vperm.xlane v0, v16  }
0x266: {  	v42 =	vld [tilespmem:s17+$0xFFFFFFF0];
	[tilespmem:s17+$0xFFFFFEA0] =	vst v55;
	v24 =	vmul.f32 v30, v61;
	v19 =	vperm.xlane v0, v15  }
0x267: {  	s20 =	simm.s32 $0x0;
	s18 =	simm.s32 $0xB5A0;
	s21 =	simm.s32 $0x2740;
	v41 =	vld [tilespmem:s17+$0xFFFFFFE0];
	[tilespmem:s17+$0xFFFFFEB0] =	vst v57;
	v30 =	vmul.f32 v63, v62;
	v22 =	vperm.xlane v0, v14  }
.LBB2_12:
0x268: {  	v0 =	vld [tilespmem:s21+$0x0];
	_ =	sdelay $0x1  }
0x269: {  	v1 =	vmul.f32 v37, v17;
	v2 =	vmul.f32 v38, v21;
	v6 =	vimm.s32 $0x0  }
0x26a: {  	s20 =	sadd.s32 $0x20, s20;
	[tilespmem:s17+$0xFFFFFEC0] =	vst v35;
	v16 =	vimm.s32 $0x1;
	v15 =	vimm.s32 $0x2;
	v4 =	vmul.f32 v39, v18  }
0x26b: {  	s17 =	sadd.s32 $0x200, s17;
	v7 =	vimm.s32 $0x4;
	v3 =	vld [tilespmem:s21+$0xFFFFFFF0];
	p0 =	slt.u32 s20, $0x7A0;
	[tilespmem:s18+$0xFFFFFED0] =	vst v26;
	v18 =	vmul.f32 v40, v20;
	v19 =	vmul.f32 v41, v19  }
0x26c: {  	v8 =	vimm.s32 $0x5;
	v5 =	vld [tilespmem:s17+$0x0];
	[tilespmem:s18+$0xFFFFFEE0] =	vst v27;
	v22 =	vmul.f32 v42, v22;
	v38 =	vperm.xlane v0, v6  }
0x26d: {  	v9 =	vimm.s32 $0x6;
	v26 =	vld [tilespmem:s17+$0xFFFFFE10];
	[tilespmem:s18+$0xFFFFFEF0] =	vst v28;
	v17 =	vperm.xlane v0, v53;
	v51 =	vperm.xlane v0, v16  }
0x26e: {  	v10 =	vimm.s32 $0x7;
	v27 =	vld [tilespmem:s17+$0xFFFFFE20];
	[tilespmem:s18+$0xFFFFFF00] =	vst v33;
	v52 =	vperm.xlane v0, v15;
	v54 =	vperm.xlane v0, v7  }
0x26f: {  	v11 =	vimm.s32 $0x8;
	v28 =	vld [tilespmem:s17+$0xFFFFFE30];
	[tilespmem:s18+$0xFFFFFF10] =	vst v31;
	v55 =	vperm.xlane v0, v8;
	v56 =	vperm.xlane v0, v9  }
0x270: {  	v12 =	vimm.s32 $0x9;
	v31 =	vperm.xlane v3, v6;
	v33 =	vperm.xlane v3, v16;
	v35 =	vld [tilespmem:s17+$0xFFFFFE40];
	[tilespmem:s18+$0xFFFFFF20] =	vst v34  }
0x271: {  	v34 =	vperm.xlane v3, v15;
	v6 =	vimm.s32 $0x3;
	v37 =	vld [tilespmem:s17+$0xFFFFFE50];
	v5 =	vmul.f32 v5, v17;
	[tilespmem:s18+$0xFFFFFF30] =	vst v32  }
0x272: {  	v13 =	vimm.s32 $0xA;
	v39 =	vperm.xlane v3, v7;
	v32 =	vperm.xlane v3, v6;
	v40 =	vld [tilespmem:s17+$0xFFFFFE60];
	[tilespmem:s18+$0xFFFFFF40] =	vst v36  }
0x273: {  	v14 =	vimm.s32 $0xB;
	v41 =	vperm.xlane v3, v9;
	v36 =	vperm.xlane v3, v8;
	v42 =	vld [tilespmem:s17+$0xFFFFFE70];
	[tilespmem:s17+$0x0] =	vst v5  }
0x274: {  	v61 =	vimm.s32 $0xD;
	v44 =	vperm.xlane v3, v11;
	v5 =	vperm.xlane v3, v10;
	v43 =	vld [tilespmem:s17+$0xFFFFFE80];
	[tilespmem:s18+$0xFFFFFF50] =	vst v23  }
0x275: {  	v20 =	vimm.s32 $0xC;
	v45 =	vperm.xlane v3, v12;
	v46 =	vperm.xlane v3, v13;
	v23 =	vld [tilespmem:s17+$0xFFFFFE90];
	[tilespmem:s18+$0xFFFFFF60] =	vst v29  }
0x276: {  	v62 =	vimm.s32 $0xE;
	v47 =	vperm.xlane v3, v14;
	v48 =	vperm.xlane v3, v20;
	v29 =	vld [tilespmem:s17+$0xFFFFFEA0];
	[tilespmem:s18+$0xFFFFFF70] =	vst v24  }
0x277: {  	v49 =	vperm.xlane v3, v61;
	v50 =	vperm.xlane v3, v62;
	v24 =	vld [tilespmem:s17+$0xFFFFFEB0];
	[tilespmem:s18+$0xFFFFFF80] =	vst v30  }
0x278: {  	v57 =	vperm.xlane v0, v10;
	v3 =	vperm.xlane v3, v53;
	v30 =	vld [tilespmem:s17+$0xFFFFFEC0];
	[tilespmem:s18+$0xFFFFFF90] =	vst v25  }
0x279: {  	v16 =	vimm.s32 $0x2;
	v15 =	vimm.s32 $0x3;
	v53 =	vperm.xlane v0, v6;
	v25 =	vld [tilespmem:s17+$0xFFFFFED0];
	[tilespmem:s18+$0xFFFFFFA0] =	vst v1  }
0x27a: {  	v58 =	vperm.xlane v0, v11;
	v7 =	vimm.s32 $0x5;
	v6 =	vimm.s32 $0x4;
	v1 =	vld [tilespmem:s17+$0xFFFFFEE0];
	[tilespmem:s18+$0xFFFFFFB0] =	vst v2  }
0x27b: {  	v21 =	vperm.xlane v0, v13;
	v9 =	vimm.s32 $0x7;
	v8 =	vimm.s32 $0x6;
	v2 =	vld [tilespmem:s17+$0xFFFFFEF0];
	[tilespmem:s18+$0xFFFFFFC0] =	vst v4  }
0x27c: {  	v11 =	vimm.s32 $0x9;
	v17 =	vperm.xlane v0, v12;
	v10 =	vimm.s32 $0x8;
	v4 =	vld [tilespmem:s17+$0xFFFFFF00];
	[tilespmem:s18+$0xFFFFFFD0] =	vst v18  }
0x27d: {  	v13 =	vimm.s32 $0xB;
	v12 =	vimm.s32 $0xA;
	v18 =	vperm.xlane v0, v14;
	v59 =	vld [tilespmem:s17+$0xFFFFFF10];
	[tilespmem:s18+$0xFFFFFFE0] =	vst v19  }
0x27e: {  	v20 =	vperm.xlane v0, v20;
	v19 =	vperm.xlane v0, v61;
	v60 =	vld [tilespmem:s17+$0xFFFFFF20];
	[tilespmem:s18+$0xFFFFFFF0] =	vst v22;
	s18 =	smov.u32 s17  }
0x27f: {  	v26 =	vmul.f32 v26, v31;
	v14 =	vimm.s32 $0xE;
	v22 =	vperm.xlane v0, v62;
	v61 =	vld [tilespmem:s17+$0xFFFFFF30]  }
0x280: {  	v0 =	vmul.f32 v27, v33;
	v27 =	vmul.f32 v28, v34;
	v62 =	vld [tilespmem:s17+$0xFFFFFF40]  }
0x281: {  	v28 =	vmul.f32 v37, v39;
	[tilespmem:s17+$0xFFFFFE10] =	vst v26;
	v26 =	vmul.f32 v35, v32;
	v63 =	vld [tilespmem:s17+$0xFFFFFF50]  }
0x282: {  	v31 =	vmul.f32 v42, v41;
	[tilespmem:s17+$0xFFFFFE20] =	vst v0;
	v0 =	vmul.f32 v40, v36;
	v41 =	vld [tilespmem:s17+$0xFFFFFF60]  }
0x283: {  	v5 =	vmul.f32 v43, v5;
	v23 =	vmul.f32 v23, v44;
	[tilespmem:s17+$0xFFFFFE30] =	vst v27;
	v42 =	vld [tilespmem:s17+$0xFFFFFF70]  }
0x284: {  	v29 =	vmul.f32 v29, v45;
	v43 =	vmul.f32 v24, v46;
	[tilespmem:s17+$0xFFFFFE40] =	vst v26;
	v44 =	vld [tilespmem:s17+$0xFFFFFF80]  }
0x285: {  	v35 =	vmul.f32 v30, v47;
	v26 =	vmul.f32 v25, v48;
	[tilespmem:s17+$0xFFFFFE50] =	vst v28;
	v25 =	vld [tilespmem:s17+$0xFFFFFF90]  }
0x286: {  	v27 =	vmul.f32 v1, v49;
	v28 =	vmul.f32 v2, v50;
	[tilespmem:s17+$0xFFFFFE60] =	vst v0;
	v37 =	vld [tilespmem:s17+$0xFFFFFFA0]  }
.Ltmp5:
0x287: {  	v33 =	vmul.f32 v4, v3;
	[tilespmem:s17+$0xFFFFFE70] =	vst v31;
	v31 =	vmul.f32 v59, v38;
	v38 =	vld [tilespmem:s17+$0xFFFFFFB0];
	(pc) =	sbr.rel @p0 .LBB2_12-.Ltmp5, $4  }
0x288: {  	v34 =	vmul.f32 v60, v51;
	v32 =	vmul.f32 v61, v52;
	[tilespmem:s17+$0xFFFFFE80] =	vst v5;
	v39 =	vld [tilespmem:s17+$0xFFFFFFC0]  }
0x289: {  	v36 =	vmul.f32 v62, v53;
	v53 =	vimm.s32 $0xF;
	[tilespmem:s17+$0xFFFFFE90] =	vst v23;
	v23 =	vmul.f32 v63, v54;
	v40 =	vld [tilespmem:s17+$0xFFFFFFD0]  }
0x28a: {  	v24 =	vmul.f32 v42, v56;
	[tilespmem:s17+$0xFFFFFEA0] =	vst v29;
	v29 =	vmul.f32 v41, v55;
	v41 =	vld [tilespmem:s17+$0xFFFFFFE0]  }
0x28b: {  	s21 =	sadd.s32 $0x20, s21;
	v30 =	vmul.f32 v44, v57;
	v25 =	vmul.f32 v25, v58;
	[tilespmem:s17+$0xFFFFFEB0] =	vst v43;
	v42 =	vld [tilespmem:s17+$0xFFFFFFF0]  }
0x28c: {  	[tilespmem:s17+$0xFFFFFEC0] =	vst v35  }
0x28d: {  	[tilespmem:s18+$0xFFFFFF10] =	vst v31  }
0x28e: {  	[tilespmem:s18+$0xFFFFFF20] =	vst v34  }
0x28f: {  	[tilespmem:s18+$0xFFFFFF30] =	vst v32  }
0x290: {  	[tilespmem:s18+$0xFFFFFF40] =	vst v36  }
0x291: {  	[tilespmem:s18+$0xFFFFFF50] =	vst v23  }
0x292: {  	[tilespmem:s18+$0xFFFFFF60] =	vst v29  }
0x293: {  	[tilespmem:s18+$0xFFFFFF70] =	vst v24  }
0x294: {  	[tilespmem:s18+$0xFFFFFED0] =	vst v26  }
0x295: {  	[tilespmem:s18+$0xFFFFFEE0] =	vst v27  }
0x296: {  	[tilespmem:s18+$0xFFFFFEF0] =	vst v28  }
0x297: {  	[tilespmem:s18+$0xFFFFFF00] =	vst v33  }
0x298: {  	v0 =	vmul.f32 v37, v17;
	[tilespmem:s18+$0xFFFFFF80] =	vst v30  }
0x299: {  	v1 =	vmul.f32 v38, v21;
	[tilespmem:s18+$0xFFFFFF90] =	vst v25  }
0x29a: {  	v2 =	vmul.f32 v39, v18;
	[tilespmem:s18+$0xFFFFFFA0] =	vst v0  }
0x29b: {  	v30 =	vmul.f32 v40, v20;
	[tilespmem:s18+$0xFFFFFFB0] =	vst v1  }
0x29c: {  	v31 =	vmul.f32 v41, v19;
	[tilespmem:s18+$0xFFFFFFC0] =	vst v2  }
0x29d: {  	v32 =	vmul.f32 v42, v22;
	[tilespmem:s18+$0xFFFFFFD0] =	vst v30  }
0x29e: {  	[tilespmem:s18+$0xFFFFFFE0] =	vst v31  }
0x29f: {  	[tilespmem:s18+$0xFFFFFFF0] =	vst v32  }
0x2a0: {  	v0 =	vld [tilespmem:$0x2ED0]  }
0x2a1: {  	v1 =	vld [tilespmem:$0x12FB0]  }
0x2a2: {  	v2 =	vld [tilespmem:$0x12FC0]  }
0x2a3: {  	v3 =	vld [tilespmem:$0x12FD0]  }
0x2a4: {  	v4 =	vimm.s32 $0x0;
	v17 =	vimm.s32 $0x1;
	v5 =	vld [tilespmem:$0x12FE0]  }
0x2a5: {  	v18 =	vld [tilespmem:$0x12FF0];
	v4 =	vperm.xlane v0, v4;
	v17 =	vperm.xlane v0, v17  }
0x2a6: {  	v19 =	vld [tilespmem:$0x13000];
	v33 =	vperm.xlane v0, v16;
	v35 =	vperm.xlane v0, v6  }
0x2a7: {  	v20 =	vld [tilespmem:$0x13010];
	v38 =	vperm.xlane v0, v7;
	v1 =	vmul.f32 v1, v4  }
0x2a8: {  	v36 =	vld [tilespmem:$0x13020];
	v40 =	vperm.xlane v0, v8;
	v2 =	vmul.f32 v2, v17  }
0x2a9: {  	v47 =	vld [tilespmem:$0x13070];
	v42 =	vperm.xlane v0, v9;
	v34 =	vmul.f32 v3, v33;
	[tilespmem:$0x12FB0] =	vst v1  }
0x2aa: {  	v17 =	vperm.xlane v0, v15;
	v39 =	vmul.f32 v18, v35;
	v18 =	vld [tilespmem:$0x13040];
	[tilespmem:$0x12FC0] =	vst v2  }
0x2ab: {  	v46 =	vperm.xlane v0, v11;
	v41 =	vmul.f32 v19, v38;
	v19 =	vld [tilespmem:$0x13050];
	[tilespmem:$0x12FD0] =	vst v34  }
0x2ac: {  	v54 =	vimm.s32 $0xC;
	v43 =	vmul.f32 v20, v40;
	v37 =	vmul.f32 v5, v17;
	v17 =	vld [tilespmem:$0x13030];
	[tilespmem:$0x12FF0] =	vst v39  }
0x2ad: {  	v20 =	vld [tilespmem:$0x13060];
	v45 =	vmul.f32 v36, v42;
	v3 =	vperm.xlane v0, v54;
	[tilespmem:$0x13000] =	vst v41  }
0x2ae: {  	v44 =	vperm.xlane v0, v10;
	v49 =	vperm.xlane v0, v12;
	[tilespmem:$0x13010] =	vst v43  }
0x2af: {  	[tilespmem:$0x13020] =	vst v45;
	v57 =	vmul.f32 v47, v3;
	v50 =	vmul.f32 v18, v46;
	v18 =	vld [tilespmem:$0x13090]  }
0x2b0: {  	v51 =	vperm.xlane v0, v13;
	[tilespmem:$0x12FE0] =	vst v37;
	v52 =	vmul.f32 v19, v49;
	v19 =	vld [tilespmem:$0x130A0]  }
0x2b1: {  	[tilespmem:$0x13070] =	vst v57;
	v48 =	vmul.f32 v17, v44;
	v17 =	vld [tilespmem:$0x13080]  }
0x2b2: {  	v56 =	vimm.s32 $0xD;
	v58 =	vperm.xlane v0, v14;
	v55 =	vmul.f32 v20, v51;
	[tilespmem:$0x13040] =	vst v50  }
0x2b3: {  	v4 =	vperm.xlane v0, v56;
	v0 =	vperm.xlane v0, v53;
	[tilespmem:$0x13050] =	vst v52  }
0x2b4: {  	[tilespmem:$0x13060] =	vst v55;
	v60 =	vmul.f32 v18, v58  }
0x2b5: {  	[tilespmem:$0x13030] =	vst v48;
	v0 =	vmul.f32 v19, v0  }
0x2b6: {  	v59 =	vmul.f32 v17, v4;
	[tilespmem:$0x13090] =	vst v60  }
0x2b7: {  	[tilespmem:$0x130A0] =	vst v0  }
0x2b8: {  	[tilespmem:$0x13080] =	vst v59  }
0x2b9: {  	[spmem:s1] =	stream.indirect.scatter.add.f32 [tilespmem:s2], [sflag:$0x5], $0x10, s31, s28, $0xb8;
	[tilespmem:$0x1FDB0] =	vst v63  }
0x2ba: {  	_ =	swait.ge [sflag:s8], $0x7D00  }
0x2bb: {  	[sflag:s8] =	ssyncset.done $0x0  }
0x2bc: {  	[sflag:s8] =	ssyncadd.s32 $0xFFFF8300  }
0x2bd: {  	_ =	swait.ge [sflag:s11], $0x7D00  }
0x2be: {  	[sflag:s11] =	ssyncset.done $0x0  }
0x2bf: {  	[sflag:s11] =	ssyncadd.s32 $0xFFFF8300  }
0x2c0: {  	_ =	swait.ge [sflag:s14], $0x7D00  }
0x2c1: {  	[sflag:s14] =	ssyncset.done $0x0  }
0x2c2: {  	[sflag:s14] =	ssyncadd.s32 $0xFFFF8300  }
0x2c3: {  	[bflag:$0x0] =	sbarrier.arrive $0xFFFF  }
0x2c4: {  	[tilespmem:s29], [sflag:$0x7] =	stream.linear.gather [spmem:s9], $0x2800, $0x38;
	[tilespmem:$0x1FDB0] =	vst v63  }
0x2c5: {  	_ =	swait.ge [sflag:s23], $0x2800  }
0x2c6: {  	[sflag:s23] =	ssyncset.done $0x0  }
0x2c7: {  	s17 =	simm.s32 $0x0;
	[sflag:s23] =	ssyncadd.s32 $0xFFFFD800  }
0x2c8: {  	v61 =	vld [tilespmem:s17+$0x3720]  }
0x2c9: {  	v62 =	vld [tilespmem:s17+$0x36B0]  }
0x2ca: {  	v63 =	vld [tilespmem:s17+$0x36C0]  }
0x2cb: {  	v19 =	vld [tilespmem:s17+$0x36D0]  }
0x2cc: {  	v8 =	vimm.s32 $0x3;
	v9 =	vimm.s32 $0x4;
	v17 =	vld [tilespmem:s17+$0x36E0]  }
0x2cd: {  	v10 =	vimm.s32 $0x5;
	v11 =	vimm.s32 $0x6;
	v12 =	vimm.s32 $0x7;
	v18 =	vld [tilespmem:s17+$0x36F0];
	[tilespmem:s17+$0x1AE20] =	vst v61  }
0x2ce: {  	v13 =	vimm.s32 $0x8;
	v14 =	vimm.s32 $0x9;
	v16 =	vimm.s32 $0xB;
	v20 =	vld [tilespmem:s17+$0x3700];
	[tilespmem:s17+$0x1ADB0] =	vst v62  }
0x2cf: {  	s20 =	simm.s32 $0x400;
	s18 =	simm.s32 $0x80;
	v54 =	vimm.s32 $0x1;
	v15 =	vimm.s32 $0xA;
	v55 =	vimm.s32 $0x2;
	v21 =	vld [tilespmem:s17+$0x3710];
	[tilespmem:s17+$0x1ADC0] =	vst v63  }
.LBB2_14:
0x2d0: {  	p0 =	sne.s32 s20, $0x9E00;
	v0 =	vld [tilespmem:s18+$0x3720];
	[tilespmem:s17+$0x1ADD0] =	vst v19  }
0x2d1: {  	v1 =	vld [tilespmem:s18+$0x36B0];
	[tilespmem:s17+$0x1ADE0] =	vst v17  }
0x2d2: {  	v2 =	vld [tilespmem:s18+$0x36C0];
	[tilespmem:s17+$0x1ADF0] =	vst v18  }
.Ltmp6:
0x2d3: {  	v19 =	vld [tilespmem:s18+$0x36D0];
	[tilespmem:s17+$0x1AE00] =	vst v20;
	(pc) =	sbr.rel @p0 .LBB2_14-.Ltmp6, $4  }
0x2d4: {  	v17 =	vld [tilespmem:s18+$0x36E0];
	[tilespmem:s17+$0x1AE10] =	vst v21;
	s17 =	smov.u32 s18  }
0x2d5: {  	v18 =	vld [tilespmem:s17+$0x36F0];
	[tilespmem:s17+$0x1AE20] =	vst v0  }
0x2d6: {  	[tilespmem:s17+$0x1ADB0] =	vst v1;
	v20 =	vld [tilespmem:s17+$0x3700]  }
0x2d7: {  	s18 =	sshra.s32 s20, $0x2;
	s20 =	sadd.s32 $0x200, s20;
	[tilespmem:s17+$0x1ADC0] =	vst v2;
	v21 =	vld [tilespmem:s17+$0x3710]  }
0x2d8: {  	v0 =	vld [tilespmem:s18+$0x3720];
	[tilespmem:s17+$0x1ADD0] =	vst v19  }
0x2d9: {  	v1 =	vld [tilespmem:s18+$0x36B0];
	[tilespmem:s17+$0x1ADE0] =	vst v17  }
0x2da: {  	v2 =	vld [tilespmem:s18+$0x36C0];
	[tilespmem:s17+$0x1ADF0] =	vst v18  }
0x2db: {  	v3 =	vld [tilespmem:s18+$0x36D0];
	[tilespmem:s17+$0x1AE00] =	vst v20  }
0x2dc: {  	v4 =	vld [tilespmem:s18+$0x36E0];
	[tilespmem:s17+$0x1AE10] =	vst v21  }
0x2dd: {  	v5 =	vld [tilespmem:s18+$0x36F0];
	[tilespmem:s18+$0x1AE20] =	vst v0  }
0x2de: {  	v0 =	vld [tilespmem:s18+$0x3700];
	[tilespmem:s18+$0x1ADB0] =	vst v1  }
0x2df: {  	v1 =	vld [tilespmem:s18+$0x3710];
	[tilespmem:s18+$0x1ADC0] =	vst v2  }
0x2e0: {  	[tilespmem:s18+$0x1ADD0] =	vst v3  }
0x2e1: {  	[tilespmem:s18+$0x1ADE0] =	vst v4  }
0x2e2: {  	s15 =	sadd.s32 $0x1, s15;
	[tilespmem:s18+$0x1ADF0] =	vst v5  }
0x2e3: {  	p0 =	sne.s32 s15, s22;
	[tilespmem:s18+$0x1AE00] =	vst v0  }
.Ltmp7:
0x2e4: {  	s21 =	simm.s32 $0x1ADB0;
	[tilespmem:s18+$0x1AE10] =	vst v1;
	(pc) =	sbr.rel @p0 .LBB2_1-.Ltmp7, $4  }
0x2e5: {  	[hbm4b:s24+s3] =	stream.linear.scatter [tilespmem:s21], [sflag:$0x7], $0x2800, $0x38;
	[tilespmem:$0x1FDB0] =	vst v63  }
0x2e6: {  	_ =	swait.ge [sflag:s23], $0x2800  }
0x2e7: {  	[sflag:s23] =	ssyncset.done $0x0  }
0x2e8: {  	v0 =	vimm.f32 $0.0e+00;
	v5 =	vimm.s32 $0x0;
	[sflag:s23] =	ssyncadd.s32 $0xFFFFD800  }
0x2e9: {  	_ =	sfence.sel $0x180000  }
0x2ea: {  	[bflag:$0x0] =	sbarrier.arrive $0xFFFF  }
0x2eb: {  	_ =	strace $0x90000047  }
0x2ec: {  	s0 =	stileid.u32;
	[bflag:$0x2] =	sbarrier.arrive $0xFFFF  }
0x2ed: {  	p0 =	sne.s32 s0, $0x0;
	s0 =	rddreg [dreg:$0x3]  }
0x2ee: {  	s0 =	sadd.s32 @!p0 $0x100000, s0  }
0x2ef: {  	[sflag:s0] =	ssyncadd.tile.s32 @!p0 $0x1;
	_ =	shalt  }
.Lfunc_end2:
_tile_overlayer_lowered:
.L_overlay_start_2:
0x2f0: {  	(tag) =	ssettag $0x2  }
0x2f1: {  	s0 =	rddreg [dreg:$0x0];
	s2 =	stileid.u32  }
0x2f2: {  	s1 =	rddreg [dreg:$0x1];
	p0 =	sne.s32 s2, $0x0  }
0x2f3: {  	s3 =	rddreg [dreg:$0x2];
	[bflag:$0x3] =	sbarrier.arrive $0xFFFF;
	s2 =	simm.s32 @!p0 $0x1C07  }
0x2f4: {  	[timem:s3], [sflag:s2] =	dma.local @!p0 [hbm:s0], s1  }
0x2f5: {  	s0 =	simm.s32 @!p0 $0x7  }
0x2f6: {  	_ =	swait.ge @!p0 [sflag:s0], s1  }
0x2f7: {  	s1 =	ssub.s32 @!p0 $0x0, s1;
	[sflag:s0] =	ssyncset.done @!p0 $0x0  }
0x2f8: {  	[sflag:s0] =	ssyncadd.s32 @!p0 s1  }
0x2f9: {  	[bflag:$0x3] =	sbarrier.arrive $0xFFFF  }
0x2fa: {  	_ =	shalt  }

</sc_bundles>
